<compile_context>
chip_gen: v7x
topology: tpu7x:2x2x1
jax: 0.10.2.dev20260603
libtpu: 0.0.44.dev20260713+nightly
codegen_flags: <defaults>
</compile_context>

<pallas_src>
import functools

import jax
import jax.numpy as jnp
from jax import lax
from jax.experimental import pallas as pl
from jax.experimental.pallas import tpu as pltpu
from jax.experimental.pallas import tpu_sc as plsc

_NUM_WORKERS = 32
_CH = 48
_LANES = 16


@jax.jit
def _unpool(x, idx):
    n, c, h, w = x.shape
    ow = 2 * w
    planes = n * c
    planes_per_worker = planes // _NUM_WORKERS
    chunks = h // _CH
    nt = planes_per_worker * chunks

    mesh = plsc.VectorSubcoreMesh(core_axis_name="c", subcore_axis_name="s")

    @functools.partial(
        pl.kernel,
        mesh=mesh,
        out_type=jax.ShapeDtypeStruct((n, c, 2 * h, ow), jnp.float32),
        scratch_types=[
            pltpu.VMEM((_CH, w), jnp.float32),
            pltpu.VMEM((_CH, w), jnp.float32),
            pltpu.VMEM((_CH, w), jnp.int32),
            pltpu.VMEM((_CH, w), jnp.int32),
            pltpu.VMEM((2 * _CH, ow), jnp.float32),
            pltpu.VMEM((2 * _CH, ow), jnp.float32),
            pltpu.SemaphoreType.DMA,
            pltpu.SemaphoreType.DMA,
            pltpu.SemaphoreType.DMA,
            pltpu.SemaphoreType.DMA,
        ],
        compiler_params=pltpu.CompilerParams(needs_layout_passes=False),
    )
    def body(x_hbm, idx_hbm, out_hbm, xv0, xv1, iv0, iv1, ov0, ov1,
             si0, si1, so0, so1):
        xv = (xv0, xv1)
        iv = (iv0, iv1)
        ov = (ov0, ov1)
        si = (si0, si1)
        so = (so0, so1)
        wid = lax.axis_index("s") * 2 + lax.axis_index("c")
        zero16 = jnp.zeros((_LANES,), jnp.float32)

        def locate(t):
            p = wid * planes_per_worker + t // chunks
            i0 = (t % chunks) * _CH
            return p // c, p % c, i0

        def start_in(t, b):
            nn, cc, i0 = locate(t)
            pltpu.async_copy(
                x_hbm.at[nn, cc, pl.ds(i0, _CH), :], xv[b], si[b])
            pltpu.async_copy(
                idx_hbm.at[nn, cc, pl.ds(i0, _CH), :], iv[b], si[b])

        def wait_in(b):
            pltpu.make_async_copy(
                x_hbm.at[0, 0, pl.ds(0, _CH), :], xv[b], si[b]).wait()
            pltpu.make_async_copy(
                idx_hbm.at[0, 0, pl.ds(0, _CH), :], iv[b], si[b]).wait()

        def wait_out(b):
            pltpu.make_async_copy(
                ov[b], out_hbm.at[0, 0, pl.ds(0, 2 * _CH), :], so[b]).wait()

        start_in(0, 0)
        start_in(1, 1)

        def group(g, carry):
            for b in range(2):
                t = g * 2 + b
                wait_in(b)

                @pl.when(g > 0)
                def _():
                    wait_out(b)

                nn, cc, i0 = locate(t)

                @plsc.parallel_loop(0, 2 * _CH, unroll=4)
                def zero_loop(r2):
                    for u in range(ow // _LANES):
                        ov[b][r2, pl.ds(u * _LANES, _LANES)] = zero16

                @plsc.parallel_loop(0, _CH, unroll=4)
                def row_loop(r):
                    r2 = 2 * r
                    b2 = (i0 + r) * 2 * ow
                    for u in range(w // _LANES):
                        ids = iv[b][r, pl.ds(u * _LANES, _LANES)]
                        rel = ids - b2
                        odd = rel >= ow
                        rows = jnp.where(odd, r2 + 1, r2)
                        cols = jnp.where(odd, rel - ow, rel)
                        vals = xv[b][r, pl.ds(u * _LANES, _LANES)]
                        plsc.store_scatter(ov[b], [rows, cols], vals)

                pltpu.async_copy(
                    ov[b], out_hbm.at[nn, cc, pl.ds(2 * i0, 2 * _CH), :],
                    so[b])

                @pl.when(t + 2 < nt)
                def _():
                    start_in(t + 2, b)
            return carry

        lax.fori_loop(0, nt // 2, group, 0)
        wait_out(0)
        wait_out(1)

    return body(x, idx)


def kernel(x, indices):
    return _unpool(x, indices)

# --- scband reference (transcript-rebuilt; emitter-appended) ---
"""Pipeline reference for scband-spatial-max-unpooling-13142599926074 (READ-ONLY COPY).

The authoritative reference and input builder live on the scoring server;
editing this copy changes nothing except your own understanding.
"""

import jax, jax.numpy as jnp
import numpy as np

N, C, H, W = 4, 96, 192, 192
OH, OW = 2 * H, 2 * W


def setup_inputs(seed: int = 0) -> dict:
    key = jax.random.key(seed)
    k1, k2, k3 = jax.random.split(key, 3)
    x = jax.random.normal(k1, (N, C, H, W), dtype=jnp.float32)
    # Build pooling argmax indices exactly the way torch SpatialMaxPooling
    # (kernel==stride==2) would produce them: for pooled cell (i, j) the index
    # points somewhere inside the 2x2 window [2i:2i+2, 2j:2j+2] of the
    # unpooled (OH, OW) plane, flattened row-major.
    di = jax.random.randint(k2, (N, C, H, W), 0, 2)
    dj = jax.random.randint(k3, (N, C, H, W), 0, 2)
    rows = 2 * jnp.arange(H)[None, None, :, None] + di
    cols = 2 * jnp.arange(W)[None, None, None, :] + dj
    indices = (rows * OW + cols).astype(jnp.int32)
    return {"x": x, "indices": indices}


def reference(x, indices):
    # SpatialMaxUnpooling.updateOutput: scatter each pooled activation into a
    # zero-initialized (N, C, OH, OW) output at the position recorded by the
    # associated pooling module's argmax indices (flat per-(n,c) plane).
    n, c, h, w = x.shape
    oh, ow = 2 * h, 2 * w
    flat_idx = indices.reshape(n, c, h * w)
    flat_x = x.reshape(n, c, h * w)
    out = jnp.zeros((n, c, oh * ow), dtype=x.dtype)
    bi = jnp.arange(n)[:, None, None]
    ci = jnp.arange(c)[None, :, None]
    out = out.at[bi, ci, flat_idx].set(flat_x)
    return out.reshape(n, c, oh, ow)

if __name__ == "__main__":
    import jax
    _d = setup_inputs()
    print(jax.jit(kernel)(*tuple(_d.values())))

</pallas_src>

<mosaic_0001>
#map = affine_map<(d0, d1) -> (0, 0, 0, 0)>
module attributes {stable_mosaic.version = 14 : i64} {
  func.func @body(%arg0: i32, %arg1: i32, %arg2: memref<4x96x192x192xf32, #tpu.memory_space<hbm>>, %arg3: memref<4x96x192x192xi32, #tpu.memory_space<hbm>>, %arg4: memref<4x96x384x384xf32, #tpu.memory_space<hbm>>, %arg5: memref<48x192xf32, #tpu.memory_space<vmem>>, %arg6: memref<48x192xf32, #tpu.memory_space<vmem>>, %arg7: memref<48x192xi32, #tpu.memory_space<vmem>>, %arg8: memref<48x192xi32, #tpu.memory_space<vmem>>, %arg9: memref<96x384xf32, #tpu.memory_space<vmem>>, %arg10: memref<96x384xf32, #tpu.memory_space<vmem>>, %arg11: memref<!tpu.dma_semaphore, #tpu.memory_space<semaphore_mem>>, %arg12: memref<!tpu.dma_semaphore, #tpu.memory_space<semaphore_mem>>, %arg13: memref<!tpu.dma_semaphore, #tpu.memory_space<semaphore_mem>>, %arg14: memref<!tpu.dma_semaphore, #tpu.memory_space<semaphore_mem>>) attributes {dimension_semantics = [#tpu.dimension_semantics<core_parallel>, #tpu.dimension_semantics<subcore_parallel>], iteration_bounds = array<i64: 2, 16>, scalar_prefetch = 0 : i64, scratch_operands = 10 : i64, tpu.core_type = #tpu.core_type<sc_vector_subcore>, window_params = [{transform_indices = #map}, {transform_indices = #map}, {transform_indices = #map}]} {
    %mul3A = arith.constant 2 : i32
    %mul3A_0 = arith.muli %arg1, %mul3A : i32
    %add3A = arith.addi %mul3A_0, %arg0 : i32
    %broadcast_in_dim3A = arith.constant 0.000000e+00 : f32
    %broadcast_in_dim3A_1 = vector.broadcast %broadcast_in_dim3A : f32 to vector<16xf32>
    %mul3A_2 = arith.constant 12 : i32
    %mul3A_3 = arith.muli %add3A, %mul3A_2 : i32
    %add3A_4 = arith.constant 0 : i32
    %add3A_5 = arith.addi %mul3A_3, %add3A_4 : i32
    %jit3A = arith.constant 96 : i32
    %div3A = arith.divsi %add3A_5, %jit3A : i32
    %sign3A = arith.constant 0 : i32
    %sign3A_6 = arith.cmpi sgt, %add3A_5, %sign3A : i32
    %sign3A_7 = arith.extui %sign3A_6 : i1 to i32
    %sign3A_8 = arith.constant 0 : i32
    %sign3A_9 = arith.cmpi slt, %add3A_5, %sign3A_8 : i32
    %sign3A_10 = arith.extui %sign3A_9 : i1 to i32
    %sign3A_11 = arith.subi %sign3A_7, %sign3A_10 : i32
    %sign3A_12 = arith.constant 0 : i32
    %sign3A_13 = arith.cmpi sgt, %jit3A, %sign3A_12 : i32
    %sign3A_14 = arith.extui %sign3A_13 : i1 to i32
    %sign3A_15 = arith.constant 0 : i32
    %sign3A_16 = arith.cmpi slt, %jit3A, %sign3A_15 : i32
    %sign3A_17 = arith.extui %sign3A_16 : i1 to i32
    %sign3A_18 = arith.subi %sign3A_14, %sign3A_17 : i32
    %ne3A = arith.cmpi ne, %sign3A_11, %sign3A_18 : i32
    %rem3A = arith.remsi %add3A_5, %jit3A : i32
    %ne3A_19 = arith.constant 0 : i32
    %ne3A_20 = arith.cmpi ne, %rem3A, %ne3A_19 : i32
    %and3A = arith.andi %ne3A, %ne3A_20 : i1
    %sub3A = arith.constant 1 : i32
    %sub3A_21 = arith.subi %div3A, %sub3A : i32
    %select_n3A = arith.select %and3A, %sub3A_21, %div3A : i32
    %jit3A_22 = arith.constant 96 : i32
    %eq3A = arith.constant 0 : i32
    %eq3A_23 = arith.cmpi eq, %jit3A_22, %eq3A : i32
    %jit3A_24 = arith.constant 1 : i32
    %select_n3A_25 = arith.select %eq3A_23, %jit3A_24, %jit3A_22 : i32
    %rem3A_26 = arith.remsi %add3A_5, %select_n3A_25 : i32
    %ne3A_27 = arith.constant 0 : i32
    %ne3A_28 = arith.cmpi ne, %rem3A_26, %ne3A_27 : i32
    %lt3A = arith.constant 0 : i32
    %lt3A_29 = arith.cmpi slt, %rem3A_26, %lt3A : i32
    %lt3A_30 = arith.constant 0 : i32
    %lt3A_31 = arith.cmpi slt, %select_n3A_25, %lt3A_30 : i32
    %ne3A_32 = arith.xori %lt3A_29, %lt3A_31 : i1
    %and3A_33 = arith.andi %ne3A_32, %ne3A_28 : i1
    %add3A_34 = arith.addi %rem3A_26, %select_n3A_25 : i32
    %select_n3A_35 = arith.select %and3A_33, %add3A_34, %rem3A_26 : i32
    %dma_start3A = arith.constant 0 : i32
    %dma_start3A_36 = arith.constant 0 : i32
    %dma_start3A_37 = tpu.memref_slice %arg2[%select_n3A, %select_n3A_35, %dma_start3A, %dma_start3A_36] : memref<4x96x192x192xf32, #tpu.memory_space<hbm>> -> memref<1x1x48x192xf32, #tpu.memory_space<hbm>>
    %dma_start3A_38 = tpu.memref_squeeze %dma_start3A_37 : memref<1x1x48x192xf32, #tpu.memory_space<hbm>> -> memref<48x192xf32, #tpu.memory_space<hbm>>
    %dma_start3A_39 = arith.constant 0 : i32
    %dma_start3A_40 = arith.constant 0 : i32
    %dma_start3A_41 = tpu.memref_slice %arg2[%select_n3A, %select_n3A_35, %dma_start3A_39, %dma_start3A_40] : memref<4x96x192x192xf32, #tpu.memory_space<hbm>> -> memref<1x1x48x192xf32, #tpu.memory_space<hbm>>
    %dma_start3A_42 = tpu.memref_squeeze %dma_start3A_41 : memref<1x1x48x192xf32, #tpu.memory_space<hbm>> -> memref<48x192xf32, #tpu.memory_space<hbm>>
    tpu.enqueue_dma source(%dma_start3A_42 : memref<48x192xf32, #tpu.memory_space<hbm>>) target(%arg5 : memref<48x192xf32, #tpu.memory_space<vmem>>) target_semaphore(%arg11 : memref<!tpu.dma_semaphore, #tpu.memory_space<semaphore_mem>>)
    %dma_start3A_43 = arith.constant 0 : i32
    %dma_start3A_44 = arith.constant 0 : i32
    %dma_start3A_45 = tpu.memref_slice %arg3[%select_n3A, %select_n3A_35, %dma_start3A_43, %dma_start3A_44] : memref<4x96x192x192xi32, #tpu.memory_space<hbm>> -> memref<1x1x48x192xi32, #tpu.memory_space<hbm>>
    %dma_start3A_46 = tpu.memref_squeeze %dma_start3A_45 : memref<1x1x48x192xi32, #tpu.memory_space<hbm>> -> memref<48x192xi32, #tpu.memory_space<hbm>>
    %dma_start3A_47 = arith.constant 0 : i32
    %dma_start3A_48 = arith.constant 0 : i32
    %dma_start3A_49 = tpu.memref_slice %arg3[%select_n3A, %select_n3A_35, %dma_start3A_47, %dma_start3A_48] : memref<4x96x192x192xi32, #tpu.memory_space<hbm>> -> memref<1x1x48x192xi32, #tpu.memory_space<hbm>>
    %dma_start3A_50 = tpu.memref_squeeze %dma_start3A_49 : memref<1x1x48x192xi32, #tpu.memory_space<hbm>> -> memref<48x192xi32, #tpu.memory_space<hbm>>
    tpu.enqueue_dma source(%dma_start3A_50 : memref<48x192xi32, #tpu.memory_space<hbm>>) target(%arg7 : memref<48x192xi32, #tpu.memory_space<vmem>>) target_semaphore(%arg11 : memref<!tpu.dma_semaphore, #tpu.memory_space<semaphore_mem>>)
    %mul3A_51 = arith.constant 12 : i32
    %mul3A_52 = arith.muli %add3A, %mul3A_51 : i32
    %add3A_53 = arith.constant 0 : i32
    %add3A_54 = arith.addi %mul3A_52, %add3A_53 : i32
    %jit3A_55 = arith.constant 96 : i32
    %div3A_56 = arith.divsi %add3A_54, %jit3A_55 : i32
    %sign3A_57 = arith.constant 0 : i32
    %sign3A_58 = arith.cmpi sgt, %add3A_54, %sign3A_57 : i32
    %sign3A_59 = arith.extui %sign3A_58 : i1 to i32
    %sign3A_60 = arith.constant 0 : i32
    %sign3A_61 = arith.cmpi slt, %add3A_54, %sign3A_60 : i32
    %sign3A_62 = arith.extui %sign3A_61 : i1 to i32
    %sign3A_63 = arith.subi %sign3A_59, %sign3A_62 : i32
    %sign3A_64 = arith.constant 0 : i32
    %sign3A_65 = arith.cmpi sgt, %jit3A_55, %sign3A_64 : i32
    %sign3A_66 = arith.extui %sign3A_65 : i1 to i32
    %sign3A_67 = arith.constant 0 : i32
    %sign3A_68 = arith.cmpi slt, %jit3A_55, %sign3A_67 : i32
    %sign3A_69 = arith.extui %sign3A_68 : i1 to i32
    %sign3A_70 = arith.subi %sign3A_66, %sign3A_69 : i32
    %ne3A_71 = arith.cmpi ne, %sign3A_63, %sign3A_70 : i32
    %rem3A_72 = arith.remsi %add3A_54, %jit3A_55 : i32
    %ne3A_73 = arith.constant 0 : i32
    %ne3A_74 = arith.cmpi ne, %rem3A_72, %ne3A_73 : i32
    %and3A_75 = arith.andi %ne3A_71, %ne3A_74 : i1
    %sub3A_76 = arith.constant 1 : i32
    %sub3A_77 = arith.subi %div3A_56, %sub3A_76 : i32
    %select_n3A_78 = arith.select %and3A_75, %sub3A_77, %div3A_56 : i32
    %jit3A_79 = arith.constant 96 : i32
    %eq3A_80 = arith.constant 0 : i32
    %eq3A_81 = arith.cmpi eq, %jit3A_79, %eq3A_80 : i32
    %jit3A_82 = arith.constant 1 : i32
    %select_n3A_83 = arith.select %eq3A_81, %jit3A_82, %jit3A_79 : i32
    %rem3A_84 = arith.remsi %add3A_54, %select_n3A_83 : i32
    %ne3A_85 = arith.constant 0 : i32
    %ne3A_86 = arith.cmpi ne, %rem3A_84, %ne3A_85 : i32
    %lt3A_87 = arith.constant 0 : i32
    %lt3A_88 = arith.cmpi slt, %rem3A_84, %lt3A_87 : i32
    %lt3A_89 = arith.constant 0 : i32
    %lt3A_90 = arith.cmpi slt, %select_n3A_83, %lt3A_89 : i32
    %ne3A_91 = arith.xori %lt3A_88, %lt3A_90 : i1
    %and3A_92 = arith.andi %ne3A_91, %ne3A_86 : i1
    %add3A_93 = arith.addi %rem3A_84, %select_n3A_83 : i32
    %select_n3A_94 = arith.select %and3A_92, %add3A_93, %rem3A_84 : i32
    %dma_start3A_95 = arith.constant 48 : i32
    %dma_start3A_96 = arith.constant 0 : i32
    %dma_start3A_97 = tpu.memref_slice %arg2[%select_n3A_78, %select_n3A_94, %dma_start3A_95, %dma_start3A_96] : memref<4x96x192x192xf32, #tpu.memory_space<hbm>> -> memref<1x1x48x192xf32, #tpu.memory_space<hbm>>
    %dma_start3A_98 = tpu.memref_squeeze %dma_start3A_97 : memref<1x1x48x192xf32, #tpu.memory_space<hbm>> -> memref<48x192xf32, #tpu.memory_space<hbm>>
    %dma_start3A_99 = arith.constant 48 : i32
    %dma_start3A_100 = arith.constant 0 : i32
    %dma_start3A_101 = tpu.memref_slice %arg2[%select_n3A_78, %select_n3A_94, %dma_start3A_99, %dma_start3A_100] : memref<4x96x192x192xf32, #tpu.memory_space<hbm>> -> memref<1x1x48x192xf32, #tpu.memory_space<hbm>>
    %dma_start3A_102 = tpu.memref_squeeze %dma_start3A_101 : memref<1x1x48x192xf32, #tpu.memory_space<hbm>> -> memref<48x192xf32, #tpu.memory_space<hbm>>
    tpu.enqueue_dma source(%dma_start3A_102 : memref<48x192xf32, #tpu.memory_space<hbm>>) target(%arg6 : memref<48x192xf32, #tpu.memory_space<vmem>>) target_semaphore(%arg12 : memref<!tpu.dma_semaphore, #tpu.memory_space<semaphore_mem>>)
    %dma_start3A_103 = arith.constant 48 : i32
    %dma_start3A_104 = arith.constant 0 : i32
    %dma_start3A_105 = tpu.memref_slice %arg3[%select_n3A_78, %select_n3A_94, %dma_start3A_103, %dma_start3A_104] : memref<4x96x192x192xi32, #tpu.memory_space<hbm>> -> memref<1x1x48x192xi32, #tpu.memory_space<hbm>>
    %dma_start3A_106 = tpu.memref_squeeze %dma_start3A_105 : memref<1x1x48x192xi32, #tpu.memory_space<hbm>> -> memref<48x192xi32, #tpu.memory_space<hbm>>
    %dma_start3A_107 = arith.constant 48 : i32
    %dma_start3A_108 = arith.constant 0 : i32
    %dma_start3A_109 = tpu.memref_slice %arg3[%select_n3A_78, %select_n3A_94, %dma_start3A_107, %dma_start3A_108] : memref<4x96x192x192xi32, #tpu.memory_space<hbm>> -> memref<1x1x48x192xi32, #tpu.memory_space<hbm>>
    %dma_start3A_110 = tpu.memref_squeeze %dma_start3A_109 : memref<1x1x48x192xi32, #tpu.memory_space<hbm>> -> memref<48x192xi32, #tpu.memory_space<hbm>>
    tpu.enqueue_dma source(%dma_start3A_110 : memref<48x192xi32, #tpu.memory_space<hbm>>) target(%arg8 : memref<48x192xi32, #tpu.memory_space<vmem>>) target_semaphore(%arg12 : memref<!tpu.dma_semaphore, #tpu.memory_space<semaphore_mem>>)
    %scan3A = arith.constant 0 : i32
    %scan3A_111 = arith.constant 0 : i32
    %scan3A_112 = arith.constant 24 : i32
    %scan3A_113 = arith.addi %scan3A_111, %scan3A_112 : i32
    %scan3A_114 = arith.constant 1 : i32
    scf.for %scan3A_135 = %scan3A_111 to %scan3A_113 step %scan3A_114  : i32 {
      %mul3A_136 = arith.constant 2 : i32
      %mul3A_137 = arith.muli %scan3A_135, %mul3A_136 : i32
      %add3A_138 = arith.constant 0 : i32
      %add3A_139 = arith.addi %mul3A_137, %add3A_138 : i32
      %dma_wait3A_140 = arith.constant 0 : i32
      %dma_wait3A_141 = arith.constant 0 : i32
      %dma_wait3A_142 = arith.constant 0 : i32
      %dma_wait3A_143 = arith.constant 0 : i32
      %dma_wait3A_144 = tpu.memref_slice %arg2[%dma_wait3A_140, %dma_wait3A_141, %dma_wait3A_142, %dma_wait3A_143] : memref<4x96x192x192xf32, #tpu.memory_space<hbm>> -> memref<1x1x48x192xf32, #tpu.memory_space<hbm>>
      %dma_wait3A_145 = tpu.memref_squeeze %dma_wait3A_144 : memref<1x1x48x192xf32, #tpu.memory_space<hbm>> -> memref<48x192xf32, #tpu.memory_space<hbm>>
      %dma_wait3A_146 = arith.constant 0 : i32
      %dma_wait3A_147 = arith.constant 0 : i32
      %dma_wait3A_148 = tpu.memref_slice %arg2[%dma_wait3A_140, %dma_wait3A_141, %dma_wait3A_146, %dma_wait3A_147] : memref<4x96x192x192xf32, #tpu.memory_space<hbm>> -> memref<1x1x48x192xf32, #tpu.memory_space<hbm>>
      %dma_wait3A_149 = tpu.memref_squeeze %dma_wait3A_148 : memref<1x1x48x192xf32, #tpu.memory_space<hbm>> -> memref<48x192xf32, #tpu.memory_space<hbm>>
      tpu.wait_dma2 semaphore(%arg11 : memref<!tpu.dma_semaphore, #tpu.memory_space<semaphore_mem>>) src(%dma_wait3A_149 : memref<48x192xf32, #tpu.memory_space<hbm>>) dst(%arg5 : memref<48x192xf32, #tpu.memory_space<vmem>>)
      %dma_wait3A_150 = arith.constant 0 : i32
      %dma_wait3A_151 = arith.constant 0 : i32
      %dma_wait3A_152 = arith.constant 0 : i32
      %dma_wait3A_153 = arith.constant 0 : i32
      %dma_wait3A_154 = tpu.memref_slice %arg3[%dma_wait3A_150, %dma_wait3A_151, %dma_wait3A_152, %dma_wait3A_153] : memref<4x96x192x192xi32, #tpu.memory_space<hbm>> -> memref<1x1x48x192xi32, #tpu.memory_space<hbm>>
      %dma_wait3A_155 = tpu.memref_squeeze %dma_wait3A_154 : memref<1x1x48x192xi32, #tpu.memory_space<hbm>> -> memref<48x192xi32, #tpu.memory_space<hbm>>
      %dma_wait3A_156 = arith.constant 0 : i32
      %dma_wait3A_157 = arith.constant 0 : i32
      %dma_wait3A_158 = tpu.memref_slice %arg3[%dma_wait3A_150, %dma_wait3A_151, %dma_wait3A_156, %dma_wait3A_157] : memref<4x96x192x192xi32, #tpu.memory_space<hbm>> -> memref<1x1x48x192xi32, #tpu.memory_space<hbm>>
      %dma_wait3A_159 = tpu.memref_squeeze %dma_wait3A_158 : memref<1x1x48x192xi32, #tpu.memory_space<hbm>> -> memref<48x192xi32, #tpu.memory_space<hbm>>
      tpu.wait_dma2 semaphore(%arg11 : memref<!tpu.dma_semaphore, #tpu.memory_space<semaphore_mem>>) src(%dma_wait3A_159 : memref<48x192xi32, #tpu.memory_space<hbm>>) dst(%arg7 : memref<48x192xi32, #tpu.memory_space<vmem>>)
      %gt3A = arith.constant 0 : i32
      %gt3A_160 = arith.cmpi sgt, %scan3A_135, %gt3A : i32
      %convert_element_type3A = arith.extui %gt3A_160 : i1 to i32
      %cond3A = arith.constant 0 : i32
      %cond3A_161 = arith.cmpi ne, %convert_element_type3A, %cond3A : i32
      scf.if %cond3A_161 {
        %dma_wait3A_402 = arith.constant 0 : i32
        %dma_wait3A_403 = arith.constant 0 : i32
        %dma_wait3A_404 = arith.constant 0 : i32
        %dma_wait3A_405 = arith.constant 0 : i32
        %dma_wait3A_406 = tpu.memref_slice %arg4[%dma_wait3A_402, %dma_wait3A_403, %dma_wait3A_404, %dma_wait3A_405] : memref<4x96x384x384xf32, #tpu.memory_space<hbm>> -> memref<1x1x96x384xf32, #tpu.memory_space<hbm>>
        %dma_wait3A_407 = tpu.memref_squeeze %dma_wait3A_406 : memref<1x1x96x384xf32, #tpu.memory_space<hbm>> -> memref<96x384xf32, #tpu.memory_space<hbm>>
        %dma_wait3A_408 = arith.constant 0 : i32
        %dma_wait3A_409 = arith.constant 0 : i32
        %dma_wait3A_410 = tpu.memref_slice %arg4[%dma_wait3A_402, %dma_wait3A_403, %dma_wait3A_408, %dma_wait3A_409] : memref<4x96x384x384xf32, #tpu.memory_space<hbm>> -> memref<1x1x96x384xf32, #tpu.memory_space<hbm>>
        %dma_wait3A_411 = tpu.memref_squeeze %dma_wait3A_410 : memref<1x1x96x384xf32, #tpu.memory_space<hbm>> -> memref<96x384xf32, #tpu.memory_space<hbm>>
        tpu.wait_dma2 semaphore(%arg13 : memref<!tpu.dma_semaphore, #tpu.memory_space<semaphore_mem>>) src(%arg9 : memref<96x384xf32, #tpu.memory_space<vmem>>) dst(%dma_wait3A_411 : memref<96x384xf32, #tpu.memory_space<hbm>>)
      } else {
      }
      %mul3A_162 = arith.constant 12 : i32
      %mul3A_163 = arith.muli %add3A, %mul3A_162 : i32
      %jit3A_164 = arith.constant 4 : i32
      %div3A_165 = arith.divsi %add3A_139, %jit3A_164 : i32
      %sign3A_166 = arith.constant 0 : i32
      %sign3A_167 = arith.cmpi sgt, %add3A_139, %sign3A_166 : i32
      %sign3A_168 = arith.extui %sign3A_167 : i1 to i32
      %sign3A_169 = arith.constant 0 : i32
      %sign3A_170 = arith.cmpi slt, %add3A_139, %sign3A_169 : i32
      %sign3A_171 = arith.extui %sign3A_170 : i1 to i32
      %sign3A_172 = arith.subi %sign3A_168, %sign3A_171 : i32
      %sign3A_173 = arith.constant 0 : i32
      %sign3A_174 = arith.cmpi sgt, %jit3A_164, %sign3A_173 : i32
      %sign3A_175 = arith.extui %sign3A_174 : i1 to i32
      %sign3A_176 = arith.constant 0 : i32
      %sign3A_177 = arith.cmpi slt, %jit3A_164, %sign3A_176 : i32
      %sign3A_178 = arith.extui %sign3A_177 : i1 to i32
      %sign3A_179 = arith.subi %sign3A_175, %sign3A_178 : i32
      %ne3A_180 = arith.cmpi ne, %sign3A_172, %sign3A_179 : i32
      %rem3A_181 = arith.remsi %add3A_139, %jit3A_164 : i32
      %ne3A_182 = arith.constant 0 : i32
      %ne3A_183 = arith.cmpi ne, %rem3A_181, %ne3A_182 : i32
      %and3A_184 = arith.andi %ne3A_180, %ne3A_183 : i1
      %sub3A_185 = arith.constant 1 : i32
      %sub3A_186 = arith.subi %div3A_165, %sub3A_185 : i32
      %select_n3A_187 = arith.select %and3A_184, %sub3A_186, %div3A_165 : i32
      %add3A_188 = arith.addi %mul3A_163, %select_n3A_187 : i32
      %jit3A_189 = arith.constant 4 : i32
      %eq3A_190 = arith.constant 0 : i32
      %eq3A_191 = arith.cmpi eq, %jit3A_189, %eq3A_190 : i32
      %jit3A_192 = arith.constant 1 : i32
      %select_n3A_193 = arith.select %eq3A_191, %jit3A_192, %jit3A_189 : i32
      %rem3A_194 = arith.remsi %add3A_139, %select_n3A_193 : i32
      %ne3A_195 = arith.constant 0 : i32
      %ne3A_196 = arith.cmpi ne, %rem3A_194, %ne3A_195 : i32
      %lt3A_197 = arith.constant 0 : i32
      %lt3A_198 = arith.cmpi slt, %rem3A_194, %lt3A_197 : i32
      %lt3A_199 = arith.constant 0 : i32
      %lt3A_200 = arith.cmpi slt, %select_n3A_193, %lt3A_199 : i32
      %ne3A_201 = arith.xori %lt3A_198, %lt3A_200 : i1
      %and3A_202 = arith.andi %ne3A_201, %ne3A_196 : i1
      %add3A_203 = arith.addi %rem3A_194, %select_n3A_193 : i32
      %select_n3A_204 = arith.select %and3A_202, %add3A_203, %rem3A_194 : i32
      %mul3A_205 = arith.constant 48 : i32
      %mul3A_206 = arith.muli %select_n3A_204, %mul3A_205 : i32
      %jit3A_207 = arith.constant 96 : i32
      %div3A_208 = arith.divsi %add3A_188, %jit3A_207 : i32
      %sign3A_209 = arith.constant 0 : i32
      %sign3A_210 = arith.cmpi sgt, %add3A_188, %sign3A_209 : i32
      %sign3A_211 = arith.extui %sign3A_210 : i1 to i32
      %sign3A_212 = arith.constant 0 : i32
      %sign3A_213 = arith.cmpi slt, %add3A_188, %sign3A_212 : i32
      %sign3A_214 = arith.extui %sign3A_213 : i1 to i32
      %sign3A_215 = arith.subi %sign3A_211, %sign3A_214 : i32
      %sign3A_216 = arith.constant 0 : i32
      %sign3A_217 = arith.cmpi sgt, %jit3A_207, %sign3A_216 : i32
      %sign3A_218 = arith.extui %sign3A_217 : i1 to i32
      %sign3A_219 = arith.constant 0 : i32
      %sign3A_220 = arith.cmpi slt, %jit3A_207, %sign3A_219 : i32
      %sign3A_221 = arith.extui %sign3A_220 : i1 to i32
      %sign3A_222 = arith.subi %sign3A_218, %sign3A_221 : i32
      %ne3A_223 = arith.cmpi ne, %sign3A_215, %sign3A_222 : i32
      %rem3A_224 = arith.remsi %add3A_188, %jit3A_207 : i32
      %ne3A_225 = arith.constant 0 : i32
      %ne3A_226 = arith.cmpi ne, %rem3A_224, %ne3A_225 : i32
      %and3A_227 = arith.andi %ne3A_223, %ne3A_226 : i1
      %sub3A_228 = arith.constant 1 : i32
      %sub3A_229 = arith.subi %div3A_208, %sub3A_228 : i32
      %select_n3A_230 = arith.select %and3A_227, %sub3A_229, %div3A_208 : i32
      %jit3A_231 = arith.constant 96 : i32
      %eq3A_232 = arith.constant 0 : i32
      %eq3A_233 = arith.cmpi eq, %jit3A_231, %eq3A_232 : i32
      %jit3A_234 = arith.constant 1 : i32
      %select_n3A_235 = arith.select %eq3A_233, %jit3A_234, %jit3A_231 : i32
      %rem3A_236 = arith.remsi %add3A_188, %select_n3A_235 : i32
      %ne3A_237 = arith.constant 0 : i32
      %ne3A_238 = arith.cmpi ne, %rem3A_236, %ne3A_237 : i32
      %lt3A_239 = arith.constant 0 : i32
      %lt3A_240 = arith.cmpi slt, %rem3A_236, %lt3A_239 : i32
      %lt3A_241 = arith.constant 0 : i32
      %lt3A_242 = arith.cmpi slt, %select_n3A_235, %lt3A_241 : i32
      %ne3A_243 = arith.xori %lt3A_240, %lt3A_242 : i1
      %and3A_244 = arith.andi %ne3A_243, %ne3A_238 : i1
      %add3A_245 = arith.addi %rem3A_236, %select_n3A_235 : i32
      %select_n3A_246 = arith.select %and3A_244, %add3A_245, %rem3A_236 : i32
      %parallel_loop3A = arith.constant 0 : i32
      %parallel_loop3A_247 = arith.constant 96 : i32
      %parallel_loop3A_248 = arith.constant 1 : i32
      scf.for %parallel_loop3A_402 = %parallel_loop3A to %parallel_loop3A_247 step %parallel_loop3A_248  : i32 {
        %parallel_loop3A_403 = arith.index_cast %parallel_loop3A_402 : i32 to index
        %parallel_loop3A_404 = arith.constant 0 : index
        %parallel_loop3A_405 = tpu.vector_load %arg9[%parallel_loop3A_403, %parallel_loop3A_404] {strides = array<i32>} : memref<96x384xf32, #tpu.memory_space<vmem>>, vector<16xf32>,
        tpu.vector_store %arg9[%parallel_loop3A_403, %parallel_loop3A_404], %broadcast_in_dim3A_1 {strides = array<i32>} : memref<96x384xf32, #tpu.memory_space<vmem>>, vector<16xf32>,
        %parallel_loop3A_406 = arith.index_cast %parallel_loop3A_402 : i32 to index
        %parallel_loop3A_407 = arith.constant 16 : index
        %parallel_loop3A_408 = tpu.vector_load %arg9[%parallel_loop3A_406, %parallel_loop3A_407] {strides = array<i32>} : memref<96x384xf32, #tpu.memory_space<vmem>>, vector<16xf32>,
        tpu.vector_store %arg9[%parallel_loop3A_406, %parallel_loop3A_407], %broadcast_in_dim3A_1 {strides = array<i32>} : memref<96x384xf32, #tpu.memory_space<vmem>>, vector<16xf32>,
        %parallel_loop3A_409 = arith.index_cast %parallel_loop3A_402 : i32 to index
        %parallel_loop3A_410 = arith.constant 32 : index
        %parallel_loop3A_411 = tpu.vector_load %arg9[%parallel_loop3A_409, %parallel_loop3A_410] {strides = array<i32>} : memref<96x384xf32, #tpu.memory_space<vmem>>, vector<16xf32>,
        tpu.vector_store %arg9[%parallel_loop3A_409, %parallel_loop3A_410], %broadcast_in_dim3A_1 {strides = array<i32>} : memref<96x384xf32, #tpu.memory_space<vmem>>, vector<16xf32>,
        %parallel_loop3A_412 = arith.index_cast %parallel_loop3A_402 : i32 to index
        %parallel_loop3A_413 = arith.constant 48 : index
        %parallel_loop3A_414 = tpu.vector_load %arg9[%parallel_loop3A_412, %parallel_loop3A_413] {strides = array<i32>} : memref<96x384xf32, #tpu.memory_space<vmem>>, vector<16xf32>,
        tpu.vector_store %arg9[%parallel_loop3A_412, %parallel_loop3A_413], %broadcast_in_dim3A_1 {strides = array<i32>} : memref<96x384xf32, #tpu.memory_space<vmem>>, vector<16xf32>,
        %parallel_loop3A_415 = arith.index_cast %parallel_loop3A_402 : i32 to index
        %parallel_loop3A_416 = arith.constant 64 : index
        %parallel_loop3A_417 = tpu.vector_load %arg9[%parallel_loop3A_415, %parallel_loop3A_416] {strides = array<i32>} : memref<96x384xf32, #tpu.memory_space<vmem>>, vector<16xf32>,
        tpu.vector_store %arg9[%parallel_loop3A_415, %parallel_loop3A_416], %broadcast_in_dim3A_1 {strides = array<i32>} : memref<96x384xf32, #tpu.memory_space<vmem>>, vector<16xf32>,
        %parallel_loop3A_418 = arith.index_cast %parallel_loop3A_402 : i32 to index
        %parallel_loop3A_419 = arith.constant 80 : index
        %parallel_loop3A_420 = tpu.vector_load %arg9[%parallel_loop3A_418, %parallel_loop3A_419] {strides = array<i32>} : memref<96x384xf32, #tpu.memory_space<vmem>>, vector<16xf32>,
        tpu.vector_store %arg9[%parallel_loop3A_418, %parallel_loop3A_419], %broadcast_in_dim3A_1 {strides = array<i32>} : memref<96x384xf32, #tpu.memory_space<vmem>>, vector<16xf32>,
        %parallel_loop3A_421 = arith.index_cast %parallel_loop3A_402 : i32 to index
        %parallel_loop3A_422 = arith.constant 96 : index
        %parallel_loop3A_423 = tpu.vector_load %arg9[%parallel_loop3A_421, %parallel_loop3A_422] {strides = array<i32>} : memref<96x384xf32, #tpu.memory_space<vmem>>, vector<16xf32>,
        tpu.vector_store %arg9[%parallel_loop3A_421, %parallel_loop3A_422], %broadcast_in_dim3A_1 {strides = array<i32>} : memref<96x384xf32, #tpu.memory_space<vmem>>, vector<16xf32>,
        %parallel_loop3A_424 = arith.index_cast %parallel_loop3A_402 : i32 to index
        %parallel_loop3A_425 = arith.constant 112 : index
        %parallel_loop3A_426 = tpu.vector_load %arg9[%parallel_loop3A_424, %parallel_loop3A_425] {strides = array<i32>} : memref<96x384xf32, #tpu.memory_space<vmem>>, vector<16xf32>,
        tpu.vector_store %arg9[%parallel_loop3A_424, %parallel_loop3A_425], %broadcast_in_dim3A_1 {strides = array<i32>} : memref<96x384xf32, #tpu.memory_space<vmem>>, vector<16xf32>,
        %parallel_loop3A_427 = arith.index_cast %parallel_loop3A_402 : i32 to index
        %parallel_loop3A_428 = arith.constant 128 : index
        %parallel_loop3A_429 = tpu.vector_load %arg9[%parallel_loop3A_427, %parallel_loop3A_428] {strides = array<i32>} : memref<96x384xf32, #tpu.memory_space<vmem>>, vector<16xf32>,
        tpu.vector_store %arg9[%parallel_loop3A_427, %parallel_loop3A_428], %broadcast_in_dim3A_1 {strides = array<i32>} : memref<96x384xf32, #tpu.memory_space<vmem>>, vector<16xf32>,
        %parallel_loop3A_430 = arith.index_cast %parallel_loop3A_402 : i32 to index
        %parallel_loop3A_431 = arith.constant 144 : index
        %parallel_loop3A_432 = tpu.vector_load %arg9[%parallel_loop3A_430, %parallel_loop3A_431] {strides = array<i32>} : memref<96x384xf32, #tpu.memory_space<vmem>>, vector<16xf32>,
        tpu.vector_store %arg9[%parallel_loop3A_430, %parallel_loop3A_431], %broadcast_in_dim3A_1 {strides = array<i32>} : memref<96x384xf32, #tpu.memory_space<vmem>>, vector<16xf32>,
        %parallel_loop3A_433 = arith.index_cast %parallel_loop3A_402 : i32 to index
        %parallel_loop3A_434 = arith.constant 160 : index
        %parallel_loop3A_435 = tpu.vector_load %arg9[%parallel_loop3A_433, %parallel_loop3A_434] {strides = array<i32>} : memref<96x384xf32, #tpu.memory_space<vmem>>, vector<16xf32>,
        tpu.vector_store %arg9[%parallel_loop3A_433, %parallel_loop3A_434], %broadcast_in_dim3A_1 {strides = array<i32>} : memref<96x384xf32, #tpu.memory_space<vmem>>, vector<16xf32>,
        %parallel_loop3A_436 = arith.index_cast %parallel_loop3A_402 : i32 to index
        %parallel_loop3A_437 = arith.constant 176 : index
        %parallel_loop3A_438 = tpu.vector_load %arg9[%parallel_loop3A_436, %parallel_loop3A_437] {strides = array<i32>} : memref<96x384xf32, #tpu.memory_space<vmem>>, vector<16xf32>,
        tpu.vector_store %arg9[%parallel_loop3A_436, %parallel_loop3A_437], %broadcast_in_dim3A_1 {strides = array<i32>} : memref<96x384xf32, #tpu.memory_space<vmem>>, vector<16xf32>,
        %parallel_loop3A_439 = arith.index_cast %parallel_loop3A_402 : i32 to index
        %parallel_loop3A_440 = arith.constant 192 : index
        %parallel_loop3A_441 = tpu.vector_load %arg9[%parallel_loop3A_439, %parallel_loop3A_440] {strides = array<i32>} : memref<96x384xf32, #tpu.memory_space<vmem>>, vector<16xf32>,
        tpu.vector_store %arg9[%parallel_loop3A_439, %parallel_loop3A_440], %broadcast_in_dim3A_1 {strides = array<i32>} : memref<96x384xf32, #tpu.memory_space<vmem>>, vector<16xf32>,
        %parallel_loop3A_442 = arith.index_cast %parallel_loop3A_402 : i32 to index
        %parallel_loop3A_443 = arith.constant 208 : index
        %parallel_loop3A_444 = tpu.vector_load %arg9[%parallel_loop3A_442, %parallel_loop3A_443] {strides = array<i32>} : memref<96x384xf32, #tpu.memory_space<vmem>>, vector<16xf32>,
        tpu.vector_store %arg9[%parallel_loop3A_442, %parallel_loop3A_443], %broadcast_in_dim3A_1 {strides = array<i32>} : memref<96x384xf32, #tpu.memory_space<vmem>>, vector<16xf32>,
        %parallel_loop3A_445 = arith.index_cast %parallel_loop3A_402 : i32 to index
        %parallel_loop3A_446 = arith.constant 224 : index
        %parallel_loop3A_447 = tpu.vector_load %arg9[%parallel_loop3A_445, %parallel_loop3A_446] {strides = array<i32>} : memref<96x384xf32, #tpu.memory_space<vmem>>, vector<16xf32>,
        tpu.vector_store %arg9[%parallel_loop3A_445, %parallel_loop3A_446], %broadcast_in_dim3A_1 {strides = array<i32>} : memref<96x384xf32, #tpu.memory_space<vmem>>, vector<16xf32>,
        %parallel_loop3A_448 = arith.index_cast %parallel_loop3A_402 : i32 to index
        %parallel_loop3A_449 = arith.constant 240 : index
        %parallel_loop3A_450 = tpu.vector_load %arg9[%parallel_loop3A_448, %parallel_loop3A_449] {strides = array<i32>} : memref<96x384xf32, #tpu.memory_space<vmem>>, vector<16xf32>,
        tpu.vector_store %arg9[%parallel_loop3A_448, %parallel_loop3A_449], %broadcast_in_dim3A_1 {strides = array<i32>} : memref<96x384xf32, #tpu.memory_space<vmem>>, vector<16xf32>,
        %parallel_loop3A_451 = arith.index_cast %parallel_loop3A_402 : i32 to index
        %parallel_loop3A_452 = arith.constant 256 : index
        %parallel_loop3A_453 = tpu.vector_load %arg9[%parallel_loop3A_451, %parallel_loop3A_452] {strides = array<i32>} : memref<96x384xf32, #tpu.memory_space<vmem>>, vector<16xf32>,
        tpu.vector_store %arg9[%parallel_loop3A_451, %parallel_loop3A_452], %broadcast_in_dim3A_1 {strides = array<i32>} : memref<96x384xf32, #tpu.memory_space<vmem>>, vector<16xf32>,
        %parallel_loop3A_454 = arith.index_cast %parallel_loop3A_402 : i32 to index
        %parallel_loop3A_455 = arith.constant 272 : index
        %parallel_loop3A_456 = tpu.vector_load %arg9[%parallel_loop3A_454, %parallel_loop3A_455] {strides = array<i32>} : memref<96x384xf32, #tpu.memory_space<vmem>>, vector<16xf32>,
        tpu.vector_store %arg9[%parallel_loop3A_454, %parallel_loop3A_455], %broadcast_in_dim3A_1 {strides = array<i32>} : memref<96x384xf32, #tpu.memory_space<vmem>>, vector<16xf32>,
        %parallel_loop3A_457 = arith.index_cast %parallel_loop3A_402 : i32 to index
        %parallel_loop3A_458 = arith.constant 288 : index
        %parallel_loop3A_459 = tpu.vector_load %arg9[%parallel_loop3A_457, %parallel_loop3A_458] {strides = array<i32>} : memref<96x384xf32, #tpu.memory_space<vmem>>, vector<16xf32>,
        tpu.vector_store %arg9[%parallel_loop3A_457, %parallel_loop3A_458], %broadcast_in_dim3A_1 {strides = array<i32>} : memref<96x384xf32, #tpu.memory_space<vmem>>, vector<16xf32>,
        %parallel_loop3A_460 = arith.index_cast %parallel_loop3A_402 : i32 to index
        %parallel_loop3A_461 = arith.constant 304 : index
        %parallel_loop3A_462 = tpu.vector_load %arg9[%parallel_loop3A_460, %parallel_loop3A_461] {strides = array<i32>} : memref<96x384xf32, #tpu.memory_space<vmem>>, vector<16xf32>,
        tpu.vector_store %arg9[%parallel_loop3A_460, %parallel_loop3A_461], %broadcast_in_dim3A_1 {strides = array<i32>} : memref<96x384xf32, #tpu.memory_space<vmem>>, vector<16xf32>,
        %parallel_loop3A_463 = arith.index_cast %parallel_loop3A_402 : i32 to index
        %parallel_loop3A_464 = arith.constant 320 : index
        %parallel_loop3A_465 = tpu.vector_load %arg9[%parallel_loop3A_463, %parallel_loop3A_464] {strides = array<i32>} : memref<96x384xf32, #tpu.memory_space<vmem>>, vector<16xf32>,
        tpu.vector_store %arg9[%parallel_loop3A_463, %parallel_loop3A_464], %broadcast_in_dim3A_1 {strides = array<i32>} : memref<96x384xf32, #tpu.memory_space<vmem>>, vector<16xf32>,
        %parallel_loop3A_466 = arith.index_cast %parallel_loop3A_402 : i32 to index
        %parallel_loop3A_467 = arith.constant 336 : index
        %parallel_loop3A_468 = tpu.vector_load %arg9[%parallel_loop3A_466, %parallel_loop3A_467] {strides = array<i32>} : memref<96x384xf32, #tpu.memory_space<vmem>>, vector<16xf32>,
        tpu.vector_store %arg9[%parallel_loop3A_466, %parallel_loop3A_467], %broadcast_in_dim3A_1 {strides = array<i32>} : memref<96x384xf32, #tpu.memory_space<vmem>>, vector<16xf32>,
        %parallel_loop3A_469 = arith.index_cast %parallel_loop3A_402 : i32 to index
        %parallel_loop3A_470 = arith.constant 352 : index
        %parallel_loop3A_471 = tpu.vector_load %arg9[%parallel_loop3A_469, %parallel_loop3A_470] {strides = array<i32>} : memref<96x384xf32, #tpu.memory_space<vmem>>, vector<16xf32>,
        tpu.vector_store %arg9[%parallel_loop3A_469, %parallel_loop3A_470], %broadcast_in_dim3A_1 {strides = array<i32>} : memref<96x384xf32, #tpu.memory_space<vmem>>, vector<16xf32>,
        %parallel_loop3A_472 = arith.index_cast %parallel_loop3A_402 : i32 to index
        %parallel_loop3A_473 = arith.constant 368 : index
        %parallel_loop3A_474 = tpu.vector_load %arg9[%parallel_loop3A_472, %parallel_loop3A_473] {strides = array<i32>} : memref<96x384xf32, #tpu.memory_space<vmem>>, vector<16xf32>,
        tpu.vector_store %arg9[%parallel_loop3A_472, %parallel_loop3A_473], %broadcast_in_dim3A_1 {strides = array<i32>} : memref<96x384xf32, #tpu.memory_space<vmem>>, vector<16xf32>,
      } {sc.loop_unroll_factor = 4 : i64, sc.parallel_access}
      %parallel_loop3A_249 = arith.constant 0 : i32
      %parallel_loop3A_250 = arith.constant 48 : i32
      %parallel_loop3A_251 = arith.constant 1 : i32
      scf.for %parallel_loop3A_402 = %parallel_loop3A_249 to %parallel_loop3A_250 step %parallel_loop3A_251  : i32 {
        %parallel_loop3A_403 = arith.constant 2 : i32
        %parallel_loop3A_404 = arith.muli %parallel_loop3A_403, %parallel_loop3A_402 : i32
        %parallel_loop3A_405 = arith.addi %mul3A_206, %parallel_loop3A_402 : i32
        %parallel_loop3A_406 = arith.constant 2 : i32
        %parallel_loop3A_407 = arith.muli %parallel_loop3A_405, %parallel_loop3A_406 : i32
        %parallel_loop3A_408 = arith.constant 384 : i32
        %parallel_loop3A_409 = arith.muli %parallel_loop3A_407, %parallel_loop3A_408 : i32
        %parallel_loop3A_410 = arith.index_cast %parallel_loop3A_402 : i32 to index
        %parallel_loop3A_411 = arith.constant 0 : index
        %parallel_loop3A_412 = tpu.vector_load %arg7[%parallel_loop3A_410, %parallel_loop3A_411] {strides = array<i32>} : memref<48x192xi32, #tpu.memory_space<vmem>>, vector<16xi32>,
        %parallel_loop3A_413 = vector.broadcast %parallel_loop3A_409 : i32 to vector<16xi32>
        %parallel_loop3A_414 = arith.subi %parallel_loop3A_412, %parallel_loop3A_413 : vector<16xi32>
        %parallel_loop3A_415 = arith.constant 384 : i32
        %parallel_loop3A_416 = vector.broadcast %parallel_loop3A_415 : i32 to vector<16xi32>
        %parallel_loop3A_417 = arith.cmpi sge, %parallel_loop3A_414, %parallel_loop3A_416 : vector<16xi32>
        %parallel_loop3A_418 = arith.constant 1 : i32
        %parallel_loop3A_419 = arith.addi %parallel_loop3A_404, %parallel_loop3A_418 : i32
        %parallel_loop3A_420 = vector.broadcast %parallel_loop3A_419 : i32 to vector<16xi32>
        %parallel_loop3A_421 = vector.broadcast %parallel_loop3A_404 : i32 to vector<16xi32>
        %parallel_loop3A_422 = arith.select %parallel_loop3A_417, %parallel_loop3A_420, %parallel_loop3A_421 : vector<16xi1>, vector<16xi32>
        %parallel_loop3A_423 = arith.constant 384 : i32
        %parallel_loop3A_424 = vector.broadcast %parallel_loop3A_423 : i32 to vector<16xi32>
        %parallel_loop3A_425 = arith.subi %parallel_loop3A_414, %parallel_loop3A_424 : vector<16xi32>
        %parallel_loop3A_426 = arith.select %parallel_loop3A_417, %parallel_loop3A_425, %parallel_loop3A_414 : vector<16xi1>, vector<16xi32>
        %parallel_loop3A_427 = arith.index_cast %parallel_loop3A_402 : i32 to index
        %parallel_loop3A_428 = arith.constant 0 : index
        %parallel_loop3A_429 = tpu.vector_load %arg5[%parallel_loop3A_427, %parallel_loop3A_428] {strides = array<i32>} : memref<48x192xf32, #tpu.memory_space<vmem>>, vector<16xf32>,
        tpu.vector_store_idx %arg9[%parallel_loop3A_422, %parallel_loop3A_426], %parallel_loop3A_429 : memref<96x384xf32, #tpu.memory_space<vmem>>[vector<16xi32>, vector<16xi32>], vector<16xf32>,
        %parallel_loop3A_430 = arith.index_cast %parallel_loop3A_402 : i32 to index
        %parallel_loop3A_431 = arith.constant 16 : index
        %parallel_loop3A_432 = tpu.vector_load %arg7[%parallel_loop3A_430, %parallel_loop3A_431] {strides = array<i32>} : memref<48x192xi32, #tpu.memory_space<vmem>>, vector<16xi32>,
        %parallel_loop3A_433 = vector.broadcast %parallel_loop3A_409 : i32 to vector<16xi32>
        %parallel_loop3A_434 = arith.subi %parallel_loop3A_432, %parallel_loop3A_433 : vector<16xi32>
        %parallel_loop3A_435 = arith.constant 384 : i32
        %parallel_loop3A_436 = vector.broadcast %parallel_loop3A_435 : i32 to vector<16xi32>
        %parallel_loop3A_437 = arith.cmpi sge, %parallel_loop3A_434, %parallel_loop3A_436 : vector<16xi32>
        %parallel_loop3A_438 = arith.constant 1 : i32
        %parallel_loop3A_439 = arith.addi %parallel_loop3A_404, %parallel_loop3A_438 : i32
        %parallel_loop3A_440 = vector.broadcast %parallel_loop3A_439 : i32 to vector<16xi32>
        %parallel_loop3A_441 = vector.broadcast %parallel_loop3A_404 : i32 to vector<16xi32>
        %parallel_loop3A_442 = arith.select %parallel_loop3A_437, %parallel_loop3A_440, %parallel_loop3A_441 : vector<16xi1>, vector<16xi32>
        %parallel_loop3A_443 = arith.constant 384 : i32
        %parallel_loop3A_444 = vector.broadcast %parallel_loop3A_443 : i32 to vector<16xi32>
        %parallel_loop3A_445 = arith.subi %parallel_loop3A_434, %parallel_loop3A_444 : vector<16xi32>
        %parallel_loop3A_446 = arith.select %parallel_loop3A_437, %parallel_loop3A_445, %parallel_loop3A_434 : vector<16xi1>, vector<16xi32>
        %parallel_loop3A_447 = arith.index_cast %parallel_loop3A_402 : i32 to index
        %parallel_loop3A_448 = arith.constant 16 : index
        %parallel_loop3A_449 = tpu.vector_load %arg5[%parallel_loop3A_447, %parallel_loop3A_448] {strides = array<i32>} : memref<48x192xf32, #tpu.memory_space<vmem>>, vector<16xf32>,
        tpu.vector_store_idx %arg9[%parallel_loop3A_442, %parallel_loop3A_446], %parallel_loop3A_449 : memref<96x384xf32, #tpu.memory_space<vmem>>[vector<16xi32>, vector<16xi32>], vector<16xf32>,
        %parallel_loop3A_450 = arith.index_cast %parallel_loop3A_402 : i32 to index
        %parallel_loop3A_451 = arith.constant 32 : index
        %parallel_loop3A_452 = tpu.vector_load %arg7[%parallel_loop3A_450, %parallel_loop3A_451] {strides = array<i32>} : memref<48x192xi32, #tpu.memory_space<vmem>>, vector<16xi32>,
        %parallel_loop3A_453 = vector.broadcast %parallel_loop3A_409 : i32 to vector<16xi32>
        %parallel_loop3A_454 = arith.subi %parallel_loop3A_452, %parallel_loop3A_453 : vector<16xi32>
        %parallel_loop3A_455 = arith.constant 384 : i32
        %parallel_loop3A_456 = vector.broadcast %parallel_loop3A_455 : i32 to vector<16xi32>
        %parallel_loop3A_457 = arith.cmpi sge, %parallel_loop3A_454, %parallel_loop3A_456 : vector<16xi32>
        %parallel_loop3A_458 = arith.constant 1 : i32
        %parallel_loop3A_459 = arith.addi %parallel_loop3A_404, %parallel_loop3A_458 : i32
        %parallel_loop3A_460 = vector.broadcast %parallel_loop3A_459 : i32 to vector<16xi32>
        %parallel_loop3A_461 = vector.broadcast %parallel_loop3A_404 : i32 to vector<16xi32>
        %parallel_loop3A_462 = arith.select %parallel_loop3A_457, %parallel_loop3A_460, %parallel_loop3A_461 : vector<16xi1>, vector<16xi32>
        %parallel_loop3A_463 = arith.constant 384 : i32
        %parallel_loop3A_464 = vector.broadcast %parallel_loop3A_463 : i32 to vector<16xi32>
        %parallel_loop3A_465 = arith.subi %parallel_loop3A_454, %parallel_loop3A_464 : vector<16xi32>
        %parallel_loop3A_466 = arith.select %parallel_loop3A_457, %parallel_loop3A_465, %parallel_loop3A_454 : vector<16xi1>, vector<16xi32>
        %parallel_loop3A_467 = arith.index_cast %parallel_loop3A_402 : i32 to index
        %parallel_loop3A_468 = arith.constant 32 : index
        %parallel_loop3A_469 = tpu.vector_load %arg5[%parallel_loop3A_467, %parallel_loop3A_468] {strides = array<i32>} : memref<48x192xf32, #tpu.memory_space<vmem>>, vector<16xf32>,
        tpu.vector_store_idx %arg9[%parallel_loop3A_462, %parallel_loop3A_466], %parallel_loop3A_469 : memref<96x384xf32, #tpu.memory_space<vmem>>[vector<16xi32>, vector<16xi32>], vector<16xf32>,
        %parallel_loop3A_470 = arith.index_cast %parallel_loop3A_402 : i32 to index
        %parallel_loop3A_471 = arith.constant 48 : index
        %parallel_loop3A_472 = tpu.vector_load %arg7[%parallel_loop3A_470, %parallel_loop3A_471] {strides = array<i32>} : memref<48x192xi32, #tpu.memory_space<vmem>>, vector<16xi32>,
        %parallel_loop3A_473 = vector.broadcast %parallel_loop3A_409 : i32 to vector<16xi32>
        %parallel_loop3A_474 = arith.subi %parallel_loop3A_472, %parallel_loop3A_473 : vector<16xi32>
        %parallel_loop3A_475 = arith.constant 384 : i32
        %parallel_loop3A_476 = vector.broadcast %parallel_loop3A_475 : i32 to vector<16xi32>
        %parallel_loop3A_477 = arith.cmpi sge, %parallel_loop3A_474, %parallel_loop3A_476 : vector<16xi32>
        %parallel_loop3A_478 = arith.constant 1 : i32
        %parallel_loop3A_479 = arith.addi %parallel_loop3A_404, %parallel_loop3A_478 : i32
        %parallel_loop3A_480 = vector.broadcast %parallel_loop3A_479 : i32 to vector<16xi32>
        %parallel_loop3A_481 = vector.broadcast %parallel_loop3A_404 : i32 to vector<16xi32>
        %parallel_loop3A_482 = arith.select %parallel_loop3A_477, %parallel_loop3A_480, %parallel_loop3A_481 : vector<16xi1>, vector<16xi32>
        %parallel_loop3A_483 = arith.constant 384 : i32
        %parallel_loop3A_484 = vector.broadcast %parallel_loop3A_483 : i32 to vector<16xi32>
        %parallel_loop3A_485 = arith.subi %parallel_loop3A_474, %parallel_loop3A_484 : vector<16xi32>
        %parallel_loop3A_486 = arith.select %parallel_loop3A_477, %parallel_loop3A_485, %parallel_loop3A_474 : vector<16xi1>, vector<16xi32>
        %parallel_loop3A_487 = arith.index_cast %parallel_loop3A_402 : i32 to index
        %parallel_loop3A_488 = arith.constant 48 : index
        %parallel_loop3A_489 = tpu.vector_load %arg5[%parallel_loop3A_487, %parallel_loop3A_488] {strides = array<i32>} : memref<48x192xf32, #tpu.memory_space<vmem>>, vector<16xf32>,
        tpu.vector_store_idx %arg9[%parallel_loop3A_482, %parallel_loop3A_486], %parallel_loop3A_489 : memref<96x384xf32, #tpu.memory_space<vmem>>[vector<16xi32>, vector<16xi32>], vector<16xf32>,
        %parallel_loop3A_490 = arith.index_cast %parallel_loop3A_402 : i32 to index
        %parallel_loop3A_491 = arith.constant 64 : index
        %parallel_loop3A_492 = tpu.vector_load %arg7[%parallel_loop3A_490, %parallel_loop3A_491] {strides = array<i32>} : memref<48x192xi32, #tpu.memory_space<vmem>>, vector<16xi32>,
        %parallel_loop3A_493 = vector.broadcast %parallel_loop3A_409 : i32 to vector<16xi32>
        %parallel_loop3A_494 = arith.subi %parallel_loop3A_492, %parallel_loop3A_493 : vector<16xi32>
        %parallel_loop3A_495 = arith.constant 384 : i32
        %parallel_loop3A_496 = vector.broadcast %parallel_loop3A_495 : i32 to vector<16xi32>
        %parallel_loop3A_497 = arith.cmpi sge, %parallel_loop3A_494, %parallel_loop3A_496 : vector<16xi32>
        %parallel_loop3A_498 = arith.constant 1 : i32
        %parallel_loop3A_499 = arith.addi %parallel_loop3A_404, %parallel_loop3A_498 : i32
        %parallel_loop3A_500 = vector.broadcast %parallel_loop3A_499 : i32 to vector<16xi32>
        %parallel_loop3A_501 = vector.broadcast %parallel_loop3A_404 : i32 to vector<16xi32>
        %parallel_loop3A_502 = arith.select %parallel_loop3A_497, %parallel_loop3A_500, %parallel_loop3A_501 : vector<16xi1>, vector<16xi32>
        %parallel_loop3A_503 = arith.constant 384 : i32
        %parallel_loop3A_504 = vector.broadcast %parallel_loop3A_503 : i32 to vector<16xi32>
        %parallel_loop3A_505 = arith.subi %parallel_loop3A_494, %parallel_loop3A_504 : vector<16xi32>
        %parallel_loop3A_506 = arith.select %parallel_loop3A_497, %parallel_loop3A_505, %parallel_loop3A_494 : vector<16xi1>, vector<16xi32>
        %parallel_loop3A_507 = arith.index_cast %parallel_loop3A_402 : i32 to index
        %parallel_loop3A_508 = arith.constant 64 : index
        %parallel_loop3A_509 = tpu.vector_load %arg5[%parallel_loop3A_507, %parallel_loop3A_508] {strides = array<i32>} : memref<48x192xf32, #tpu.memory_space<vmem>>, vector<16xf32>,
        tpu.vector_store_idx %arg9[%parallel_loop3A_502, %parallel_loop3A_506], %parallel_loop3A_509 : memref<96x384xf32, #tpu.memory_space<vmem>>[vector<16xi32>, vector<16xi32>], vector<16xf32>,
        %parallel_loop3A_510 = arith.index_cast %parallel_loop3A_402 : i32 to index
        %parallel_loop3A_511 = arith.constant 80 : index
        %parallel_loop3A_512 = tpu.vector_load %arg7[%parallel_loop3A_510, %parallel_loop3A_511] {strides = array<i32>} : memref<48x192xi32, #tpu.memory_space<vmem>>, vector<16xi32>,
        %parallel_loop3A_513 = vector.broadcast %parallel_loop3A_409 : i32 to vector<16xi32>
        %parallel_loop3A_514 = arith.subi %parallel_loop3A_512, %parallel_loop3A_513 : vector<16xi32>
        %parallel_loop3A_515 = arith.constant 384 : i32
        %parallel_loop3A_516 = vector.broadcast %parallel_loop3A_515 : i32 to vector<16xi32>
        %parallel_loop3A_517 = arith.cmpi sge, %parallel_loop3A_514, %parallel_loop3A_516 : vector<16xi32>
        %parallel_loop3A_518 = arith.constant 1 : i32
        %parallel_loop3A_519 = arith.addi %parallel_loop3A_404, %parallel_loop3A_518 : i32
        %parallel_loop3A_520 = vector.broadcast %parallel_loop3A_519 : i32 to vector<16xi32>
        %parallel_loop3A_521 = vector.broadcast %parallel_loop3A_404 : i32 to vector<16xi32>
        %parallel_loop3A_522 = arith.select %parallel_loop3A_517, %parallel_loop3A_520, %parallel_loop3A_521 : vector<16xi1>, vector<16xi32>
        %parallel_loop3A_523 = arith.constant 384 : i32
        %parallel_loop3A_524 = vector.broadcast %parallel_loop3A_523 : i32 to vector<16xi32>
        %parallel_loop3A_525 = arith.subi %parallel_loop3A_514, %parallel_loop3A_524 : vector<16xi32>
        %parallel_loop3A_526 = arith.select %parallel_loop3A_517, %parallel_loop3A_525, %parallel_loop3A_514 : vector<16xi1>, vector<16xi32>
        %parallel_loop3A_527 = arith.index_cast %parallel_loop3A_402 : i32 to index
        %parallel_loop3A_528 = arith.constant 80 : index
        %parallel_loop3A_529 = tpu.vector_load %arg5[%parallel_loop3A_527, %parallel_loop3A_528] {strides = array<i32>} : memref<48x192xf32, #tpu.memory_space<vmem>>, vector<16xf32>,
        tpu.vector_store_idx %arg9[%parallel_loop3A_522, %parallel_loop3A_526], %parallel_loop3A_529 : memref<96x384xf32, #tpu.memory_space<vmem>>[vector<16xi32>, vector<16xi32>], vector<16xf32>,
        %parallel_loop3A_530 = arith.index_cast %parallel_loop3A_402 : i32 to index
        %parallel_loop3A_531 = arith.constant 96 : index
        %parallel_loop3A_532 = tpu.vector_load %arg7[%parallel_loop3A_530, %parallel_loop3A_531] {strides = array<i32>} : memref<48x192xi32, #tpu.memory_space<vmem>>, vector<16xi32>,
        %parallel_loop3A_533 = vector.broadcast %parallel_loop3A_409 : i32 to vector<16xi32>
        %parallel_loop3A_534 = arith.subi %parallel_loop3A_532, %parallel_loop3A_533 : vector<16xi32>
        %parallel_loop3A_535 = arith.constant 384 : i32
        %parallel_loop3A_536 = vector.broadcast %parallel_loop3A_535 : i32 to vector<16xi32>
        %parallel_loop3A_537 = arith.cmpi sge, %parallel_loop3A_534, %parallel_loop3A_536 : vector<16xi32>
        %parallel_loop3A_538 = arith.constant 1 : i32
        %parallel_loop3A_539 = arith.addi %parallel_loop3A_404, %parallel_loop3A_538 : i32
        %parallel_loop3A_540 = vector.broadcast %parallel_loop3A_539 : i32 to vector<16xi32>
        %parallel_loop3A_541 = vector.broadcast %parallel_loop3A_404 : i32 to vector<16xi32>
        %parallel_loop3A_542 = arith.select %parallel_loop3A_537, %parallel_loop3A_540, %parallel_loop3A_541 : vector<16xi1>, vector<16xi32>
        %parallel_loop3A_543 = arith.constant 384 : i32
        %parallel_loop3A_544 = vector.broadcast %parallel_loop3A_543 : i32 to vector<16xi32>
        %parallel_loop3A_545 = arith.subi %parallel_loop3A_534, %parallel_loop3A_544 : vector<16xi32>
        %parallel_loop3A_546 = arith.select %parallel_loop3A_537, %parallel_loop3A_545, %parallel_loop3A_534 : vector<16xi1>, vector<16xi32>
        %parallel_loop3A_547 = arith.index_cast %parallel_loop3A_402 : i32 to index
        %parallel_loop3A_548 = arith.constant 96 : index
        %parallel_loop3A_549 = tpu.vector_load %arg5[%parallel_loop3A_547, %parallel_loop3A_548] {strides = array<i32>} : memref<48x192xf32, #tpu.memory_space<vmem>>, vector<16xf32>,
        tpu.vector_store_idx %arg9[%parallel_loop3A_542, %parallel_loop3A_546], %parallel_loop3A_549 : memref<96x384xf32, #tpu.memory_space<vmem>>[vector<16xi32>, vector<16xi32>], vector<16xf32>,
        %parallel_loop3A_550 = arith.index_cast %parallel_loop3A_402 : i32 to index
        %parallel_loop3A_551 = arith.constant 112 : index
        %parallel_loop3A_552 = tpu.vector_load %arg7[%parallel_loop3A_550, %parallel_loop3A_551] {strides = array<i32>} : memref<48x192xi32, #tpu.memory_space<vmem>>, vector<16xi32>,
        %parallel_loop3A_553 = vector.broadcast %parallel_loop3A_409 : i32 to vector<16xi32>
        %parallel_loop3A_554 = arith.subi %parallel_loop3A_552, %parallel_loop3A_553 : vector<16xi32>
        %parallel_loop3A_555 = arith.constant 384 : i32
        %parallel_loop3A_556 = vector.broadcast %parallel_loop3A_555 : i32 to vector<16xi32>
        %parallel_loop3A_557 = arith.cmpi sge, %parallel_loop3A_554, %parallel_loop3A_556 : vector<16xi32>
        %parallel_loop3A_558 = arith.constant 1 : i32
        %parallel_loop3A_559 = arith.addi %parallel_loop3A_404, %parallel_loop3A_558 : i32
        %parallel_loop3A_560 = vector.broadcast %parallel_loop3A_559 : i32 to vector<16xi32>
        %parallel_loop3A_561 = vector.broadcast %parallel_loop3A_404 : i32 to vector<16xi32>
        %parallel_loop3A_562 = arith.select %parallel_loop3A_557, %parallel_loop3A_560, %parallel_loop3A_561 : vector<16xi1>, vector<16xi32>
        %parallel_loop3A_563 = arith.constant 384 : i32
        %parallel_loop3A_564 = vector.broadcast %parallel_loop3A_563 : i32 to vector<16xi32>
        %parallel_loop3A_565 = arith.subi %parallel_loop3A_554, %parallel_loop3A_564 : vector<16xi32>
        %parallel_loop3A_566 = arith.select %parallel_loop3A_557, %parallel_loop3A_565, %parallel_loop3A_554 : vector<16xi1>, vector<16xi32>
        %parallel_loop3A_567 = arith.index_cast %parallel_loop3A_402 : i32 to index
        %parallel_loop3A_568 = arith.constant 112 : index
        %parallel_loop3A_569 = tpu.vector_load %arg5[%parallel_loop3A_567, %parallel_loop3A_568] {strides = array<i32>} : memref<48x192xf32, #tpu.memory_space<vmem>>, vector<16xf32>,
        tpu.vector_store_idx %arg9[%parallel_loop3A_562, %parallel_loop3A_566], %parallel_loop3A_569 : memref<96x384xf32, #tpu.memory_space<vmem>>[vector<16xi32>, vector<16xi32>], vector<16xf32>,
        %parallel_loop3A_570 = arith.index_cast %parallel_loop3A_402 : i32 to index
        %parallel_loop3A_571 = arith.constant 128 : index
        %parallel_loop3A_572 = tpu.vector_load %arg7[%parallel_loop3A_570, %parallel_loop3A_571] {strides = array<i32>} : memref<48x192xi32, #tpu.memory_space<vmem>>, vector<16xi32>,
        %parallel_loop3A_573 = vector.broadcast %parallel_loop3A_409 : i32 to vector<16xi32>
        %parallel_loop3A_574 = arith.subi %parallel_loop3A_572, %parallel_loop3A_573 : vector<16xi32>
        %parallel_loop3A_575 = arith.constant 384 : i32
        %parallel_loop3A_576 = vector.broadcast %parallel_loop3A_575 : i32 to vector<16xi32>
        %parallel_loop3A_577 = arith.cmpi sge, %parallel_loop3A_574, %parallel_loop3A_576 : vector<16xi32>
        %parallel_loop3A_578 = arith.constant 1 : i32
        %parallel_loop3A_579 = arith.addi %parallel_loop3A_404, %parallel_loop3A_578 : i32
        %parallel_loop3A_580 = vector.broadcast %parallel_loop3A_579 : i32 to vector<16xi32>
        %parallel_loop3A_581 = vector.broadcast %parallel_loop3A_404 : i32 to vector<16xi32>
        %parallel_loop3A_582 = arith.select %parallel_loop3A_577, %parallel_loop3A_580, %parallel_loop3A_581 : vector<16xi1>, vector<16xi32>
        %parallel_loop3A_583 = arith.constant 384 : i32
        %parallel_loop3A_584 = vector.broadcast %parallel_loop3A_583 : i32 to vector<16xi32>
        %parallel_loop3A_585 = arith.subi %parallel_loop3A_574, %parallel_loop3A_584 : vector<16xi32>
        %parallel_loop3A_586 = arith.select %parallel_loop3A_577, %parallel_loop3A_585, %parallel_loop3A_574 : vector<16xi1>, vector<16xi32>
        %parallel_loop3A_587 = arith.index_cast %parallel_loop3A_402 : i32 to index
        %parallel_loop3A_588 = arith.constant 128 : index
        %parallel_loop3A_589 = tpu.vector_load %arg5[%parallel_loop3A_587, %parallel_loop3A_588] {strides = array<i32>} : memref<48x192xf32, #tpu.memory_space<vmem>>, vector<16xf32>,
        tpu.vector_store_idx %arg9[%parallel_loop3A_582, %parallel_loop3A_586], %parallel_loop3A_589 : memref<96x384xf32, #tpu.memory_space<vmem>>[vector<16xi32>, vector<16xi32>], vector<16xf32>,
        %parallel_loop3A_590 = arith.index_cast %parallel_loop3A_402 : i32 to index
        %parallel_loop3A_591 = arith.constant 144 : index
        %parallel_loop3A_592 = tpu.vector_load %arg7[%parallel_loop3A_590, %parallel_loop3A_591] {strides = array<i32>} : memref<48x192xi32, #tpu.memory_space<vmem>>, vector<16xi32>,
        %parallel_loop3A_593 = vector.broadcast %parallel_loop3A_409 : i32 to vector<16xi32>
        %parallel_loop3A_594 = arith.subi %parallel_loop3A_592, %parallel_loop3A_593 : vector<16xi32>
        %parallel_loop3A_595 = arith.constant 384 : i32
        %parallel_loop3A_596 = vector.broadcast %parallel_loop3A_595 : i32 to vector<16xi32>
        %parallel_loop3A_597 = arith.cmpi sge, %parallel_loop3A_594, %parallel_loop3A_596 : vector<16xi32>
        %parallel_loop3A_598 = arith.constant 1 : i32
        %parallel_loop3A_599 = arith.addi %parallel_loop3A_404, %parallel_loop3A_598 : i32
        %parallel_loop3A_600 = vector.broadcast %parallel_loop3A_599 : i32 to vector<16xi32>
        %parallel_loop3A_601 = vector.broadcast %parallel_loop3A_404 : i32 to vector<16xi32>
        %parallel_loop3A_602 = arith.select %parallel_loop3A_597, %parallel_loop3A_600, %parallel_loop3A_601 : vector<16xi1>, vector<16xi32>
        %parallel_loop3A_603 = arith.constant 384 : i32
        %parallel_loop3A_604 = vector.broadcast %parallel_loop3A_603 : i32 to vector<16xi32>
        %parallel_loop3A_605 = arith.subi %parallel_loop3A_594, %parallel_loop3A_604 : vector<16xi32>
        %parallel_loop3A_606 = arith.select %parallel_loop3A_597, %parallel_loop3A_605, %parallel_loop3A_594 : vector<16xi1>, vector<16xi32>
        %parallel_loop3A_607 = arith.index_cast %parallel_loop3A_402 : i32 to index
        %parallel_loop3A_608 = arith.constant 144 : index
        %parallel_loop3A_609 = tpu.vector_load %arg5[%parallel_loop3A_607, %parallel_loop3A_608] {strides = array<i32>} : memref<48x192xf32, #tpu.memory_space<vmem>>, vector<16xf32>,
        tpu.vector_store_idx %arg9[%parallel_loop3A_602, %parallel_loop3A_606], %parallel_loop3A_609 : memref<96x384xf32, #tpu.memory_space<vmem>>[vector<16xi32>, vector<16xi32>], vector<16xf32>,
        %parallel_loop3A_610 = arith.index_cast %parallel_loop3A_402 : i32 to index
        %parallel_loop3A_611 = arith.constant 160 : index
        %parallel_loop3A_612 = tpu.vector_load %arg7[%parallel_loop3A_610, %parallel_loop3A_611] {strides = array<i32>} : memref<48x192xi32, #tpu.memory_space<vmem>>, vector<16xi32>,
        %parallel_loop3A_613 = vector.broadcast %parallel_loop3A_409 : i32 to vector<16xi32>
        %parallel_loop3A_614 = arith.subi %parallel_loop3A_612, %parallel_loop3A_613 : vector<16xi32>
        %parallel_loop3A_615 = arith.constant 384 : i32
        %parallel_loop3A_616 = vector.broadcast %parallel_loop3A_615 : i32 to vector<16xi32>
        %parallel_loop3A_617 = arith.cmpi sge, %parallel_loop3A_614, %parallel_loop3A_616 : vector<16xi32>
        %parallel_loop3A_618 = arith.constant 1 : i32
        %parallel_loop3A_619 = arith.addi %parallel_loop3A_404, %parallel_loop3A_618 : i32
        %parallel_loop3A_620 = vector.broadcast %parallel_loop3A_619 : i32 to vector<16xi32>
        %parallel_loop3A_621 = vector.broadcast %parallel_loop3A_404 : i32 to vector<16xi32>
        %parallel_loop3A_622 = arith.select %parallel_loop3A_617, %parallel_loop3A_620, %parallel_loop3A_621 : vector<16xi1>, vector<16xi32>
        %parallel_loop3A_623 = arith.constant 384 : i32
        %parallel_loop3A_624 = vector.broadcast %parallel_loop3A_623 : i32 to vector<16xi32>
        %parallel_loop3A_625 = arith.subi %parallel_loop3A_614, %parallel_loop3A_624 : vector<16xi32>
        %parallel_loop3A_626 = arith.select %parallel_loop3A_617, %parallel_loop3A_625, %parallel_loop3A_614 : vector<16xi1>, vector<16xi32>
        %parallel_loop3A_627 = arith.index_cast %parallel_loop3A_402 : i32 to index
        %parallel_loop3A_628 = arith.constant 160 : index
        %parallel_loop3A_629 = tpu.vector_load %arg5[%parallel_loop3A_627, %parallel_loop3A_628] {strides = array<i32>} : memref<48x192xf32, #tpu.memory_space<vmem>>, vector<16xf32>,
        tpu.vector_store_idx %arg9[%parallel_loop3A_622, %parallel_loop3A_626], %parallel_loop3A_629 : memref<96x384xf32, #tpu.memory_space<vmem>>[vector<16xi32>, vector<16xi32>], vector<16xf32>,
        %parallel_loop3A_630 = arith.index_cast %parallel_loop3A_402 : i32 to index
        %parallel_loop3A_631 = arith.constant 176 : index
        %parallel_loop3A_632 = tpu.vector_load %arg7[%parallel_loop3A_630, %parallel_loop3A_631] {strides = array<i32>} : memref<48x192xi32, #tpu.memory_space<vmem>>, vector<16xi32>,
        %parallel_loop3A_633 = vector.broadcast %parallel_loop3A_409 : i32 to vector<16xi32>
        %parallel_loop3A_634 = arith.subi %parallel_loop3A_632, %parallel_loop3A_633 : vector<16xi32>
        %parallel_loop3A_635 = arith.constant 384 : i32
        %parallel_loop3A_636 = vector.broadcast %parallel_loop3A_635 : i32 to vector<16xi32>
        %parallel_loop3A_637 = arith.cmpi sge, %parallel_loop3A_634, %parallel_loop3A_636 : vector<16xi32>
        %parallel_loop3A_638 = arith.constant 1 : i32
        %parallel_loop3A_639 = arith.addi %parallel_loop3A_404, %parallel_loop3A_638 : i32
        %parallel_loop3A_640 = vector.broadcast %parallel_loop3A_639 : i32 to vector<16xi32>
        %parallel_loop3A_641 = vector.broadcast %parallel_loop3A_404 : i32 to vector<16xi32>
        %parallel_loop3A_642 = arith.select %parallel_loop3A_637, %parallel_loop3A_640, %parallel_loop3A_641 : vector<16xi1>, vector<16xi32>
        %parallel_loop3A_643 = arith.constant 384 : i32
        %parallel_loop3A_644 = vector.broadcast %parallel_loop3A_643 : i32 to vector<16xi32>
        %parallel_loop3A_645 = arith.subi %parallel_loop3A_634, %parallel_loop3A_644 : vector<16xi32>
        %parallel_loop3A_646 = arith.select %parallel_loop3A_637, %parallel_loop3A_645, %parallel_loop3A_634 : vector<16xi1>, vector<16xi32>
        %parallel_loop3A_647 = arith.index_cast %parallel_loop3A_402 : i32 to index
        %parallel_loop3A_648 = arith.constant 176 : index
        %parallel_loop3A_649 = tpu.vector_load %arg5[%parallel_loop3A_647, %parallel_loop3A_648] {strides = array<i32>} : memref<48x192xf32, #tpu.memory_space<vmem>>, vector<16xf32>,
        tpu.vector_store_idx %arg9[%parallel_loop3A_642, %parallel_loop3A_646], %parallel_loop3A_649 : memref<96x384xf32, #tpu.memory_space<vmem>>[vector<16xi32>, vector<16xi32>], vector<16xf32>,
      } {sc.loop_unroll_factor = 4 : i64, sc.parallel_access}
      %mul3A_252 = arith.constant 2 : i32
      %mul3A_253 = arith.muli %mul3A_252, %mul3A_206 : i32
      %dma_start3A_254 = arith.constant 0 : i32
      %dma_start3A_255 = tpu.memref_slice %arg4[%select_n3A_230, %select_n3A_246, %mul3A_253, %dma_start3A_254] : memref<4x96x384x384xf32, #tpu.memory_space<hbm>> -> memref<1x1x96x384xf32, #tpu.memory_space<hbm>>
      %dma_start3A_256 = tpu.memref_squeeze %dma_start3A_255 : memref<1x1x96x384xf32, #tpu.memory_space<hbm>> -> memref<96x384xf32, #tpu.memory_space<hbm>>
      %dma_start3A_257 = arith.constant 0 : i32
      %dma_start3A_258 = tpu.memref_slice %arg4[%select_n3A_230, %select_n3A_246, %mul3A_253, %dma_start3A_257] : memref<4x96x384x384xf32, #tpu.memory_space<hbm>> -> memref<1x1x96x384xf32, #tpu.memory_space<hbm>>
      %dma_start3A_259 = tpu.memref_squeeze %dma_start3A_258 : memref<1x1x96x384xf32, #tpu.memory_space<hbm>> -> memref<96x384xf32, #tpu.memory_space<hbm>>
      tpu.enqueue_dma source(%arg9 : memref<96x384xf32, #tpu.memory_space<vmem>>) target(%dma_start3A_259 : memref<96x384xf32, #tpu.memory_space<hbm>>) target_semaphore(%arg13 : memref<!tpu.dma_semaphore, #tpu.memory_space<semaphore_mem>>)
      %add3A_260 = arith.constant 2 : i32
      %add3A_261 = arith.addi %add3A_139, %add3A_260 : i32
      %lt3A_262 = arith.constant 48 : i32
      %lt3A_263 = arith.cmpi slt, %add3A_261, %lt3A_262 : i32
      %convert_element_type3A_264 = arith.extui %lt3A_263 : i1 to i32
      %cond3A_265 = arith.constant 0 : i32
      %cond3A_266 = arith.cmpi ne, %convert_element_type3A_264, %cond3A_265 : i32
      scf.if %cond3A_266 {
        %add3A_402 = arith.constant 2 : i32
        %add3A_403 = arith.addi %add3A_139, %add3A_402 : i32
        %mul3A_404 = arith.constant 12 : i32
        %mul3A_405 = arith.muli %add3A, %mul3A_404 : i32
        %jit3A_406 = arith.constant 4 : i32
        %div3A_407 = arith.divsi %add3A_403, %jit3A_406 : i32
        %sign3A_408 = arith.constant 0 : i32
        %sign3A_409 = arith.cmpi sgt, %add3A_403, %sign3A_408 : i32
        %sign3A_410 = arith.extui %sign3A_409 : i1 to i32
        %sign3A_411 = arith.constant 0 : i32
        %sign3A_412 = arith.cmpi slt, %add3A_403, %sign3A_411 : i32
        %sign3A_413 = arith.extui %sign3A_412 : i1 to i32
        %sign3A_414 = arith.subi %sign3A_410, %sign3A_413 : i32
        %sign3A_415 = arith.constant 0 : i32
        %sign3A_416 = arith.cmpi sgt, %jit3A_406, %sign3A_415 : i32
        %sign3A_417 = arith.extui %sign3A_416 : i1 to i32
        %sign3A_418 = arith.constant 0 : i32
        %sign3A_419 = arith.cmpi slt, %jit3A_406, %sign3A_418 : i32
        %sign3A_420 = arith.extui %sign3A_419 : i1 to i32
        %sign3A_421 = arith.subi %sign3A_417, %sign3A_420 : i32
        %ne3A_422 = arith.cmpi ne, %sign3A_414, %sign3A_421 : i32
        %rem3A_423 = arith.remsi %add3A_403, %jit3A_406 : i32
        %ne3A_424 = arith.constant 0 : i32
        %ne3A_425 = arith.cmpi ne, %rem3A_423, %ne3A_424 : i32
        %and3A_426 = arith.andi %ne3A_422, %ne3A_425 : i1
        %sub3A_427 = arith.constant 1 : i32
        %sub3A_428 = arith.subi %div3A_407, %sub3A_427 : i32
        %select_n3A_429 = arith.select %and3A_426, %sub3A_428, %div3A_407 : i32
        %add3A_430 = arith.addi %mul3A_405, %select_n3A_429 : i32
        %jit3A_431 = arith.constant 4 : i32
        %eq3A_432 = arith.constant 0 : i32
        %eq3A_433 = arith.cmpi eq, %jit3A_431, %eq3A_432 : i32
        %jit3A_434 = arith.constant 1 : i32
        %select_n3A_435 = arith.select %eq3A_433, %jit3A_434, %jit3A_431 : i32
        %rem3A_436 = arith.remsi %add3A_403, %select_n3A_435 : i32
        %ne3A_437 = arith.constant 0 : i32
        %ne3A_438 = arith.cmpi ne, %rem3A_436, %ne3A_437 : i32
        %lt3A_439 = arith.constant 0 : i32
        %lt3A_440 = arith.cmpi slt, %rem3A_436, %lt3A_439 : i32
        %lt3A_441 = arith.constant 0 : i32
        %lt3A_442 = arith.cmpi slt, %select_n3A_435, %lt3A_441 : i32
        %ne3A_443 = arith.xori %lt3A_440, %lt3A_442 : i1
        %and3A_444 = arith.andi %ne3A_443, %ne3A_438 : i1
        %add3A_445 = arith.addi %rem3A_436, %select_n3A_435 : i32
        %select_n3A_446 = arith.select %and3A_444, %add3A_445, %rem3A_436 : i32
        %mul3A_447 = arith.constant 48 : i32
        %mul3A_448 = arith.muli %select_n3A_446, %mul3A_447 : i32
        %jit3A_449 = arith.constant 96 : i32
        %div3A_450 = arith.divsi %add3A_430, %jit3A_449 : i32
        %sign3A_451 = arith.constant 0 : i32
        %sign3A_452 = arith.cmpi sgt, %add3A_430, %sign3A_451 : i32
        %sign3A_453 = arith.extui %sign3A_452 : i1 to i32
        %sign3A_454 = arith.constant 0 : i32
        %sign3A_455 = arith.cmpi slt, %add3A_430, %sign3A_454 : i32
        %sign3A_456 = arith.extui %sign3A_455 : i1 to i32
        %sign3A_457 = arith.subi %sign3A_453, %sign3A_456 : i32
        %sign3A_458 = arith.constant 0 : i32
        %sign3A_459 = arith.cmpi sgt, %jit3A_449, %sign3A_458 : i32
        %sign3A_460 = arith.extui %sign3A_459 : i1 to i32
        %sign3A_461 = arith.constant 0 : i32
        %sign3A_462 = arith.cmpi slt, %jit3A_449, %sign3A_461 : i32
        %sign3A_463 = arith.extui %sign3A_462 : i1 to i32
        %sign3A_464 = arith.subi %sign3A_460, %sign3A_463 : i32
        %ne3A_465 = arith.cmpi ne, %sign3A_457, %sign3A_464 : i32
        %rem3A_466 = arith.remsi %add3A_430, %jit3A_449 : i32
        %ne3A_467 = arith.constant 0 : i32
        %ne3A_468 = arith.cmpi ne, %rem3A_466, %ne3A_467 : i32
        %and3A_469 = arith.andi %ne3A_465, %ne3A_468 : i1
        %sub3A_470 = arith.constant 1 : i32
        %sub3A_471 = arith.subi %div3A_450, %sub3A_470 : i32
        %select_n3A_472 = arith.select %and3A_469, %sub3A_471, %div3A_450 : i32
        %jit3A_473 = arith.constant 96 : i32
        %eq3A_474 = arith.constant 0 : i32
        %eq3A_475 = arith.cmpi eq, %jit3A_473, %eq3A_474 : i32
        %jit3A_476 = arith.constant 1 : i32
        %select_n3A_477 = arith.select %eq3A_475, %jit3A_476, %jit3A_473 : i32
        %rem3A_478 = arith.remsi %add3A_430, %select_n3A_477 : i32
        %ne3A_479 = arith.constant 0 : i32
        %ne3A_480 = arith.cmpi ne, %rem3A_478, %ne3A_479 : i32
        %lt3A_481 = arith.constant 0 : i32
        %lt3A_482 = arith.cmpi slt, %rem3A_478, %lt3A_481 : i32
        %lt3A_483 = arith.constant 0 : i32
        %lt3A_484 = arith.cmpi slt, %select_n3A_477, %lt3A_483 : i32
        %ne3A_485 = arith.xori %lt3A_482, %lt3A_484 : i1
        %and3A_486 = arith.andi %ne3A_485, %ne3A_480 : i1
        %add3A_487 = arith.addi %rem3A_478, %select_n3A_477 : i32
        %select_n3A_488 = arith.select %and3A_486, %add3A_487, %rem3A_478 : i32
        %dma_start3A_489 = arith.constant 0 : i32
        %dma_start3A_490 = tpu.memref_slice %arg2[%select_n3A_472, %select_n3A_488, %mul3A_448, %dma_start3A_489] : memref<4x96x192x192xf32, #tpu.memory_space<hbm>> -> memref<1x1x48x192xf32, #tpu.memory_space<hbm>>
        %dma_start3A_491 = tpu.memref_squeeze %dma_start3A_490 : memref<1x1x48x192xf32, #tpu.memory_space<hbm>> -> memref<48x192xf32, #tpu.memory_space<hbm>>
        %dma_start3A_492 = arith.constant 0 : i32
        %dma_start3A_493 = tpu.memref_slice %arg2[%select_n3A_472, %select_n3A_488, %mul3A_448, %dma_start3A_492] : memref<4x96x192x192xf32, #tpu.memory_space<hbm>> -> memref<1x1x48x192xf32, #tpu.memory_space<hbm>>
        %dma_start3A_494 = tpu.memref_squeeze %dma_start3A_493 : memref<1x1x48x192xf32, #tpu.memory_space<hbm>> -> memref<48x192xf32, #tpu.memory_space<hbm>>
        tpu.enqueue_dma source(%dma_start3A_494 : memref<48x192xf32, #tpu.memory_space<hbm>>) target(%arg5 : memref<48x192xf32, #tpu.memory_space<vmem>>) target_semaphore(%arg11 : memref<!tpu.dma_semaphore, #tpu.memory_space<semaphore_mem>>)
        %dma_start3A_495 = arith.constant 0 : i32
        %dma_start3A_496 = tpu.memref_slice %arg3[%select_n3A_472, %select_n3A_488, %mul3A_448, %dma_start3A_495] : memref<4x96x192x192xi32, #tpu.memory_space<hbm>> -> memref<1x1x48x192xi32, #tpu.memory_space<hbm>>
        %dma_start3A_497 = tpu.memref_squeeze %dma_start3A_496 : memref<1x1x48x192xi32, #tpu.memory_space<hbm>> -> memref<48x192xi32, #tpu.memory_space<hbm>>
        %dma_start3A_498 = arith.constant 0 : i32
        %dma_start3A_499 = tpu.memref_slice %arg3[%select_n3A_472, %select_n3A_488, %mul3A_448, %dma_start3A_498] : memref<4x96x192x192xi32, #tpu.memory_space<hbm>> -> memref<1x1x48x192xi32, #tpu.memory_space<hbm>>
        %dma_start3A_500 = tpu.memref_squeeze %dma_start3A_499 : memref<1x1x48x192xi32, #tpu.memory_space<hbm>> -> memref<48x192xi32, #tpu.memory_space<hbm>>
        tpu.enqueue_dma source(%dma_start3A_500 : memref<48x192xi32, #tpu.memory_space<hbm>>) target(%arg7 : memref<48x192xi32, #tpu.memory_space<vmem>>) target_semaphore(%arg11 : memref<!tpu.dma_semaphore, #tpu.memory_space<semaphore_mem>>)
      } else {
      }
      %mul3A_267 = arith.constant 2 : i32
      %mul3A_268 = arith.muli %scan3A_135, %mul3A_267 : i32
      %add3A_269 = arith.constant 1 : i32
      %add3A_270 = arith.addi %mul3A_268, %add3A_269 : i32
      %dma_wait3A_271 = arith.constant 0 : i32
      %dma_wait3A_272 = arith.constant 0 : i32
      %dma_wait3A_273 = arith.constant 0 : i32
      %dma_wait3A_274 = arith.constant 0 : i32
      %dma_wait3A_275 = tpu.memref_slice %arg2[%dma_wait3A_271, %dma_wait3A_272, %dma_wait3A_273, %dma_wait3A_274] : memref<4x96x192x192xf32, #tpu.memory_space<hbm>> -> memref<1x1x48x192xf32, #tpu.memory_space<hbm>>
      %dma_wait3A_276 = tpu.memref_squeeze %dma_wait3A_275 : memref<1x1x48x192xf32, #tpu.memory_space<hbm>> -> memref<48x192xf32, #tpu.memory_space<hbm>>
      %dma_wait3A_277 = arith.constant 0 : i32
      %dma_wait3A_278 = arith.constant 0 : i32
      %dma_wait3A_279 = tpu.memref_slice %arg2[%dma_wait3A_271, %dma_wait3A_272, %dma_wait3A_277, %dma_wait3A_278] : memref<4x96x192x192xf32, #tpu.memory_space<hbm>> -> memref<1x1x48x192xf32, #tpu.memory_space<hbm>>
      %dma_wait3A_280 = tpu.memref_squeeze %dma_wait3A_279 : memref<1x1x48x192xf32, #tpu.memory_space<hbm>> -> memref<48x192xf32, #tpu.memory_space<hbm>>
      tpu.wait_dma2 semaphore(%arg12 : memref<!tpu.dma_semaphore, #tpu.memory_space<semaphore_mem>>) src(%dma_wait3A_280 : memref<48x192xf32, #tpu.memory_space<hbm>>) dst(%arg6 : memref<48x192xf32, #tpu.memory_space<vmem>>)
      %dma_wait3A_281 = arith.constant 0 : i32
      %dma_wait3A_282 = arith.constant 0 : i32
      %dma_wait3A_283 = arith.constant 0 : i32
      %dma_wait3A_284 = arith.constant 0 : i32
      %dma_wait3A_285 = tpu.memref_slice %arg3[%dma_wait3A_281, %dma_wait3A_282, %dma_wait3A_283, %dma_wait3A_284] : memref<4x96x192x192xi32, #tpu.memory_space<hbm>> -> memref<1x1x48x192xi32, #tpu.memory_space<hbm>>
      %dma_wait3A_286 = tpu.memref_squeeze %dma_wait3A_285 : memref<1x1x48x192xi32, #tpu.memory_space<hbm>> -> memref<48x192xi32, #tpu.memory_space<hbm>>
      %dma_wait3A_287 = arith.constant 0 : i32
      %dma_wait3A_288 = arith.constant 0 : i32
      %dma_wait3A_289 = tpu.memref_slice %arg3[%dma_wait3A_281, %dma_wait3A_282, %dma_wait3A_287, %dma_wait3A_288] : memref<4x96x192x192xi32, #tpu.memory_space<hbm>> -> memref<1x1x48x192xi32, #tpu.memory_space<hbm>>
      %dma_wait3A_290 = tpu.memref_squeeze %dma_wait3A_289 : memref<1x1x48x192xi32, #tpu.memory_space<hbm>> -> memref<48x192xi32, #tpu.memory_space<hbm>>
      tpu.wait_dma2 semaphore(%arg12 : memref<!tpu.dma_semaphore, #tpu.memory_space<semaphore_mem>>) src(%dma_wait3A_290 : memref<48x192xi32, #tpu.memory_space<hbm>>) dst(%arg8 : memref<48x192xi32, #tpu.memory_space<vmem>>)
      %gt3A_291 = arith.constant 0 : i32
      %gt3A_292 = arith.cmpi sgt, %scan3A_135, %gt3A_291 : i32
      %convert_element_type3A_293 = arith.extui %gt3A_292 : i1 to i32
      %cond3A_294 = arith.constant 0 : i32
      %cond3A_295 = arith.cmpi ne, %convert_element_type3A_293, %cond3A_294 : i32
      scf.if %cond3A_295 {
        %dma_wait3A_402 = arith.constant 0 : i32
        %dma_wait3A_403 = arith.constant 0 : i32
        %dma_wait3A_404 = arith.constant 0 : i32
        %dma_wait3A_405 = arith.constant 0 : i32
        %dma_wait3A_406 = tpu.memref_slice %arg4[%dma_wait3A_402, %dma_wait3A_403, %dma_wait3A_404, %dma_wait3A_405] : memref<4x96x384x384xf32, #tpu.memory_space<hbm>> -> memref<1x1x96x384xf32, #tpu.memory_space<hbm>>
        %dma_wait3A_407 = tpu.memref_squeeze %dma_wait3A_406 : memref<1x1x96x384xf32, #tpu.memory_space<hbm>> -> memref<96x384xf32, #tpu.memory_space<hbm>>
        %dma_wait3A_408 = arith.constant 0 : i32
        %dma_wait3A_409 = arith.constant 0 : i32
        %dma_wait3A_410 = tpu.memref_slice %arg4[%dma_wait3A_402, %dma_wait3A_403, %dma_wait3A_408, %dma_wait3A_409] : memref<4x96x384x384xf32, #tpu.memory_space<hbm>> -> memref<1x1x96x384xf32, #tpu.memory_space<hbm>>
        %dma_wait3A_411 = tpu.memref_squeeze %dma_wait3A_410 : memref<1x1x96x384xf32, #tpu.memory_space<hbm>> -> memref<96x384xf32, #tpu.memory_space<hbm>>
        tpu.wait_dma2 semaphore(%arg14 : memref<!tpu.dma_semaphore, #tpu.memory_space<semaphore_mem>>) src(%arg10 : memref<96x384xf32, #tpu.memory_space<vmem>>) dst(%dma_wait3A_411 : memref<96x384xf32, #tpu.memory_space<hbm>>)
      } else {
      }
      %mul3A_296 = arith.constant 12 : i32
      %mul3A_297 = arith.muli %add3A, %mul3A_296 : i32
      %jit3A_298 = arith.constant 4 : i32
      %div3A_299 = arith.divsi %add3A_270, %jit3A_298 : i32
      %sign3A_300 = arith.constant 0 : i32
      %sign3A_301 = arith.cmpi sgt, %add3A_270, %sign3A_300 : i32
      %sign3A_302 = arith.extui %sign3A_301 : i1 to i32
      %sign3A_303 = arith.constant 0 : i32
      %sign3A_304 = arith.cmpi slt, %add3A_270, %sign3A_303 : i32
      %sign3A_305 = arith.extui %sign3A_304 : i1 to i32
      %sign3A_306 = arith.subi %sign3A_302, %sign3A_305 : i32
      %sign3A_307 = arith.constant 0 : i32
      %sign3A_308 = arith.cmpi sgt, %jit3A_298, %sign3A_307 : i32
      %sign3A_309 = arith.extui %sign3A_308 : i1 to i32
      %sign3A_310 = arith.constant 0 : i32
      %sign3A_311 = arith.cmpi slt, %jit3A_298, %sign3A_310 : i32
      %sign3A_312 = arith.extui %sign3A_311 : i1 to i32
      %sign3A_313 = arith.subi %sign3A_309, %sign3A_312 : i32
      %ne3A_314 = arith.cmpi ne, %sign3A_306, %sign3A_313 : i32
      %rem3A_315 = arith.remsi %add3A_270, %jit3A_298 : i32
      %ne3A_316 = arith.constant 0 : i32
      %ne3A_317 = arith.cmpi ne, %rem3A_315, %ne3A_316 : i32
      %and3A_318 = arith.andi %ne3A_314, %ne3A_317 : i1
      %sub3A_319 = arith.constant 1 : i32
      %sub3A_320 = arith.subi %div3A_299, %sub3A_319 : i32
      %select_n3A_321 = arith.select %and3A_318, %sub3A_320, %div3A_299 : i32
      %add3A_322 = arith.addi %mul3A_297, %select_n3A_321 : i32
      %jit3A_323 = arith.constant 4 : i32
      %eq3A_324 = arith.constant 0 : i32
      %eq3A_325 = arith.cmpi eq, %jit3A_323, %eq3A_324 : i32
      %jit3A_326 = arith.constant 1 : i32
      %select_n3A_327 = arith.select %eq3A_325, %jit3A_326, %jit3A_323 : i32
      %rem3A_328 = arith.remsi %add3A_270, %select_n3A_327 : i32
      %ne3A_329 = arith.constant 0 : i32
      %ne3A_330 = arith.cmpi ne, %rem3A_328, %ne3A_329 : i32
      %lt3A_331 = arith.constant 0 : i32
      %lt3A_332 = arith.cmpi slt, %rem3A_328, %lt3A_331 : i32
      %lt3A_333 = arith.constant 0 : i32
      %lt3A_334 = arith.cmpi slt, %select_n3A_327, %lt3A_333 : i32
      %ne3A_335 = arith.xori %lt3A_332, %lt3A_334 : i1
      %and3A_336 = arith.andi %ne3A_335, %ne3A_330 : i1
      %add3A_337 = arith.addi %rem3A_328, %select_n3A_327 : i32
      %select_n3A_338 = arith.select %and3A_336, %add3A_337, %rem3A_328 : i32
      %mul3A_339 = arith.constant 48 : i32
      %mul3A_340 = arith.muli %select_n3A_338, %mul3A_339 : i32
      %jit3A_341 = arith.constant 96 : i32
      %div3A_342 = arith.divsi %add3A_322, %jit3A_341 : i32
      %sign3A_343 = arith.constant 0 : i32
      %sign3A_344 = arith.cmpi sgt, %add3A_322, %sign3A_343 : i32
      %sign3A_345 = arith.extui %sign3A_344 : i1 to i32
      %sign3A_346 = arith.constant 0 : i32
      %sign3A_347 = arith.cmpi slt, %add3A_322, %sign3A_346 : i32
      %sign3A_348 = arith.extui %sign3A_347 : i1 to i32
      %sign3A_349 = arith.subi %sign3A_345, %sign3A_348 : i32
      %sign3A_350 = arith.constant 0 : i32
      %sign3A_351 = arith.cmpi sgt, %jit3A_341, %sign3A_350 : i32
      %sign3A_352 = arith.extui %sign3A_351 : i1 to i32
      %sign3A_353 = arith.constant 0 : i32
      %sign3A_354 = arith.cmpi slt, %jit3A_341, %sign3A_353 : i32
      %sign3A_355 = arith.extui %sign3A_354 : i1 to i32
      %sign3A_356 = arith.subi %sign3A_352, %sign3A_355 : i32
      %ne3A_357 = arith.cmpi ne, %sign3A_349, %sign3A_356 : i32
      %rem3A_358 = arith.remsi %add3A_322, %jit3A_341 : i32
      %ne3A_359 = arith.constant 0 : i32
      %ne3A_360 = arith.cmpi ne, %rem3A_358, %ne3A_359 : i32
      %and3A_361 = arith.andi %ne3A_357, %ne3A_360 : i1
      %sub3A_362 = arith.constant 1 : i32
      %sub3A_363 = arith.subi %div3A_342, %sub3A_362 : i32
      %select_n3A_364 = arith.select %and3A_361, %sub3A_363, %div3A_342 : i32
      %jit3A_365 = arith.constant 96 : i32
      %eq3A_366 = arith.constant 0 : i32
      %eq3A_367 = arith.cmpi eq, %jit3A_365, %eq3A_366 : i32
      %jit3A_368 = arith.constant 1 : i32
      %select_n3A_369 = arith.select %eq3A_367, %jit3A_368, %jit3A_365 : i32
      %rem3A_370 = arith.remsi %add3A_322, %select_n3A_369 : i32
      %ne3A_371 = arith.constant 0 : i32
      %ne3A_372 = arith.cmpi ne, %rem3A_370, %ne3A_371 : i32
      %lt3A_373 = arith.constant 0 : i32
      %lt3A_374 = arith.cmpi slt, %rem3A_370, %lt3A_373 : i32
      %lt3A_375 = arith.constant 0 : i32
      %lt3A_376 = arith.cmpi slt, %select_n3A_369, %lt3A_375 : i32
      %ne3A_377 = arith.xori %lt3A_374, %lt3A_376 : i1
      %and3A_378 = arith.andi %ne3A_377, %ne3A_372 : i1
      %add3A_379 = arith.addi %rem3A_370, %select_n3A_369 : i32
      %select_n3A_380 = arith.select %and3A_378, %add3A_379, %rem3A_370 : i32
      %parallel_loop3A_381 = arith.constant 0 : i32
      %parallel_loop3A_382 = arith.constant 96 : i32
      %parallel_loop3A_383 = arith.constant 1 : i32
      scf.for %parallel_loop3A_402 = %parallel_loop3A_381 to %parallel_loop3A_382 step %parallel_loop3A_383  : i32 {
        %parallel_loop3A_403 = arith.index_cast %parallel_loop3A_402 : i32 to index
        %parallel_loop3A_404 = arith.constant 0 : index
        %parallel_loop3A_405 = tpu.vector_load %arg10[%parallel_loop3A_403, %parallel_loop3A_404] {strides = array<i32>} : memref<96x384xf32, #tpu.memory_space<vmem>>, vector<16xf32>,
        tpu.vector_store %arg10[%parallel_loop3A_403, %parallel_loop3A_404], %broadcast_in_dim3A_1 {strides = array<i32>} : memref<96x384xf32, #tpu.memory_space<vmem>>, vector<16xf32>,
        %parallel_loop3A_406 = arith.index_cast %parallel_loop3A_402 : i32 to index
        %parallel_loop3A_407 = arith.constant 16 : index
        %parallel_loop3A_408 = tpu.vector_load %arg10[%parallel_loop3A_406, %parallel_loop3A_407] {strides = array<i32>} : memref<96x384xf32, #tpu.memory_space<vmem>>, vector<16xf32>,
        tpu.vector_store %arg10[%parallel_loop3A_406, %parallel_loop3A_407], %broadcast_in_dim3A_1 {strides = array<i32>} : memref<96x384xf32, #tpu.memory_space<vmem>>, vector<16xf32>,
        %parallel_loop3A_409 = arith.index_cast %parallel_loop3A_402 : i32 to index
        %parallel_loop3A_410 = arith.constant 32 : index
        %parallel_loop3A_411 = tpu.vector_load %arg10[%parallel_loop3A_409, %parallel_loop3A_410] {strides = array<i32>} : memref<96x384xf32, #tpu.memory_space<vmem>>, vector<16xf32>,
        tpu.vector_store %arg10[%parallel_loop3A_409, %parallel_loop3A_410], %broadcast_in_dim3A_1 {strides = array<i32>} : memref<96x384xf32, #tpu.memory_space<vmem>>, vector<16xf32>,
        %parallel_loop3A_412 = arith.index_cast %parallel_loop3A_402 : i32 to index
        %parallel_loop3A_413 = arith.constant 48 : index
        %parallel_loop3A_414 = tpu.vector_load %arg10[%parallel_loop3A_412, %parallel_loop3A_413] {strides = array<i32>} : memref<96x384xf32, #tpu.memory_space<vmem>>, vector<16xf32>,
        tpu.vector_store %arg10[%parallel_loop3A_412, %parallel_loop3A_413], %broadcast_in_dim3A_1 {strides = array<i32>} : memref<96x384xf32, #tpu.memory_space<vmem>>, vector<16xf32>,
        %parallel_loop3A_415 = arith.index_cast %parallel_loop3A_402 : i32 to index
        %parallel_loop3A_416 = arith.constant 64 : index
        %parallel_loop3A_417 = tpu.vector_load %arg10[%parallel_loop3A_415, %parallel_loop3A_416] {strides = array<i32>} : memref<96x384xf32, #tpu.memory_space<vmem>>, vector<16xf32>,
        tpu.vector_store %arg10[%parallel_loop3A_415, %parallel_loop3A_416], %broadcast_in_dim3A_1 {strides = array<i32>} : memref<96x384xf32, #tpu.memory_space<vmem>>, vector<16xf32>,
        %parallel_loop3A_418 = arith.index_cast %parallel_loop3A_402 : i32 to index
        %parallel_loop3A_419 = arith.constant 80 : index
        %parallel_loop3A_420 = tpu.vector_load %arg10[%parallel_loop3A_418, %parallel_loop3A_419] {strides = array<i32>} : memref<96x384xf32, #tpu.memory_space<vmem>>, vector<16xf32>,
        tpu.vector_store %arg10[%parallel_loop3A_418, %parallel_loop3A_419], %broadcast_in_dim3A_1 {strides = array<i32>} : memref<96x384xf32, #tpu.memory_space<vmem>>, vector<16xf32>,
        %parallel_loop3A_421 = arith.index_cast %parallel_loop3A_402 : i32 to index
        %parallel_loop3A_422 = arith.constant 96 : index
        %parallel_loop3A_423 = tpu.vector_load %arg10[%parallel_loop3A_421, %parallel_loop3A_422] {strides = array<i32>} : memref<96x384xf32, #tpu.memory_space<vmem>>, vector<16xf32>,
        tpu.vector_store %arg10[%parallel_loop3A_421, %parallel_loop3A_422], %broadcast_in_dim3A_1 {strides = array<i32>} : memref<96x384xf32, #tpu.memory_space<vmem>>, vector<16xf32>,
        %parallel_loop3A_424 = arith.index_cast %parallel_loop3A_402 : i32 to index
        %parallel_loop3A_425 = arith.constant 112 : index
        %parallel_loop3A_426 = tpu.vector_load %arg10[%parallel_loop3A_424, %parallel_loop3A_425] {strides = array<i32>} : memref<96x384xf32, #tpu.memory_space<vmem>>, vector<16xf32>,
        tpu.vector_store %arg10[%parallel_loop3A_424, %parallel_loop3A_425], %broadcast_in_dim3A_1 {strides = array<i32>} : memref<96x384xf32, #tpu.memory_space<vmem>>, vector<16xf32>,
        %parallel_loop3A_427 = arith.index_cast %parallel_loop3A_402 : i32 to index
        %parallel_loop3A_428 = arith.constant 128 : index
        %parallel_loop3A_429 = tpu.vector_load %arg10[%parallel_loop3A_427, %parallel_loop3A_428] {strides = array<i32>} : memref<96x384xf32, #tpu.memory_space<vmem>>, vector<16xf32>,
        tpu.vector_store %arg10[%parallel_loop3A_427, %parallel_loop3A_428], %broadcast_in_dim3A_1 {strides = array<i32>} : memref<96x384xf32, #tpu.memory_space<vmem>>, vector<16xf32>,
        %parallel_loop3A_430 = arith.index_cast %parallel_loop3A_402 : i32 to index
        %parallel_loop3A_431 = arith.constant 144 : index
        %parallel_loop3A_432 = tpu.vector_load %arg10[%parallel_loop3A_430, %parallel_loop3A_431] {strides = array<i32>} : memref<96x384xf32, #tpu.memory_space<vmem>>, vector<16xf32>,
        tpu.vector_store %arg10[%parallel_loop3A_430, %parallel_loop3A_431], %broadcast_in_dim3A_1 {strides = array<i32>} : memref<96x384xf32, #tpu.memory_space<vmem>>, vector<16xf32>,
        %parallel_loop3A_433 = arith.index_cast %parallel_loop3A_402 : i32 to index
        %parallel_loop3A_434 = arith.constant 160 : index
        %parallel_loop3A_435 = tpu.vector_load %arg10[%parallel_loop3A_433, %parallel_loop3A_434] {strides = array<i32>} : memref<96x384xf32, #tpu.memory_space<vmem>>, vector<16xf32>,
        tpu.vector_store %arg10[%parallel_loop3A_433, %parallel_loop3A_434], %broadcast_in_dim3A_1 {strides = array<i32>} : memref<96x384xf32, #tpu.memory_space<vmem>>, vector<16xf32>,
        %parallel_loop3A_436 = arith.index_cast %parallel_loop3A_402 : i32 to index
        %parallel_loop3A_437 = arith.constant 176 : index
        %parallel_loop3A_438 = tpu.vector_load %arg10[%parallel_loop3A_436, %parallel_loop3A_437] {strides = array<i32>} : memref<96x384xf32, #tpu.memory_space<vmem>>, vector<16xf32>,
        tpu.vector_store %arg10[%parallel_loop3A_436, %parallel_loop3A_437], %broadcast_in_dim3A_1 {strides = array<i32>} : memref<96x384xf32, #tpu.memory_space<vmem>>, vector<16xf32>,
        %parallel_loop3A_439 = arith.index_cast %parallel_loop3A_402 : i32 to index
        %parallel_loop3A_440 = arith.constant 192 : index
        %parallel_loop3A_441 = tpu.vector_load %arg10[%parallel_loop3A_439, %parallel_loop3A_440] {strides = array<i32>} : memref<96x384xf32, #tpu.memory_space<vmem>>, vector<16xf32>,
        tpu.vector_store %arg10[%parallel_loop3A_439, %parallel_loop3A_440], %broadcast_in_dim3A_1 {strides = array<i32>} : memref<96x384xf32, #tpu.memory_space<vmem>>, vector<16xf32>,
        %parallel_loop3A_442 = arith.index_cast %parallel_loop3A_402 : i32 to index
        %parallel_loop3A_443 = arith.constant 208 : index
        %parallel_loop3A_444 = tpu.vector_load %arg10[%parallel_loop3A_442, %parallel_loop3A_443] {strides = array<i32>} : memref<96x384xf32, #tpu.memory_space<vmem>>, vector<16xf32>,
        tpu.vector_store %arg10[%parallel_loop3A_442, %parallel_loop3A_443], %broadcast_in_dim3A_1 {strides = array<i32>} : memref<96x384xf32, #tpu.memory_space<vmem>>, vector<16xf32>,
        %parallel_loop3A_445 = arith.index_cast %parallel_loop3A_402 : i32 to index
        %parallel_loop3A_446 = arith.constant 224 : index
        %parallel_loop3A_447 = tpu.vector_load %arg10[%parallel_loop3A_445, %parallel_loop3A_446] {strides = array<i32>} : memref<96x384xf32, #tpu.memory_space<vmem>>, vector<16xf32>,
        tpu.vector_store %arg10[%parallel_loop3A_445, %parallel_loop3A_446], %broadcast_in_dim3A_1 {strides = array<i32>} : memref<96x384xf32, #tpu.memory_space<vmem>>, vector<16xf32>,
        %parallel_loop3A_448 = arith.index_cast %parallel_loop3A_402 : i32 to index
        %parallel_loop3A_449 = arith.constant 240 : index
        %parallel_loop3A_450 = tpu.vector_load %arg10[%parallel_loop3A_448, %parallel_loop3A_449] {strides = array<i32>} : memref<96x384xf32, #tpu.memory_space<vmem>>, vector<16xf32>,
        tpu.vector_store %arg10[%parallel_loop3A_448, %parallel_loop3A_449], %broadcast_in_dim3A_1 {strides = array<i32>} : memref<96x384xf32, #tpu.memory_space<vmem>>, vector<16xf32>,
        %parallel_loop3A_451 = arith.index_cast %parallel_loop3A_402 : i32 to index
        %parallel_loop3A_452 = arith.constant 256 : index
        %parallel_loop3A_453 = tpu.vector_load %arg10[%parallel_loop3A_451, %parallel_loop3A_452] {strides = array<i32>} : memref<96x384xf32, #tpu.memory_space<vmem>>, vector<16xf32>,
        tpu.vector_store %arg10[%parallel_loop3A_451, %parallel_loop3A_452], %broadcast_in_dim3A_1 {strides = array<i32>} : memref<96x384xf32, #tpu.memory_space<vmem>>, vector<16xf32>,
        %parallel_loop3A_454 = arith.index_cast %parallel_loop3A_402 : i32 to index
        %parallel_loop3A_455 = arith.constant 272 : index
        %parallel_loop3A_456 = tpu.vector_load %arg10[%parallel_loop3A_454, %parallel_loop3A_455] {strides = array<i32>} : memref<96x384xf32, #tpu.memory_space<vmem>>, vector<16xf32>,
        tpu.vector_store %arg10[%parallel_loop3A_454, %parallel_loop3A_455], %broadcast_in_dim3A_1 {strides = array<i32>} : memref<96x384xf32, #tpu.memory_space<vmem>>, vector<16xf32>,
        %parallel_loop3A_457 = arith.index_cast %parallel_loop3A_402 : i32 to index
        %parallel_loop3A_458 = arith.constant 288 : index
        %parallel_loop3A_459 = tpu.vector_load %arg10[%parallel_loop3A_457, %parallel_loop3A_458] {strides = array<i32>} : memref<96x384xf32, #tpu.memory_space<vmem>>, vector<16xf32>,
        tpu.vector_store %arg10[%parallel_loop3A_457, %parallel_loop3A_458], %broadcast_in_dim3A_1 {strides = array<i32>} : memref<96x384xf32, #tpu.memory_space<vmem>>, vector<16xf32>,
        %parallel_loop3A_460 = arith.index_cast %parallel_loop3A_402 : i32 to index
        %parallel_loop3A_461 = arith.constant 304 : index
        %parallel_loop3A_462 = tpu.vector_load %arg10[%parallel_loop3A_460, %parallel_loop3A_461] {strides = array<i32>} : memref<96x384xf32, #tpu.memory_space<vmem>>, vector<16xf32>,
        tpu.vector_store %arg10[%parallel_loop3A_460, %parallel_loop3A_461], %broadcast_in_dim3A_1 {strides = array<i32>} : memref<96x384xf32, #tpu.memory_space<vmem>>, vector<16xf32>,
        %parallel_loop3A_463 = arith.index_cast %parallel_loop3A_402 : i32 to index
        %parallel_loop3A_464 = arith.constant 320 : index
        %parallel_loop3A_465 = tpu.vector_load %arg10[%parallel_loop3A_463, %parallel_loop3A_464] {strides = array<i32>} : memref<96x384xf32, #tpu.memory_space<vmem>>, vector<16xf32>,
        tpu.vector_store %arg10[%parallel_loop3A_463, %parallel_loop3A_464], %broadcast_in_dim3A_1 {strides = array<i32>} : memref<96x384xf32, #tpu.memory_space<vmem>>, vector<16xf32>,
        %parallel_loop3A_466 = arith.index_cast %parallel_loop3A_402 : i32 to index
        %parallel_loop3A_467 = arith.constant 336 : index
        %parallel_loop3A_468 = tpu.vector_load %arg10[%parallel_loop3A_466, %parallel_loop3A_467] {strides = array<i32>} : memref<96x384xf32, #tpu.memory_space<vmem>>, vector<16xf32>,
        tpu.vector_store %arg10[%parallel_loop3A_466, %parallel_loop3A_467], %broadcast_in_dim3A_1 {strides = array<i32>} : memref<96x384xf32, #tpu.memory_space<vmem>>, vector<16xf32>,
        %parallel_loop3A_469 = arith.index_cast %parallel_loop3A_402 : i32 to index
        %parallel_loop3A_470 = arith.constant 352 : index
        %parallel_loop3A_471 = tpu.vector_load %arg10[%parallel_loop3A_469, %parallel_loop3A_470] {strides = array<i32>} : memref<96x384xf32, #tpu.memory_space<vmem>>, vector<16xf32>,
        tpu.vector_store %arg10[%parallel_loop3A_469, %parallel_loop3A_470], %broadcast_in_dim3A_1 {strides = array<i32>} : memref<96x384xf32, #tpu.memory_space<vmem>>, vector<16xf32>,
        %parallel_loop3A_472 = arith.index_cast %parallel_loop3A_402 : i32 to index
        %parallel_loop3A_473 = arith.constant 368 : index
        %parallel_loop3A_474 = tpu.vector_load %arg10[%parallel_loop3A_472, %parallel_loop3A_473] {strides = array<i32>} : memref<96x384xf32, #tpu.memory_space<vmem>>, vector<16xf32>,
        tpu.vector_store %arg10[%parallel_loop3A_472, %parallel_loop3A_473], %broadcast_in_dim3A_1 {strides = array<i32>} : memref<96x384xf32, #tpu.memory_space<vmem>>, vector<16xf32>,
      } {sc.loop_unroll_factor = 4 : i64, sc.parallel_access}
      %parallel_loop3A_384 = arith.constant 0 : i32
      %parallel_loop3A_385 = arith.constant 48 : i32
      %parallel_loop3A_386 = arith.constant 1 : i32
      scf.for %parallel_loop3A_402 = %parallel_loop3A_384 to %parallel_loop3A_385 step %parallel_loop3A_386  : i32 {
        %parallel_loop3A_403 = arith.constant 2 : i32
        %parallel_loop3A_404 = arith.muli %parallel_loop3A_403, %parallel_loop3A_402 : i32
        %parallel_loop3A_405 = arith.addi %mul3A_340, %parallel_loop3A_402 : i32
        %parallel_loop3A_406 = arith.constant 2 : i32
        %parallel_loop3A_407 = arith.muli %parallel_loop3A_405, %parallel_loop3A_406 : i32
        %parallel_loop3A_408 = arith.constant 384 : i32
        %parallel_loop3A_409 = arith.muli %parallel_loop3A_407, %parallel_loop3A_408 : i32
        %parallel_loop3A_410 = arith.index_cast %parallel_loop3A_402 : i32 to index
        %parallel_loop3A_411 = arith.constant 0 : index
        %parallel_loop3A_412 = tpu.vector_load %arg8[%parallel_loop3A_410, %parallel_loop3A_411] {strides = array<i32>} : memref<48x192xi32, #tpu.memory_space<vmem>>, vector<16xi32>,
        %parallel_loop3A_413 = vector.broadcast %parallel_loop3A_409 : i32 to vector<16xi32>
        %parallel_loop3A_414 = arith.subi %parallel_loop3A_412, %parallel_loop3A_413 : vector<16xi32>
        %parallel_loop3A_415 = arith.constant 384 : i32
        %parallel_loop3A_416 = vector.broadcast %parallel_loop3A_415 : i32 to vector<16xi32>
        %parallel_loop3A_417 = arith.cmpi sge, %parallel_loop3A_414, %parallel_loop3A_416 : vector<16xi32>
        %parallel_loop3A_418 = arith.constant 1 : i32
        %parallel_loop3A_419 = arith.addi %parallel_loop3A_404, %parallel_loop3A_418 : i32
        %parallel_loop3A_420 = vector.broadcast %parallel_loop3A_419 : i32 to vector<16xi32>
        %parallel_loop3A_421 = vector.broadcast %parallel_loop3A_404 : i32 to vector<16xi32>
        %parallel_loop3A_422 = arith.select %parallel_loop3A_417, %parallel_loop3A_420, %parallel_loop3A_421 : vector<16xi1>, vector<16xi32>
        %parallel_loop3A_423 = arith.constant 384 : i32
        %parallel_loop3A_424 = vector.broadcast %parallel_loop3A_423 : i32 to vector<16xi32>
        %parallel_loop3A_425 = arith.subi %parallel_loop3A_414, %parallel_loop3A_424 : vector<16xi32>
        %parallel_loop3A_426 = arith.select %parallel_loop3A_417, %parallel_loop3A_425, %parallel_loop3A_414 : vector<16xi1>, vector<16xi32>
        %parallel_loop3A_427 = arith.index_cast %parallel_loop3A_402 : i32 to index
        %parallel_loop3A_428 = arith.constant 0 : index
        %parallel_loop3A_429 = tpu.vector_load %arg6[%parallel_loop3A_427, %parallel_loop3A_428] {strides = array<i32>} : memref<48x192xf32, #tpu.memory_space<vmem>>, vector<16xf32>,
        tpu.vector_store_idx %arg10[%parallel_loop3A_422, %parallel_loop3A_426], %parallel_loop3A_429 : memref<96x384xf32, #tpu.memory_space<vmem>>[vector<16xi32>, vector<16xi32>], vector<16xf32>,
        %parallel_loop3A_430 = arith.index_cast %parallel_loop3A_402 : i32 to index
        %parallel_loop3A_431 = arith.constant 16 : index
        %parallel_loop3A_432 = tpu.vector_load %arg8[%parallel_loop3A_430, %parallel_loop3A_431] {strides = array<i32>} : memref<48x192xi32, #tpu.memory_space<vmem>>, vector<16xi32>,
        %parallel_loop3A_433 = vector.broadcast %parallel_loop3A_409 : i32 to vector<16xi32>
        %parallel_loop3A_434 = arith.subi %parallel_loop3A_432, %parallel_loop3A_433 : vector<16xi32>
        %parallel_loop3A_435 = arith.constant 384 : i32
        %parallel_loop3A_436 = vector.broadcast %parallel_loop3A_435 : i32 to vector<16xi32>
        %parallel_loop3A_437 = arith.cmpi sge, %parallel_loop3A_434, %parallel_loop3A_436 : vector<16xi32>
        %parallel_loop3A_438 = arith.constant 1 : i32
        %parallel_loop3A_439 = arith.addi %parallel_loop3A_404, %parallel_loop3A_438 : i32
        %parallel_loop3A_440 = vector.broadcast %parallel_loop3A_439 : i32 to vector<16xi32>
        %parallel_loop3A_441 = vector.broadcast %parallel_loop3A_404 : i32 to vector<16xi32>
        %parallel_loop3A_442 = arith.select %parallel_loop3A_437, %parallel_loop3A_440, %parallel_loop3A_441 : vector<16xi1>, vector<16xi32>
        %parallel_loop3A_443 = arith.constant 384 : i32
        %parallel_loop3A_444 = vector.broadcast %parallel_loop3A_443 : i32 to vector<16xi32>
        %parallel_loop3A_445 = arith.subi %parallel_loop3A_434, %parallel_loop3A_444 : vector<16xi32>
        %parallel_loop3A_446 = arith.select %parallel_loop3A_437, %parallel_loop3A_445, %parallel_loop3A_434 : vector<16xi1>, vector<16xi32>
        %parallel_loop3A_447 = arith.index_cast %parallel_loop3A_402 : i32 to index
        %parallel_loop3A_448 = arith.constant 16 : index
        %parallel_loop3A_449 = tpu.vector_load %arg6[%parallel_loop3A_447, %parallel_loop3A_448] {strides = array<i32>} : memref<48x192xf32, #tpu.memory_space<vmem>>, vector<16xf32>,
        tpu.vector_store_idx %arg10[%parallel_loop3A_442, %parallel_loop3A_446], %parallel_loop3A_449 : memref<96x384xf32, #tpu.memory_space<vmem>>[vector<16xi32>, vector<16xi32>], vector<16xf32>,
        %parallel_loop3A_450 = arith.index_cast %parallel_loop3A_402 : i32 to index
        %parallel_loop3A_451 = arith.constant 32 : index
        %parallel_loop3A_452 = tpu.vector_load %arg8[%parallel_loop3A_450, %parallel_loop3A_451] {strides = array<i32>} : memref<48x192xi32, #tpu.memory_space<vmem>>, vector<16xi32>,
        %parallel_loop3A_453 = vector.broadcast %parallel_loop3A_409 : i32 to vector<16xi32>
        %parallel_loop3A_454 = arith.subi %parallel_loop3A_452, %parallel_loop3A_453 : vector<16xi32>
        %parallel_loop3A_455 = arith.constant 384 : i32
        %parallel_loop3A_456 = vector.broadcast %parallel_loop3A_455 : i32 to vector<16xi32>
        %parallel_loop3A_457 = arith.cmpi sge, %parallel_loop3A_454, %parallel_loop3A_456 : vector<16xi32>
        %parallel_loop3A_458 = arith.constant 1 : i32
        %parallel_loop3A_459 = arith.addi %parallel_loop3A_404, %parallel_loop3A_458 : i32
        %parallel_loop3A_460 = vector.broadcast %parallel_loop3A_459 : i32 to vector<16xi32>
        %parallel_loop3A_461 = vector.broadcast %parallel_loop3A_404 : i32 to vector<16xi32>
        %parallel_loop3A_462 = arith.select %parallel_loop3A_457, %parallel_loop3A_460, %parallel_loop3A_461 : vector<16xi1>, vector<16xi32>
        %parallel_loop3A_463 = arith.constant 384 : i32
        %parallel_loop3A_464 = vector.broadcast %parallel_loop3A_463 : i32 to vector<16xi32>
        %parallel_loop3A_465 = arith.subi %parallel_loop3A_454, %parallel_loop3A_464 : vector<16xi32>
        %parallel_loop3A_466 = arith.select %parallel_loop3A_457, %parallel_loop3A_465, %parallel_loop3A_454 : vector<16xi1>, vector<16xi32>
        %parallel_loop3A_467 = arith.index_cast %parallel_loop3A_402 : i32 to index
        %parallel_loop3A_468 = arith.constant 32 : index
        %parallel_loop3A_469 = tpu.vector_load %arg6[%parallel_loop3A_467, %parallel_loop3A_468] {strides = array<i32>} : memref<48x192xf32, #tpu.memory_space<vmem>>, vector<16xf32>,
        tpu.vector_store_idx %arg10[%parallel_loop3A_462, %parallel_loop3A_466], %parallel_loop3A_469 : memref<96x384xf32, #tpu.memory_space<vmem>>[vector<16xi32>, vector<16xi32>], vector<16xf32>,
        %parallel_loop3A_470 = arith.index_cast %parallel_loop3A_402 : i32 to index
        %parallel_loop3A_471 = arith.constant 48 : index
        %parallel_loop3A_472 = tpu.vector_load %arg8[%parallel_loop3A_470, %parallel_loop3A_471] {strides = array<i32>} : memref<48x192xi32, #tpu.memory_space<vmem>>, vector<16xi32>,
        %parallel_loop3A_473 = vector.broadcast %parallel_loop3A_409 : i32 to vector<16xi32>
        %parallel_loop3A_474 = arith.subi %parallel_loop3A_472, %parallel_loop3A_473 : vector<16xi32>
        %parallel_loop3A_475 = arith.constant 384 : i32
        %parallel_loop3A_476 = vector.broadcast %parallel_loop3A_475 : i32 to vector<16xi32>
        %parallel_loop3A_477 = arith.cmpi sge, %parallel_loop3A_474, %parallel_loop3A_476 : vector<16xi32>
        %parallel_loop3A_478 = arith.constant 1 : i32
        %parallel_loop3A_479 = arith.addi %parallel_loop3A_404, %parallel_loop3A_478 : i32
        %parallel_loop3A_480 = vector.broadcast %parallel_loop3A_479 : i32 to vector<16xi32>
        %parallel_loop3A_481 = vector.broadcast %parallel_loop3A_404 : i32 to vector<16xi32>
        %parallel_loop3A_482 = arith.select %parallel_loop3A_477, %parallel_loop3A_480, %parallel_loop3A_481 : vector<16xi1>, vector<16xi32>
        %parallel_loop3A_483 = arith.constant 384 : i32
        %parallel_loop3A_484 = vector.broadcast %parallel_loop3A_483 : i32 to vector<16xi32>
        %parallel_loop3A_485 = arith.subi %parallel_loop3A_474, %parallel_loop3A_484 : vector<16xi32>
        %parallel_loop3A_486 = arith.select %parallel_loop3A_477, %parallel_loop3A_485, %parallel_loop3A_474 : vector<16xi1>, vector<16xi32>
        %parallel_loop3A_487 = arith.index_cast %parallel_loop3A_402 : i32 to index
        %parallel_loop3A_488 = arith.constant 48 : index
        %parallel_loop3A_489 = tpu.vector_load %arg6[%parallel_loop3A_487, %parallel_loop3A_488] {strides = array<i32>} : memref<48x192xf32, #tpu.memory_space<vmem>>, vector<16xf32>,
        tpu.vector_store_idx %arg10[%parallel_loop3A_482, %parallel_loop3A_486], %parallel_loop3A_489 : memref<96x384xf32, #tpu.memory_space<vmem>>[vector<16xi32>, vector<16xi32>], vector<16xf32>,
        %parallel_loop3A_490 = arith.index_cast %parallel_loop3A_402 : i32 to index
        %parallel_loop3A_491 = arith.constant 64 : index
        %parallel_loop3A_492 = tpu.vector_load %arg8[%parallel_loop3A_490, %parallel_loop3A_491] {strides = array<i32>} : memref<48x192xi32, #tpu.memory_space<vmem>>, vector<16xi32>,
        %parallel_loop3A_493 = vector.broadcast %parallel_loop3A_409 : i32 to vector<16xi32>
        %parallel_loop3A_494 = arith.subi %parallel_loop3A_492, %parallel_loop3A_493 : vector<16xi32>
        %parallel_loop3A_495 = arith.constant 384 : i32
        %parallel_loop3A_496 = vector.broadcast %parallel_loop3A_495 : i32 to vector<16xi32>
        %parallel_loop3A_497 = arith.cmpi sge, %parallel_loop3A_494, %parallel_loop3A_496 : vector<16xi32>
        %parallel_loop3A_498 = arith.constant 1 : i32
        %parallel_loop3A_499 = arith.addi %parallel_loop3A_404, %parallel_loop3A_498 : i32
        %parallel_loop3A_500 = vector.broadcast %parallel_loop3A_499 : i32 to vector<16xi32>
        %parallel_loop3A_501 = vector.broadcast %parallel_loop3A_404 : i32 to vector<16xi32>
        %parallel_loop3A_502 = arith.select %parallel_loop3A_497, %parallel_loop3A_500, %parallel_loop3A_501 : vector<16xi1>, vector<16xi32>
        %parallel_loop3A_503 = arith.constant 384 : i32
        %parallel_loop3A_504 = vector.broadcast %parallel_loop3A_503 : i32 to vector<16xi32>
        %parallel_loop3A_505 = arith.subi %parallel_loop3A_494, %parallel_loop3A_504 : vector<16xi32>
        %parallel_loop3A_506 = arith.select %parallel_loop3A_497, %parallel_loop3A_505, %parallel_loop3A_494 : vector<16xi1>, vector<16xi32>
        %parallel_loop3A_507 = arith.index_cast %parallel_loop3A_402 : i32 to index
        %parallel_loop3A_508 = arith.constant 64 : index
        %parallel_loop3A_509 = tpu.vector_load %arg6[%parallel_loop3A_507, %parallel_loop3A_508] {strides = array<i32>} : memref<48x192xf32, #tpu.memory_space<vmem>>, vector<16xf32>,
        tpu.vector_store_idx %arg10[%parallel_loop3A_502, %parallel_loop3A_506], %parallel_loop3A_509 : memref<96x384xf32, #tpu.memory_space<vmem>>[vector<16xi32>, vector<16xi32>], vector<16xf32>,
        %parallel_loop3A_510 = arith.index_cast %parallel_loop3A_402 : i32 to index
        %parallel_loop3A_511 = arith.constant 80 : index
        %parallel_loop3A_512 = tpu.vector_load %arg8[%parallel_loop3A_510, %parallel_loop3A_511] {strides = array<i32>} : memref<48x192xi32, #tpu.memory_space<vmem>>, vector<16xi32>,
        %parallel_loop3A_513 = vector.broadcast %parallel_loop3A_409 : i32 to vector<16xi32>
        %parallel_loop3A_514 = arith.subi %parallel_loop3A_512, %parallel_loop3A_513 : vector<16xi32>
        %parallel_loop3A_515 = arith.constant 384 : i32
        %parallel_loop3A_516 = vector.broadcast %parallel_loop3A_515 : i32 to vector<16xi32>
        %parallel_loop3A_517 = arith.cmpi sge, %parallel_loop3A_514, %parallel_loop3A_516 : vector<16xi32>
        %parallel_loop3A_518 = arith.constant 1 : i32
        %parallel_loop3A_519 = arith.addi %parallel_loop3A_404, %parallel_loop3A_518 : i32
        %parallel_loop3A_520 = vector.broadcast %parallel_loop3A_519 : i32 to vector<16xi32>
        %parallel_loop3A_521 = vector.broadcast %parallel_loop3A_404 : i32 to vector<16xi32>
        %parallel_loop3A_522 = arith.select %parallel_loop3A_517, %parallel_loop3A_520, %parallel_loop3A_521 : vector<16xi1>, vector<16xi32>
        %parallel_loop3A_523 = arith.constant 384 : i32
        %parallel_loop3A_524 = vector.broadcast %parallel_loop3A_523 : i32 to vector<16xi32>
        %parallel_loop3A_525 = arith.subi %parallel_loop3A_514, %parallel_loop3A_524 : vector<16xi32>
        %parallel_loop3A_526 = arith.select %parallel_loop3A_517, %parallel_loop3A_525, %parallel_loop3A_514 : vector<16xi1>, vector<16xi32>
        %parallel_loop3A_527 = arith.index_cast %parallel_loop3A_402 : i32 to index
        %parallel_loop3A_528 = arith.constant 80 : index
        %parallel_loop3A_529 = tpu.vector_load %arg6[%parallel_loop3A_527, %parallel_loop3A_528] {strides = array<i32>} : memref<48x192xf32, #tpu.memory_space<vmem>>, vector<16xf32>,
        tpu.vector_store_idx %arg10[%parallel_loop3A_522, %parallel_loop3A_526], %parallel_loop3A_529 : memref<96x384xf32, #tpu.memory_space<vmem>>[vector<16xi32>, vector<16xi32>], vector<16xf32>,
        %parallel_loop3A_530 = arith.index_cast %parallel_loop3A_402 : i32 to index
        %parallel_loop3A_531 = arith.constant 96 : index
        %parallel_loop3A_532 = tpu.vector_load %arg8[%parallel_loop3A_530, %parallel_loop3A_531] {strides = array<i32>} : memref<48x192xi32, #tpu.memory_space<vmem>>, vector<16xi32>,
        %parallel_loop3A_533 = vector.broadcast %parallel_loop3A_409 : i32 to vector<16xi32>
        %parallel_loop3A_534 = arith.subi %parallel_loop3A_532, %parallel_loop3A_533 : vector<16xi32>
        %parallel_loop3A_535 = arith.constant 384 : i32
        %parallel_loop3A_536 = vector.broadcast %parallel_loop3A_535 : i32 to vector<16xi32>
        %parallel_loop3A_537 = arith.cmpi sge, %parallel_loop3A_534, %parallel_loop3A_536 : vector<16xi32>
        %parallel_loop3A_538 = arith.constant 1 : i32
        %parallel_loop3A_539 = arith.addi %parallel_loop3A_404, %parallel_loop3A_538 : i32
        %parallel_loop3A_540 = vector.broadcast %parallel_loop3A_539 : i32 to vector<16xi32>
        %parallel_loop3A_541 = vector.broadcast %parallel_loop3A_404 : i32 to vector<16xi32>
        %parallel_loop3A_542 = arith.select %parallel_loop3A_537, %parallel_loop3A_540, %parallel_loop3A_541 : vector<16xi1>, vector<16xi32>
        %parallel_loop3A_543 = arith.constant 384 : i32
        %parallel_loop3A_544 = vector.broadcast %parallel_loop3A_543 : i32 to vector<16xi32>
        %parallel_loop3A_545 = arith.subi %parallel_loop3A_534, %parallel_loop3A_544 : vector<16xi32>
        %parallel_loop3A_546 = arith.select %parallel_loop3A_537, %parallel_loop3A_545, %parallel_loop3A_534 : vector<16xi1>, vector<16xi32>
        %parallel_loop3A_547 = arith.index_cast %parallel_loop3A_402 : i32 to index
        %parallel_loop3A_548 = arith.constant 96 : index
        %parallel_loop3A_549 = tpu.vector_load %arg6[%parallel_loop3A_547, %parallel_loop3A_548] {strides = array<i32>} : memref<48x192xf32, #tpu.memory_space<vmem>>, vector<16xf32>,
        tpu.vector_store_idx %arg10[%parallel_loop3A_542, %parallel_loop3A_546], %parallel_loop3A_549 : memref<96x384xf32, #tpu.memory_space<vmem>>[vector<16xi32>, vector<16xi32>], vector<16xf32>,
        %parallel_loop3A_550 = arith.index_cast %parallel_loop3A_402 : i32 to index
        %parallel_loop3A_551 = arith.constant 112 : index
        %parallel_loop3A_552 = tpu.vector_load %arg8[%parallel_loop3A_550, %parallel_loop3A_551] {strides = array<i32>} : memref<48x192xi32, #tpu.memory_space<vmem>>, vector<16xi32>,
        %parallel_loop3A_553 = vector.broadcast %parallel_loop3A_409 : i32 to vector<16xi32>
        %parallel_loop3A_554 = arith.subi %parallel_loop3A_552, %parallel_loop3A_553 : vector<16xi32>
        %parallel_loop3A_555 = arith.constant 384 : i32
        %parallel_loop3A_556 = vector.broadcast %parallel_loop3A_555 : i32 to vector<16xi32>
        %parallel_loop3A_557 = arith.cmpi sge, %parallel_loop3A_554, %parallel_loop3A_556 : vector<16xi32>
        %parallel_loop3A_558 = arith.constant 1 : i32
        %parallel_loop3A_559 = arith.addi %parallel_loop3A_404, %parallel_loop3A_558 : i32
        %parallel_loop3A_560 = vector.broadcast %parallel_loop3A_559 : i32 to vector<16xi32>
        %parallel_loop3A_561 = vector.broadcast %parallel_loop3A_404 : i32 to vector<16xi32>
        %parallel_loop3A_562 = arith.select %parallel_loop3A_557, %parallel_loop3A_560, %parallel_loop3A_561 : vector<16xi1>, vector<16xi32>
        %parallel_loop3A_563 = arith.constant 384 : i32
        %parallel_loop3A_564 = vector.broadcast %parallel_loop3A_563 : i32 to vector<16xi32>
        %parallel_loop3A_565 = arith.subi %parallel_loop3A_554, %parallel_loop3A_564 : vector<16xi32>
        %parallel_loop3A_566 = arith.select %parallel_loop3A_557, %parallel_loop3A_565, %parallel_loop3A_554 : vector<16xi1>, vector<16xi32>
        %parallel_loop3A_567 = arith.index_cast %parallel_loop3A_402 : i32 to index
        %parallel_loop3A_568 = arith.constant 112 : index
        %parallel_loop3A_569 = tpu.vector_load %arg6[%parallel_loop3A_567, %parallel_loop3A_568] {strides = array<i32>} : memref<48x192xf32, #tpu.memory_space<vmem>>, vector<16xf32>,
        tpu.vector_store_idx %arg10[%parallel_loop3A_562, %parallel_loop3A_566], %parallel_loop3A_569 : memref<96x384xf32, #tpu.memory_space<vmem>>[vector<16xi32>, vector<16xi32>], vector<16xf32>,
        %parallel_loop3A_570 = arith.index_cast %parallel_loop3A_402 : i32 to index
        %parallel_loop3A_571 = arith.constant 128 : index
        %parallel_loop3A_572 = tpu.vector_load %arg8[%parallel_loop3A_570, %parallel_loop3A_571] {strides = array<i32>} : memref<48x192xi32, #tpu.memory_space<vmem>>, vector<16xi32>,
        %parallel_loop3A_573 = vector.broadcast %parallel_loop3A_409 : i32 to vector<16xi32>
        %parallel_loop3A_574 = arith.subi %parallel_loop3A_572, %parallel_loop3A_573 : vector<16xi32>
        %parallel_loop3A_575 = arith.constant 384 : i32
        %parallel_loop3A_576 = vector.broadcast %parallel_loop3A_575 : i32 to vector<16xi32>
        %parallel_loop3A_577 = arith.cmpi sge, %parallel_loop3A_574, %parallel_loop3A_576 : vector<16xi32>
        %parallel_loop3A_578 = arith.constant 1 : i32
        %parallel_loop3A_579 = arith.addi %parallel_loop3A_404, %parallel_loop3A_578 : i32
        %parallel_loop3A_580 = vector.broadcast %parallel_loop3A_579 : i32 to vector<16xi32>
        %parallel_loop3A_581 = vector.broadcast %parallel_loop3A_404 : i32 to vector<16xi32>
        %parallel_loop3A_582 = arith.select %parallel_loop3A_577, %parallel_loop3A_580, %parallel_loop3A_581 : vector<16xi1>, vector<16xi32>
        %parallel_loop3A_583 = arith.constant 384 : i32
        %parallel_loop3A_584 = vector.broadcast %parallel_loop3A_583 : i32 to vector<16xi32>
        %parallel_loop3A_585 = arith.subi %parallel_loop3A_574, %parallel_loop3A_584 : vector<16xi32>
        %parallel_loop3A_586 = arith.select %parallel_loop3A_577, %parallel_loop3A_585, %parallel_loop3A_574 : vector<16xi1>, vector<16xi32>
        %parallel_loop3A_587 = arith.index_cast %parallel_loop3A_402 : i32 to index
        %parallel_loop3A_588 = arith.constant 128 : index
        %parallel_loop3A_589 = tpu.vector_load %arg6[%parallel_loop3A_587, %parallel_loop3A_588] {strides = array<i32>} : memref<48x192xf32, #tpu.memory_space<vmem>>, vector<16xf32>,
        tpu.vector_store_idx %arg10[%parallel_loop3A_582, %parallel_loop3A_586], %parallel_loop3A_589 : memref<96x384xf32, #tpu.memory_space<vmem>>[vector<16xi32>, vector<16xi32>], vector<16xf32>,
        %parallel_loop3A_590 = arith.index_cast %parallel_loop3A_402 : i32 to index
        %parallel_loop3A_591 = arith.constant 144 : index
        %parallel_loop3A_592 = tpu.vector_load %arg8[%parallel_loop3A_590, %parallel_loop3A_591] {strides = array<i32>} : memref<48x192xi32, #tpu.memory_space<vmem>>, vector<16xi32>,
        %parallel_loop3A_593 = vector.broadcast %parallel_loop3A_409 : i32 to vector<16xi32>
        %parallel_loop3A_594 = arith.subi %parallel_loop3A_592, %parallel_loop3A_593 : vector<16xi32>
        %parallel_loop3A_595 = arith.constant 384 : i32
        %parallel_loop3A_596 = vector.broadcast %parallel_loop3A_595 : i32 to vector<16xi32>
        %parallel_loop3A_597 = arith.cmpi sge, %parallel_loop3A_594, %parallel_loop3A_596 : vector<16xi32>
        %parallel_loop3A_598 = arith.constant 1 : i32
        %parallel_loop3A_599 = arith.addi %parallel_loop3A_404, %parallel_loop3A_598 : i32
        %parallel_loop3A_600 = vector.broadcast %parallel_loop3A_599 : i32 to vector<16xi32>
        %parallel_loop3A_601 = vector.broadcast %parallel_loop3A_404 : i32 to vector<16xi32>
        %parallel_loop3A_602 = arith.select %parallel_loop3A_597, %parallel_loop3A_600, %parallel_loop3A_601 : vector<16xi1>, vector<16xi32>
        %parallel_loop3A_603 = arith.constant 384 : i32
        %parallel_loop3A_604 = vector.broadcast %parallel_loop3A_603 : i32 to vector<16xi32>
        %parallel_loop3A_605 = arith.subi %parallel_loop3A_594, %parallel_loop3A_604 : vector<16xi32>
        %parallel_loop3A_606 = arith.select %parallel_loop3A_597, %parallel_loop3A_605, %parallel_loop3A_594 : vector<16xi1>, vector<16xi32>
        %parallel_loop3A_607 = arith.index_cast %parallel_loop3A_402 : i32 to index
        %parallel_loop3A_608 = arith.constant 144 : index
        %parallel_loop3A_609 = tpu.vector_load %arg6[%parallel_loop3A_607, %parallel_loop3A_608] {strides = array<i32>} : memref<48x192xf32, #tpu.memory_space<vmem>>, vector<16xf32>,
        tpu.vector_store_idx %arg10[%parallel_loop3A_602, %parallel_loop3A_606], %parallel_loop3A_609 : memref<96x384xf32, #tpu.memory_space<vmem>>[vector<16xi32>, vector<16xi32>], vector<16xf32>,
        %parallel_loop3A_610 = arith.index_cast %parallel_loop3A_402 : i32 to index
        %parallel_loop3A_611 = arith.constant 160 : index
        %parallel_loop3A_612 = tpu.vector_load %arg8[%parallel_loop3A_610, %parallel_loop3A_611] {strides = array<i32>} : memref<48x192xi32, #tpu.memory_space<vmem>>, vector<16xi32>,
        %parallel_loop3A_613 = vector.broadcast %parallel_loop3A_409 : i32 to vector<16xi32>
        %parallel_loop3A_614 = arith.subi %parallel_loop3A_612, %parallel_loop3A_613 : vector<16xi32>
        %parallel_loop3A_615 = arith.constant 384 : i32
        %parallel_loop3A_616 = vector.broadcast %parallel_loop3A_615 : i32 to vector<16xi32>
        %parallel_loop3A_617 = arith.cmpi sge, %parallel_loop3A_614, %parallel_loop3A_616 : vector<16xi32>
        %parallel_loop3A_618 = arith.constant 1 : i32
        %parallel_loop3A_619 = arith.addi %parallel_loop3A_404, %parallel_loop3A_618 : i32
        %parallel_loop3A_620 = vector.broadcast %parallel_loop3A_619 : i32 to vector<16xi32>
        %parallel_loop3A_621 = vector.broadcast %parallel_loop3A_404 : i32 to vector<16xi32>
        %parallel_loop3A_622 = arith.select %parallel_loop3A_617, %parallel_loop3A_620, %parallel_loop3A_621 : vector<16xi1>, vector<16xi32>
        %parallel_loop3A_623 = arith.constant 384 : i32
        %parallel_loop3A_624 = vector.broadcast %parallel_loop3A_623 : i32 to vector<16xi32>
        %parallel_loop3A_625 = arith.subi %parallel_loop3A_614, %parallel_loop3A_624 : vector<16xi32>
        %parallel_loop3A_626 = arith.select %parallel_loop3A_617, %parallel_loop3A_625, %parallel_loop3A_614 : vector<16xi1>, vector<16xi32>
        %parallel_loop3A_627 = arith.index_cast %parallel_loop3A_402 : i32 to index
        %parallel_loop3A_628 = arith.constant 160 : index
        %parallel_loop3A_629 = tpu.vector_load %arg6[%parallel_loop3A_627, %parallel_loop3A_628] {strides = array<i32>} : memref<48x192xf32, #tpu.memory_space<vmem>>, vector<16xf32>,
        tpu.vector_store_idx %arg10[%parallel_loop3A_622, %parallel_loop3A_626], %parallel_loop3A_629 : memref<96x384xf32, #tpu.memory_space<vmem>>[vector<16xi32>, vector<16xi32>], vector<16xf32>,
        %parallel_loop3A_630 = arith.index_cast %parallel_loop3A_402 : i32 to index
        %parallel_loop3A_631 = arith.constant 176 : index
        %parallel_loop3A_632 = tpu.vector_load %arg8[%parallel_loop3A_630, %parallel_loop3A_631] {strides = array<i32>} : memref<48x192xi32, #tpu.memory_space<vmem>>, vector<16xi32>,
        %parallel_loop3A_633 = vector.broadcast %parallel_loop3A_409 : i32 to vector<16xi32>
        %parallel_loop3A_634 = arith.subi %parallel_loop3A_632, %parallel_loop3A_633 : vector<16xi32>
        %parallel_loop3A_635 = arith.constant 384 : i32
        %parallel_loop3A_636 = vector.broadcast %parallel_loop3A_635 : i32 to vector<16xi32>
        %parallel_loop3A_637 = arith.cmpi sge, %parallel_loop3A_634, %parallel_loop3A_636 : vector<16xi32>
        %parallel_loop3A_638 = arith.constant 1 : i32
        %parallel_loop3A_639 = arith.addi %parallel_loop3A_404, %parallel_loop3A_638 : i32
        %parallel_loop3A_640 = vector.broadcast %parallel_loop3A_639 : i32 to vector<16xi32>
        %parallel_loop3A_641 = vector.broadcast %parallel_loop3A_404 : i32 to vector<16xi32>
        %parallel_loop3A_642 = arith.select %parallel_loop3A_637, %parallel_loop3A_640, %parallel_loop3A_641 : vector<16xi1>, vector<16xi32>
        %parallel_loop3A_643 = arith.constant 384 : i32
        %parallel_loop3A_644 = vector.broadcast %parallel_loop3A_643 : i32 to vector<16xi32>
        %parallel_loop3A_645 = arith.subi %parallel_loop3A_634, %parallel_loop3A_644 : vector<16xi32>
        %parallel_loop3A_646 = arith.select %parallel_loop3A_637, %parallel_loop3A_645, %parallel_loop3A_634 : vector<16xi1>, vector<16xi32>
        %parallel_loop3A_647 = arith.index_cast %parallel_loop3A_402 : i32 to index
        %parallel_loop3A_648 = arith.constant 176 : index
        %parallel_loop3A_649 = tpu.vector_load %arg6[%parallel_loop3A_647, %parallel_loop3A_648] {strides = array<i32>} : memref<48x192xf32, #tpu.memory_space<vmem>>, vector<16xf32>,
        tpu.vector_store_idx %arg10[%parallel_loop3A_642, %parallel_loop3A_646], %parallel_loop3A_649 : memref<96x384xf32, #tpu.memory_space<vmem>>[vector<16xi32>, vector<16xi32>], vector<16xf32>,
      } {sc.loop_unroll_factor = 4 : i64, sc.parallel_access}
      %mul3A_387 = arith.constant 2 : i32
      %mul3A_388 = arith.muli %mul3A_387, %mul3A_340 : i32
      %dma_start3A_389 = arith.constant 0 : i32
      %dma_start3A_390 = tpu.memref_slice %arg4[%select_n3A_364, %select_n3A_380, %mul3A_388, %dma_start3A_389] : memref<4x96x384x384xf32, #tpu.memory_space<hbm>> -> memref<1x1x96x384xf32, #tpu.memory_space<hbm>>
      %dma_start3A_391 = tpu.memref_squeeze %dma_start3A_390 : memref<1x1x96x384xf32, #tpu.memory_space<hbm>> -> memref<96x384xf32, #tpu.memory_space<hbm>>
      %dma_start3A_392 = arith.constant 0 : i32
      %dma_start3A_393 = tpu.memref_slice %arg4[%select_n3A_364, %select_n3A_380, %mul3A_388, %dma_start3A_392] : memref<4x96x384x384xf32, #tpu.memory_space<hbm>> -> memref<1x1x96x384xf32, #tpu.memory_space<hbm>>
      %dma_start3A_394 = tpu.memref_squeeze %dma_start3A_393 : memref<1x1x96x384xf32, #tpu.memory_space<hbm>> -> memref<96x384xf32, #tpu.memory_space<hbm>>
      tpu.enqueue_dma source(%arg10 : memref<96x384xf32, #tpu.memory_space<vmem>>) target(%dma_start3A_394 : memref<96x384xf32, #tpu.memory_space<hbm>>) target_semaphore(%arg14 : memref<!tpu.dma_semaphore, #tpu.memory_space<semaphore_mem>>)
      %add3A_395 = arith.constant 2 : i32
      %add3A_396 = arith.addi %add3A_270, %add3A_395 : i32
      %lt3A_397 = arith.constant 48 : i32
      %lt3A_398 = arith.cmpi slt, %add3A_396, %lt3A_397 : i32
      %convert_element_type3A_399 = arith.extui %lt3A_398 : i1 to i32
      %cond3A_400 = arith.constant 0 : i32
      %cond3A_401 = arith.cmpi ne, %convert_element_type3A_399, %cond3A_400 : i32
      scf.if %cond3A_401 {
        %add3A_402 = arith.constant 2 : i32
        %add3A_403 = arith.addi %add3A_270, %add3A_402 : i32
        %mul3A_404 = arith.constant 12 : i32
        %mul3A_405 = arith.muli %add3A, %mul3A_404 : i32
        %jit3A_406 = arith.constant 4 : i32
        %div3A_407 = arith.divsi %add3A_403, %jit3A_406 : i32
        %sign3A_408 = arith.constant 0 : i32
        %sign3A_409 = arith.cmpi sgt, %add3A_403, %sign3A_408 : i32
        %sign3A_410 = arith.extui %sign3A_409 : i1 to i32
        %sign3A_411 = arith.constant 0 : i32
        %sign3A_412 = arith.cmpi slt, %add3A_403, %sign3A_411 : i32
        %sign3A_413 = arith.extui %sign3A_412 : i1 to i32
        %sign3A_414 = arith.subi %sign3A_410, %sign3A_413 : i32
        %sign3A_415 = arith.constant 0 : i32
        %sign3A_416 = arith.cmpi sgt, %jit3A_406, %sign3A_415 : i32
        %sign3A_417 = arith.extui %sign3A_416 : i1 to i32
        %sign3A_418 = arith.constant 0 : i32
        %sign3A_419 = arith.cmpi slt, %jit3A_406, %sign3A_418 : i32
        %sign3A_420 = arith.extui %sign3A_419 : i1 to i32
        %sign3A_421 = arith.subi %sign3A_417, %sign3A_420 : i32
        %ne3A_422 = arith.cmpi ne, %sign3A_414, %sign3A_421 : i32
        %rem3A_423 = arith.remsi %add3A_403, %jit3A_406 : i32
        %ne3A_424 = arith.constant 0 : i32
        %ne3A_425 = arith.cmpi ne, %rem3A_423, %ne3A_424 : i32
        %and3A_426 = arith.andi %ne3A_422, %ne3A_425 : i1
        %sub3A_427 = arith.constant 1 : i32
        %sub3A_428 = arith.subi %div3A_407, %sub3A_427 : i32
        %select_n3A_429 = arith.select %and3A_426, %sub3A_428, %div3A_407 : i32
        %add3A_430 = arith.addi %mul3A_405, %select_n3A_429 : i32
        %jit3A_431 = arith.constant 4 : i32
        %eq3A_432 = arith.constant 0 : i32
        %eq3A_433 = arith.cmpi eq, %jit3A_431, %eq3A_432 : i32
        %jit3A_434 = arith.constant 1 : i32
        %select_n3A_435 = arith.select %eq3A_433, %jit3A_434, %jit3A_431 : i32
        %rem3A_436 = arith.remsi %add3A_403, %select_n3A_435 : i32
        %ne3A_437 = arith.constant 0 : i32
        %ne3A_438 = arith.cmpi ne, %rem3A_436, %ne3A_437 : i32
        %lt3A_439 = arith.constant 0 : i32
        %lt3A_440 = arith.cmpi slt, %rem3A_436, %lt3A_439 : i32
        %lt3A_441 = arith.constant 0 : i32
        %lt3A_442 = arith.cmpi slt, %select_n3A_435, %lt3A_441 : i32
        %ne3A_443 = arith.xori %lt3A_440, %lt3A_442 : i1
        %and3A_444 = arith.andi %ne3A_443, %ne3A_438 : i1
        %add3A_445 = arith.addi %rem3A_436, %select_n3A_435 : i32
        %select_n3A_446 = arith.select %and3A_444, %add3A_445, %rem3A_436 : i32
        %mul3A_447 = arith.constant 48 : i32
        %mul3A_448 = arith.muli %select_n3A_446, %mul3A_447 : i32
        %jit3A_449 = arith.constant 96 : i32
        %div3A_450 = arith.divsi %add3A_430, %jit3A_449 : i32
        %sign3A_451 = arith.constant 0 : i32
        %sign3A_452 = arith.cmpi sgt, %add3A_430, %sign3A_451 : i32
        %sign3A_453 = arith.extui %sign3A_452 : i1 to i32
        %sign3A_454 = arith.constant 0 : i32
        %sign3A_455 = arith.cmpi slt, %add3A_430, %sign3A_454 : i32
        %sign3A_456 = arith.extui %sign3A_455 : i1 to i32
        %sign3A_457 = arith.subi %sign3A_453, %sign3A_456 : i32
        %sign3A_458 = arith.constant 0 : i32
        %sign3A_459 = arith.cmpi sgt, %jit3A_449, %sign3A_458 : i32
        %sign3A_460 = arith.extui %sign3A_459 : i1 to i32
        %sign3A_461 = arith.constant 0 : i32
        %sign3A_462 = arith.cmpi slt, %jit3A_449, %sign3A_461 : i32
        %sign3A_463 = arith.extui %sign3A_462 : i1 to i32
        %sign3A_464 = arith.subi %sign3A_460, %sign3A_463 : i32
        %ne3A_465 = arith.cmpi ne, %sign3A_457, %sign3A_464 : i32
        %rem3A_466 = arith.remsi %add3A_430, %jit3A_449 : i32
        %ne3A_467 = arith.constant 0 : i32
        %ne3A_468 = arith.cmpi ne, %rem3A_466, %ne3A_467 : i32
        %and3A_469 = arith.andi %ne3A_465, %ne3A_468 : i1
        %sub3A_470 = arith.constant 1 : i32
        %sub3A_471 = arith.subi %div3A_450, %sub3A_470 : i32
        %select_n3A_472 = arith.select %and3A_469, %sub3A_471, %div3A_450 : i32
        %jit3A_473 = arith.constant 96 : i32
        %eq3A_474 = arith.constant 0 : i32
        %eq3A_475 = arith.cmpi eq, %jit3A_473, %eq3A_474 : i32
        %jit3A_476 = arith.constant 1 : i32
        %select_n3A_477 = arith.select %eq3A_475, %jit3A_476, %jit3A_473 : i32
        %rem3A_478 = arith.remsi %add3A_430, %select_n3A_477 : i32
        %ne3A_479 = arith.constant 0 : i32
        %ne3A_480 = arith.cmpi ne, %rem3A_478, %ne3A_479 : i32
        %lt3A_481 = arith.constant 0 : i32
        %lt3A_482 = arith.cmpi slt, %rem3A_478, %lt3A_481 : i32
        %lt3A_483 = arith.constant 0 : i32
        %lt3A_484 = arith.cmpi slt, %select_n3A_477, %lt3A_483 : i32
        %ne3A_485 = arith.xori %lt3A_482, %lt3A_484 : i1
        %and3A_486 = arith.andi %ne3A_485, %ne3A_480 : i1
        %add3A_487 = arith.addi %rem3A_478, %select_n3A_477 : i32
        %select_n3A_488 = arith.select %and3A_486, %add3A_487, %rem3A_478 : i32
        %dma_start3A_489 = arith.constant 0 : i32
        %dma_start3A_490 = tpu.memref_slice %arg2[%select_n3A_472, %select_n3A_488, %mul3A_448, %dma_start3A_489] : memref<4x96x192x192xf32, #tpu.memory_space<hbm>> -> memref<1x1x48x192xf32, #tpu.memory_space<hbm>>
        %dma_start3A_491 = tpu.memref_squeeze %dma_start3A_490 : memref<1x1x48x192xf32, #tpu.memory_space<hbm>> -> memref<48x192xf32, #tpu.memory_space<hbm>>
        %dma_start3A_492 = arith.constant 0 : i32
        %dma_start3A_493 = tpu.memref_slice %arg2[%select_n3A_472, %select_n3A_488, %mul3A_448, %dma_start3A_492] : memref<4x96x192x192xf32, #tpu.memory_space<hbm>> -> memref<1x1x48x192xf32, #tpu.memory_space<hbm>>
        %dma_start3A_494 = tpu.memref_squeeze %dma_start3A_493 : memref<1x1x48x192xf32, #tpu.memory_space<hbm>> -> memref<48x192xf32, #tpu.memory_space<hbm>>
        tpu.enqueue_dma source(%dma_start3A_494 : memref<48x192xf32, #tpu.memory_space<hbm>>) target(%arg6 : memref<48x192xf32, #tpu.memory_space<vmem>>) target_semaphore(%arg12 : memref<!tpu.dma_semaphore, #tpu.memory_space<semaphore_mem>>)
        %dma_start3A_495 = arith.constant 0 : i32
        %dma_start3A_496 = tpu.memref_slice %arg3[%select_n3A_472, %select_n3A_488, %mul3A_448, %dma_start3A_495] : memref<4x96x192x192xi32, #tpu.memory_space<hbm>> -> memref<1x1x48x192xi32, #tpu.memory_space<hbm>>
        %dma_start3A_497 = tpu.memref_squeeze %dma_start3A_496 : memref<1x1x48x192xi32, #tpu.memory_space<hbm>> -> memref<48x192xi32, #tpu.memory_space<hbm>>
        %dma_start3A_498 = arith.constant 0 : i32
        %dma_start3A_499 = tpu.memref_slice %arg3[%select_n3A_472, %select_n3A_488, %mul3A_448, %dma_start3A_498] : memref<4x96x192x192xi32, #tpu.memory_space<hbm>> -> memref<1x1x48x192xi32, #tpu.memory_space<hbm>>
        %dma_start3A_500 = tpu.memref_squeeze %dma_start3A_499 : memref<1x1x48x192xi32, #tpu.memory_space<hbm>> -> memref<48x192xi32, #tpu.memory_space<hbm>>
        tpu.enqueue_dma source(%dma_start3A_500 : memref<48x192xi32, #tpu.memory_space<hbm>>) target(%arg8 : memref<48x192xi32, #tpu.memory_space<vmem>>) target_semaphore(%arg12 : memref<!tpu.dma_semaphore, #tpu.memory_space<semaphore_mem>>)
      } else {
      }
    }
    %scan3A_115 = arith.constant 24 : i32
    %dma_wait3A = arith.constant 0 : i32
    %dma_wait3A_116 = arith.constant 0 : i32
    %dma_wait3A_117 = arith.constant 0 : i32
    %dma_wait3A_118 = arith.constant 0 : i32
    %dma_wait3A_119 = tpu.memref_slice %arg4[%dma_wait3A, %dma_wait3A_116, %dma_wait3A_117, %dma_wait3A_118] : memref<4x96x384x384xf32, #tpu.memory_space<hbm>> -> memref<1x1x96x384xf32, #tpu.memory_space<hbm>>
    %dma_wait3A_120 = tpu.memref_squeeze %dma_wait3A_119 : memref<1x1x96x384xf32, #tpu.memory_space<hbm>> -> memref<96x384xf32, #tpu.memory_space<hbm>>
    %dma_wait3A_121 = arith.constant 0 : i32
    %dma_wait3A_122 = arith.constant 0 : i32
    %dma_wait3A_123 = tpu.memref_slice %arg4[%dma_wait3A, %dma_wait3A_116, %dma_wait3A_121, %dma_wait3A_122] : memref<4x96x384x384xf32, #tpu.memory_space<hbm>> -> memref<1x1x96x384xf32, #tpu.memory_space<hbm>>
    %dma_wait3A_124 = tpu.memref_squeeze %dma_wait3A_123 : memref<1x1x96x384xf32, #tpu.memory_space<hbm>> -> memref<96x384xf32, #tpu.memory_space<hbm>>
    tpu.wait_dma2 semaphore(%arg13 : memref<!tpu.dma_semaphore, #tpu.memory_space<semaphore_mem>>) src(%arg9 : memref<96x384xf32, #tpu.memory_space<vmem>>) dst(%dma_wait3A_124 : memref<96x384xf32, #tpu.memory_space<hbm>>)
    %dma_wait3A_125 = arith.constant 0 : i32
    %dma_wait3A_126 = arith.constant 0 : i32
    %dma_wait3A_127 = arith.constant 0 : i32
    %dma_wait3A_128 = arith.constant 0 : i32
    %dma_wait3A_129 = tpu.memref_slice %arg4[%dma_wait3A_125, %dma_wait3A_126, %dma_wait3A_127, %dma_wait3A_128] : memref<4x96x384x384xf32, #tpu.memory_space<hbm>> -> memref<1x1x96x384xf32, #tpu.memory_space<hbm>>
    %dma_wait3A_130 = tpu.memref_squeeze %dma_wait3A_129 : memref<1x1x96x384xf32, #tpu.memory_space<hbm>> -> memref<96x384xf32, #tpu.memory_space<hbm>>
    %dma_wait3A_131 = arith.constant 0 : i32
    %dma_wait3A_132 = arith.constant 0 : i32
    %dma_wait3A_133 = tpu.memref_slice %arg4[%dma_wait3A_125, %dma_wait3A_126, %dma_wait3A_131, %dma_wait3A_132] : memref<4x96x384x384xf32, #tpu.memory_space<hbm>> -> memref<1x1x96x384xf32, #tpu.memory_space<hbm>>
    %dma_wait3A_134 = tpu.memref_squeeze %dma_wait3A_133 : memref<1x1x96x384xf32, #tpu.memory_space<hbm>> -> memref<96x384xf32, #tpu.memory_space<hbm>>
    tpu.wait_dma2 semaphore(%arg14 : memref<!tpu.dma_semaphore, #tpu.memory_space<semaphore_mem>>) src(%arg10 : memref<96x384xf32, #tpu.memory_space<vmem>>) dst(%dma_wait3A_134 : memref<96x384xf32, #tpu.memory_space<hbm>>)
    return
  }
}

</mosaic_0001>

<sc_bundles>
// kernel: _unpool.3.cloned.1.call-start
scs
__scs_entry_jumppad:
0x0: {  	(pc) =	sbr.rel $0x88, $3  }
0x1: {  	(tag) =	ssettag $0x0;
	lr =	simm.s32 $0x1  }
0x2: {  	[smem:$0x3F9F] =	sst lr;
	_ =	strace $0xD0000000  }
0x3: {  	_ = 	snop  }
0x4: {  	_ = 	snop  }
0x5: {  	_ = 	snop  }
0x6: {  	_ = 	snop  }
0x7: {  	_ = 	snop  }
__scs_overlays_trampoline_lowered:
0x8: {  	[smem:$0x3FAE] =	sst s0  }
0x9: {  	[smem:$0x3FAF] =	sst s1  }
0xa: {  	[smem:$0x3FB0] =	sst s2  }
0xb: {  	[smem:$0x3FB1] =	sst s3  }
0xc: {  	[smem:$0x3FB2] =	sst s4  }
0xd: {  	[smem:$0x3FB3] =	sst s5  }
0xe: {  	[smem:$0x3FB4] =	sst s6  }
0xf: {  	[smem:$0x3FB5] =	sst s7  }
0x10: {  	[smem:$0x3FB6] =	sst s8  }
0x11: {  	[smem:$0x3FB7] =	sst s9;
	s0 =	simm.s32 @!p0 $0x0  }
0x12: {  	s1 =	sld [smem:$0x3F9D];
	s0 =	simm.s32 @p0 $0x1  }
0x13: {  	[smem:$0x3FB8] =	sst s0;
	s0 =	simm.s32 @!p1 $0x0  }
0x14: {  	s2 =	sld [smem:$0x3F9C];
	s0 =	simm.s32 @p1 $0x1  }
0x15: {  	[smem:$0x3FB9] =	sst s0;
	s0 =	simm.s32 @!p2 $0x0  }
0x16: {  	s3 =	sld [smem:$0x3FDB];
	s0 =	simm.s32 @p2 $0x1  }
0x17: {  	s4 =	simm.s32 $0x1BF5;
	[smem:$0x3FBB] =	sst s0  }
0x18: {  	s0 =	sld [smem:$0x3F9E];
	_ =	swait.ge [sflag:s4], $0x0  }
0x19: {  	s7 =	sld [smem:$0x3F9F]  }
0x1a: {  	s8 =	sadd.s32 $0xFFFFE003, lr  }
0x1b: {  	s9 =	sadd.s32 $0xFFFFFEF7, lr;
	s5 =	simm.s32 $0xFFFFFFFF;
	p2 =	slt.u32 s8, $0xFFFFF086  }
0x1c: {  	p1 =	slt.u32 s9, $0xF7A;
	s5 =	simm.s32 @!p2 $0x0  }
0x1d: {  	s5 =	simm.s32 @p1 $0x1;
	p0 =	seq.s32 s7, s2  }
0x1e: {  	s7 =	smul.u32 @!p0 $0xF7A, s2;
	p2 =	seq.s32 @!p0 s5, $0x0  }
0x1f: {  	s9 =	smul.u32 $0xF7A, s1;
	s8 =	simm.s32 @!p0 $0x1BF5;
	p2 =	por !p2, p0  }
0x20: {  	[sflag:s8] =	ssyncset.s32 @!p0 $0xFFFFF086;
	s6 =	sadd.s32 @!p0 s3, s7;
	s7 =	simm.s32 @!p0 $0x108  }
0x21: {  	s3 =	sadd.s32 s3, s9;
	s6 =	sadd.s32 @!p0 $0x88, s6;
	s7 =	simm.s32 @p2 $0x1082  }
0x22: {  	[simem:s7], [sflag:s8] =	dma.local @!p0 [hbm:s6], $0xF7A  }
0x23: {  	s9 =	sor.u32 $0xD0000000, s2;
	s6 =	simm.s32 $0x108;
	_ =	swait.ge @!p0 [sflag:s8], $0x0  }
0x24: {  	s3 =	sadd.s32 $0x88, s3;
	s6 =	simm.s32 @!p1 $0x1082;
	[sflag:s4] =	ssyncset.s32 $0xFFFFF086  }
0x25: {  	[simem:s6], [sflag:s4] =	dma.local [hbm:s3], $0xF7A  }
0x26: {  	[smem:$0x3F9F] =	sst s1;
	(tag) =	ssettag s2;
	_ =	strace s9  }
0x27: {  	s1 =	sld [smem:$0x3FAF]  }
0x28: {  	s2 =	sld [smem:$0x3FB0]  }
0x29: {  	s4 =	sld [smem:$0x3FB2]  }
0x2a: {  	p0 =	seq.s32 s5, $0x0;
	s5 =	sld [smem:$0x3FB3]  }
0x2b: {  	s6 =	sld [smem:$0x3FB4]  }
0x2c: {  	s7 =	sld [smem:$0x3FB5]  }
0x2d: {  	s3 =	simm.s32 $0x108;
	s8 =	sld [smem:$0x3FB6]  }
0x2e: {  	s3 =	simm.s32 @!p0 $0x1082;
	s9 =	sld [smem:$0x3FB7]  }
0x2f: {  	lr =	sadd.s32 s0, s3;
	s0 =	sld [smem:$0x3FAE]  }
0x30: {  	s3 =	sld [smem:$0x3FB1]  }
0x31: {  	[smem:$0x3FBA] =	sst s10  }
0x32: {  	s10 =	sld [smem:$0x3FB8];
	_ =	sdelay $0x3  }
0x33: {  	p0 =	seq.s32 s10, $0x1;
	s10 =	sld [smem:$0x3FBA];
	_ =	sdelay $0x3  }
0x34: {  	[smem:$0x3FBA] =	sst s10  }
0x35: {  	s10 =	sld [smem:$0x3FB9];
	_ =	sdelay $0x3  }
0x36: {  	p1 =	seq.s32 s10, $0x1;
	s10 =	sld [smem:$0x3FBA];
	_ =	sdelay $0x3  }
0x37: {  	[smem:$0x3FBA] =	sst s10  }
0x38: {  	s10 =	sld [smem:$0x3FBB]  }
0x39: {  	_ = 	snop;
	(pc) =	sbr.ind lr, $3  }
0x3a: {  	_ = 	snop  }
0x3b: {  	_ = 	snop  }
0x3c: {  	p2 =	seq.s32 s10, $0x1;
	s10 =	sld [smem:$0x3FBA]  }
0x3d: {  	_ =	shalt  }
0x3e: {  	_ =	shalt  }
0x3f: {  	_ =	shalt  }
0x40: {  	_ =	shalt  }
0x41: {  	_ =	shalt  }
0x42: {  	_ =	shalt  }
0x43: {  	_ =	shalt  }
0x44: {  	_ =	shalt  }
0x45: {  	_ =	shalt  }
0x46: {  	_ =	shalt  }
0x47: {  	_ =	shalt  }
0x48: {  	_ =	shalt  }
0x49: {  	_ =	shalt  }
0x4a: {  	_ =	shalt  }
0x4b: {  	_ =	shalt  }
0x4c: {  	_ =	shalt  }
0x4d: {  	_ =	shalt  }
0x4e: {  	_ =	shalt  }
0x4f: {  	_ =	shalt  }
0x50: {  	_ =	shalt  }
0x51: {  	_ =	shalt  }
0x52: {  	_ =	shalt  }
0x53: {  	_ =	shalt  }
0x54: {  	_ =	shalt  }
0x55: {  	_ =	shalt  }
0x56: {  	_ =	shalt  }
0x57: {  	_ =	shalt  }
0x58: {  	_ =	shalt  }
0x59: {  	_ =	shalt  }
0x5a: {  	_ =	shalt  }
0x5b: {  	_ =	shalt  }
0x5c: {  	_ =	shalt  }
0x5d: {  	_ =	shalt  }
0x5e: {  	_ =	shalt  }
0x5f: {  	_ =	shalt  }
0x60: {  	_ =	shalt  }
0x61: {  	_ =	shalt  }
0x62: {  	_ =	shalt  }
0x63: {  	_ =	shalt  }
0x64: {  	_ =	shalt  }
0x65: {  	_ =	shalt  }
0x66: {  	_ =	shalt  }
0x67: {  	_ =	shalt  }
0x68: {  	_ =	shalt  }
0x69: {  	_ =	shalt  }
0x6a: {  	_ =	shalt  }
0x6b: {  	_ =	shalt  }
0x6c: {  	_ =	shalt  }
0x6d: {  	_ =	shalt  }
0x6e: {  	_ =	shalt  }
0x6f: {  	_ =	shalt  }
0x70: {  	_ =	shalt  }
0x71: {  	_ =	shalt  }
0x72: {  	_ =	shalt  }
0x73: {  	_ =	shalt  }
0x74: {  	_ =	shalt  }
0x75: {  	_ =	shalt  }
0x76: {  	_ =	shalt  }
0x77: {  	_ =	shalt  }
0x78: {  	_ =	shalt  }
0x79: {  	_ =	shalt  }
0x7a: {  	_ =	shalt  }
0x7b: {  	_ =	shalt  }
0x7c: {  	_ =	shalt  }
0x7d: {  	_ =	shalt  }
0x7e: {  	_ =	shalt  }
0x7f: {  	_ =	shalt  }
0x80: {  	_ =	shalt  }
0x81: {  	_ =	shalt  }
0x82: {  	_ =	shalt  }
0x83: {  	_ =	shalt  }
0x84: {  	_ =	shalt  }
0x85: {  	_ =	shalt  }
0x86: {  	_ =	shalt  }
0x87: {  	_ =	shalt  }
.Lfunc_end0:
.L_simem_size_0:
called_computation_lowered:
.L_overlay_start_0:
0x88: {  	s2 =	sld [smem:$0x3FD9]  }
0x89: {  	s3 =	sld [smem:$0x3FFE];
	_ =	sdelay $0x1  }
0x8a: {  	s1 =	srdreg.scid  }
0x8b: {  	s0 =	sand.u32 $0x1, s1  }
0x8c: {  	s18 =	sshll.u32 s0, $0xA;
	s2 =	sadd.s32 s3, s2  }
0x8d: {  	s2 =	sadd.s32 s2, s18  }
0x8e: {  	[smem:$0x3FC6] =	sst s2  }
0x8f: {  	_ = 	snop  }
0x90: {  	s2 =	sld [smem:$0x3FC9]  }
0x91: {  	s19 =	sld [smem:$0x3FC8]  }
0x92: {  	s4 =	sld [smem:$0x3FD0];
	(tm) =	ssettm $0x1  }
0x93: {  	s5 =	sld [smem:$0x3FFB];
	_ =	sdelay $0x3  }
0x94: {  	_ =	strace s5  }
0x95: {  	s5 =	sld [smem:$0x3FFC];
	_ =	sdelay $0x3  }
0x96: {  	_ =	strace s5  }
0x97: {  	s5 =	sld [smem:$0x3FFD];
	_ =	sdelay $0x3  }
0x98: {  	_ =	strace s5  }
0x99: {  	_ =	strace $0x8FFFFFFF  }
0x9a: {  	s20 =	sld [smem:$0x3FDB];
	_ =	sdelay $0x1  }
0x9b: {  	s6 =	simm.s32 $_scs_section_size  }
0x9c: {  	s7 =	simm.s32 $_size__tile_overlayer_lowered;
	s8 =	simm.s32 $_tile_overlayer_lowered  }
0x9d: {  	s23 =	simm.s32 $0x1BFF;
	s22 =	sshll.u32 s8, $0x1;
	s5 =	sadd.s32 s6, s20  }
0x9e: {  	s9 =	simm.s32 $0x0;
	s21 =	sshll.u32 s7, $0x1;
	s7 =	sadd.s32 s22, s5  }
0x9f: {  	[timem:s9], [sflag:s23] =	dma.local [hbm:s7], s21  }
0xa0: {  	_ =	swait.ge [sflag:s23], s21  }
0xa1: {  	s6 =	ssub.s32 $0x0, s21;
	[sflag:s23] =	ssyncset.done $0x0  }
0xa2: {  	[sflag:s23] =	ssyncadd.s32 s6;
	_ =	sdelay $0x1  }
0xa3: {  	s24 =	simm.s32 $0x1B8B  }
0xa4: {  	_ =	swait.ge [sflag:s24], $0x1  }
0xa5: {  	[sflag:s24] =	ssyncset.done $0x0  }
0xa6: {  	s25 =	simm.s32 $0x1B8E;
	[sflag:s24] =	ssyncadd.s32 $0xFFFFFFFF  }
0xa7: {  	s26 =	simm.s32 $execute0_lowered;
	[smem:$0x3FD2] =	sst s25  }
0xa8: {  	s6 =	sshll.u32 s26, $0x1;
	_ =	strace $0x80000046;
	[dreg:$0x1] =	wrdreg $0xFFFFFFFF  }
0xa9: {  	s28 =	simm.s32 $_size_execute0_lowered;
	s5 =	sadd.s32 s5, s6;
	[dreg:$0x0] =	wrdreg $0x0  }
0xaa: {  	s6 =	sshll.u32 s28, $0x1;
	[dreg:$0x2] =	wrdreg s5  }
0xab: {  	[dreg:$0x3] =	wrdreg s6  }
0xac: {  	[dreg:$0x4] =	wrdreg $0xC0  }
0xad: {  	_ =	task [dreg:s9], $0x5FFFF  }
0xae: {  	[dreg:$0x1] =	wrdreg $0xFFFFFFFF  }
0xaf: {  	[dreg:$0x0] =	wrdreg $0x60  }
0xb0: {  	[dreg:$0x2] =	wrdreg s2  }
0xb1: {  	[dreg:$0x3] =	wrdreg s19  }
0xb2: {  	[dreg:$0x4] =	wrdreg s4  }
0xb3: {  	[dreg:$0x5] =	wrdreg $0x9  }
0xb4: {  	_ =	task.clear_ibuf [dreg:s9], $0x6FFFF;
	_ =	strace $0x90000046  }
0xb5: {  	s29 =	simm.s32 $0x9;
	_ =	strace $0x80000048  }
0xb6: {  	_ =	swait.ge [sflag:s29], $0x1  }
0xb7: {  	[sflag:s29] =	ssyncadd.s32 $0xFFFFFFFF  }
0xb8: {  	_ =	strace $0x90000048  }
0xb9: {  	_ =	sfence  }
0xba: {  	s30 =	sld [smem:$0x0];
	_ =	sdelay $0x2  }
0xbb: {  	s31 =	sshll.u32 s1, $0xD;
	s1 =	sshrl.u32 s1, $0x2  }
0xbc: {  	s3 =	sand.u32 $0x4000, s31;
	s1 =	sadd.s32 s1, s30  }
0xbd: {  	s0 =	sor.u32 s3, s0;
	s1 =	sshll.u32 s1, $0x11  }
0xbe: {  	s0 =	sor.u32 s1, s0  }
0xbf: {  	s0 =	sadd.s32 $0x8F2B, s0  }
0xc0: {  	[sflag:s0] =	ssyncadd.remote.s32 $0x1  }
0xc1: {  	_ =	sfence.sel $0xFFFF  }
0xc2: {  	[dreg:$0x0] =	wrdreg $0xFFFFFFFF;
	(pc) =	sbr.abs _section_cstart, $3  }
0xc3: {  	[dreg:$0x1] =	wrdreg $0xFFFFFFFF  }
0xc4: {  	_ =	task.clear_ibuf [dreg:s9], $0x2FFFF;
	_ =	strace $0x9FFFFFFF  }
0xc5: {  	(tm) =	ssettm $0x7FFFFFFF  }
tec
execute0_lowered:
.L_overlay_start_1:
0x0: {  	(tag) =	ssettag $0x1  }
0x1: {  	s0 =	srdreg.scid;
	s3 =	stileid.u32  }
0x2: {  	s0 =	sand.u32 $0x1, s0;
	s1 =	sshll.u32 s3, $0x1  }
0x3: {  	s1 =	sor.u32 s0, s1  }
0x4: {  	s2 =	smul.u32 $0x2004, s1;
	_ =	sdelay $0x1  }
0x5: {  	s4 =	smul.u32 $0xC, s1;
	s24 =	sshrl.u32 s2, $0x10  }
0x6: {  	s1 =	smul.u32 $0x60, s24;
	_ =	sdelay $0x1  }
0x7: {  	s25 =	sshrl.u32 s3, $0x2;
	s1 =	ssub.s32 s4, s1  }
0x8: {  	s5 =	rddreg [dreg:$0x0];
	s2 =	smul.u32 $0x480000, s25;
	s1 =	sand.u32 $0xFFFC, s1  }
0x9: {  	s26 =	rddreg [dreg:$0x1];
	s0 =	ssub.s32 $0x2, s0;
	s1 =	smul.u32 $0xC000, s1  }
0xa: {  	s28 =	sshrl.u32 s0, $0x1;
	[smem:$0x7F8] =	sst s4;
	s4 =	simm.s32 $0x0  }
0xb: {  	s0 =	ssub.s32 s0, s28;
	[smem:$0x7FF] =	sst s4;
	s1 =	sadd.s32 s2, s1  }
0xc: {  	s0 =	smax.u32 s0, $0x1;
	_ =	strace $0x80000047;
	s1 =	sshrl.u32 s1, $0x3  }
.Ltmp0:
0xd: {  	[smem:$0x7FD] =	sst s0;
	s6 =	sadd.s32 s5, s1;
	(pc) =	sbr.rel .LBB2_1-.Ltmp0, $4  }
0xe: {  	s29 =	sor.u32 $0x600, s1;
	s1 =	sadd.s32 s26, s1;
	[smem:$0x7F9] =	sst s6  }
0xf: {  	[smem:$0x7FA] =	sst s1;
	s30 =	sadd.s32 s5, s29  }
0x10: {  	s31 =	sadd.s32 s26, s29;
	[smem:$0x7FB] =	sst s30  }
0x11: {  	v0 =	vimm.f32 $0.0e+00;
	s24 =	simm.s32 $0xC000;
	s2 =	simm.s32 $0x0;
	[smem:$0x7FC] =	sst s31  }
.LBB2_12:
0x12: {  	s0 =	simm.s32 $0x3  }
0x13: {  	_ =	swait.ge [sflag:s0], $0x9000  }
0x14: {  	[sflag:s0] =	ssyncset.done $0x0  }
0x15: {  	s1 =	simm.s32 $0x4;
	[sflag:s0] =	ssyncadd.s32 $0xFFFF7000  }
0x16: {  	_ =	swait.ge [sflag:s1], $0x9000  }
0x17: {  	s2 =	sld [smem:$0x7F7]  }
0x18: {  	s31 =	sld [smem:$0x7FD];
	_ =	sdelay $0x1  }
0x19: {  	s2 =	sadd.s32 $0x1, s2  }
0x1a: {  	p0 =	sne.s32 s2, s31  }
.Ltmp1:
0x1b: {  	_ = 	snop;
	(pc) =	sbr.rel @!p0 .LBB2_13-.Ltmp1, $3  }
0x1c: {  	_ =	sdelay $0x1  }
0x1d: {  	[sflag:s1] =	ssyncset.done $0x0  }
0x1e: {  	s24 =	simm.s32 $0xC000;
	[sflag:s1] =	ssyncadd.s32 $0xFFFF7000  }
.LBB2_1:
0x1f: {  	s0 =	sld [smem:$0x7F9]  }
0x20: {  	[smem:$0x7F7] =	sst s2  }
0x21: {  	s26 =	sld [smem:$0x7FA]  }
0x22: {  	[tilespmem:s4], [sflag:$0x1] =	stream.linear.gather [hbm4b:s0+s4], $0x3000, $0x38;
	[tilespmem:$0x1E000] =	vst v63  }
0x23: {  	s1 =	simm.s32 $0x6000;
	s28 =	sld [smem:$0x7FB]  }
0x24: {  	[tilespmem:s1], [sflag:$0x1] =	stream.linear.gather [hbm4b:s26+s4], $0x3000, $0x38;
	[tilespmem:$0x1E000] =	vst v63  }
0x25: {  	s29 =	simm.s32 $0x3000;
	s30 =	sld [smem:$0x7FC]  }
0x26: {  	[tilespmem:s29], [sflag:$0x2] =	stream.linear.gather [hbm4b:s28+s4], $0x3000, $0x38;
	[tilespmem:$0x1E000] =	vst v63  }
0x27: {  	s31 =	simm.s32 $0x9000;
	p0 =	por $0x0, $0x0;
	s9 =	simm.s32 $0x0  }
0x28: {  	[tilespmem:s31], [sflag:$0x2] =	stream.linear.gather [hbm4b:s30+s4], $0x3000, $0x38;
	[tilespmem:$0x1E000] =	vst v63  }
.LBB2_2:
0x29: {  	s1 =	simm.s32 $0x1  }
0x2a: {  	_ =	swait.ge [sflag:s1], $0x3000  }
0x2b: {  	[sflag:s1] =	ssyncset.done $0x0  }
0x2c: {  	[sflag:s1] =	ssyncadd.s32 $0xFFFFD000  }
0x2d: {  	s0 =	simm.s32 $0x0;
	_ =	swait.ge [sflag:s1], $0x3000  }
0x2e: {  	p1 =	seq.s32 s9, $0x0;
	s2 =	smul.u32 $0x3000, s0;
	[sflag:s1] =	ssyncset.done $0x0  }
0x2f: {  	s4 =	simm.s32 @!p1 $0x3;
	[sflag:s1] =	ssyncadd.s32 $0xFFFFD000;
	s1 =	simm.s32 $0x0  }
0x30: {  	s2 =	sshra.s32 s2, $0x2;
	_ =	swait.ge @!p1 [sflag:s4], $0x9000;
	s20 =	sand.u32 $0x200, s1  }
0x31: {  	s3 =	sadd.s32 $0xC000, s2;
	[sflag:s4] =	ssyncset.done @!p1 $0x0;
	s6 =	sor.u32 $0x180, s20  }
0x32: {  	[sflag:s4] =	ssyncadd.s32 @!p1 $0xFFFF7000;
	s5 =	sor.u32 s6, s3  }
0x33: {  	[tilespmem:s5+$0x0] =	vst v0  }
0x34: {  	[tilespmem:s5+$0x10] =	vst v0  }
0x35: {  	[tilespmem:s5+$0x20] =	vst v0  }
0x36: {  	[tilespmem:s5+$0x30] =	vst v0  }
0x37: {  	[tilespmem:s5+$0x40] =	vst v0  }
0x38: {  	[tilespmem:s5+$0x50] =	vst v0  }
0x39: {  	[tilespmem:s5+$0x60] =	vst v0  }
0x3a: {  	s23 =	sor.u32 s20, s3;
	[tilespmem:s5+$0x70] =	vst v0  }
0x3b: {  	[tilespmem:s23+$0x0] =	vst v0  }
0x3c: {  	[tilespmem:s23+$0x10] =	vst v0  }
0x3d: {  	[tilespmem:s23+$0x20] =	vst v0  }
0x3e: {  	[tilespmem:s23+$0x30] =	vst v0  }
0x3f: {  	[tilespmem:s23+$0x40] =	vst v0  }
0x40: {  	[tilespmem:s23+$0x50] =	vst v0  }
0x41: {  	s28 =	sor.u32 $0x80, s20;
	[tilespmem:s23+$0x60] =	vst v0  }
0x42: {  	s8 =	sor.u32 s28, s3;
	[tilespmem:s23+$0x70] =	vst v0  }
0x43: {  	[tilespmem:s8+$0x0] =	vst v0  }
0x44: {  	[tilespmem:s8+$0x10] =	vst v0  }
0x45: {  	[tilespmem:s8+$0x20] =	vst v0  }
0x46: {  	[tilespmem:s8+$0x30] =	vst v0  }
0x47: {  	[tilespmem:s8+$0x40] =	vst v0  }
0x48: {  	[tilespmem:s8+$0x50] =	vst v0  }
0x49: {  	s0 =	sor.u32 $0x100, s20;
	[tilespmem:s8+$0x60] =	vst v0  }
0x4a: {  	s3 =	sor.u32 s0, s3;
	[tilespmem:s8+$0x70] =	vst v0  }
0x4b: {  	[tilespmem:s3+$0x0] =	vst v0  }
0x4c: {  	[tilespmem:s3+$0x10] =	vst v0  }
0x4d: {  	[tilespmem:s3+$0x20] =	vst v0  }
0x4e: {  	[tilespmem:s3+$0x30] =	vst v0  }
0x4f: {  	[tilespmem:s3+$0x40] =	vst v0  }
0x50: {  	[tilespmem:s3+$0x50] =	vst v0  }
0x51: {  	s21 =	sadd.s32 $0xC400, s2;
	[tilespmem:s3+$0x60] =	vst v0  }
0x52: {  	s7 =	sor.u32 s6, s21;
	[tilespmem:s3+$0x70] =	vst v0  }
0x53: {  	[tilespmem:s7+$0x0] =	vst v0  }
0x54: {  	[tilespmem:s7+$0x10] =	vst v0  }
0x55: {  	[tilespmem:s7+$0x20] =	vst v0  }
0x56: {  	[tilespmem:s7+$0x30] =	vst v0  }
0x57: {  	[tilespmem:s7+$0x40] =	vst v0  }
0x58: {  	[tilespmem:s7+$0x50] =	vst v0  }
0x59: {  	[tilespmem:s7+$0x60] =	vst v0  }
0x5a: {  	s25 =	sor.u32 s20, s21;
	[tilespmem:s7+$0x70] =	vst v0  }
0x5b: {  	[tilespmem:s25+$0x0] =	vst v0  }
0x5c: {  	[tilespmem:s25+$0x10] =	vst v0  }
0x5d: {  	[tilespmem:s25+$0x20] =	vst v0  }
0x5e: {  	[tilespmem:s25+$0x30] =	vst v0  }
0x5f: {  	[tilespmem:s25+$0x40] =	vst v0  }
0x60: {  	[tilespmem:s25+$0x50] =	vst v0  }
0x61: {  	[tilespmem:s25+$0x60] =	vst v0  }
0x62: {  	s29 =	sor.u32 s28, s21;
	[tilespmem:s25+$0x70] =	vst v0  }
0x63: {  	[tilespmem:s29+$0x0] =	vst v0  }
0x64: {  	[tilespmem:s29+$0x10] =	vst v0  }
0x65: {  	[tilespmem:s29+$0x20] =	vst v0  }
0x66: {  	[tilespmem:s29+$0x30] =	vst v0  }
0x67: {  	[tilespmem:s29+$0x40] =	vst v0  }
0x68: {  	[tilespmem:s29+$0x50] =	vst v0  }
0x69: {  	[tilespmem:s29+$0x60] =	vst v0  }
0x6a: {  	s4 =	sor.u32 s0, s21;
	[tilespmem:s29+$0x70] =	vst v0  }
0x6b: {  	[tilespmem:s4+$0x0] =	vst v0  }
0x6c: {  	[tilespmem:s4+$0x10] =	vst v0  }
0x6d: {  	[tilespmem:s4+$0x20] =	vst v0  }
0x6e: {  	[tilespmem:s4+$0x30] =	vst v0  }
0x6f: {  	[tilespmem:s4+$0x40] =	vst v0  }
0x70: {  	[tilespmem:s4+$0x50] =	vst v0  }
0x71: {  	s22 =	sadd.s32 $0xC800, s2;
	[tilespmem:s4+$0x60] =	vst v0  }
0x72: {  	s2 =	sor.u32 s6, s22;
	[tilespmem:s4+$0x70] =	vst v0  }
0x73: {  	s26 =	sor.u32 s20, s22;
	[tilespmem:s2+$0x70] =	vst v0  }
0x74: {  	[tilespmem:s26+$0x0] =	vst v0  }
0x75: {  	[tilespmem:s26+$0x10] =	vst v0  }
0x76: {  	[tilespmem:s26+$0x20] =	vst v0  }
0x77: {  	[tilespmem:s26+$0x30] =	vst v0  }
0x78: {  	[tilespmem:s26+$0x40] =	vst v0  }
0x79: {  	[tilespmem:s26+$0x50] =	vst v0  }
0x7a: {  	[tilespmem:s26+$0x60] =	vst v0  }
0x7b: {  	s7 =	sor.u32 s28, s22;
	[tilespmem:s26+$0x70] =	vst v0  }
0x7c: {  	[tilespmem:s7+$0x0] =	vst v0  }
0x7d: {  	[tilespmem:s7+$0x10] =	vst v0  }
0x7e: {  	[tilespmem:s7+$0x20] =	vst v0  }
0x7f: {  	[tilespmem:s7+$0x30] =	vst v0  }
0x80: {  	[tilespmem:s7+$0x40] =	vst v0  }
0x81: {  	[tilespmem:s7+$0x50] =	vst v0  }
0x82: {  	[tilespmem:s7+$0x60] =	vst v0  }
0x83: {  	s5 =	sor.u32 s0, s22;
	[tilespmem:s7+$0x70] =	vst v0  }
0x84: {  	[tilespmem:s5+$0x0] =	vst v0  }
0x85: {  	s0 =	simm.s32 $0x1;
	[tilespmem:s5+$0x10] =	vst v0  }
0x86: {  	s0 =	simm.s32 @!p0 $0x0;
	[tilespmem:s5+$0x20] =	vst v0  }
0x87: {  	[tilespmem:s5+$0x30] =	vst v0;
	s0 =	smul.u32 $0x12000, s0  }
0x88: {  	[tilespmem:s5+$0x40] =	vst v0  }
0x89: {  	[tilespmem:s5+$0x50] =	vst v0;
	s30 =	sadd.s32 $0x9900, s0  }
0x8a: {  	[smem:$0x7F4] =	sst s30  }
0x8b: {  	[tilespmem:s5+$0x60] =	vst v0  }
0x8c: {  	s31 =	sshll.u32 s9, $0x1;
	[smem:$0x7F5] =	sst s9  }
0x8d: {  	[smem:$0x7F6] =	sst s31  }
0x8e: {  	s3 =	simm.s32 $0x0;
	s0 =	sor.u32 $0x900, s0;
	[tilespmem:s5+$0x70] =	vst v0  }
.LBB2_3:
0x8f: {  	s3 =	sadd.s32 $0x4, s3;
	[tilespmem:s2+$0x0] =	vst v0  }
0x90: {  	s4 =	sshrl.u32 s3, $0x3;
	p2 =	slt.u32 s3, $0x5C;
	[tilespmem:s2+$0x10] =	vst v0  }
0x91: {  	s4 =	smul.u32 $0x3000, s4;
	[tilespmem:s2+$0x20] =	vst v0  }
0x92: {  	s1 =	sadd.s32 $0x200, s1;
	[tilespmem:s2+$0x30] =	vst v0  }
0x93: {  	s6 =	sand.u32 $0x200, s1;
	s9 =	sshra.s32 s4, $0x2;
	[tilespmem:s2+$0x40] =	vst v0  }
0x94: {  	s11 =	sor.u32 $0x80, s6;
	s12 =	sor.u32 $0x180, s6;
	s4 =	sadd.s32 $0xC000, s9;
	[tilespmem:s2+$0x50] =	vst v0  }
0x95: {  	s13 =	sor.u32 $0x100, s6;
	s10 =	sor.u32 s6, s4;
	s5 =	sor.u32 s12, s4;
	[tilespmem:s2+$0x60] =	vst v0  }
0x96: {  	s7 =	sor.u32 s11, s4;
	s4 =	sor.u32 s13, s4;
	[tilespmem:s5+$0x0] =	vst v0  }
0x97: {  	[tilespmem:s5+$0x10] =	vst v0  }
0x98: {  	[tilespmem:s5+$0x20] =	vst v0  }
0x99: {  	[tilespmem:s5+$0x30] =	vst v0  }
0x9a: {  	[tilespmem:s5+$0x40] =	vst v0  }
0x9b: {  	[tilespmem:s5+$0x50] =	vst v0  }
0x9c: {  	s2 =	sadd.s32 $0xC400, s9;
	[tilespmem:s5+$0x60] =	vst v0  }
0x9d: {  	s14 =	sor.u32 s6, s2;
	s8 =	sor.u32 s11, s2;
	s15 =	sor.u32 s12, s2;
	[tilespmem:s5+$0x70] =	vst v0  }
0x9e: {  	s5 =	sor.u32 s13, s2;
	[tilespmem:s15+$0x0] =	vst v0  }
0x9f: {  	[tilespmem:s15+$0x10] =	vst v0  }
0xa0: {  	[tilespmem:s15+$0x20] =	vst v0  }
0xa1: {  	[tilespmem:s15+$0x30] =	vst v0  }
0xa2: {  	[tilespmem:s15+$0x40] =	vst v0  }
0xa3: {  	[tilespmem:s15+$0x50] =	vst v0  }
0xa4: {  	s16 =	sadd.s32 $0xC800, s9;
	[tilespmem:s15+$0x60] =	vst v0  }
0xa5: {  	s17 =	sor.u32 s6, s16;
	s9 =	sor.u32 s11, s16;
	s2 =	sor.u32 s12, s16;
	[tilespmem:s15+$0x70] =	vst v0  }
0xa6: {  	s6 =	sor.u32 s13, s16;
	[tilespmem:s2+$0x70] =	vst v0  }
0xa7: {  	[tilespmem:s10+$0x0] =	vst v0  }
0xa8: {  	[tilespmem:s10+$0x10] =	vst v0  }
0xa9: {  	[tilespmem:s10+$0x20] =	vst v0  }
0xaa: {  	[tilespmem:s10+$0x30] =	vst v0  }
0xab: {  	[tilespmem:s10+$0x40] =	vst v0  }
0xac: {  	[tilespmem:s10+$0x50] =	vst v0  }
0xad: {  	[tilespmem:s10+$0x60] =	vst v0  }
0xae: {  	[tilespmem:s10+$0x70] =	vst v0  }
0xaf: {  	[tilespmem:s14+$0x0] =	vst v0  }
0xb0: {  	[tilespmem:s14+$0x10] =	vst v0  }
0xb1: {  	[tilespmem:s14+$0x20] =	vst v0  }
0xb2: {  	[tilespmem:s14+$0x30] =	vst v0  }
0xb3: {  	[tilespmem:s14+$0x40] =	vst v0  }
0xb4: {  	[tilespmem:s14+$0x50] =	vst v0  }
0xb5: {  	[tilespmem:s14+$0x60] =	vst v0  }
0xb6: {  	[tilespmem:s14+$0x70] =	vst v0  }
0xb7: {  	[tilespmem:s17+$0x0] =	vst v0  }
0xb8: {  	[tilespmem:s17+$0x10] =	vst v0  }
0xb9: {  	[tilespmem:s17+$0x20] =	vst v0  }
0xba: {  	[tilespmem:s17+$0x30] =	vst v0  }
0xbb: {  	[tilespmem:s17+$0x40] =	vst v0  }
0xbc: {  	[tilespmem:s17+$0x50] =	vst v0  }
0xbd: {  	[tilespmem:s17+$0x60] =	vst v0  }
0xbe: {  	[tilespmem:s17+$0x70] =	vst v0  }
0xbf: {  	[tilespmem:s7+$0x0] =	vst v0  }
0xc0: {  	[tilespmem:s7+$0x10] =	vst v0  }
0xc1: {  	[tilespmem:s7+$0x20] =	vst v0  }
0xc2: {  	[tilespmem:s7+$0x30] =	vst v0  }
0xc3: {  	[tilespmem:s7+$0x40] =	vst v0  }
0xc4: {  	[tilespmem:s7+$0x50] =	vst v0  }
0xc5: {  	[tilespmem:s7+$0x60] =	vst v0  }
0xc6: {  	[tilespmem:s7+$0x70] =	vst v0  }
0xc7: {  	[tilespmem:s8+$0x0] =	vst v0  }
0xc8: {  	[tilespmem:s8+$0x10] =	vst v0  }
0xc9: {  	[tilespmem:s8+$0x20] =	vst v0  }
0xca: {  	[tilespmem:s8+$0x30] =	vst v0  }
0xcb: {  	[tilespmem:s8+$0x40] =	vst v0  }
0xcc: {  	[tilespmem:s8+$0x50] =	vst v0  }
0xcd: {  	[tilespmem:s8+$0x60] =	vst v0  }
0xce: {  	[tilespmem:s8+$0x70] =	vst v0  }
0xcf: {  	[tilespmem:s9+$0x0] =	vst v0  }
0xd0: {  	[tilespmem:s9+$0x10] =	vst v0  }
0xd1: {  	[tilespmem:s9+$0x20] =	vst v0  }
0xd2: {  	[tilespmem:s9+$0x30] =	vst v0  }
0xd3: {  	[tilespmem:s9+$0x40] =	vst v0  }
0xd4: {  	[tilespmem:s9+$0x50] =	vst v0  }
0xd5: {  	[tilespmem:s9+$0x60] =	vst v0  }
0xd6: {  	[tilespmem:s9+$0x70] =	vst v0  }
0xd7: {  	[tilespmem:s4+$0x0] =	vst v0  }
0xd8: {  	[tilespmem:s4+$0x10] =	vst v0  }
0xd9: {  	[tilespmem:s4+$0x20] =	vst v0  }
0xda: {  	[tilespmem:s4+$0x30] =	vst v0  }
0xdb: {  	[tilespmem:s4+$0x40] =	vst v0  }
0xdc: {  	[tilespmem:s4+$0x50] =	vst v0  }
0xdd: {  	[tilespmem:s4+$0x60] =	vst v0  }
0xde: {  	[tilespmem:s4+$0x70] =	vst v0  }
0xdf: {  	[tilespmem:s5+$0x0] =	vst v0  }
0xe0: {  	[tilespmem:s5+$0x10] =	vst v0  }
0xe1: {  	[tilespmem:s5+$0x20] =	vst v0  }
0xe2: {  	[tilespmem:s5+$0x30] =	vst v0  }
0xe3: {  	[tilespmem:s5+$0x40] =	vst v0  }
0xe4: {  	[tilespmem:s5+$0x50] =	vst v0  }
0xe5: {  	[tilespmem:s5+$0x60] =	vst v0  }
0xe6: {  	[tilespmem:s5+$0x70] =	vst v0  }
0xe7: {  	[tilespmem:s6+$0x0] =	vst v0  }
0xe8: {  	[tilespmem:s6+$0x10] =	vst v0  }
0xe9: {  	[tilespmem:s6+$0x20] =	vst v0  }
.Ltmp2:
0xea: {  	[tilespmem:s6+$0x30] =	vst v0;
	(pc) =	sbr.rel @p2 .LBB2_3-.Ltmp2, $4  }
0xeb: {  	[tilespmem:s6+$0x40] =	vst v0  }
0xec: {  	[tilespmem:s6+$0x50] =	vst v0  }
0xed: {  	[tilespmem:s6+$0x60] =	vst v0  }
0xee: {  	[tilespmem:s6+$0x70] =	vst v0  }
0xef: {  	[tilespmem:s2+$0x0] =	vst v0  }
0xf0: {  	[tilespmem:s2+$0x10] =	vst v0  }
0xf1: {  	[tilespmem:s2+$0x20] =	vst v0  }
0xf2: {  	[tilespmem:s2+$0x30] =	vst v0  }
0xf3: {  	[tilespmem:s2+$0x40] =	vst v0;
	s1 =	simm.s32 $0x0;
	s3 =	simm.s32 $0x100  }
0xf4: {  	[tilespmem:s2+$0x50] =	vst v0;
	s6 =	sand.u32 $0x3800, s1;
	s3 =	sand.u32 $0x300, s3  }
0xf5: {  	[tilespmem:s2+$0x60] =	vst v0;
	s5 =	sor.u32 s6, s3  }
0xf6: {  	v1 =	vld [tilespmem:s5+$0x6000];
	_ =	sdelay $0x2  }
0xf7: {  	s4 =	sadd.s32 $0xFFFFFD00, s0  }
0xf8: {  	v2 =	vmov s4  }
0xf9: {  	s7 =	simm.s32 $0x4;
	v3 =	vsub.s32 v1, v2  }
0xfa: {  	s4 =	simm.s32 $0x5;
	v1 =	vmov s7;
	vm0 =	vgt.s32 v3, $0x17F  }
0xfb: {  	v5 =	vadd.s32 $0xFFFFFE80, v3;
	v4 =	vsel vm0, s4, v1  }
0xfc: {  	v3 =	vsel vm0, v5, v3;
	v5 =	vshrl.u32 v4, $0x3  }
0xfd: {  	s8 =	simm.s32 $0x0;
	v6 =	vshll.u32 v3, $0x3;
	v5 =	vmul.u32 $0xC00, v5  }
0xfe: {  	s2 =	sand.u32 $0x200, s8;
	v4 =	vshll.u32 v4, $0x7;
	v6 =	vand.u32 $0xFFFFFC00, v6  }
0xff: {  	s10 =	simm.s32 $0x180;
	s11 =	sor.u32 s2, s6;
	v4 =	vand.u32 $0x380, v4;
	v5 =	vadd.s32 v6, v5  }
0x100: {  	s9 =	simm.s32 $0x80;
	s2 =	sand.u32 $0x380, s10;
	v7 =	vld [tilespmem:s11+$0x6000];
	v3 =	vand.u32 $0x7F, v3;
	v4 =	vor.u32 v4, v5  }
0x101: {  	s3 =	sand.u32 $0x280, s9;
	s2 =	sor.u32 s6, s2;
	v5 =	vld [tilespmem:s5+$0x0];
	v3 =	vor.u32 v3, v4  }
0x102: {  	s3 =	sor.u32 s6, s3;
	v4 =	vld [tilespmem:s2+$0x6000]  }
0x103: {  	v6 =	vld [tilespmem:s3+$0x6000]  }
0x104: {  	s12 =	sadd.s32 $0xFFFFF700, s0;
	s13 =	simm.s32 $0x0  }
0x105: {  	v13 =	vmov s0;
	s14 =	simm.s32 $0x2;
	v17 =	vmov s12;
	v15 =	vmov s13;
	s7 =	sadd.s32 $0xFFFFFA00, s0  }
0x106: {  	v18 =	vmov s14;
	v7 =	vsub.s32 v7, v17;
	v16 =	vmov s7;
	[tilespmem:v3+s24+$0x0] =	vst.idx.msk $0xffff, v5  }
0x107: {  	s15 =	simm.s32 $0x6;
	vm12 =	vgt.s32 v7, $0x17F;
	v8 =	vadd.s32 $0xFFFFFE80, v7;
	v3 =	vsub.s32 v4, v13;
	v4 =	vld [tilespmem:s5+$0x6010]  }
0x108: {  	v14 =	vmov s15;
	s10 =	simm.s32 $0x1;
	v7 =	vsel vm12, v8, v7;
	v6 =	vsub.s32 v6, v16  }
0x109: {  	s9 =	simm.s32 $0x3;
	vm1 =	vgt.s32 v6, $0x17F;
	v10 =	vadd.s32 $0xFFFFFE80, v6;
	v5 =	vsel vm12, s10, v15  }
0x10a: {  	v9 =	vsel vm1, s9, v18;
	v6 =	vsel vm1, v10, v6;
	vm2 =	vgt.s32 v3, $0x17F  }
0x10b: {  	v12 =	vadd.s32 $0xFFFFFE80, v3;
	v8 =	vshrl.u32 v5, $0x3;
	v19 =	vshrl.u32 v9, $0x3  }
0x10c: {  	v22 =	vshll.u32 v6, $0x3;
	v5 =	vshll.u32 v5, $0x7;
	v4 =	vsub.s32 v4, v2  }
0x10d: {  	s26 =	simm.s32 $0x7;
	v9 =	vshll.u32 v9, $0x7;
	v6 =	vand.u32 $0x7F, v6;
	vm13 =	vgt.s32 v4, $0x17F  }
0x10e: {  	v11 =	vsel vm2, s26, v14;
	v21 =	vadd.s32 $0xFFFFFE80, v4;
	v20 =	vsel vm13, s4, v1  }
0x10f: {  	v3 =	vsel vm2, v12, v3;
	v4 =	vsel vm13, v21, v4;
	v21 =	vshrl.u32 v20, $0x3  }
0x110: {  	v8 =	vmul.u32 $0xC00, v8;
	v23 =	vshll.u32 v4, $0x3;
	v21 =	vmul.u32 $0xC00, v21  }
0x111: {  	v12 =	vshll.u32 v7, $0x3;
	v20 =	vshll.u32 v20, $0x7;
	v23 =	vand.u32 $0xFFFFFC00, v23  }
0x112: {  	v19 =	vmul.u32 $0xC00, v19;
	v20 =	vand.u32 $0x380, v20;
	v21 =	vadd.s32 v23, v21  }
0x113: {  	v12 =	vand.u32 $0xFFFFFC00, v12;
	v4 =	vand.u32 $0x7F, v4;
	v20 =	vor.u32 v20, v21  }
0x114: {  	v5 =	vand.u32 $0x80, v5;
	v8 =	vadd.s32 v12, v8;
	v12 =	vld [tilespmem:s5+$0x10];
	v4 =	vor.u32 v4, v20  }
0x115: {  	v7 =	vand.u32 $0x7F, v7;
	v9 =	vand.u32 $0x380, v9;
	v5 =	vor.u32 v5, v8  }
0x116: {  	v10 =	vshrl.u32 v11, $0x3;
	v8 =	vld [tilespmem:s11+$0x0];
	v5 =	vor.u32 v7, v5;
	v21 =	vand.u32 $0xFFFFFC00, v22  }
0x117: {  	v10 =	vmul.u32 $0xC00, v10;
	v20 =	vshll.u32 v3, $0x3;
	v19 =	vadd.s32 v21, v19  }
0x118: {  	v11 =	vshll.u32 v11, $0x7;
	v7 =	vand.u32 $0xFFFFFC00, v20;
	v9 =	vor.u32 v9, v19  }
0x119: {  	v19 =	vld [tilespmem:s3+$0x0];
	v7 =	vadd.s32 v7, v10;
	v10 =	vand.u32 $0x380, v11;
	v6 =	vor.u32 v6, v9;
	[tilespmem:v4+s24+$0x0] =	vst.idx.msk $0xffff, v12  }
0x11a: {  	v4 =	vor.u32 v10, v7;
	v7 =	vld [tilespmem:s5+$0x6020]  }
0x11b: {  	[tilespmem:v5+s24+$0x0] =	vst.idx.msk $0xffff, v8;
	v3 =	vand.u32 $0x7F, v3;
	v9 =	vld [tilespmem:s2+$0x0]  }
0x11c: {  	v3 =	vor.u32 v3, v4;
	v4 =	vld [tilespmem:s11+$0x6010];
	_ =	sdelay $0x1  }
0x11d: {  	[tilespmem:v6+s24+$0x0] =	vst.idx.msk $0xffff, v19  }
0x11e: {  	v5 =	vld [tilespmem:s3+$0x6010];
	v6 =	vsub.s32 v7, v2  }
0x11f: {  	vm14 =	vgt.s32 v6, $0x17F  }
0x120: {  	[tilespmem:v3+s24+$0x0] =	vst.idx.msk $0xffff, v9;
	v4 =	vsub.s32 v4, v17;
	v8 =	vadd.s32 $0xFFFFFE80, v6;
	v7 =	vsel vm14, s4, v1  }
0x121: {  	v3 =	vld [tilespmem:s2+$0x6010];
	vm15 =	vgt.s32 v4, $0x17F;
	v6 =	vsel vm14, v8, v6;
	v8 =	vshrl.u32 v7, $0x3  }
0x122: {  	v9 =	vadd.s32 $0xFFFFFE80, v4;
	v10 =	vshll.u32 v6, $0x3;
	v8 =	vmul.u32 $0xC00, v8  }
0x123: {  	v5 =	vsub.s32 v5, v16;
	v7 =	vshll.u32 v7, $0x7;
	v10 =	vand.u32 $0xFFFFFC00, v10  }
0x124: {  	v11 =	vsel vm15, s10, v15;
	v7 =	vand.u32 $0x380, v7;
	v8 =	vadd.s32 v10, v8  }
0x125: {  	v4 =	vsel vm15, v9, v4;
	v6 =	vand.u32 $0x7F, v6;
	v7 =	vor.u32 v7, v8  }
0x126: {  	vm4 =	vgt.s32 v5, $0x17F;
	v3 =	vsub.s32 v3, v13;
	v8 =	vld [tilespmem:s5+$0x20];
	v6 =	vor.u32 v6, v7  }
0x127: {  	v20 =	vshrl.u32 v11, $0x3;
	v10 =	vadd.s32 $0xFFFFFE80, v5;
	vm5 =	vgt.s32 v3, $0x17F  }
0x128: {  	v19 =	vadd.s32 $0xFFFFFE80, v3;
	v5 =	vsel vm4, v10, v5;
	v10 =	vmul.u32 $0xC00, v20  }
0x129: {  	v7 =	vsel vm4, s9, v18;
	v12 =	vsel vm5, s26, v14;
	v3 =	vsel vm5, v19, v3  }
0x12a: {  	v19 =	vshll.u32 v4, $0x3;
	v4 =	vand.u32 $0x7F, v4;
	v21 =	vshrl.u32 v7, $0x3  }
0x12b: {  	v9 =	vshrl.u32 v12, $0x3;
	v19 =	vand.u32 $0xFFFFFC00, v19;
	v7 =	vshll.u32 v7, $0x7;
	[tilespmem:v6+s24+$0x0] =	vst.idx.msk $0xffff, v8  }
0x12c: {  	v12 =	vshll.u32 v12, $0x7;
	v6 =	vmul.u32 $0xC00, v9;
	v9 =	vshll.u32 v11, $0x7;
	v11 =	vld [tilespmem:s5+$0x6030]  }
0x12d: {  	v20 =	vmul.u32 $0xC00, v21;
	v21 =	vshll.u32 v5, $0x3;
	v10 =	vadd.s32 v19, v10  }
0x12e: {  	v7 =	vand.u32 $0x380, v7;
	v5 =	vand.u32 $0x7F, v5;
	v8 =	vshll.u32 v3, $0x3  }
0x12f: {  	v21 =	vand.u32 $0xFFFFFC00, v21;
	v8 =	vand.u32 $0xFFFFFC00, v8;
	v9 =	vand.u32 $0x80, v9  }
0x130: {  	v6 =	vadd.s32 v8, v6;
	v8 =	vor.u32 v9, v10;
	v9 =	vand.u32 $0x380, v12  }
0x131: {  	v19 =	vadd.s32 v21, v20;
	v6 =	vor.u32 v9, v6;
	v9 =	vsub.s32 v11, v2  }
0x132: {  	v7 =	vor.u32 v7, v19;
	v10 =	vld [tilespmem:s11+$0x10];
	v4 =	vor.u32 v4, v8;
	vm6 =	vgt.s32 v9, $0x17F  }
0x133: {  	v5 =	vor.u32 v5, v7;
	v12 =	vld [tilespmem:s3+$0x10];
	v11 =	vadd.s32 $0xFFFFFE80, v9;
	v8 =	vsel vm6, s4, v1  }
0x134: {  	v3 =	vand.u32 $0x7F, v3;
	v7 =	vsel vm6, v11, v9;
	v9 =	vshrl.u32 v8, $0x3  }
0x135: {  	v3 =	vor.u32 v3, v6;
	v6 =	vmul.u32 $0xC00, v9;
	v9 =	vshll.u32 v7, $0x3  }
0x136: {  	v11 =	vld [tilespmem:s2+$0x10];
	v8 =	vshll.u32 v8, $0x7;
	v9 =	vand.u32 $0xFFFFFC00, v9  }
0x137: {  	[tilespmem:v4+s24+$0x0] =	vst.idx.msk $0xffff, v10;
	v4 =	vadd.s32 v9, v6;
	v6 =	vand.u32 $0x380, v8  }
0x138: {  	[tilespmem:v5+s24+$0x0] =	vst.idx.msk $0xffff, v12;
	v5 =	vld [tilespmem:s5+$0x30];
	v7 =	vand.u32 $0x7F, v7;
	v4 =	vor.u32 v6, v4  }
0x139: {  	v8 =	vld [tilespmem:s11+$0x6020];
	v4 =	vor.u32 v7, v4;
	_ =	sdelay $0x1  }
0x13a: {  	v6 =	vld [tilespmem:s3+$0x6020];
	[tilespmem:v3+s24+$0x0] =	vst.idx.msk $0xffff, v11  }
0x13b: {  	v3 =	vld [tilespmem:s2+$0x6020];
	_ =	sdelay $0x1  }
0x13c: {  	v7 =	vsub.s32 v8, v17;
	[tilespmem:v4+s24+$0x0] =	vst.idx.msk $0xffff, v5  }
0x13d: {  	vm7 =	vgt.s32 v7, $0x17F;
	v4 =	vld [tilespmem:s5+$0x6040]  }
0x13e: {  	v8 =	vadd.s32 $0xFFFFFE80, v7;
	v5 =	vsub.s32 v6, v16;
	v6 =	vsel vm7, s10, v15  }
0x13f: {  	v3 =	vsub.s32 v3, v13;
	v7 =	vsel vm7, v8, v7;
	vm8 =	vgt.s32 v5, $0x17F  }
0x140: {  	vm9 =	vgt.s32 v3, $0x17F;
	v10 =	vadd.s32 $0xFFFFFE80, v5;
	v12 =	vadd.s32 $0xFFFFFE80, v3  }
0x141: {  	v8 =	vshrl.u32 v6, $0x3;
	v21 =	vshll.u32 v7, $0x3;
	v6 =	vshll.u32 v6, $0x7  }
0x142: {  	v7 =	vand.u32 $0x7F, v7;
	v9 =	vsel vm8, s9, v18;
	v4 =	vsub.s32 v4, v2  }
0x143: {  	v11 =	vsel vm9, s26, v14;
	v5 =	vsel vm8, v10, v5;
	vm10 =	vgt.s32 v4, $0x17F  }
0x144: {  	v3 =	vsel vm9, v12, v3;
	v20 =	vadd.s32 $0xFFFFFE80, v4;
	v12 =	vsel vm10, s4, v1  }
0x145: {  	v8 =	vmul.u32 $0xC00, v8;
	v4 =	vsel vm10, v20, v4;
	v20 =	vshrl.u32 v12, $0x3  }
0x146: {  	v21 =	vand.u32 $0xFFFFFC00, v21;
	v22 =	vshll.u32 v4, $0x3;
	v20 =	vmul.u32 $0xC00, v20  }
0x147: {  	v6 =	vand.u32 $0x80, v6;
	v12 =	vshll.u32 v12, $0x7;
	v22 =	vand.u32 $0xFFFFFC00, v22  }
0x148: {  	v19 =	vshrl.u32 v9, $0x3;
	v12 =	vand.u32 $0x380, v12;
	v20 =	vadd.s32 v22, v20  }
0x149: {  	v8 =	vadd.s32 v21, v8;
	v4 =	vand.u32 $0x7F, v4;
	v12 =	vor.u32 v12, v20  }
0x14a: {  	v10 =	vshrl.u32 v11, $0x3;
	v6 =	vor.u32 v6, v8;
	v20 =	vld [tilespmem:s5+$0x40];
	v4 =	vor.u32 v4, v12  }
0x14b: {  	v23 =	vshll.u32 v5, $0x3;
	v11 =	vshll.u32 v11, $0x7;
	v8 =	vld [tilespmem:s11+$0x20];
	v6 =	vor.u32 v7, v6  }
0x14c: {  	v5 =	vand.u32 $0x7F, v5;
	v19 =	vmul.u32 $0xC00, v19;
	v10 =	vmul.u32 $0xC00, v10  }
0x14d: {  	v21 =	vand.u32 $0xFFFFFC00, v23;
	v7 =	vshll.u32 v9, $0x7;
	v12 =	vshll.u32 v3, $0x3  }
0x14e: {  	v7 =	vand.u32 $0x380, v7;
	v9 =	vand.u32 $0xFFFFFC00, v12;
	v12 =	vadd.s32 v21, v19  }
0x14f: {  	v11 =	vand.u32 $0x380, v11;
	v9 =	vadd.s32 v9, v10;
	v10 =	vld [tilespmem:s3+$0x20];
	v7 =	vor.u32 v7, v12;
	[tilespmem:v4+s24+$0x0] =	vst.idx.msk $0xffff, v20  }
0x150: {  	[tilespmem:v6+s24+$0x0] =	vst.idx.msk $0xffff, v8;
	v3 =	vand.u32 $0x7F, v3;
	v5 =	vor.u32 v5, v7;
	v4 =	vor.u32 v11, v9;
	v7 =	vld [tilespmem:s5+$0x6050]  }
0x151: {  	v3 =	vor.u32 v3, v4;
	v4 =	vld [tilespmem:s11+$0x6030];
	_ =	sdelay $0x1  }
0x152: {  	v9 =	vld [tilespmem:s2+$0x20];
	_ =	sdelay $0x1  }
0x153: {  	[tilespmem:v5+s24+$0x0] =	vst.idx.msk $0xffff, v10;
	v5 =	vsub.s32 v7, v2  }
0x154: {  	v6 =	vld [tilespmem:s3+$0x6030];
	v4 =	vsub.s32 v4, v17;
	vm11 =	vgt.s32 v5, $0x17F  }
0x155: {  	v8 =	vadd.s32 $0xFFFFFE80, v5;
	vm12 =	vgt.s32 v4, $0x17F;
	v7 =	vsel vm11, s4, v1  }
0x156: {  	[tilespmem:v3+s24+$0x0] =	vst.idx.msk $0xffff, v9;
	v9 =	vadd.s32 $0xFFFFFE80, v4;
	v5 =	vsel vm11, v8, v5;
	v8 =	vshrl.u32 v7, $0x3  }
0x157: {  	v3 =	vld [tilespmem:s2+$0x6030];
	v11 =	vsel vm12, s10, v15;
	v10 =	vshll.u32 v5, $0x3;
	v8 =	vmul.u32 $0xC00, v8  }
0x158: {  	v4 =	vsel vm12, v9, v4;
	v7 =	vshll.u32 v7, $0x7;
	v10 =	vand.u32 $0xFFFFFC00, v10  }
0x159: {  	v6 =	vsub.s32 v6, v16;
	v7 =	vand.u32 $0x380, v7;
	v8 =	vadd.s32 v10, v8  }
0x15a: {  	v5 =	vand.u32 $0x7F, v5;
	v19 =	vshrl.u32 v11, $0x3;
	v7 =	vor.u32 v7, v8  }
0x15b: {  	v11 =	vshll.u32 v11, $0x7;
	vm13 =	vgt.s32 v6, $0x17F;
	v8 =	vld [tilespmem:s5+$0x50];
	v5 =	vor.u32 v5, v7  }
0x15c: {  	v11 =	vand.u32 $0x80, v11;
	v3 =	vsub.s32 v3, v13;
	v10 =	vadd.s32 $0xFFFFFE80, v6  }
0x15d: {  	vm14 =	vgt.s32 v3, $0x17F;
	v20 =	vadd.s32 $0xFFFFFE80, v3;
	v6 =	vsel vm13, v10, v6  }
0x15e: {  	v10 =	vmul.u32 $0xC00, v19;
	v7 =	vsel vm13, s9, v18;
	v12 =	vsel vm14, s26, v14  }
0x15f: {  	v3 =	vsel vm14, v20, v3;
	v20 =	vshll.u32 v4, $0x3;
	v21 =	vshll.u32 v6, $0x3  }
0x160: {  	v4 =	vand.u32 $0x7F, v4;
	v9 =	vshrl.u32 v7, $0x3;
	v19 =	vshrl.u32 v12, $0x3;
	[tilespmem:v5+s24+$0x0] =	vst.idx.msk $0xffff, v8  }
0x161: {  	v6 =	vand.u32 $0x7F, v6;
	v9 =	vmul.u32 $0xC00, v9;
	v5 =	vmul.u32 $0xC00, v19;
	v19 =	vld [tilespmem:s5+$0x6060]  }
0x162: {  	v20 =	vand.u32 $0xFFFFFC00, v20;
	v21 =	vand.u32 $0xFFFFFC00, v21;
	v7 =	vshll.u32 v7, $0x7  }
0x163: {  	v7 =	vand.u32 $0x380, v7;
	v9 =	vadd.s32 v21, v9;
	v8 =	vshll.u32 v3, $0x3  }
0x164: {  	v10 =	vadd.s32 v20, v10;
	v7 =	vor.u32 v7, v9;
	v8 =	vand.u32 $0xFFFFFC00, v8  }
0x165: {  	v6 =	vor.u32 v6, v7;
	v5 =	vadd.s32 v8, v5;
	v8 =	vor.u32 v11, v10;
	v10 =	vld [tilespmem:s3+$0x30]  }
0x166: {  	v12 =	vshll.u32 v12, $0x7;
	v9 =	vld [tilespmem:s11+$0x30];
	v4 =	vor.u32 v4, v8;
	v8 =	vsub.s32 v19, v2  }
0x167: {  	v3 =	vand.u32 $0x7F, v3;
	v11 =	vand.u32 $0x380, v12;
	vm15 =	vgt.s32 v8, $0x17F  }
0x168: {  	v5 =	vor.u32 v11, v5;
	v11 =	vadd.s32 $0xFFFFFE80, v8;
	v7 =	vsel vm15, s4, v1  }
0x169: {  	v12 =	vld [tilespmem:s2+$0x30];
	v3 =	vor.u32 v3, v5;
	v8 =	vsel vm15, v11, v8;
	v11 =	vshrl.u32 v7, $0x3  }
0x16a: {  	[tilespmem:v6+s24+$0x0] =	vst.idx.msk $0xffff, v10;
	v5 =	vmul.u32 $0xC00, v11;
	v11 =	vshll.u32 v8, $0x3  }
0x16b: {  	[tilespmem:v4+s24+$0x0] =	vst.idx.msk $0xffff, v9;
	v7 =	vshll.u32 v7, $0x7;
	v4 =	vand.u32 $0xFFFFFC00, v11  }
0x16c: {  	v6 =	vld [tilespmem:s3+$0x6040];
	v4 =	vadd.s32 v4, v5;
	v5 =	vand.u32 $0x380, v7  }
0x16d: {  	v9 =	vld [tilespmem:s11+$0x6040];
	v7 =	vand.u32 $0x7F, v8;
	v4 =	vor.u32 v5, v4  }
0x16e: {  	[tilespmem:v3+s24+$0x0] =	vst.idx.msk $0xffff, v12;
	v5 =	vld [tilespmem:s5+$0x60];
	v4 =	vor.u32 v7, v4  }
0x16f: {  	v3 =	vld [tilespmem:s2+$0x6040];
	_ =	sdelay $0x2  }
0x170: {  	v6 =	vsub.s32 v6, v16;
	v7 =	vsub.s32 v9, v17  }
0x171: {  	vm5 =	vgt.s32 v6, $0x17F;
	v10 =	vadd.s32 $0xFFFFFE80, v6;
	vm4 =	vgt.s32 v7, $0x17F;
	[tilespmem:v4+s24+$0x0] =	vst.idx.msk $0xffff, v5  }
0x172: {  	v3 =	vsub.s32 v3, v13;
	v9 =	vsel vm5, s9, v18;
	v6 =	vsel vm5, v10, v6;
	v5 =	vld [tilespmem:s5+$0x6070]  }
0x173: {  	v8 =	vsel vm4, s10, v15;
	vm6 =	vgt.s32 v3, $0x17F;
	v19 =	vadd.s32 $0xFFFFFE80, v3  }
0x174: {  	v20 =	vshll.u32 v6, $0x3;
	v6 =	vand.u32 $0x7F, v6;
	v11 =	vshrl.u32 v8, $0x3  }
0x175: {  	v12 =	vsel vm6, s26, v14;
	v3 =	vsel vm6, v19, v3;
	v8 =	vshll.u32 v8, $0x7  }
0x176: {  	v20 =	vand.u32 $0xFFFFFC00, v20;
	v10 =	vmul.u32 $0xC00, v11;
	v11 =	vshrl.u32 v12, $0x3  }
0x177: {  	v24 =	vshll.u32 v3, $0x3;
	v12 =	vshll.u32 v12, $0x7;
	v5 =	vsub.s32 v5, v2  }
0x178: {  	v8 =	vand.u32 $0x80, v8;
	v4 =	vadd.s32 $0xFFFFFE80, v7;
	vm7 =	vgt.s32 v5, $0x17F  }
0x179: {  	v4 =	vsel vm4, v4, v7;
	v22 =	vadd.s32 $0xFFFFFE80, v5;
	v21 =	vsel vm7, s4, v1  }
0x17a: {  	v7 =	vshrl.u32 v9, $0x3;
	v5 =	vsel vm7, v22, v5;
	v22 =	vshrl.u32 v21, $0x3  }
0x17b: {  	v9 =	vshll.u32 v9, $0x7;
	v23 =	vshll.u32 v5, $0x3;
	v22 =	vmul.u32 $0xC00, v22  }
0x17c: {  	v19 =	vshll.u32 v4, $0x3;
	v21 =	vshll.u32 v21, $0x7;
	v23 =	vand.u32 $0xFFFFFC00, v23  }
0x17d: {  	v7 =	vmul.u32 $0xC00, v7;
	v21 =	vand.u32 $0x380, v21;
	v22 =	vadd.s32 v23, v22  }
0x17e: {  	v19 =	vand.u32 $0xFFFFFC00, v19;
	v5 =	vand.u32 $0x7F, v5;
	v21 =	vor.u32 v21, v22  }
0x17f: {  	v9 =	vand.u32 $0x380, v9;
	v10 =	vadd.s32 v19, v10;
	v23 =	vld [tilespmem:s5+$0x70];
	v5 =	vor.u32 v5, v21  }
0x180: {  	s16 =	sand.u32 $0x3, s1;
	v4 =	vand.u32 $0x7F, v4;
	v7 =	vadd.s32 v20, v7;
	v8 =	vor.u32 v8, v10  }
0x181: {  	v11 =	vmul.u32 $0xC00, v11;
	v19 =	vld [tilespmem:s11+$0x40];
	v7 =	vor.u32 v9, v7;
	v4 =	vor.u32 v4, v8;
	s5 =	sshll.u32 s16, $0x8  }
0x182: {  	v10 =	vand.u32 $0x380, v12;
	v12 =	vld [tilespmem:s3+$0x40];
	v6 =	vor.u32 v6, v7;
	v22 =	vand.u32 $0xFFFFFC00, v24;
	s5 =	sadd.s32 $0x0, s5  }
0x183: {  	v11 =	vadd.s32 v22, v11;
	s5 =	sadd.s32 $0x100, s5  }
0x184: {  	v3 =	vand.u32 $0x7F, v3;
	v8 =	vld [tilespmem:s2+$0x40];
	v9 =	vor.u32 v10, v11;
	s17 =	sor.u32 $0x400, s5;
	[tilespmem:v5+s24+$0x0] =	vst.idx.msk $0xffff, v23  }
0x185: {  	v3 =	vor.u32 v3, v9;
	v5 =	vld [tilespmem:s17+$0x6000]  }
0x186: {  	[tilespmem:v4+s24+$0x0] =	vst.idx.msk $0xffff, v19  }
0x187: {  	[tilespmem:v6+s24+$0x0] =	vst.idx.msk $0xffff, v12;
	v4 =	vld [tilespmem:s11+$0x6050]  }
0x188: {  	v6 =	vld [tilespmem:s3+$0x6050];
	_ =	sdelay $0x1  }
0x189: {  	[tilespmem:v3+s24+$0x0] =	vst.idx.msk $0xffff, v8;
	v3 =	vsub.s32 v5, v2  }
0x18a: {  	vm8 =	vgt.s32 v3, $0x17F  }
0x18b: {  	v4 =	vsub.s32 v4, v17;
	v8 =	vadd.s32 $0xFFFFFE80, v3;
	v7 =	vsel vm8, s4, v1  }
0x18c: {  	v6 =	vsub.s32 v6, v16;
	v5 =	vld [tilespmem:s2+$0x6050];
	v3 =	vsel vm8, v8, v3;
	v8 =	vshrl.u32 v7, $0x3  }
0x18d: {  	vm9 =	vgt.s32 v4, $0x17F;
	v9 =	vshll.u32 v3, $0x3;
	v8 =	vmul.u32 $0xC00, v8  }
0x18e: {  	vm10 =	vgt.s32 v6, $0x17F;
	v7 =	vshll.u32 v7, $0x7;
	v9 =	vand.u32 $0xFFFFFC00, v9  }
0x18f: {  	v10 =	vadd.s32 $0xFFFFFE80, v4;
	v7 =	vand.u32 $0x380, v7;
	v8 =	vadd.s32 v9, v8  }
0x190: {  	v11 =	vadd.s32 $0xFFFFFE80, v6;
	v3 =	vand.u32 $0x7F, v3;
	v7 =	vor.u32 v7, v8  }
0x191: {  	v4 =	vsel vm9, v10, v4;
	v5 =	vsub.s32 v5, v13;
	v8 =	vld [tilespmem:s17+$0x0];
	v3 =	vor.u32 v3, v7  }
0x192: {  	v6 =	vsel vm10, v11, v6;
	vm11 =	vgt.s32 v5, $0x17F;
	v9 =	vsel vm10, s9, v18  }
0x193: {  	v21 =	vadd.s32 $0xFFFFFE80, v5;
	v12 =	vsel vm11, s26, v14;
	v20 =	vshrl.u32 v9, $0x3  }
0x194: {  	v5 =	vsel vm11, v21, v5;
	v9 =	vshll.u32 v9, $0x7;
	v7 =	vsel vm9, s10, v15  }
0x195: {  	v10 =	vshrl.u32 v12, $0x3;
	v21 =	vshll.u32 v5, $0x3;
	v19 =	vshrl.u32 v7, $0x3  }
0x196: {  	s18 =	sor.u32 $0x410, s5;
	v11 =	vmul.u32 $0xC00, v19;
	v19 =	vmul.u32 $0xC00, v20;
	v20 =	vshll.u32 v4, $0x3;
	[tilespmem:v3+s24+$0x0] =	vst.idx.msk $0xffff, v8  }
0x197: {  	v9 =	vand.u32 $0x380, v9;
	v8 =	vmul.u32 $0xC00, v10;
	v10 =	vand.u32 $0xFFFFFC00, v20;
	v20 =	vld [tilespmem:s18+$0x6000]  }
0x198: {  	v5 =	vand.u32 $0x7F, v5;
	v7 =	vshll.u32 v7, $0x7;
	v3 =	vshll.u32 v6, $0x3  }
0x199: {  	v21 =	vand.u32 $0xFFFFFC00, v21;
	v7 =	vand.u32 $0x80, v7;
	v3 =	vand.u32 $0xFFFFFC00, v3  }
0x19a: {  	v10 =	vadd.s32 v10, v11;
	v11 =	vshll.u32 v12, $0x7;
	v3 =	vadd.s32 v3, v19  }
0x19b: {  	v8 =	vadd.s32 v21, v8;
	v3 =	vor.u32 v9, v3;
	v9 =	vand.u32 $0x380, v11  }
0x19c: {  	v7 =	vor.u32 v7, v10;
	v8 =	vor.u32 v9, v8;
	v10 =	vsub.s32 v20, v2  }
0x19d: {  	v4 =	vand.u32 $0x7F, v4;
	v19 =	vld [tilespmem:s2+$0x50];
	v5 =	vor.u32 v5, v8;
	vm12 =	vgt.s32 v10, $0x17F  }
0x19e: {  	v6 =	vand.u32 $0x7F, v6;
	v11 =	vadd.s32 $0xFFFFFE80, v10;
	v9 =	vsel vm12, s4, v1  }
0x19f: {  	v12 =	vld [tilespmem:s11+$0x50];
	v4 =	vor.u32 v4, v7;
	v7 =	vsel vm12, v11, v10;
	v10 =	vshrl.u32 v9, $0x3  }
0x1a0: {  	v3 =	vor.u32 v6, v3;
	v11 =	vld [tilespmem:s3+$0x50];
	v6 =	vmul.u32 $0xC00, v10;
	v10 =	vshll.u32 v7, $0x3  }
0x1a1: {  	v9 =	vshll.u32 v9, $0x7;
	v10 =	vand.u32 $0xFFFFFC00, v10  }
0x1a2: {  	v8 =	vand.u32 $0x380, v9;
	[tilespmem:v5+s24+$0x0] =	vst.idx.msk $0xffff, v19;
	v6 =	vadd.s32 v10, v6  }
0x1a3: {  	v7 =	vand.u32 $0x7F, v7;
	v5 =	vld [tilespmem:s2+$0x6060];
	v6 =	vor.u32 v8, v6  }
0x1a4: {  	[tilespmem:v4+s24+$0x0] =	vst.idx.msk $0xffff, v12;
	v4 =	vld [tilespmem:s18+$0x0];
	v6 =	vor.u32 v7, v6  }
0x1a5: {  	[tilespmem:v3+s24+$0x0] =	vst.idx.msk $0xffff, v11;
	v3 =	vld [tilespmem:s11+$0x6060]  }
0x1a6: {  	v7 =	vld [tilespmem:s3+$0x6060];
	_ =	sdelay $0x1  }
0x1a7: {  	v5 =	vsub.s32 v5, v13  }
0x1a8: {  	s19 =	sor.u32 $0x420, s5;
	vm15 =	vgt.s32 v5, $0x17F;
	v19 =	vadd.s32 $0xFFFFFE80, v5;
	[tilespmem:v6+s24+$0x0] =	vst.idx.msk $0xffff, v4  }
0x1a9: {  	v3 =	vsub.s32 v3, v17;
	v12 =	vsel vm15, s26, v14;
	v5 =	vsel vm15, v19, v5;
	v4 =	vld [tilespmem:s19+$0x6000]  }
0x1aa: {  	v6 =	vsub.s32 v7, v16;
	vm13 =	vgt.s32 v3, $0x17F;
	v7 =	vadd.s32 $0xFFFFFE80, v3  }
0x1ab: {  	vm14 =	vgt.s32 v6, $0x17F;
	v8 =	vsel vm13, s10, v15;
	v10 =	vadd.s32 $0xFFFFFE80, v6  }
0x1ac: {  	v3 =	vsel vm13, v7, v3;
	v9 =	vsel vm14, s9, v18;
	v11 =	vshrl.u32 v8, $0x3  }
0x1ad: {  	v6 =	vsel vm14, v10, v6;
	v10 =	vshrl.u32 v12, $0x3;
	v22 =	vshll.u32 v3, $0x3  }
0x1ae: {  	v8 =	vshll.u32 v8, $0x7;
	v12 =	vshll.u32 v12, $0x7;
	v4 =	vsub.s32 v4, v2  }
0x1af: {  	v3 =	vand.u32 $0x7F, v3;
	v7 =	vshrl.u32 v9, $0x3;
	vm4 =	vgt.s32 v4, $0x17F  }
0x1b0: {  	v11 =	vmul.u32 $0xC00, v11;
	v21 =	vadd.s32 $0xFFFFFE80, v4;
	v20 =	vsel vm4, s4, v1  }
0x1b1: {  	v23 =	vshll.u32 v6, $0x3;
	v4 =	vsel vm4, v21, v4;
	v19 =	vshrl.u32 v20, $0x3  }
0x1b2: {  	v10 =	vmul.u32 $0xC00, v10;
	v21 =	vshll.u32 v4, $0x3;
	v19 =	vmul.u32 $0xC00, v19  }
0x1b3: {  	v9 =	vshll.u32 v9, $0x7;
	v20 =	vshll.u32 v20, $0x7;
	v21 =	vand.u32 $0xFFFFFC00, v21  }
0x1b4: {  	v8 =	vand.u32 $0x80, v8;
	v20 =	vand.u32 $0x380, v20;
	v19 =	vadd.s32 v21, v19  }
0x1b5: {  	v4 =	vand.u32 $0x7F, v4;
	v19 =	vor.u32 v20, v19;
	v20 =	vand.u32 $0xFFFFFC00, v22  }
0x1b6: {  	v7 =	vmul.u32 $0xC00, v7;
	v21 =	vld [tilespmem:s19+$0x0];
	v4 =	vor.u32 v4, v19;
	v11 =	vadd.s32 v20, v11  }
0x1b7: {  	v9 =	vand.u32 $0x380, v9;
	v22 =	vand.u32 $0xFFFFFC00, v23;
	v8 =	vor.u32 v8, v11  }
0x1b8: {  	v19 =	vshll.u32 v5, $0x3;
	v7 =	vadd.s32 v22, v7;
	v11 =	vld [tilespmem:s11+$0x60];
	v3 =	vor.u32 v3, v8  }
0x1b9: {  	v6 =	vand.u32 $0x7F, v6;
	v19 =	vand.u32 $0xFFFFFC00, v19;
	v7 =	vor.u32 v9, v7  }
0x1ba: {  	v12 =	vand.u32 $0x380, v12;
	v10 =	vadd.s32 v19, v10;
	v19 =	vld [tilespmem:s3+$0x60];
	v6 =	vor.u32 v6, v7  }
0x1bb: {  	s8 =	sor.u32 $0x430, s5;
	v5 =	vand.u32 $0x7F, v5;
	v8 =	vld [tilespmem:s2+$0x60];
	[tilespmem:v4+s24+$0x0] =	vst.idx.msk $0xffff, v21;
	v4 =	vor.u32 v12, v10  }
0x1bc: {  	v7 =	vld [tilespmem:s8+$0x6000];
	v4 =	vor.u32 v5, v4  }
0x1bd: {  	[tilespmem:v3+s24+$0x0] =	vst.idx.msk $0xffff, v11  }
0x1be: {  	v3 =	vld [tilespmem:s11+$0x6070]  }
0x1bf: {  	s7 =	sadd.s32 $0xC00, s0;
	[tilespmem:v6+s24+$0x0] =	vst.idx.msk $0xffff, v19  }
0x1c0: {  	s0 =	sadd.s32 $0xFFFFFD00, s7;
	v5 =	vld [tilespmem:s3+$0x6070]  }
0x1c1: {  	s20 =	simm.s32 $0x300;
	s21 =	simm.s32 $0x400;
	s23 =	simm.s32 $0xC;
	v2 =	vsub.s32 v7, v2;
	[tilespmem:v4+s24+$0x0] =	vst.idx.msk $0xffff, v8;
	v8 =	vmov s0  }
0x1c2: {  	s22 =	sand.u32 $0x3800, s21;
	s5 =	sand.u32 $0x300, s20;
	v7 =	vmov s23;
	vm5 =	vgt.s32 v2, $0x17F;
	v6 =	vadd.s32 $0xFFFFFE80, v2  }
0x1c3: {  	s12 =	sor.u32 s22, s5;
	v4 =	vld [tilespmem:s2+$0x6070];
	v1 =	vsel vm5, s4, v1;
	v9 =	vsel vm5, v6, v2;
	v3 =	vsub.s32 v3, v17  }
0x1c4: {  	v6 =	vld [tilespmem:s12+$0x6000];
	v2 =	vshrl.u32 v1, $0x3;
	v11 =	vshll.u32 v1, $0x7;
	vm6 =	vgt.s32 v3, $0x17F  }
0x1c5: {  	v1 =	vsub.s32 v5, v16;
	v5 =	vadd.s32 $0xFFFFFE80, v3;
	v10 =	vmul.u32 $0xC00, v2  }
0x1c6: {  	s25 =	simm.s32 $0x200;
	s28 =	simm.s32 $0x280;
	v2 =	vshll.u32 v9, $0x3;
	vm7 =	vgt.s32 v1, $0x17F;
	v19 =	vadd.s32 $0xFFFFFE80, v1  }
0x1c7: {  	s14 =	sand.u32 $0x280, s28;
	s5 =	sand.u32 $0x200, s25;
	v20 =	vsel vm6, v5, v3;
	v11 =	vand.u32 $0x380, v11;
	v12 =	vand.u32 $0xFFFFFC00, v2  }
0x1c8: {  	s6 =	sor.u32 s5, s22;
	s5 =	sor.u32 s22, s14;
	v21 =	vsel vm7, s9, v18;
	v19 =	vsel vm7, v19, v1;
	v2 =	vsub.s32 v4, v13  }
0x1c9: {  	v27 =	vld [tilespmem:s5+$0x6000];
	v4 =	vsel vm6, s10, v15;
	vm8 =	vgt.s32 v2, $0x17F;
	v6 =	vsub.s32 v6, v8  }
0x1ca: {  	s0 =	simm.s32 $0xD;
	v22 =	vshrl.u32 v4, $0x3;
	v24 =	vadd.s32 $0xFFFFFE80, v2;
	vm3 =	vgt.s32 v6, $0x17F  }
0x1cb: {  	s30 =	sadd.s32 $0xFFFFFA00, s7;
	v32 =	vshll.u32 v4, $0x7;
	v5 =	vadd.s32 $0xFFFFFE80, v6;
	v3 =	vsel vm3, s0, v7  }
0x1cc: {  	v4 =	vmov s30;
	v1 =	vsel vm3, v5, v6;
	v5 =	vshrl.u32 v3, $0x3  }
0x1cd: {  	v24 =	vsel vm8, v24, v2;
	v25 =	vshll.u32 v1, $0x3;
	v5 =	vmul.u32 $0xC00, v5  }
0x1ce: {  	v27 =	vsub.s32 v27, v4;
	v3 =	vshll.u32 v3, $0x7;
	v25 =	vand.u32 $0xFFFFFC00, v25  }
0x1cf: {  	s13 =	simm.s32 $0x380;
	v6 =	vshrl.u32 v21, $0x3;
	v3 =	vand.u32 $0x380, v3;
	v2 =	vadd.s32 v25, v5  }
0x1d0: {  	s13 =	sand.u32 $0x380, s13;
	v26 =	vld [tilespmem:s6+$0x6000];
	vm10 =	vgt.s32 v27, $0x17F;
	v1 =	vand.u32 $0x7F, v1;
	v2 =	vor.u32 v3, v2  }
0x1d1: {  	s4 =	sor.u32 s22, s13;
	v37 =	vadd.s32 $0xFFFFFE80, v27;
	v28 =	vmul.u32 $0xC00, v6;
	v6 =	vld [tilespmem:s12+$0x0];
	v29 =	vor.u32 v1, v2  }
0x1d2: {  	v23 =	vsel vm8, s26, v14;
	v22 =	vmul.u32 $0xC00, v22;
	v27 =	vsel vm10, v37, v27;
	v25 =	vld [tilespmem:s4+$0x6000]  }
0x1d3: {  	v43 =	vshll.u32 v27, $0x3;
	v27 =	vand.u32 $0x7F, v27;
	v3 =	vshll.u32 v20, $0x3  }
0x1d4: {  	s15 =	simm.s32 $0x8;
	s29 =	sadd.s32 $0xFFFFF700, s7;
	v61 =	vand.u32 $0xFFFFFC00, v43;
	v1 =	vshll.u32 v19, $0x3;
	v2 =	vand.u32 $0xFFFFFC00, v3  }
0x1d5: {  	v3 =	vmov s15;
	v22 =	vadd.s32 v2, v22;
	v2 =	vmov s29  }
0x1d6: {  	v33 =	vand.u32 $0xFFFFFC00, v1;
	v1 =	vmov s7;
	v26 =	vsub.s32 v26, v2;
	[tilespmem:v29+s24+$0x0] =	vst.idx.msk $0xffff, v6  }
0x1d7: {  	s23 =	simm.s32 $0x9;
	v25 =	vsub.s32 v25, v1;
	vm9 =	vgt.s32 v26, $0x17F;
	v35 =	vadd.s32 $0xFFFFFE80, v26;
	v29 =	vld [tilespmem:s12+$0x6010]  }
0x1d8: {  	s16 =	simm.s32 $0xA;
	vm11 =	vgt.s32 v25, $0x17F;
	v34 =	vsel vm9, s23, v3;
	v39 =	vadd.s32 $0xFFFFFE80, v25  }
0x1d9: {  	v26 =	vsel vm9, v35, v26;
	v6 =	vmov s16;
	v54 =	vshrl.u32 v34, $0x3  }
0x1da: {  	s25 =	simm.s32 $0xB;
	v25 =	vsel vm11, v39, v25;
	v56 =	vshll.u32 v26, $0x3;
	v34 =	vshll.u32 v34, $0x7  }
0x1db: {  	v26 =	vand.u32 $0x7F, v26;
	v36 =	vsel vm10, s25, v6;
	v35 =	vmul.u32 $0xC00, v54  }
0x1dc: {  	v39 =	vand.u32 $0xFFFFFC00, v56;
	v34 =	vand.u32 $0x80, v34;
	v29 =	vsub.s32 v29, v8  }
0x1dd: {  	v40 =	vshrl.u32 v36, $0x3;
	v36 =	vshll.u32 v36, $0x7;
	vm12 =	vgt.s32 v29, $0x17F  }
0x1de: {  	v40 =	vmul.u32 $0xC00, v40;
	v42 =	vadd.s32 $0xFFFFFE80, v29;
	v41 =	vsel vm12, s0, v7  }
0x1df: {  	v35 =	vadd.s32 v39, v35;
	v29 =	vsel vm12, v42, v29;
	v57 =	vshrl.u32 v41, $0x3  }
0x1e0: {  	v36 =	vand.u32 $0x380, v36;
	v44 =	vshll.u32 v29, $0x3;
	v42 =	vmul.u32 $0xC00, v57  }
0x1e1: {  	v34 =	vor.u32 v34, v35;
	v41 =	vshll.u32 v41, $0x7;
	v44 =	vand.u32 $0xFFFFFC00, v44  }
0x1e2: {  	v26 =	vor.u32 v26, v34;
	v41 =	vand.u32 $0x380, v41;
	v58 =	vadd.s32 v44, v42  }
0x1e3: {  	v60 =	vld [tilespmem:s6+$0x0];
	v63 =	vadd.s32 v61, v40;
	v29 =	vand.u32 $0x7F, v29;
	v39 =	vor.u32 v41, v58  }
0x1e4: {  	s17 =	simm.s32 $0xE;
	v5 =	vshrl.u32 v23, $0x3;
	v59 =	vld [tilespmem:s12+$0x10];
	v36 =	vor.u32 v36, v63;
	v29 =	vor.u32 v29, v39  }
0x1e5: {  	v45 =	vld [tilespmem:s5+$0x0];
	v30 =	vmul.u32 $0xC00, v5;
	v5 =	vmov s17;
	s29 =	simm.s32 $0xF;
	v27 =	vor.u32 v27, v36  }
0x1e6: {  	v9 =	vand.u32 $0x7F, v9;
	v32 =	vand.u32 $0x80, v32;
	v38 =	vsel vm11, s29, v5  }
0x1e7: {  	v31 =	vshll.u32 v24, $0x3;
	v21 =	vshll.u32 v21, $0x7;
	v55 =	vshrl.u32 v38, $0x3  }
0x1e8: {  	v24 =	vand.u32 $0x7F, v24;
	v62 =	vmul.u32 $0xC00, v55;
	[tilespmem:v26+s24+$0x0] =	vst.idx.msk $0xffff, v60;
	v44 =	vshll.u32 v25, $0x3  }
0x1e9: {  	v20 =	vand.u32 $0x7F, v20;
	v38 =	vshll.u32 v38, $0x7;
	v40 =	vand.u32 $0xFFFFFC00, v44;
	[tilespmem:v29+s24+$0x0] =	vst.idx.msk $0xffff, v59  }
0x1ea: {  	v22 =	vor.u32 v32, v22;
	v38 =	vand.u32 $0x380, v38;
	[tilespmem:v27+s24+$0x0] =	vst.idx.msk $0xffff, v45;
	v34 =	vadd.s32 v40, v62;
	v26 =	vld [tilespmem:s12+$0x6020]  }
0x1eb: {  	v20 =	vor.u32 v20, v22;
	v25 =	vand.u32 $0x7F, v25;
	v22 =	vld [tilespmem:s5+$0x6010];
	v29 =	vor.u32 v38, v34  }
0x1ec: {  	v31 =	vand.u32 $0xFFFFFC00, v31;
	v23 =	vshll.u32 v23, $0x7;
	v25 =	vor.u32 v25, v29;
	v29 =	vld [tilespmem:s6+$0x6010]  }
0x1ed: {  	v21 =	vand.u32 $0x380, v21;
	v23 =	vand.u32 $0x380, v23;
	v28 =	vadd.s32 v33, v28  }
0x1ee: {  	v46 =	vld [tilespmem:s4+$0x0];
	v19 =	vand.u32 $0x7F, v19;
	v30 =	vadd.s32 v31, v30;
	v21 =	vor.u32 v21, v28  }
0x1ef: {  	v23 =	vor.u32 v23, v30;
	v19 =	vor.u32 v19, v21;
	v21 =	vsub.s32 v26, v8  }
0x1f0: {  	v23 =	vor.u32 v24, v23;
	v22 =	vsub.s32 v22, v4;
	vm13 =	vgt.s32 v21, $0x17F  }
0x1f1: {  	v24 =	vsub.s32 v29, v2;
	v27 =	vadd.s32 $0xFFFFFE80, v21;
	v26 =	vsel vm13, s0, v7  }
0x1f2: {  	vm14 =	vgt.s32 v24, $0x17F;
	v21 =	vsel vm13, v27, v21;
	v27 =	vshrl.u32 v26, $0x3  }
0x1f3: {  	[tilespmem:v25+s24+$0x0] =	vst.idx.msk $0xffff, v46;
	v28 =	vadd.s32 $0xFFFFFE80, v24;
	v29 =	vshll.u32 v21, $0x3;
	v27 =	vmul.u32 $0xC00, v27  }
0x1f4: {  	v25 =	vld [tilespmem:s4+$0x6010];
	v30 =	vsel vm14, s23, v3;
	v26 =	vshll.u32 v26, $0x7;
	v29 =	vand.u32 $0xFFFFFC00, v29  }
0x1f5: {  	v24 =	vsel vm14, v28, v24;
	v26 =	vand.u32 $0x380, v26;
	v27 =	vadd.s32 v29, v27  }
0x1f6: {  	v21 =	vand.u32 $0x7F, v21;
	v48 =	vshrl.u32 v30, $0x3;
	v26 =	vor.u32 v26, v27  }
0x1f7: {  	v51 =	vshll.u32 v24, $0x3;
	v33 =	vmul.u32 $0xC00, v48;
	v29 =	vld [tilespmem:s12+$0x20];
	v21 =	vor.u32 v21, v26  }
0x1f8: {  	vm15 =	vgt.s32 v22, $0x17F;
	v28 =	vld [tilespmem:s11+$0x70];
	v24 =	vand.u32 $0x7F, v24;
	v35 =	vand.u32 $0xFFFFFC00, v51  }
0x1f9: {  	v25 =	vsub.s32 v25, v1;
	v33 =	vadd.s32 v35, v33;
	v27 =	vsel vm15, s25, v6  }
0x1fa: {  	vm4 =	vgt.s32 v25, $0x17F;
	v47 =	vadd.s32 $0xFFFFFE80, v25;
	v26 =	vadd.s32 $0xFFFFFE80, v22  }
0x1fb: {  	v54 =	vld [tilespmem:s2+$0x70];
	v31 =	vsel vm4, s29, v5;
	v49 =	vshrl.u32 v27, $0x3;
	v25 =	vsel vm4, v47, v25  }
0x1fc: {  	p2 =	por $0x0, $0x0;
	v50 =	vld [tilespmem:s3+$0x70];
	s11 =	simm.s32 $0x1;
	v27 =	vshll.u32 v27, $0x7;
	v22 =	vsel vm15, v26, v22;
	v26 =	vshrl.u32 v31, $0x3;
	[tilespmem:v21+s24+$0x0] =	vst.idx.msk $0xffff, v29  }
0x1fd: {  	s11 =	simm.s32 @!p2 $0x0;
	[tilespmem:v20+s24+$0x0] =	vst.idx.msk $0xffff, v28;
	v34 =	vmul.u32 $0xC00, v49;
	v20 =	vshll.u32 v31, $0x7;
	v52 =	vshll.u32 v22, $0x3;
	v53 =	vld [tilespmem:s12+$0x6030]  }
0x1fe: {  	s1 =	sand.u32 $0x7, s1;
	s18 =	sshll.u32 s11, $0x9;
	v26 =	vmul.u32 $0xC00, v26;
	v20 =	vand.u32 $0x380, v20;
	v22 =	vand.u32 $0x7F, v22  }
0x1ff: {  	s1 =	sshll.u32 s1, $0x7;
	s11 =	sadd.s32 $0x0, s18;
	v21 =	vshll.u32 v25, $0x3;
	v29 =	vshll.u32 v30, $0x7;
	v30 =	vand.u32 $0xFFFFFC00, v52  }
0x200: {  	s1 =	sadd.s32 $0x0, s1;
	[tilespmem:v23+s24+$0x0] =	vst.idx.msk $0xffff, v54;
	v23 =	vld [tilespmem:s5+$0x10];
	s19 =	sor.u32 $0x400, s11;
	v21 =	vand.u32 $0xFFFFFC00, v21;
	v28 =	vand.u32 $0x80, v29;
	v29 =	vadd.s32 v30, v34  }
0x201: {  	s17 =	sadd.s32 $0x80, s1;
	[tilespmem:v19+s24+$0x0] =	vst.idx.msk $0xffff, v50;
	v30 =	vld [tilespmem:s19+$0x6000];
	v19 =	vadd.s32 v21, v26;
	v21 =	vor.u32 v28, v33;
	v26 =	vand.u32 $0x380, v27  }
0x202: {  	s20 =	sor.u32 $0x400, s17;
	v28 =	vld [tilespmem:s6+$0x10];
	v26 =	vor.u32 v26, v29;
	v21 =	vor.u32 v24, v21;
	v24 =	vsub.s32 v53, v8  }
0x203: {  	s1 =	sadd.s32 $0x180, s1;
	v27 =	vld [tilespmem:s20+$0x6000];
	v19 =	vor.u32 v20, v19;
	v20 =	vor.u32 v22, v26;
	vm5 =	vgt.s32 v24, $0x17F  }
0x204: {  	s21 =	sor.u32 $0x400, s1;
	v31 =	vld [tilespmem:s4+$0x10];
	v25 =	vand.u32 $0x7F, v25;
	v29 =	vadd.s32 $0xFFFFFE80, v24;
	v26 =	vsel vm5, s0, v7  }
0x205: {  	v22 =	vld [tilespmem:s21+$0x6000];
	v25 =	vor.u32 v25, v19;
	v19 =	vsel vm5, v29, v24;
	v24 =	vshrl.u32 v26, $0x3  }
0x206: {  	v10 =	vadd.s32 v12, v10;
	v12 =	vmul.u32 $0xC00, v24;
	v24 =	vshll.u32 v19, $0x3  }
0x207: {  	[tilespmem:v21+s24+$0x0] =	vst.idx.msk $0xffff, v28;
	v21 =	vand.u32 $0xFFFFFC00, v24;
	v24 =	vshll.u32 v26, $0x7;
	v26 =	vsub.s32 v30, v17  }
0x208: {  	v28 =	vld [tilespmem:s6+$0x6020];
	[tilespmem:v20+s24+$0x0] =	vst.idx.msk $0xffff, v23;
	v12 =	vadd.s32 v21, v12;
	v20 =	vand.u32 $0x380, v24;
	v21 =	vsub.s32 v27, v16  }
0x209: {  	v24 =	vand.u32 $0x7F, v19;
	vm6 =	vgt.s32 v26, $0x17F;
	v12 =	vor.u32 v20, v12  }
0x20a: {  	[tilespmem:v25+s24+$0x0] =	vst.idx.msk $0xffff, v31;
	v19 =	vsub.s32 v22, v13;
	v22 =	vld [tilespmem:s12+$0x30];
	v29 =	vadd.s32 $0xFFFFFE80, v26;
	v24 =	vor.u32 v24, v12  }
0x20b: {  	v27 =	vld [tilespmem:s4+$0x6020];
	vm7 =	vgt.s32 v21, $0x17F;
	vm8 =	vgt.s32 v19, $0x17F;
	v25 =	vsel vm6, s10, v15  }
0x20c: {  	v23 =	vld [tilespmem:s5+$0x6020];
	v31 =	vadd.s32 $0xFFFFFE80, v21;
	v20 =	vadd.s32 $0xFFFFFE80, v19;
	v26 =	vsel vm6, v29, v26  }
0x20d: {  	v30 =	vsel vm7, s9, v18;
	v12 =	vsel vm8, s26, v14;
	v28 =	vsub.s32 v28, v2  }
0x20e: {  	v21 =	vsel vm7, v31, v21;
	vm9 =	vgt.s32 v28, $0x17F;
	v31 =	vadd.s32 $0xFFFFFE80, v28  }
0x20f: {  	v29 =	vshrl.u32 v25, $0x3;
	v25 =	vshll.u32 v25, $0x7;
	v28 =	vsel vm9, v31, v28;
	[tilespmem:v24+s24+$0x0] =	vst.idx.msk $0xffff, v22  }
0x210: {  	v62 =	vshll.u32 v28, $0x3;
	v28 =	vand.u32 $0x7F, v28;
	v24 =	vsub.s32 v27, v1;
	v27 =	vld [tilespmem:s12+$0x6040]  }
0x211: {  	v36 =	vand.u32 $0xFFFFFC00, v62;
	v22 =	vsub.s32 v23, v4;
	v23 =	vsel vm9, s23, v3  }
0x212: {  	vm11 =	vgt.s32 v24, $0x17F;
	v59 =	vadd.s32 $0xFFFFFE80, v24;
	v31 =	vshrl.u32 v23, $0x3  }
0x213: {  	v23 =	vshll.u32 v23, $0x7;
	v58 =	vsel vm11, s29, v5;
	v24 =	vsel vm11, v59, v24  }
0x214: {  	v31 =	vmul.u32 $0xC00, v31;
	v23 =	vand.u32 $0x80, v23;
	v61 =	vshrl.u32 v58, $0x3  }
0x215: {  	v50 =	vshll.u32 v24, $0x3;
	v35 =	vshll.u32 v58, $0x7;
	v27 =	vsub.s32 v27, v8  }
0x216: {  	v24 =	vand.u32 $0x7F, v24;
	v34 =	vmul.u32 $0xC00, v61;
	vm12 =	vgt.s32 v27, $0x17F  }
0x217: {  	v51 =	vand.u32 $0xFFFFFC00, v50;
	v45 =	vadd.s32 $0xFFFFFE80, v27;
	v44 =	vsel vm12, s0, v7  }
0x218: {  	v35 =	vand.u32 $0x380, v35;
	v27 =	vsel vm12, v45, v27;
	v46 =	vshrl.u32 v44, $0x3  }
0x219: {  	v33 =	vadd.s32 v51, v34;
	v47 =	vshll.u32 v27, $0x3;
	v40 =	vmul.u32 $0xC00, v46  }
0x21a: {  	v33 =	vor.u32 v35, v33;
	v39 =	vshll.u32 v44, $0x7;
	v41 =	vand.u32 $0xFFFFFC00, v47  }
0x21b: {  	v53 =	vld [tilespmem:s4+$0x20];
	v24 =	vor.u32 v24, v33;
	v39 =	vand.u32 $0x380, v39;
	v48 =	vadd.s32 v41, v40  }
0x21c: {  	v31 =	vadd.s32 v36, v31;
	v27 =	vand.u32 $0x7F, v27;
	v36 =	vor.u32 v39, v48  }
0x21d: {  	vm10 =	vgt.s32 v22, $0x17F;
	v23 =	vor.u32 v23, v31;
	v31 =	vld [tilespmem:s12+$0x40];
	v27 =	vor.u32 v27, v36  }
0x21e: {  	v49 =	vld [tilespmem:s6+$0x20];
	v57 =	vadd.s32 $0xFFFFFE80, v22;
	v56 =	vsel vm10, s25, v6;
	v23 =	vor.u32 v28, v23  }
0x21f: {  	v19 =	vsel vm8, v20, v19;
	v22 =	vsel vm10, v57, v22;
	v60 =	vshrl.u32 v56, $0x3  }
0x220: {  	v55 =	vshrl.u32 v30, $0x3;
	v63 =	vshll.u32 v22, $0x3;
	v37 =	vmul.u32 $0xC00, v60;
	[tilespmem:v24+s24+$0x0] =	vst.idx.msk $0xffff, v53  }
0x221: {  	v29 =	vmul.u32 $0xC00, v29;
	v38 =	vand.u32 $0xFFFFFC00, v63;
	v28 =	vshll.u32 v56, $0x7;
	v24 =	vld [tilespmem:s4+$0x6030]  }
0x222: {  	v30 =	vshll.u32 v30, $0x7;
	v37 =	vadd.s32 v38, v37;
	v28 =	vand.u32 $0x380, v28;
	[tilespmem:v27+s24+$0x0] =	vst.idx.msk $0xffff, v31  }
0x223: {  	v25 =	vand.u32 $0x80, v25;
	v22 =	vand.u32 $0x7F, v22;
	v28 =	vor.u32 v28, v37;
	[tilespmem:v23+s24+$0x0] =	vst.idx.msk $0xffff, v49;
	v23 =	vld [tilespmem:s12+$0x6050]  }
0x224: {  	v22 =	vor.u32 v22, v28;
	v28 =	vshll.u32 v21, $0x3;
	v21 =	vand.u32 $0x7F, v21  }
0x225: {  	v28 =	vand.u32 $0xFFFFFC00, v28;
	v27 =	vshll.u32 v26, $0x3;
	v31 =	vmul.u32 $0xC00, v55  }
0x226: {  	v26 =	vand.u32 $0x7F, v26;
	v24 =	vsub.s32 v24, v1;
	v27 =	vand.u32 $0xFFFFFC00, v27  }
0x227: {  	vm6 =	vgt.s32 v24, $0x17F;
	v57 =	vadd.s32 $0xFFFFFE80, v24;
	v27 =	vadd.s32 v27, v29  }
0x228: {  	v52 =	vld [tilespmem:s5+$0x20];
	v28 =	vadd.s32 v28, v31;
	v29 =	vand.u32 $0x380, v30;
	v23 =	vsub.s32 v23, v8  }
0x229: {  	v25 =	vor.u32 v25, v27;
	v27 =	vor.u32 v29, v28;
	vm13 =	vgt.s32 v23, $0x17F  }
0x22a: {  	v54 =	vld [tilespmem:s6+$0x6030];
	v21 =	vor.u32 v21, v27;
	v28 =	vadd.s32 $0xFFFFFE80, v23;
	v27 =	vsel vm13, s0, v7  }
0x22b: {  	v55 =	vsel vm6, s29, v5;
	v23 =	vsel vm13, v28, v23;
	v28 =	vshrl.u32 v27, $0x3  }
0x22c: {  	v24 =	vsel vm6, v57, v24;
	v31 =	vshll.u32 v23, $0x3;
	v28 =	vmul.u32 $0xC00, v28  }
0x22d: {  	[tilespmem:v22+s24+$0x0] =	vst.idx.msk $0xffff, v52;
	v58 =	vshrl.u32 v55, $0x3;
	v27 =	vshll.u32 v27, $0x7;
	v31 =	vand.u32 $0xFFFFFC00, v31  }
0x22e: {  	v22 =	vor.u32 v26, v25;
	v25 =	vld [tilespmem:s5+$0x6030];
	v27 =	vand.u32 $0x380, v27;
	v28 =	vadd.s32 v31, v28  }
0x22f: {  	v26 =	vsub.s32 v54, v2;
	v23 =	vand.u32 $0x7F, v23;
	v27 =	vor.u32 v27, v28  }
0x230: {  	v32 =	vshll.u32 v55, $0x7;
	vm14 =	vgt.s32 v26, $0x17F;
	v31 =	vld [tilespmem:s12+$0x50];
	v23 =	vor.u32 v23, v27  }
0x231: {  	v33 =	vmul.u32 $0xC00, v58;
	v29 =	vadd.s32 $0xFFFFFE80, v26;
	v30 =	vsel vm14, s23, v3  }
0x232: {  	v32 =	vand.u32 $0x380, v32;
	v26 =	vsel vm14, v29, v26;
	v56 =	vshrl.u32 v30, $0x3  }
0x233: {  	v59 =	vshll.u32 v26, $0x3;
	v30 =	vshll.u32 v30, $0x7;
	v25 =	vsub.s32 v25, v4  }
0x234: {  	v26 =	vand.u32 $0x7F, v26;
	v29 =	vmul.u32 $0xC00, v56;
	vm15 =	vgt.s32 v25, $0x17F  }
0x235: {  	v34 =	vand.u32 $0xFFFFFC00, v59;
	v28 =	vsel vm15, s25, v6;
	v27 =	vadd.s32 $0xFFFFFE80, v25;
	[tilespmem:v23+s24+$0x0] =	vst.idx.msk $0xffff, v31  }
0x236: {  	v30 =	vand.u32 $0x80, v30;
	v25 =	vsel vm15, v27, v25;
	v27 =	vshrl.u32 v28, $0x3;
	v61 =	vld [tilespmem:s12+$0x6060]  }
0x237: {  	v29 =	vadd.s32 v34, v29;
	v27 =	vmul.u32 $0xC00, v27;
	v60 =	vshll.u32 v25, $0x3  }
0x238: {  	v29 =	vor.u32 v30, v29;
	v30 =	vld [tilespmem:s20+$0x0];
	v28 =	vshll.u32 v28, $0x7;
	v31 =	vand.u32 $0xFFFFFC00, v60  }
0x239: {  	v26 =	vor.u32 v26, v29;
	v28 =	vand.u32 $0x380, v28;
	v27 =	vadd.s32 v31, v27;
	v31 =	vld [tilespmem:s19+$0x0]  }
0x23a: {  	v25 =	vand.u32 $0x7F, v25;
	v23 =	vshll.u32 v24, $0x3;
	v27 =	vor.u32 v28, v27;
	v28 =	vld [tilespmem:s6+$0x30]  }
0x23b: {  	v62 =	vld [tilespmem:s5+$0x30];
	v23 =	vand.u32 $0xFFFFFC00, v23;
	v25 =	vor.u32 v25, v27;
	v29 =	vsub.s32 v61, v8  }
0x23c: {  	v24 =	vand.u32 $0x7F, v24;
	v23 =	vadd.s32 v23, v33;
	vm7 =	vgt.s32 v29, $0x17F  }
0x23d: {  	[tilespmem:v21+s24+$0x0] =	vst.idx.msk $0xffff, v30;
	v23 =	vor.u32 v32, v23;
	v63 =	vadd.s32 $0xFFFFFE80, v29;
	v27 =	vsel vm7, s0, v7  }
0x23e: {  	s28 =	sor.u32 $0x410, s17;
	v23 =	vor.u32 v24, v23;
	[tilespmem:v22+s24+$0x0] =	vst.idx.msk $0xffff, v31;
	v22 =	vld [tilespmem:s4+$0x30];
	v24 =	vsel vm7, v63, v29;
	v29 =	vshrl.u32 v27, $0x3  }
0x23f: {  	s22 =	sor.u32 $0x410, s11;
	v30 =	vshrl.u32 v12, $0x3;
	v31 =	vld [tilespmem:s28+$0x6000];
	[tilespmem:v26+s24+$0x0] =	vst.idx.msk $0xffff, v28;
	v21 =	vmul.u32 $0xC00, v29;
	v29 =	vshll.u32 v24, $0x3  }
0x240: {  	v20 =	vld [tilespmem:s22+$0x6000];
	v28 =	vmul.u32 $0xC00, v30;
	[tilespmem:v25+s24+$0x0] =	vst.idx.msk $0xffff, v62;
	v27 =	vshll.u32 v27, $0x7;
	v26 =	vand.u32 $0xFFFFFC00, v29  }
0x241: {  	v25 =	vand.u32 $0x380, v27;
	v27 =	vld [tilespmem:s5+$0x6040];
	v21 =	vadd.s32 v26, v21;
	v26 =	vshll.u32 v19, $0x3  }
0x242: {  	v12 =	vshll.u32 v12, $0x7;
	v29 =	vld [tilespmem:s6+$0x6040];
	v21 =	vor.u32 v25, v21;
	v25 =	vand.u32 $0xFFFFFC00, v26  }
0x243: {  	v12 =	vand.u32 $0x380, v12;
	v24 =	vand.u32 $0x7F, v24;
	[tilespmem:v23+s24+$0x0] =	vst.idx.msk $0xffff, v22;
	v23 =	vadd.s32 v25, v28  }
0x244: {  	v10 =	vor.u32 v11, v10;
	v22 =	vld [tilespmem:s12+$0x60];
	v21 =	vor.u32 v24, v21;
	v11 =	vor.u32 v12, v23  }
0x245: {  	v24 =	vld [tilespmem:s4+$0x6040];
	v12 =	vand.u32 $0x7F, v19;
	v19 =	vor.u32 v9, v10;
	v10 =	vsub.s32 v20, v17  }
0x246: {  	v20 =	vsub.s32 v27, v4;
	v9 =	vor.u32 v12, v11;
	v11 =	vsub.s32 v31, v16  }
0x247: {  	v12 =	vsub.s32 v29, v2;
	vm9 =	vgt.s32 v20, $0x17F;
	v26 =	vadd.s32 $0xFFFFFE80, v20  }
0x248: {  	vm8 =	vgt.s32 v12, $0x17F;
	v23 =	vadd.s32 $0xFFFFFE80, v12;
	v20 =	vsel vm9, v26, v20  }
0x249: {  	v12 =	vsel vm8, v23, v12;
	v30 =	vshll.u32 v20, $0x3;
	v20 =	vand.u32 $0x7F, v20  }
0x24a: {  	[tilespmem:v21+s24+$0x0] =	vst.idx.msk $0xffff, v22;
	v21 =	vsel vm8, s23, v3;
	v22 =	vsub.s32 v24, v1;
	v24 =	vsel vm9, s25, v6  }
0x24b: {  	v30 =	vand.u32 $0xFFFFFC00, v30;
	v25 =	vld [tilespmem:s12+$0x6070];
	vm10 =	vgt.s32 v22, $0x17F;
	v27 =	vshrl.u32 v21, $0x3  }
0x24c: {  	v29 =	vadd.s32 $0xFFFFFE80, v22;
	v23 =	vshrl.u32 v24, $0x3;
	v21 =	vshll.u32 v21, $0x7  }
0x24d: {  	v31 =	vld [tilespmem:s21+$0x0];
	v24 =	vshll.u32 v24, $0x7;
	v28 =	vsel vm10, s29, v5;
	v26 =	vmul.u32 $0xC00, v27  }
0x24e: {  	v22 =	vsel vm10, v29, v22;
	v29 =	vshll.u32 v12, $0x3;
	v23 =	vmul.u32 $0xC00, v23  }
0x24f: {  	v21 =	vand.u32 $0x80, v21;
	v24 =	vand.u32 $0x380, v24;
	v12 =	vand.u32 $0x7F, v12  }
0x250: {  	v27 =	vshrl.u32 v28, $0x3;
	v29 =	vand.u32 $0xFFFFFC00, v29;
	v25 =	vsub.s32 v25, v8  }
0x251: {  	v36 =	vshll.u32 v22, $0x3;
	v27 =	vmul.u32 $0xC00, v27;
	vm11 =	vgt.s32 v25, $0x17F  }
0x252: {  	[tilespmem:v9+s24+$0x0] =	vst.idx.msk $0xffff, v31;
	v9 =	vand.u32 $0xFFFFFC00, v36;
	v38 =	vadd.s32 $0xFFFFFE80, v25;
	v37 =	vsel vm11, s0, v7  }
0x253: {  	v26 =	vadd.s32 v29, v26;
	v25 =	vsel vm11, v38, v25;
	v39 =	vshrl.u32 v37, $0x3  }
0x254: {  	v23 =	vadd.s32 v30, v23;
	v40 =	vshll.u32 v25, $0x3;
	v34 =	vmul.u32 $0xC00, v39  }
0x255: {  	s30 =	sor.u32 $0x410, s1;
	v21 =	vor.u32 v21, v26;
	v33 =	vshll.u32 v37, $0x7;
	v35 =	vand.u32 $0xFFFFFC00, v40  }
0x256: {  	v42 =	vld [tilespmem:s30+$0x6000];
	v9 =	vadd.s32 v9, v27;
	v41 =	vand.u32 $0x380, v33;
	v31 =	vadd.s32 v35, v34  }
0x257: {  	v27 =	vld [tilespmem:s6+$0x40];
	v12 =	vor.u32 v12, v21;
	v25 =	vand.u32 $0x7F, v25;
	v31 =	vor.u32 v41, v31  }
0x258: {  	s15 =	simm.s32 $0x2;
	v28 =	vshll.u32 v28, $0x7;
	v29 =	vld [tilespmem:s12+$0x70];
	v23 =	vor.u32 v24, v23;
	v25 =	vor.u32 v25, v31  }
0x259: {  	s12 =	sand.u32 $0x3, s15;
	v26 =	vand.u32 $0x380, v28;
	v21 =	vld [tilespmem:s5+$0x40];
	v20 =	vor.u32 v20, v23  }
0x25a: {  	v22 =	vand.u32 $0x7F, v22;
	s12 =	sshll.u32 s12, $0x8;
	v9 =	vor.u32 v26, v9  }
0x25b: {  	vm12 =	vgt.s32 v10, $0x17F;
	v24 =	vld [tilespmem:s4+$0x40];
	v28 =	vadd.s32 $0xFFFFFE80, v10;
	s12 =	sadd.s32 $0x400, s12;
	v9 =	vor.u32 v22, v9  }
0x25c: {  	vm13 =	vgt.s32 v11, $0x17F;
	v10 =	vsel vm12, v28, v10;
	s12 =	sadd.s32 $0x100, s12;
	v23 =	vsub.s32 v42, v13;
	[tilespmem:v12+s24+$0x0] =	vst.idx.msk $0xffff, v27  }
0x25d: {  	v26 =	vsel vm13, s9, v18;
	s16 =	sor.u32 $0x400, s12;
	v22 =	vsel vm12, s10, v15;
	vm14 =	vgt.s32 v23, $0x17F;
	v27 =	vld [tilespmem:s6+$0x6050];
	[tilespmem:v25+s24+$0x0] =	vst.idx.msk $0xffff, v29  }
0x25e: {  	v30 =	vshrl.u32 v22, $0x3;
	v43 =	vadd.s32 $0xFFFFFE80, v23;
	v22 =	vshll.u32 v22, $0x7;
	[tilespmem:v20+s24+$0x0] =	vst.idx.msk $0xffff, v21;
	v25 =	vld [tilespmem:s16+$0x6000]  }
0x25f: {  	v22 =	vand.u32 $0x80, v22;
	v12 =	vshrl.u32 v26, $0x3;
	v20 =	vmul.u32 $0xC00, v30;
	v28 =	vld [tilespmem:s5+$0x6050]  }
0x260: {  	v21 =	vsel vm14, v43, v23;
	v26 =	vshll.u32 v26, $0x7;
	[tilespmem:v9+s24+$0x0] =	vst.idx.msk $0xffff, v24;
	v9 =	vshll.u32 v10, $0x3  }
0x261: {  	v12 =	vmul.u32 $0xC00, v12;
	v31 =	vsel vm14, s26, v14;
	v9 =	vand.u32 $0xFFFFFC00, v9  }
0x262: {  	v10 =	vand.u32 $0x7F, v10;
	v23 =	vshrl.u32 v31, $0x3;
	v9 =	vadd.s32 v9, v20  }
0x263: {  	v23 =	vmul.u32 $0xC00, v23;
	v27 =	vsub.s32 v27, v2;
	v25 =	vsub.s32 v25, v8  }
0x264: {  	v24 =	vld [tilespmem:s4+$0x6050];
	v28 =	vsub.s32 v28, v4;
	vm4 =	vgt.s32 v27, $0x17F;
	vm15 =	vgt.s32 v25, $0x17F  }
0x265: {  	vm5 =	vgt.s32 v28, $0x17F;
	v44 =	vadd.s32 $0xFFFFFE80, v25;
	v30 =	vsel vm15, s0, v7  }
0x266: {  	v49 =	vadd.s32 $0xFFFFFE80, v27;
	v25 =	vsel vm15, v44, v25;
	v45 =	vshrl.u32 v30, $0x3  }
0x267: {  	v50 =	vadd.s32 $0xFFFFFE80, v28;
	v46 =	vshll.u32 v25, $0x3;
	v32 =	vmul.u32 $0xC00, v45  }
0x268: {  	v29 =	vadd.s32 $0xFFFFFE80, v11;
	v30 =	vshll.u32 v30, $0x7;
	v33 =	vand.u32 $0xFFFFFC00, v46  }
0x269: {  	v24 =	vsub.s32 v24, v1;
	v30 =	vand.u32 $0x380, v30;
	v32 =	vadd.s32 v33, v32  }
0x26a: {  	v47 =	vsel vm4, s23, v3;
	v25 =	vand.u32 $0x7F, v25;
	v30 =	vor.u32 v30, v32  }
0x26b: {  	v27 =	vsel vm4, v49, v27;
	v28 =	vsel vm5, v50, v28;
	v48 =	vld [tilespmem:s16+$0x0];
	v25 =	vor.u32 v25, v30  }
0x26c: {  	v50 =	vshll.u32 v21, $0x3;
	vm6 =	vgt.s32 v24, $0x17F;
	v52 =	vshrl.u32 v47, $0x3  }
0x26d: {  	v54 =	vadd.s32 $0xFFFFFE80, v24;
	v58 =	vshll.u32 v27, $0x3;
	v59 =	vshll.u32 v28, $0x3  }
0x26e: {  	v27 =	vand.u32 $0x7F, v27;
	v28 =	vand.u32 $0x7F, v28;
	v51 =	vsel vm6, s29, v5  }
0x26f: {  	v56 =	vmul.u32 $0xC00, v52;
	v24 =	vsel vm6, v54, v24;
	v60 =	vand.u32 $0xFFFFFC00, v58  }
0x270: {  	s18 =	sor.u32 $0x410, s12;
	v61 =	vand.u32 $0xFFFFFC00, v59;
	v55 =	vshrl.u32 v51, $0x3;
	v63 =	vshll.u32 v24, $0x3;
	[tilespmem:v25+s24+$0x0] =	vst.idx.msk $0xffff, v48  }
0x271: {  	v37 =	vshll.u32 v51, $0x7;
	v24 =	vand.u32 $0x7F, v24;
	v30 =	vsel vm5, s25, v6;
	v62 =	vld [tilespmem:s18+$0x6000]  }
0x272: {  	v39 =	vand.u32 $0xFFFFFC00, v63;
	v32 =	vshll.u32 v47, $0x7;
	v53 =	vshrl.u32 v30, $0x3  }
0x273: {  	v33 =	vadd.s32 v60, v56;
	v32 =	vand.u32 $0x80, v32;
	v57 =	vmul.u32 $0xC00, v53  }
0x274: {  	v40 =	vand.u32 $0x380, v37;
	v30 =	vshll.u32 v30, $0x7;
	v32 =	vor.u32 v32, v33  }
0x275: {  	v30 =	vand.u32 $0x380, v30;
	v34 =	vadd.s32 v61, v57;
	v25 =	vmul.u32 $0xC00, v55  }
0x276: {  	v44 =	vld [tilespmem:s6+$0x50];
	v27 =	vor.u32 v27, v32;
	v30 =	vor.u32 v30, v34;
	v41 =	vsub.s32 v62, v8  }
0x277: {  	v47 =	vld [tilespmem:s5+$0x50];
	v28 =	vor.u32 v28, v30;
	v25 =	vadd.s32 v39, v25;
	vm7 =	vgt.s32 v41, $0x17F  }
0x278: {  	v25 =	vor.u32 v40, v25;
	v43 =	vadd.s32 $0xFFFFFE80, v41;
	v42 =	vsel vm7, s0, v7  }
0x279: {  	v49 =	vld [tilespmem:s4+$0x50];
	v24 =	vor.u32 v24, v25;
	v45 =	vsel vm7, v43, v41;
	v46 =	vshrl.u32 v42, $0x3  }
0x27a: {  	v11 =	vsel vm13, v29, v11;
	v48 =	vshll.u32 v45, $0x3;
	v30 =	vmul.u32 $0xC00, v46  }
0x27b: {  	v20 =	vand.u32 $0xFFFFFC00, v50;
	[tilespmem:v27+s24+$0x0] =	vst.idx.msk $0xffff, v44;
	v33 =	vshll.u32 v42, $0x7;
	v25 =	vand.u32 $0xFFFFFC00, v48  }
0x27c: {  	v29 =	vshll.u32 v11, $0x3;
	[tilespmem:v28+s24+$0x0] =	vst.idx.msk $0xffff, v47;
	v28 =	vld [tilespmem:s6+$0x6060];
	v25 =	vadd.s32 v25, v30;
	v30 =	vand.u32 $0x380, v33  }
0x27d: {  	v20 =	vadd.s32 v20, v23;
	v23 =	vld [tilespmem:s5+$0x6060];
	v32 =	vand.u32 $0x7F, v45;
	v25 =	vor.u32 v30, v25  }
0x27e: {  	v9 =	vor.u32 v22, v9;
	v29 =	vand.u32 $0xFFFFFC00, v29;
	v27 =	vld [tilespmem:s18+$0x0];
	[tilespmem:v24+s24+$0x0] =	vst.idx.msk $0xffff, v49;
	v25 =	vor.u32 v32, v25  }
0x27f: {  	v22 =	vand.u32 $0x380, v26;
	v9 =	vor.u32 v10, v9;
	v12 =	vadd.s32 v29, v12;
	v26 =	vld [tilespmem:s4+$0x6060]  }
0x280: {  	v21 =	vand.u32 $0x7F, v21;
	v11 =	vand.u32 $0x7F, v11;
	v12 =	vor.u32 v22, v12  }
0x281: {  	v10 =	vor.u32 v11, v12;
	v12 =	vsub.s32 v28, v2;
	v30 =	vshll.u32 v31, $0x7  }
0x282: {  	vm8 =	vgt.s32 v12, $0x17F;
	v22 =	vsub.s32 v23, v4;
	v24 =	vand.u32 $0x380, v30  }
0x283: {  	s19 =	sor.u32 $0x420, s12;
	v23 =	vsel vm8, s23, v3;
	vm9 =	vgt.s32 v22, $0x17F;
	v20 =	vor.u32 v24, v20;
	[tilespmem:v25+s24+$0x0] =	vst.idx.msk $0xffff, v27  }
0x284: {  	v24 =	vsub.s32 v26, v1;
	v26 =	vadd.s32 $0xFFFFFE80, v22;
	v11 =	vor.u32 v21, v20;
	v20 =	vld [tilespmem:s19+$0x6000]  }
0x285: {  	v21 =	vadd.s32 $0xFFFFFE80, v12;
	vm10 =	vgt.s32 v24, $0x17F;
	v29 =	vadd.s32 $0xFFFFFE80, v24  }
0x286: {  	v22 =	vsel vm9, v26, v22;
	v28 =	vsel vm10, s29, v5;
	v12 =	vsel vm8, v21, v12  }
0x287: {  	v24 =	vsel vm10, v29, v24;
	v55 =	vshll.u32 v22, $0x3;
	v26 =	vshrl.u32 v28, $0x3  }
0x288: {  	v51 =	vld [tilespmem:s28+$0x0];
	v54 =	vshll.u32 v12, $0x3;
	v28 =	vshll.u32 v28, $0x7;
	v12 =	vand.u32 $0x7F, v12  }
0x289: {  	v53 =	vld [tilespmem:s30+$0x0];
	v25 =	vsel vm9, s25, v6;
	v27 =	vshrl.u32 v23, $0x3;
	v20 =	vsub.s32 v20, v8  }
0x28a: {  	v29 =	vld [tilespmem:s22+$0x0];
	v26 =	vmul.u32 $0xC00, v26;
	v23 =	vshll.u32 v23, $0x7;
	vm11 =	vgt.s32 v20, $0x17F  }
0x28b: {  	v21 =	vshrl.u32 v25, $0x3;
	v31 =	vadd.s32 $0xFFFFFE80, v20;
	v30 =	vsel vm11, s0, v7  }
0x28c: {  	v27 =	vmul.u32 $0xC00, v27;
	v20 =	vsel vm11, v31, v20;
	v31 =	vshrl.u32 v30, $0x3  }
0x28d: {  	[tilespmem:v10+s24+$0x0] =	vst.idx.msk $0xffff, v51;
	v25 =	vshll.u32 v25, $0x7;
	v52 =	vshll.u32 v20, $0x3;
	v31 =	vmul.u32 $0xC00, v31  }
0x28e: {  	s14 =	sor.u32 $0x420, s17;
	v23 =	vand.u32 $0x80, v23;
	[tilespmem:v11+s24+$0x0] =	vst.idx.msk $0xffff, v53;
	v30 =	vshll.u32 v30, $0x7;
	v33 =	vand.u32 $0xFFFFFC00, v52  }
0x28f: {  	s18 =	sor.u32 $0x420, s11;
	v11 =	vld [tilespmem:s14+$0x6000];
	[tilespmem:v9+s24+$0x0] =	vst.idx.msk $0xffff, v29;
	v9 =	vand.u32 $0xFFFFFC00, v54;
	v30 =	vand.u32 $0x380, v30;
	v31 =	vadd.s32 v33, v31  }
0x290: {  	v10 =	vld [tilespmem:s18+$0x6000];
	v9 =	vadd.s32 v9, v27;
	v20 =	vand.u32 $0x7F, v20;
	v30 =	vor.u32 v30, v31  }
0x291: {  	v21 =	vmul.u32 $0xC00, v21;
	v29 =	vld [tilespmem:s19+$0x0];
	v9 =	vor.u32 v23, v9;
	v20 =	vor.u32 v20, v30  }
0x292: {  	s16 =	sor.u32 $0x420, s1;
	v23 =	vand.u32 $0x380, v25;
	v31 =	vand.u32 $0xFFFFFC00, v55;
	v30 =	vshll.u32 v24, $0x3  }
0x293: {  	v9 =	vor.u32 v12, v9;
	v21 =	vadd.s32 v31, v21;
	v27 =	vand.u32 $0xFFFFFC00, v30;
	v30 =	vld [tilespmem:s16+$0x6000]  }
0x294: {  	v12 =	vand.u32 $0x7F, v22;
	v21 =	vor.u32 v23, v21;
	v26 =	vadd.s32 v27, v26;
	v27 =	vld [tilespmem:s6+$0x60]  }
0x295: {  	v10 =	vsub.s32 v10, v17;
	v23 =	vand.u32 $0x7F, v24;
	v24 =	vld [tilespmem:s5+$0x60];
	v12 =	vor.u32 v12, v21  }
0x296: {  	s2 =	sor.u32 $0x430, s12;
	v25 =	vand.u32 $0x380, v28;
	v11 =	vsub.s32 v11, v16;
	vm12 =	vgt.s32 v10, $0x17F;
	[tilespmem:v20+s24+$0x0] =	vst.idx.msk $0xffff, v29  }
0x297: {  	vm13 =	vgt.s32 v11, $0x17F;
	v28 =	vsel vm12, s10, v15;
	v20 =	vor.u32 v25, v26;
	v22 =	vld [tilespmem:s2+$0x6000]  }
0x298: {  	v25 =	vadd.s32 $0xFFFFFE80, v10;
	v29 =	vsel vm13, s9, v18;
	v20 =	vor.u32 v23, v20  }
0x299: {  	v21 =	vld [tilespmem:s4+$0x60];
	v26 =	vadd.s32 $0xFFFFFE80, v11;
	v23 =	vsub.s32 v30, v13;
	v10 =	vsel vm12, v25, v10;
	[tilespmem:v9+s24+$0x0] =	vst.idx.msk $0xffff, v27  }
0x29a: {  	v11 =	vsel vm13, v26, v11;
	vm14 =	vgt.s32 v23, $0x17F;
	[tilespmem:v12+s24+$0x0] =	vst.idx.msk $0xffff, v24;
	v12 =	vshrl.u32 v28, $0x3;
	v27 =	vld [tilespmem:s6+$0x6070]  }
0x29b: {  	v24 =	vshrl.u32 v29, $0x3;
	v28 =	vshll.u32 v28, $0x7;
	v29 =	vshll.u32 v29, $0x7  }
0x29c: {  	v9 =	vsel vm14, s26, v14;
	v8 =	vsub.s32 v22, v8;
	v22 =	vadd.s32 $0xFFFFFE80, v23  }
0x29d: {  	v30 =	vld [tilespmem:s5+$0x6070];
	vm15 =	vgt.s32 v8, $0x17F;
	v31 =	vadd.s32 $0xFFFFFE80, v8;
	v22 =	vsel vm14, v22, v23  }
0x29e: {  	[tilespmem:v20+s24+$0x0] =	vst.idx.msk $0xffff, v21;
	v7 =	vsel vm15, s0, v7;
	v8 =	vsel vm15, v31, v8;
	v31 =	vshrl.u32 v9, $0x3  }
0x29f: {  	v21 =	vld [tilespmem:s4+$0x6070];
	v23 =	vsub.s32 v27, v2;
	v9 =	vshll.u32 v9, $0x7;
	v20 =	vshrl.u32 v7, $0x3  }
0x2a0: {  	v25 =	vshll.u32 v8, $0x3;
	v7 =	vshll.u32 v7, $0x7;
	v20 =	vmul.u32 $0xC00, v20  }
0x2a1: {  	v8 =	vand.u32 $0x7F, v8;
	vm6 =	vgt.s32 v23, $0x17F;
	v25 =	vand.u32 $0xFFFFFC00, v25  }
0x2a2: {  	v7 =	vand.u32 $0x380, v7;
	v20 =	vadd.s32 v25, v20;
	v25 =	vsub.s32 v30, v4  }
0x2a3: {  	v9 =	vand.u32 $0x380, v9;
	v7 =	vor.u32 v7, v20;
	vm7 =	vgt.s32 v25, $0x17F  }
0x2a4: {  	v27 =	vadd.s32 $0xFFFFFE80, v25;
	v20 =	vor.u32 v8, v7;
	v7 =	vsub.s32 v21, v1  }
0x2a5: {  	v8 =	vsel vm6, s23, v3;
	v21 =	vadd.s32 $0xFFFFFE80, v23;
	v26 =	vsel vm7, s25, v6  }
0x2a6: {  	vm8 =	vgt.s32 v7, $0x17F;
	v30 =	vshrl.u32 v8, $0x3;
	v57 =	vadd.s32 $0xFFFFFE80, v7  }
0x2a7: {  	v21 =	vsel vm6, v21, v23;
	v23 =	vsel vm7, v27, v25;
	v25 =	vshrl.u32 v26, $0x3  }
0x2a8: {  	v8 =	vshll.u32 v8, $0x7;
	v26 =	vshll.u32 v26, $0x7;
	v56 =	vsel vm8, s29, v5  }
0x2a9: {  	v27 =	vmul.u32 $0xC00, v30;
	v7 =	vsel vm8, v57, v7;
	v58 =	vshll.u32 v21, $0x3  }
0x2aa: {  	v25 =	vmul.u32 $0xC00, v25;
	v59 =	vshll.u32 v23, $0x3;
	v8 =	vand.u32 $0x80, v8  }
0x2ab: {  	v26 =	vand.u32 $0x380, v26;
	v21 =	vand.u32 $0x7F, v21;
	v30 =	vshrl.u32 v56, $0x3  }
0x2ac: {  	v33 =	vand.u32 $0xFFFFFC00, v58;
	v60 =	vshll.u32 v7, $0x3;
	v34 =	vand.u32 $0xFFFFFC00, v59  }
0x2ad: {  	v32 =	vshll.u32 v56, $0x7;
	v7 =	vand.u32 $0x7F, v7;
	v30 =	vmul.u32 $0xC00, v30  }
0x2ae: {  	v27 =	vadd.s32 v33, v27;
	v61 =	vand.u32 $0xFFFFFC00, v60;
	v25 =	vadd.s32 v34, v25  }
0x2af: {  	v8 =	vor.u32 v8, v27;
	v27 =	vand.u32 $0x380, v32;
	v30 =	vadd.s32 v61, v30  }
0x2b0: {  	v25 =	vor.u32 v26, v25;
	v30 =	vor.u32 v27, v30;
	v27 =	vor.u32 v21, v8  }
0x2b1: {  	v8 =	vand.u32 $0x7F, v23;
	v21 =	vshll.u32 v11, $0x3;
	v23 =	vmul.u32 $0xC00, v31  }
0x2b2: {  	s20 =	simm.s32 $0x500;
	s0 =	simm.s32 $0x800;
	v26 =	vor.u32 v8, v25;
	v25 =	vor.u32 v7, v30;
	v7 =	vmul.u32 $0xC00, v12  }
0x2b3: {  	s3 =	sand.u32 $0x300, s20;
	s21 =	simm.s32 $0x400;
	s13 =	sand.u32 $0x3800, s0;
	v8 =	vshll.u32 v10, $0x3;
	v12 =	vmul.u32 $0xC00, v24;
	v24 =	vshll.u32 v22, $0x3  }
0x2b4: {  	s12 =	sand.u32 $0x200, s21;
	s20 =	sor.u32 s13, s3;
	v21 =	vand.u32 $0xFFFFFC00, v21;
	v10 =	vand.u32 $0x7F, v10;
	v8 =	vand.u32 $0xFFFFFC00, v8  }
0x2b5: {  	s19 =	sor.u32 s12, s13;
	s12 =	sadd.s32 $0xC00, s7;
	v7 =	vadd.s32 v8, v7;
	v8 =	vand.u32 $0xFFFFFC00, v24;
	v24 =	vand.u32 $0x80, v28;
	v28 =	vld [tilespmem:s20+$0x6000]  }
0x2b6: {  	s15 =	simm.s32 $0x480;
	s28 =	sadd.s32 $0xFFFFFD00, s12;
	v12 =	vadd.s32 v21, v12;
	v21 =	vand.u32 $0x380, v29;
	v8 =	vadd.s32 v8, v23  }
0x2b7: {  	s15 =	sand.u32 $0x280, s15;
	v7 =	vor.u32 v24, v7;
	v12 =	vor.u32 v21, v12;
	v21 =	vmov s28  }
0x2b8: {  	s3 =	simm.s32 $0x580;
	s30 =	sor.u32 s13, s15;
	s28 =	simm.s32 $0x14;
	v8 =	vor.u32 v9, v8;
	v24 =	vor.u32 v10, v7;
	v7 =	vand.u32 $0x7F, v11;
	v11 =	vld [tilespmem:s19+$0x6000]  }
0x2b9: {  	s22 =	sand.u32 $0x380, s3;
	s21 =	sadd.s32 $0xFFFFF700, s12;
	v9 =	vand.u32 $0x7F, v22;
	v22 =	vmov s28;
	v29 =	vor.u32 v7, v12;
	v12 =	vld [tilespmem:s30+$0x6000]  }
0x2ba: {  	s13 =	sor.u32 s13, s22;
	s22 =	sadd.s32 $0xFFFFFA00, s12;
	v23 =	vor.u32 v9, v8;
	[dreg:$0x1c] =	wrdreg s12;
	v7 =	vmov s12;
	v28 =	vsub.s32 v28, v21  }
0x2bb: {  	s28 =	simm.s32 $0x15;
	v8 =	vmov s21;
	v9 =	vmov s22;
	s22 =	simm.s32 $0x10;
	v30 =	vld [tilespmem:s13+$0x6000];
	vm9 =	vgt.s32 v28, $0x17F  }
0x2bc: {  	v10 =	vmov s22;
	v62 =	vadd.s32 $0xFFFFFE80, v28;
	v31 =	vsel vm9, s28, v22  }
0x2bd: {  	v63 =	vsub.s32 v11, v8;
	v11 =	vsel vm9, v62, v28;
	v28 =	vshrl.u32 v31, $0x3  }
0x2be: {  	v44 =	vsub.s32 v12, v9;
	v31 =	vshll.u32 v31, $0x7;
	vm10 =	vgt.s32 v63, $0x17F  }
0x2bf: {  	v45 =	vand.u32 $0x7F, v11;
	v49 =	vadd.s32 $0xFFFFFE80, v63;
	v12 =	vmul.u32 $0xC00, v28  }
0x2c0: {  	s15 =	simm.s32 $0x16;
	s21 =	simm.s32 $0x11;
	v28 =	vshll.u32 v11, $0x3;
	v30 =	vsub.s32 v30, v7;
	vm11 =	vgt.s32 v44, $0x17F  }
0x2c1: {  	v46 =	vld [tilespmem:s14+$0x0];
	v11 =	vmov s15;
	v48 =	vsel vm10, s21, v10;
	v28 =	vand.u32 $0xFFFFFC00, v28  }
0x2c2: {  	v62 =	vld [tilespmem:s4+$0x70];
	v51 =	vadd.s32 $0xFFFFFE80, v44;
	v12 =	vadd.s32 v28, v12;
	v28 =	vand.u32 $0x380, v31  }
0x2c3: {  	v33 =	vsel vm10, v49, v63;
	vm12 =	vgt.s32 v30, $0x17F;
	v31 =	vld [tilespmem:s18+$0x0];
	v28 =	vor.u32 v28, v12  }
0x2c4: {  	s7 =	simm.s32 $0x17;
	v47 =	vld [tilespmem:s20+$0x0];
	v53 =	vadd.s32 $0xFFFFFE80, v30;
	v54 =	vshrl.u32 v48, $0x3;
	v28 =	vor.u32 v45, v28  }
0x2c5: {  	v57 =	vshll.u32 v33, $0x3;
	v34 =	vshll.u32 v48, $0x7;
	v52 =	vsel vm12, s7, v11  }
0x2c6: {  	s12 =	simm.s32 $0x12;
	[tilespmem:v29+s24+$0x0] =	vst.idx.msk $0xffff, v46;
	v30 =	vsel vm12, v53, v30;
	v56 =	vmul.u32 $0xC00, v54;
	v37 =	vand.u32 $0xFFFFFC00, v57  }
0x2c7: {  	s14 =	sor.u32 $0x430, s11;
	s11 =	sor.u32 $0x430, s17;
	v59 =	vld [tilespmem:s6+$0x70];
	v12 =	vmov s12;
	v55 =	vshrl.u32 v52, $0x3;
	v41 =	vshll.u32 v30, $0x3;
	[tilespmem:v25+s24+$0x0] =	vst.idx.msk $0xffff, v62  }
0x2c8: {  	s15 =	simm.s32 $0x13;
	v58 =	vld [tilespmem:s11+$0x6000];
	v40 =	vshll.u32 v52, $0x7;
	v25 =	vand.u32 $0x7F, v33;
	v30 =	vand.u32 $0x7F, v30;
	[tilespmem:v24+s24+$0x0] =	vst.idx.msk $0xffff, v31  }
0x2c9: {  	v50 =	vsel vm11, s15, v12;
	v32 =	vmul.u32 $0xC00, v55;
	v41 =	vand.u32 $0xFFFFFC00, v41;
	v29 =	vld [tilespmem:s14+$0x6000];
	[tilespmem:v28+s24+$0x0] =	vst.idx.msk $0xffff, v47  }
0x2ca: {  	v35 =	vadd.s32 v37, v56;
	v24 =	vshrl.u32 v50, $0x3;
	v31 =	vsel vm11, v51, v44;
	v36 =	vld [tilespmem:s20+$0x6010]  }
0x2cb: {  	p2 =	por !p2, !p2;
	v60 =	vld [tilespmem:s5+$0x70];
	s5 =	simm.s32 $0x1;
	v40 =	vand.u32 $0x380, v40;
	v24 =	vmul.u32 $0xC00, v24;
	v28 =	vshll.u32 v31, $0x3  }
0x2cc: {  	s5 =	simm.s32 @!p2 $0x0;
	v38 =	vshll.u32 v50, $0x7;
	v32 =	vadd.s32 v41, v32;
	v28 =	vand.u32 $0xFFFFFC00, v28  }
0x2cd: {  	s22 =	simm.s32 $0x4;
	s5 =	sshll.u32 s5, $0x9;
	v61 =	vand.u32 $0x380, v38;
	v28 =	vadd.s32 v28, v24;
	v24 =	vand.u32 $0x80, v34  }
0x2ce: {  	s6 =	sand.u32 $0x7, s22;
	s4 =	sadd.s32 $0x400, s5;
	v31 =	vand.u32 $0x7F, v31;
	v35 =	vor.u32 v24, v35;
	v24 =	vsub.s32 v58, v16  }
0x2cf: {  	s6 =	sshll.u32 s6, $0x7;
	[tilespmem:v27+s24+$0x0] =	vst.idx.msk $0xffff, v59;
	s12 =	sor.u32 $0x400, s4;
	v17 =	vsub.s32 v29, v17;
	vm1 =	vgt.s32 v24, $0x17F;
	v29 =	vsub.s32 v36, v21  }
0x2d0: {  	s6 =	sadd.s32 $0x400, s6;
	[tilespmem:v26+s24+$0x0] =	vst.idx.msk $0xffff, v60;
	v26 =	vor.u32 v61, v28;
	v16 =	vsel vm1, s9, v18;
	v18 =	vld [tilespmem:s12+$0x6000];
	vm13 =	vgt.s32 v29, $0x17F  }
0x2d1: {  	v43 =	vld [tilespmem:s19+$0x0];
	s5 =	sadd.s32 $0x80, s6;
	v25 =	vor.u32 v25, v35;
	v36 =	vadd.s32 $0xFFFFFE80, v29;
	v27 =	vsel vm13, s28, v22  }
0x2d2: {  	s6 =	sadd.s32 $0x180, s6;
	s17 =	sor.u32 $0x400, s5;
	v44 =	vld [tilespmem:s30+$0x0];
	v26 =	vor.u32 v31, v26;
	v28 =	vsel vm13, v36, v29;
	v29 =	vshrl.u32 v27, $0x3  }
0x2d3: {  	v63 =	vld [tilespmem:s17+$0x6000];
	s18 =	sor.u32 $0x400, s6;
	vm0 =	vgt.s32 v17, $0x17F;
	v41 =	vshll.u32 v28, $0x3;
	v29 =	vmul.u32 $0xC00, v29  }
0x2d4: {  	v42 =	vld [tilespmem:s18+$0x6000];
	v27 =	vshll.u32 v27, $0x7;
	v28 =	vand.u32 $0x7F, v28;
	v33 =	vand.u32 $0xFFFFFC00, v41  }
0x2d5: {  	v45 =	vld [tilespmem:s13+$0x0];
	v27 =	vand.u32 $0x380, v27;
	v18 =	vsub.s32 v18, v2;
	v29 =	vadd.s32 v33, v29  }
0x2d6: {  	v31 =	vld [tilespmem:s20+$0x10];
	[tilespmem:v25+s24+$0x0] =	vst.idx.msk $0xffff, v43;
	vm14 =	vgt.s32 v18, $0x17F;
	v46 =	vadd.s32 $0xFFFFFE80, v18;
	v27 =	vor.u32 v27, v29  }
0x2d7: {  	[tilespmem:v26+s24+$0x0] =	vst.idx.msk $0xffff, v44;
	v47 =	vld [tilespmem:s19+$0x6010];
	v25 =	vsel vm14, s23, v3;
	v29 =	vor.u32 v40, v32;
	v27 =	vor.u32 v28, v27  }
0x2d8: {  	v49 =	vld [tilespmem:s30+$0x6010];
	v18 =	vsel vm14, v46, v18;
	v50 =	vshrl.u32 v25, $0x3;
	v29 =	vor.u32 v30, v29  }
0x2d9: {  	v51 =	vshll.u32 v18, $0x3;
	v25 =	vshll.u32 v25, $0x7;
	v28 =	vsub.s32 v63, v4  }
0x2da: {  	v30 =	vsub.s32 v42, v1;
	v32 =	vmul.u32 $0xC00, v50;
	v34 =	vand.u32 $0xFFFFFC00, v51  }
0x2db: {  	v25 =	vand.u32 $0x80, v25;
	vm15 =	vgt.s32 v28, $0x17F;
	vm4 =	vgt.s32 v30, $0x17F  }
0x2dc: {  	v26 =	vadd.s32 $0xFFFFFE80, v28;
	v48 =	vadd.s32 $0xFFFFFE80, v30;
	v36 =	vsub.s32 v47, v8;
	[tilespmem:v27+s24+$0x0] =	vst.idx.msk $0xffff, v31  }
0x2dd: {  	v38 =	vsub.s32 v49, v9;
	v35 =	vsel vm15, s25, v6;
	v26 =	vsel vm15, v26, v28;
	[tilespmem:v29+s24+$0x0] =	vst.idx.msk $0xffff, v45;
	v29 =	vld [tilespmem:s20+$0x6020]  }
0x2de: {  	v28 =	vsel vm4, v48, v30;
	vm8 =	vgt.s32 v36, $0x17F;
	v52 =	vadd.s32 $0xFFFFFE80, v36  }
0x2df: {  	vm9 =	vgt.s32 v38, $0x17F;
	v54 =	vadd.s32 $0xFFFFFE80, v38;
	v41 =	vsel vm8, s21, v10  }
0x2e0: {  	v53 =	vsel vm9, s15, v12;
	v36 =	vsel vm8, v52, v36;
	v38 =	vsel vm9, v54, v38  }
0x2e1: {  	v49 =	vshrl.u32 v41, $0x3;
	v57 =	vshrl.u32 v53, $0x3;
	v62 =	vshll.u32 v36, $0x3  }
0x2e2: {  	v63 =	vshll.u32 v38, $0x3;
	v41 =	vshll.u32 v41, $0x7;
	v30 =	vld [tilespmem:s13+$0x6010];
	v29 =	vsub.s32 v29, v21  }
0x2e3: {  	v42 =	vshll.u32 v53, $0x7;
	v36 =	vand.u32 $0x7F, v36;
	vm10 =	vgt.s32 v29, $0x17F  }
0x2e4: {  	v60 =	vmul.u32 $0xC00, v49;
	v45 =	vadd.s32 $0xFFFFFE80, v29;
	v55 =	vsel vm10, s28, v22  }
0x2e5: {  	v61 =	vmul.u32 $0xC00, v57;
	v29 =	vsel vm10, v45, v29;
	v56 =	vshrl.u32 v55, $0x3  }
0x2e6: {  	v42 =	vand.u32 $0x380, v42;
	v47 =	vshll.u32 v29, $0x3;
	v45 =	vmul.u32 $0xC00, v56  }
0x2e7: {  	v30 =	vsub.s32 v30, v7;
	v44 =	vshll.u32 v55, $0x7;
	v47 =	vand.u32 $0xFFFFFC00, v47  }
0x2e8: {  	vm11 =	vgt.s32 v30, $0x17F;
	v44 =	vand.u32 $0x380, v44;
	v45 =	vadd.s32 v47, v45  }
0x2e9: {  	v48 =	vadd.s32 $0xFFFFFE80, v30;
	v29 =	vand.u32 $0x7F, v29;
	v44 =	vor.u32 v44, v45  }
0x2ea: {  	v58 =	vld [tilespmem:s20+$0x20];
	v46 =	vsel vm11, s7, v11;
	v30 =	vsel vm11, v48, v30;
	v29 =	vor.u32 v29, v44  }
0x2eb: {  	v48 =	vand.u32 $0xFFFFFC00, v63;
	v59 =	vshrl.u32 v46, $0x3;
	v52 =	vshll.u32 v30, $0x3  }
0x2ec: {  	v46 =	vshll.u32 v46, $0x7;
	v54 =	vadd.s32 v48, v61;
	v43 =	vmul.u32 $0xC00, v59  }
0x2ed: {  	v30 =	vand.u32 $0x7F, v30;
	v53 =	vand.u32 $0xFFFFFC00, v52;
	v57 =	vand.u32 $0x380, v46  }
0x2ee: {  	v40 =	vor.u32 v42, v54;
	v47 =	vand.u32 $0xFFFFFC00, v62;
	v55 =	vadd.s32 v53, v43  }
0x2ef: {  	v61 =	vld [tilespmem:s13+$0x10];
	v44 =	vadd.s32 v47, v60;
	[tilespmem:v29+s24+$0x0] =	vst.idx.msk $0xffff, v58;
	v29 =	vand.u32 $0x80, v41;
	v41 =	vor.u32 v57, v55  }
0x2f0: {  	v59 =	vand.u32 $0x7F, v38;
	v56 =	vld [tilespmem:s20+$0x6030];
	v29 =	vor.u32 v29, v44;
	v30 =	vor.u32 v30, v41  }
0x2f1: {  	v33 =	vsel vm4, s29, v5;
	v60 =	vld [tilespmem:s30+$0x10];
	v29 =	vor.u32 v36, v29;
	v36 =	vor.u32 v59, v40  }
0x2f2: {  	v32 =	vadd.s32 v34, v32;
	v37 =	vshll.u32 v26, $0x3;
	v39 =	vshll.u32 v28, $0x3  }
0x2f3: {  	v25 =	vor.u32 v25, v32;
	v37 =	vand.u32 $0xFFFFFC00, v37;
	v39 =	vand.u32 $0xFFFFFC00, v39;
	v58 =	vld [tilespmem:s19+$0x10]  }
0x2f4: {  	v27 =	vshrl.u32 v35, $0x3;
	v31 =	vshrl.u32 v33, $0x3;
	v35 =	vshll.u32 v35, $0x7  }
0x2f5: {  	v33 =	vshll.u32 v33, $0x7;
	v27 =	vmul.u32 $0xC00, v27;
	v62 =	vsub.s32 v56, v21;
	[tilespmem:v30+s24+$0x0] =	vst.idx.msk $0xffff, v61  }
0x2f6: {  	v31 =	vmul.u32 $0xC00, v31;
	v35 =	vand.u32 $0x380, v35;
	vm12 =	vgt.s32 v62, $0x17F;
	[tilespmem:v36+s24+$0x0] =	vst.idx.msk $0xffff, v60;
	v46 =	vld [tilespmem:s13+$0x6020]  }
0x2f7: {  	v27 =	vadd.s32 v37, v27;
	v43 =	vadd.s32 $0xFFFFFE80, v62;
	v63 =	vsel vm12, s28, v22;
	v38 =	vld [tilespmem:s30+$0x6020]  }
0x2f8: {  	v31 =	vadd.s32 v39, v31;
	[tilespmem:v29+s24+$0x0] =	vst.idx.msk $0xffff, v58;
	v29 =	vsel vm12, v43, v62;
	v42 =	vshrl.u32 v63, $0x3  }
0x2f9: {  	v27 =	vor.u32 v35, v27;
	v43 =	vld [tilespmem:s19+$0x6020];
	v45 =	vshll.u32 v29, $0x3;
	v44 =	vmul.u32 $0xC00, v42  }
0x2fa: {  	v47 =	vand.u32 $0x380, v33;
	v34 =	vshll.u32 v63, $0x7;
	v30 =	vand.u32 $0xFFFFFC00, v45  }
0x2fb: {  	v29 =	vand.u32 $0x7F, v29;
	v34 =	vand.u32 $0x380, v34;
	v30 =	vadd.s32 v30, v44  }
0x2fc: {  	v51 =	vsub.s32 v46, v7;
	v30 =	vor.u32 v34, v30;
	v49 =	vsub.s32 v38, v9  }
0x2fd: {  	v48 =	vld [tilespmem:s20+$0x30];
	vm15 =	vgt.s32 v51, $0x17F;
	v29 =	vor.u32 v29, v30;
	v30 =	vor.u32 v47, v31  }
0x2fe: {  	v31 =	vsub.s32 v43, v8;
	vm14 =	vgt.s32 v49, $0x17F;
	v38 =	vadd.s32 $0xFFFFFE80, v49  }
0x2ff: {  	v54 =	vsel vm15, s7, v11;
	vm13 =	vgt.s32 v31, $0x17F;
	v52 =	vadd.s32 $0xFFFFFE80, v31  }
0x300: {  	v53 =	vsel vm14, s15, v12;
	v32 =	vsel vm14, v38, v49;
	v58 =	vshrl.u32 v54, $0x3  }
0x301: {  	v39 =	vshll.u32 v54, $0x7;
	v50 =	vsel vm13, s21, v10;
	v31 =	vsel vm13, v52, v31  }
0x302: {  	v62 =	vld [tilespmem:s16+$0x0];
	v57 =	vshrl.u32 v53, $0x3;
	v60 =	vshll.u32 v32, $0x3;
	v35 =	vmul.u32 $0xC00, v58;
	[tilespmem:v29+s24+$0x0] =	vst.idx.msk $0xffff, v48  }
0x303: {  	v37 =	vshll.u32 v53, $0x7;
	v32 =	vand.u32 $0x7F, v32;
	v55 =	vshrl.u32 v50, $0x3;
	v56 =	vld [tilespmem:s20+$0x6040]  }
0x304: {  	v59 =	vshll.u32 v31, $0x3;
	v40 =	vmul.u32 $0xC00, v57;
	v34 =	vshll.u32 v50, $0x7  }
0x305: {  	v41 =	vand.u32 $0xFFFFFC00, v60;
	v31 =	vand.u32 $0x7F, v31;
	v33 =	vmul.u32 $0xC00, v55  }
0x306: {  	v38 =	vand.u32 $0xFFFFFC00, v59;
	v34 =	vand.u32 $0x80, v34;
	v55 =	vand.u32 $0x380, v37  }
0x307: {  	[tilespmem:v23+s24+$0x0] =	vst.idx.msk $0xffff, v62;
	v29 =	vadd.s32 $0xFFFFFE80, v51;
	v40 =	vadd.s32 v41, v40;
	v33 =	vadd.s32 v38, v33  }
0x308: {  	v29 =	vsel vm15, v29, v51;
	v23 =	vor.u32 v34, v33;
	v36 =	vsub.s32 v56, v21  }
0x309: {  	v53 =	vld [tilespmem:s19+$0x20];
	v61 =	vshll.u32 v29, $0x3;
	v23 =	vor.u32 v31, v23;
	vm6 =	vgt.s32 v36, $0x17F  }
0x30a: {  	v42 =	vand.u32 $0xFFFFFC00, v61;
	v48 =	vadd.s32 $0xFFFFFE80, v36;
	v63 =	vsel vm6, s28, v22  }
0x30b: {  	v54 =	vadd.s32 v42, v35;
	v36 =	vsel vm6, v48, v36;
	v49 =	vshrl.u32 v63, $0x3  }
0x30c: {  	v35 =	vor.u32 v55, v40;
	v44 =	vshll.u32 v36, $0x3;
	v41 =	vmul.u32 $0xC00, v49  }
0x30d: {  	v58 =	vld [tilespmem:s30+$0x20];
	v32 =	vor.u32 v32, v35;
	v51 =	vshll.u32 v63, $0x7;
	v50 =	vand.u32 $0xFFFFFC00, v44  }
0x30e: {  	v26 =	vand.u32 $0x7F, v26;
	[tilespmem:v23+s24+$0x0] =	vst.idx.msk $0xffff, v53;
	v34 =	vand.u32 $0x380, v51;
	v33 =	vadd.s32 v50, v41  }
0x30f: {  	v35 =	vor.u32 v26, v27;
	v31 =	vand.u32 $0x7F, v36;
	v26 =	vld [tilespmem:s19+$0x6030];
	v33 =	vor.u32 v34, v33  }
0x310: {  	s22 =	sor.u32 $0x430, s1;
	v15 =	vsel vm0, s10, v15;
	v28 =	vand.u32 $0x7F, v28;
	v56 =	vld [tilespmem:s20+$0x40];
	v31 =	vor.u32 v31, v33  }
0x311: {  	v18 =	vand.u32 $0x7F, v18;
	v30 =	vor.u32 v28, v30;
	v28 =	vshrl.u32 v15, $0x3;
	v52 =	vld [tilespmem:s22+$0x6000]  }
0x312: {  	v15 =	vshll.u32 v15, $0x7;
	v60 =	vshrl.u32 v16, $0x3;
	v16 =	vshll.u32 v16, $0x7;
	[tilespmem:v32+s24+$0x0] =	vst.idx.msk $0xffff, v58  }
0x313: {  	v15 =	vand.u32 $0x80, v15;
	v57 =	vand.u32 $0x380, v39;
	v16 =	vand.u32 $0x380, v16;
	v61 =	vld [tilespmem:s30+$0x6030]  }
0x314: {  	v29 =	vand.u32 $0x7F, v29;
	v33 =	vor.u32 v57, v54;
	v63 =	vsub.s32 v26, v8  }
0x315: {  	v23 =	vadd.s32 $0xFFFFFE80, v24;
	v29 =	vor.u32 v29, v33;
	v33 =	vor.u32 v18, v25;
	[tilespmem:v31+s24+$0x0] =	vst.idx.msk $0xffff, v56  }
0x316: {  	v25 =	vsub.s32 v52, v13;
	v13 =	vadd.s32 $0xFFFFFE80, v17;
	vm8 =	vgt.s32 v63, $0x17F;
	v31 =	vld [tilespmem:s20+$0x6050]  }
0x317: {  	v48 =	vadd.s32 $0xFFFFFE80, v63;
	vm7 =	vgt.s32 v25, $0x17F;
	v27 =	vadd.s32 $0xFFFFFE80, v25  }
0x318: {  	v13 =	vsel vm0, v13, v17;
	v37 =	vsel vm8, s21, v10;
	v36 =	vsub.s32 v61, v9  }
0x319: {  	v32 =	vsel vm8, v48, v63;
	v18 =	vsel vm7, s26, v14;
	v14 =	vsel vm1, v23, v24  }
0x31a: {  	v17 =	vsel vm7, v27, v25;
	v23 =	vmul.u32 $0xC00, v28;
	v27 =	vshll.u32 v13, $0x3  }
0x31b: {  	v24 =	vmul.u32 $0xC00, v60;
	vm10 =	vgt.s32 v36, $0x17F;
	v31 =	vsub.s32 v31, v21  }
0x31c: {  	v59 =	vld [tilespmem:s13+$0x20];
	v53 =	vadd.s32 $0xFFFFFE80, v36;
	v54 =	vshrl.u32 v37, $0x3;
	vm9 =	vgt.s32 v31, $0x17F  }
0x31d: {  	v37 =	vshll.u32 v37, $0x7;
	v50 =	vadd.s32 $0xFFFFFE80, v31;
	v49 =	vsel vm9, s28, v22  }
0x31e: {  	v58 =	vld [tilespmem:s17+$0x0];
	v13 =	vand.u32 $0x7F, v13;
	v31 =	vsel vm9, v50, v31;
	v51 =	vshrl.u32 v49, $0x3  }
0x31f: {  	v60 =	vld [tilespmem:s18+$0x0];
	v25 =	vshrl.u32 v18, $0x3;
	v52 =	vshll.u32 v31, $0x3;
	v39 =	vmul.u32 $0xC00, v51  }
0x320: {  	v62 =	vshll.u32 v14, $0x3;
	v38 =	vshll.u32 v49, $0x7;
	v40 =	vand.u32 $0xFFFFFC00, v52  }
0x321: {  	v28 =	vshll.u32 v17, $0x3;
	v56 =	vld [tilespmem:s12+$0x0];
	[tilespmem:v29+s24+$0x0] =	vst.idx.msk $0xffff, v59;
	v38 =	vand.u32 $0x380, v38;
	v39 =	vadd.s32 v40, v39  }
0x322: {  	v26 =	vand.u32 $0xFFFFFC00, v27;
	v29 =	vld [tilespmem:s13+$0x6030];
	v31 =	vand.u32 $0x7F, v31;
	v38 =	vor.u32 v38, v39  }
0x323: {  	s16 =	sor.u32 $0x410, s5;
	[tilespmem:v35+s24+$0x0] =	vst.idx.msk $0xffff, v58;
	v41 =	vsel vm10, s15, v12;
	v34 =	vsel vm10, v53, v36;
	v55 =	vld [tilespmem:s20+$0x50];
	v31 =	vor.u32 v31, v38  }
0x324: {  	s17 =	sor.u32 $0x410, s6;
	v42 =	vmul.u32 $0xC00, v54;
	v37 =	vand.u32 $0x80, v37;
	v27 =	vand.u32 $0xFFFFFC00, v62;
	[tilespmem:v30+s24+$0x0] =	vst.idx.msk $0xffff, v60;
	v30 =	vld [tilespmem:s16+$0x6000]  }
0x325: {  	v62 =	vshll.u32 v32, $0x3;
	v63 =	vshll.u32 v34, $0x3;
	v32 =	vand.u32 $0x7F, v32;
	v60 =	vld [tilespmem:s17+$0x6000]  }
0x326: {  	v59 =	vshrl.u32 v41, $0x3;
	v46 =	vand.u32 $0xFFFFFC00, v62;
	v47 =	vand.u32 $0xFFFFFC00, v63  }
0x327: {  	v62 =	vand.u32 $0x7F, v34;
	v53 =	vadd.s32 v46, v42;
	[tilespmem:v33+s24+$0x0] =	vst.idx.msk $0xffff, v56;
	v29 =	vsub.s32 v29, v7  }
0x328: {  	v33 =	vor.u32 v37, v53;
	vm11 =	vgt.s32 v29, $0x17F;
	v57 =	vadd.s32 $0xFFFFFE80, v29;
	[tilespmem:v31+s24+$0x0] =	vst.idx.msk $0xffff, v55  }
0x329: {  	v32 =	vor.u32 v32, v33;
	v30 =	vsub.s32 v30, v4;
	v29 =	vsel vm11, v57, v29;
	v54 =	vld [tilespmem:s20+$0x6060]  }
0x32a: {  	v37 =	vsub.s32 v60, v1;
	v40 =	vmul.u32 $0xC00, v59;
	v39 =	vsel vm11, s7, v11  }
0x32b: {  	vm14 =	vgt.s32 v30, $0x17F;
	v61 =	vshrl.u32 v39, $0x3;
	v31 =	vshll.u32 v41, $0x7  }
0x32c: {  	v58 =	vadd.s32 v47, v40;
	v45 =	vmul.u32 $0xC00, v61;
	v61 =	vld [tilespmem:s19+$0x30];
	v31 =	vand.u32 $0x380, v31  }
0x32d: {  	v52 =	vshll.u32 v29, $0x3;
	v29 =	vand.u32 $0x7F, v29;
	v31 =	vor.u32 v31, v58  }
0x32e: {  	v63 =	vld [tilespmem:s30+$0x30];
	v57 =	vshll.u32 v39, $0x7;
	v31 =	vor.u32 v62, v31;
	v44 =	vsub.s32 v54, v21  }
0x32f: {  	vm15 =	vgt.s32 v37, $0x17F;
	v36 =	vand.u32 $0x380, v57;
	vm12 =	vgt.s32 v44, $0x17F  }
0x330: {  	s10 =	sor.u32 $0x410, s4;
	v55 =	vand.u32 $0xFFFFFC00, v52;
	v47 =	vadd.s32 $0xFFFFFE80, v44;
	v46 =	vsel vm12, s28, v22  }
0x331: {  	v56 =	vld [tilespmem:s10+$0x6000];
	v59 =	vadd.s32 v55, v45;
	[tilespmem:v32+s24+$0x0] =	vst.idx.msk $0xffff, v61;
	v33 =	vsel vm12, v47, v44;
	v48 =	vshrl.u32 v46, $0x3  }
0x332: {  	v36 =	vor.u32 v36, v59;
	v51 =	vld [tilespmem:s19+$0x6040];
	v50 =	vshll.u32 v33, $0x3;
	v49 =	vmul.u32 $0xC00, v48  }
0x333: {  	v45 =	vld [tilespmem:s13+$0x30];
	v29 =	vor.u32 v29, v36;
	[tilespmem:v31+s24+$0x0] =	vst.idx.msk $0xffff, v63;
	v52 =	vshll.u32 v46, $0x7;
	v31 =	vand.u32 $0xFFFFFC00, v50  }
0x334: {  	v34 =	vsel vm14, s25, v6;
	v54 =	vand.u32 $0x380, v52;
	v31 =	vadd.s32 v31, v49  }
0x335: {  	v43 =	vadd.s32 $0xFFFFFE80, v37;
	v33 =	vand.u32 $0x7F, v33;
	v31 =	vor.u32 v54, v31  }
0x336: {  	v35 =	vsub.s32 v56, v2;
	v42 =	vsel vm15, s29, v5;
	v56 =	vld [tilespmem:s20+$0x60];
	v31 =	vor.u32 v33, v31  }
0x337: {  	v37 =	vsel vm15, v43, v37;
	vm13 =	vgt.s32 v35, $0x17F;
	v40 =	vsub.s32 v51, v8  }
0x338: {  	v39 =	vadd.s32 $0xFFFFFE80, v30;
	v57 =	vadd.s32 $0xFFFFFE80, v35;
	[tilespmem:v29+s24+$0x0] =	vst.idx.msk $0xffff, v45;
	vm8 =	vgt.s32 v40, $0x17F;
	v53 =	vld [tilespmem:s30+$0x6040]  }
0x339: {  	v30 =	vsel vm14, v39, v30;
	v58 =	vadd.s32 $0xFFFFFE80, v40;
	v55 =	vld [tilespmem:s13+$0x6040];
	v59 =	vsel vm8, s21, v10  }
0x33a: {  	v29 =	vsel vm13, s23, v3;
	v40 =	vsel vm8, v58, v40;
	v61 =	vshrl.u32 v59, $0x3  }
0x33b: {  	v41 =	vshrl.u32 v29, $0x3;
	v58 =	vshll.u32 v40, $0x3;
	v38 =	vmul.u32 $0xC00, v61;
	[tilespmem:v31+s24+$0x0] =	vst.idx.msk $0xffff, v56  }
0x33c: {  	v29 =	vshll.u32 v29, $0x7;
	v45 =	vshll.u32 v59, $0x7;
	v49 =	vand.u32 $0xFFFFFC00, v58;
	v62 =	vld [tilespmem:s20+$0x6070]  }
0x33d: {  	v40 =	vand.u32 $0x7F, v40;
	v45 =	vand.u32 $0x80, v45;
	v38 =	vadd.s32 v49, v38  }
0x33e: {  	v33 =	vsel vm13, v57, v35;
	v36 =	vsub.s32 v53, v9;
	v32 =	vsub.s32 v55, v7  }
0x33f: {  	vm9 =	vgt.s32 v36, $0x17F;
	vm10 =	vgt.s32 v32, $0x17F;
	v55 =	vadd.s32 $0xFFFFFE80, v32  }
0x340: {  	v60 =	vsel vm9, s15, v12;
	v63 =	vsel vm10, s7, v11;
	v32 =	vsel vm10, v55, v32  }
0x341: {  	v57 =	vshrl.u32 v63, $0x3;
	v51 =	vshll.u32 v32, $0x3;
	v47 =	vsub.s32 v62, v21  }
0x342: {  	v46 =	vshll.u32 v60, $0x7;
	v48 =	vshll.u32 v63, $0x7;
	vm11 =	vgt.s32 v47, $0x17F  }
0x343: {  	v32 =	vand.u32 $0x7F, v32;
	v53 =	vadd.s32 $0xFFFFFE80, v47;
	v52 =	vsel vm11, s28, v22  }
0x344: {  	v44 =	vmul.u32 $0xC00, v57;
	v47 =	vsel vm11, v53, v47;
	v59 =	vshrl.u32 v52, $0x3  }
0x345: {  	v56 =	vshrl.u32 v60, $0x3;
	v61 =	vshll.u32 v47, $0x3;
	v60 =	vmul.u32 $0xC00, v59  }
0x346: {  	v51 =	vand.u32 $0xFFFFFC00, v51;
	v52 =	vshll.u32 v52, $0x7;
	v62 =	vand.u32 $0xFFFFFC00, v61  }
0x347: {  	v31 =	vadd.s32 $0xFFFFFE80, v36;
	v63 =	vand.u32 $0x380, v52;
	v49 =	vadd.s32 v62, v60  }
0x348: {  	v31 =	vsel vm9, v31, v36;
	v47 =	vand.u32 $0x7F, v47;
	v49 =	vor.u32 v63, v49  }
0x349: {  	s9 =	simm.s32 $0x4;
	v36 =	vmul.u32 $0xC00, v56;
	v50 =	vshll.u32 v31, $0x3;
	v52 =	vld [tilespmem:s20+$0x70];
	v47 =	vor.u32 v47, v49  }
0x34a: {  	v48 =	vand.u32 $0x380, v48;
	v44 =	vadd.s32 v51, v44;
	v50 =	vand.u32 $0xFFFFFC00, v50;
	s20 =	sand.u32 $0x3, s9  }
0x34b: {  	v46 =	vand.u32 $0x380, v46;
	v44 =	vor.u32 v48, v44;
	v36 =	vadd.s32 v50, v36;
	s18 =	sshll.u32 s20, $0x8  }
0x34c: {  	v56 =	vld [tilespmem:s13+$0x40];
	v31 =	vand.u32 $0x7F, v31;
	v32 =	vor.u32 v32, v44;
	v36 =	vor.u32 v46, v36;
	s18 =	sadd.s32 $0x800, s18  }
0x34d: {  	v29 =	vand.u32 $0x80, v29;
	v54 =	vld [tilespmem:s30+$0x40];
	v38 =	vor.u32 v45, v38;
	v31 =	vor.u32 v31, v36;
	s18 =	sadd.s32 $0x100, s18  }
0x34e: {  	v35 =	vshrl.u32 v34, $0x3;
	v34 =	vshll.u32 v34, $0x7;
	v38 =	vor.u32 v40, v38;
	s26 =	sor.u32 $0x400, s18;
	[tilespmem:v47+s24+$0x0] =	vst.idx.msk $0xffff, v52  }
0x34f: {  	v58 =	vshll.u32 v33, $0x3;
	v35 =	vmul.u32 $0xC00, v35;
	v34 =	vand.u32 $0x380, v34;
	v45 =	vld [tilespmem:s26+$0x6000]  }
0x350: {  	v55 =	vmul.u32 $0xC00, v41;
	v43 =	vand.u32 $0xFFFFFC00, v58;
	v57 =	vshrl.u32 v42, $0x3  }
0x351: {  	v41 =	vmul.u32 $0xC00, v57;
	[tilespmem:v32+s24+$0x0] =	vst.idx.msk $0xffff, v56;
	v32 =	vand.u32 $0x7F, v33;
	v59 =	vshll.u32 v30, $0x3  }
0x352: {  	v53 =	vld [tilespmem:s19+$0x40];
	v61 =	vadd.s32 v43, v55;
	v44 =	vand.u32 $0xFFFFFC00, v59;
	[tilespmem:v31+s24+$0x0] =	vst.idx.msk $0xffff, v54;
	v31 =	vshll.u32 v42, $0x7  }
0x353: {  	v29 =	vor.u32 v29, v61;
	v60 =	vshll.u32 v37, $0x3;
	v35 =	vadd.s32 v44, v35  }
0x354: {  	v36 =	vld [tilespmem:s30+$0x6050];
	v31 =	vand.u32 $0x380, v31;
	v37 =	vand.u32 $0x7F, v37;
	v46 =	vsub.s32 v45, v21  }
0x355: {  	v44 =	vld [tilespmem:s13+$0x6050];
	v29 =	vor.u32 v32, v29;
	v62 =	vand.u32 $0xFFFFFC00, v60;
	vm12 =	vgt.s32 v46, $0x17F  }
0x356: {  	v34 =	vor.u32 v34, v35;
	v48 =	vadd.s32 $0xFFFFFE80, v46;
	v47 =	vsel vm12, s28, v22  }
0x357: {  	[tilespmem:v38+s24+$0x0] =	vst.idx.msk $0xffff, v53;
	v42 =	vadd.s32 v62, v41;
	v35 =	vsel vm12, v48, v46;
	v50 =	vshrl.u32 v47, $0x3  }
0x358: {  	v63 =	vld [tilespmem:s19+$0x6050];
	v31 =	vor.u32 v31, v42;
	v51 =	vshll.u32 v35, $0x3;
	v39 =	vmul.u32 $0xC00, v50  }
0x359: {  	v36 =	vsub.s32 v36, v9;
	v33 =	vshll.u32 v47, $0x7;
	v41 =	vand.u32 $0xFFFFFC00, v51  }
0x35a: {  	v38 =	vsub.s32 v44, v7;
	v33 =	vand.u32 $0x380, v33;
	v39 =	vadd.s32 v41, v39  }
0x35b: {  	vm14 =	vgt.s32 v36, $0x17F;
	v35 =	vand.u32 $0x7F, v35;
	v33 =	vor.u32 v33, v39  }
0x35c: {  	vm15 =	vgt.s32 v38, $0x17F;
	v54 =	vadd.s32 $0xFFFFFE80, v36;
	v52 =	vld [tilespmem:s26+$0x0];
	v33 =	vor.u32 v35, v33  }
0x35d: {  	v58 =	vadd.s32 $0xFFFFFE80, v38;
	v49 =	vsub.s32 v63, v8;
	v55 =	vsel vm15, s7, v11  }
0x35e: {  	v36 =	vsel vm14, v54, v36;
	v38 =	vsel vm15, v58, v38;
	vm13 =	vgt.s32 v49, $0x17F  }
0x35f: {  	v53 =	vadd.s32 $0xFFFFFE80, v49;
	v59 =	vshrl.u32 v55, $0x3;
	v63 =	vshll.u32 v36, $0x3  }
0x360: {  	v36 =	vand.u32 $0x7F, v36;
	v40 =	vsel vm13, v53, v49;
	v53 =	vshll.u32 v55, $0x7  }
0x361: {  	s1 =	sor.u32 $0x410, s18;
	v62 =	vshll.u32 v40, $0x3;
	v54 =	vand.u32 $0x380, v53;
	v41 =	vsel vm13, s21, v10;
	[tilespmem:v33+s24+$0x0] =	vst.idx.msk $0xffff, v52  }
0x362: {  	v40 =	vand.u32 $0x7F, v40;
	v49 =	vand.u32 $0xFFFFFC00, v62;
	v56 =	vshrl.u32 v41, $0x3;
	v51 =	vld [tilespmem:s1+$0x6000]  }
0x363: {  	v41 =	vshll.u32 v41, $0x7;
	v35 =	vsel vm14, s15, v12;
	v60 =	vmul.u32 $0xC00, v56  }
0x364: {  	v48 =	vmul.u32 $0xC00, v59;
	v41 =	vand.u32 $0x80, v41;
	v57 =	vshrl.u32 v35, $0x3  }
0x365: {  	v35 =	vshll.u32 v35, $0x7;
	v61 =	vmul.u32 $0xC00, v57;
	v39 =	vadd.s32 v49, v60  }
0x366: {  	v50 =	vand.u32 $0xFFFFFC00, v63;
	v35 =	vand.u32 $0x380, v35;
	v39 =	vor.u32 v41, v39  }
0x367: {  	v42 =	vadd.s32 v50, v61;
	v39 =	vor.u32 v40, v39;
	v55 =	vsub.s32 v51, v21  }
0x368: {  	v52 =	vshll.u32 v38, $0x3;
	v35 =	vor.u32 v35, v42;
	vm4 =	vgt.s32 v55, $0x17F  }
0x369: {  	v56 =	vld [tilespmem:s19+$0x50];
	v38 =	vand.u32 $0x7F, v38;
	v58 =	vadd.s32 $0xFFFFFE80, v55;
	v57 =	vsel vm4, s28, v22  }
0x36a: {  	v60 =	vld [tilespmem:s30+$0x50];
	v35 =	vor.u32 v36, v35;
	v42 =	vsel vm4, v58, v55;
	v59 =	vshrl.u32 v57, $0x3  }
0x36b: {  	v47 =	vand.u32 $0xFFFFFC00, v52;
	v62 =	vshll.u32 v42, $0x3;
	v61 =	vmul.u32 $0xC00, v59  }
0x36c: {  	v33 =	vadd.s32 v47, v48;
	v40 =	vshll.u32 v57, $0x7;
	v46 =	vand.u32 $0xFFFFFC00, v62  }
0x36d: {  	v63 =	vld [tilespmem:s13+$0x50];
	v33 =	vor.u32 v54, v33;
	v47 =	vand.u32 $0x380, v40;
	v36 =	vadd.s32 v46, v61  }
0x36e: {  	v49 =	vld [tilespmem:s1+$0x0];
	v33 =	vor.u32 v38, v33;
	[tilespmem:v39+s24+$0x0] =	vst.idx.msk $0xffff, v56;
	v48 =	vand.u32 $0x7F, v42;
	v36 =	vor.u32 v47, v36  }
0x36f: {  	v25 =	vmul.u32 $0xC00, v25;
	v50 =	vor.u32 v37, v31;
	v31 =	vld [tilespmem:s19+$0x6060];
	[tilespmem:v35+s24+$0x0] =	vst.idx.msk $0xffff, v60;
	v32 =	vor.u32 v48, v36  }
0x370: {  	v18 =	vshll.u32 v18, $0x7;
	v28 =	vand.u32 $0xFFFFFC00, v28;
	v23 =	vadd.s32 v26, v23;
	v51 =	vld [tilespmem:s30+$0x6060]  }
0x371: {  	v24 =	vadd.s32 v27, v24;
	v15 =	vor.u32 v15, v23;
	v26 =	vadd.s32 v28, v25  }
0x372: {  	v28 =	vand.u32 $0x380, v18;
	v18 =	vor.u32 v16, v24;
	v30 =	vand.u32 $0x7F, v30  }
0x373: {  	v23 =	vand.u32 $0x7F, v17;
	v24 =	vor.u32 v28, v26;
	v30 =	vor.u32 v30, v34;
	[tilespmem:v33+s24+$0x0] =	vst.idx.msk $0xffff, v63;
	v57 =	vld [tilespmem:s10+$0x0]  }
0x374: {  	v25 =	vand.u32 $0x7F, v14;
	s12 =	sor.u32 $0x420, s18;
	v27 =	vld [tilespmem:s13+$0x6060];
	v14 =	vsub.s32 v31, v8;
	v31 =	vor.u32 v13, v15;
	[tilespmem:v32+s24+$0x0] =	vst.idx.msk $0xffff, v49  }
0x375: {  	vm5 =	vgt.s32 v14, $0x17F;
	v13 =	vadd.s32 $0xFFFFFE80, v14;
	v15 =	vsub.s32 v51, v9;
	v16 =	vld [tilespmem:s12+$0x6000]  }
0x376: {  	v17 =	vsel vm5, s21, v10;
	v13 =	vsel vm5, v13, v14;
	vm6 =	vgt.s32 v15, $0x17F  }
0x377: {  	v28 =	vadd.s32 $0xFFFFFE80, v15;
	v52 =	vshrl.u32 v17, $0x3;
	v62 =	vshll.u32 v13, $0x3  }
0x378: {  	v17 =	vshll.u32 v17, $0x7;
	v13 =	vand.u32 $0x7F, v13;
	v15 =	vsel vm6, v28, v15  }
0x379: {  	[tilespmem:v29+s24+$0x0] =	vst.idx.msk $0xffff, v57;
	v29 =	vand.u32 $0xFFFFFC00, v62;
	v17 =	vand.u32 $0x80, v17;
	v26 =	vsub.s32 v27, v7  }
0x37a: {  	v27 =	vsel vm6, s15, v12;
	v63 =	vshll.u32 v15, $0x3;
	v16 =	vsub.s32 v16, v21  }
0x37b: {  	v15 =	vand.u32 $0x7F, v15;
	vm7 =	vgt.s32 v26, $0x17F;
	vm8 =	vgt.s32 v16, $0x17F  }
0x37c: {  	v54 =	vadd.s32 $0xFFFFFE80, v26;
	v56 =	vadd.s32 $0xFFFFFE80, v16;
	v55 =	vsel vm8, s28, v22  }
0x37d: {  	v14 =	vshrl.u32 v27, $0x3;
	v16 =	vsel vm8, v56, v16;
	v58 =	vshrl.u32 v55, $0x3  }
0x37e: {  	v59 =	vld [tilespmem:s16+$0x0];
	v47 =	vand.u32 $0xFFFFFC00, v63;
	v60 =	vshll.u32 v16, $0x3;
	v37 =	vmul.u32 $0xC00, v58  }
0x37f: {  	v27 =	vshll.u32 v27, $0x7;
	v36 =	vshll.u32 v55, $0x7;
	v39 =	vand.u32 $0xFFFFFC00, v60  }
0x380: {  	v53 =	vsel vm7, s7, v11;
	v36 =	vand.u32 $0x380, v36;
	v37 =	vadd.s32 v39, v37  }
0x381: {  	v61 =	vld [tilespmem:s17+$0x0];
	v26 =	vsel vm7, v54, v26;
	v16 =	vand.u32 $0x7F, v16;
	v36 =	vor.u32 v36, v37  }
0x382: {  	s16 =	sor.u32 $0x420, s4;
	v14 =	vmul.u32 $0xC00, v14;
	v27 =	vand.u32 $0x380, v27;
	v45 =	vld [tilespmem:s12+$0x0];
	v16 =	vor.u32 v16, v36  }
0x383: {  	[tilespmem:v30+s24+$0x0] =	vst.idx.msk $0xffff, v59;
	v30 =	vld [tilespmem:s16+$0x6000];
	v28 =	vshrl.u32 v53, $0x3;
	v46 =	vshll.u32 v26, $0x3;
	v32 =	vmul.u32 $0xC00, v52  }
0x384: {  	s20 =	sor.u32 $0x420, s5;
	v33 =	vshll.u32 v53, $0x7;
	v28 =	vmul.u32 $0xC00, v28;
	v14 =	vadd.s32 v47, v14  }
0x385: {  	v48 =	vld [tilespmem:s20+$0x6000];
	v49 =	vand.u32 $0xFFFFFC00, v46;
	v14 =	vor.u32 v27, v14;
	v29 =	vadd.s32 v29, v32  }
0x386: {  	v51 =	vld [tilespmem:s19+$0x60];
	[tilespmem:v50+s24+$0x0] =	vst.idx.msk $0xffff, v61;
	v28 =	vadd.s32 v49, v28;
	v17 =	vor.u32 v17, v29;
	v29 =	vand.u32 $0x380, v33  }
0x387: {  	s18 =	sor.u32 $0x430, s18;
	v26 =	vand.u32 $0x7F, v26;
	v52 =	vld [tilespmem:s30+$0x60];
	v13 =	vor.u32 v13, v17;
	[tilespmem:v16+s24+$0x0] =	vst.idx.msk $0xffff, v45;
	v16 =	vor.u32 v29, v28  }
0x388: {  	s12 =	sor.u32 $0x420, s6;
	v14 =	vor.u32 v15, v14;
	v17 =	vld [tilespmem:s18+$0x6000];
	v15 =	vor.u32 v26, v16;
	v16 =	vsub.s32 v30, v2  }
0x389: {  	s17 =	simm.s32 $0x9;
	v50 =	vld [tilespmem:s12+$0x6000];
	vm9 =	vgt.s32 v16, $0x17F  }
0x38a: {  	v26 =	vld [tilespmem:s13+$0x60];
	v30 =	vsub.s32 v48, v4;
	[dreg:$0xd] =	wrdreg s17;
	v27 =	vsel vm9, s23, v3;
	s23 =	simm.s32 $0xB  }
0x38b: {  	vm10 =	vgt.s32 v30, $0x17F;
	[dreg:$0x19] =	wrdreg s23  }
0x38c: {  	v29 =	vsel vm10, s25, v6;
	s25 =	simm.s32 $0xF;
	[tilespmem:v13+s24+$0x0] =	vst.idx.msk $0xffff, v51  }
0x38d: {  	v13 =	vsub.s32 v17, v21;
	[dreg:$0x15] =	wrdreg s25  }
0x38e: {  	v53 =	vsub.s32 v50, v1;
	v21 =	vld [tilespmem:s19+$0x6070];
	vm12 =	vgt.s32 v13, $0x17F  }
0x38f: {  	vm11 =	vgt.s32 v53, $0x17F;
	[tilespmem:v14+s24+$0x0] =	vst.idx.msk $0xffff, v52;
	v56 =	vadd.s32 $0xFFFFFE80, v13;
	v22 =	vsel vm12, s28, v22  }
0x390: {  	v54 =	vadd.s32 $0xFFFFFE80, v16;
	[tilespmem:v15+s24+$0x0] =	vst.idx.msk $0xffff, v26;
	v14 =	vld [tilespmem:s30+$0x6070];
	v13 =	vsel vm12, v56, v13;
	v26 =	vshrl.u32 v22, $0x3  }
0x391: {  	v57 =	vld [tilespmem:s13+$0x6070];
	v22 =	vshll.u32 v22, $0x7;
	v58 =	vmul.u32 $0xC00, v26;
	v26 =	vshll.u32 v13, $0x3  }
0x392: {  	v17 =	vadd.s32 $0xFFFFFE80, v53;
	v22 =	vand.u32 $0x380, v22;
	v59 =	vand.u32 $0xFFFFFC00, v26  }
0x393: {  	v26 =	vsel vm11, v17, v53;
	v17 =	vsub.s32 v21, v8;
	v21 =	vadd.s32 v59, v58  }
0x394: {  	s26 =	simm.s32 $0x8;
	v16 =	vsel vm9, v54, v16;
	v13 =	vand.u32 $0x7F, v13;
	v21 =	vor.u32 v22, v21  }
0x395: {  	p2 =	por !p2, !p2;
	s5 =	sor.u32 $0x430, s5;
	v51 =	vld [tilespmem:s2+$0x0];
	s2 =	sand.u32 $0x7, s26;
	v14 =	vsub.s32 v14, v9;
	vm13 =	vgt.s32 v17, $0x17F;
	v34 =	vor.u32 v13, v21  }
0x396: {  	v49 =	vld [tilespmem:s8+$0x0];
	[dreg:$0x5] =	wrdreg s5;
	s28 =	sor.u32 $0x430, s6;
	v13 =	vsub.s32 v57, v7;
	v21 =	vsel vm13, s21, v10;
	s21 =	simm.s32 $0x13;
	vm14 =	vgt.s32 v14, $0x17F  }
0x397: {  	s5 =	simm.s32 $0x1;
	s2 =	sshll.u32 s2, $0x7;
	[dreg:$0x4] =	wrdreg s28;
	v61 =	vadd.s32 $0xFFFFFE80, v14;
	vm15 =	vgt.s32 v13, $0x17F;
	v60 =	vsel vm14, s21, v12  }
0x398: {  	s5 =	simm.s32 @!p2 $0x0;
	s2 =	sadd.s32 $0x800, s2;
	v53 =	vld [tilespmem:s14+$0x0];
	v62 =	vshrl.u32 v21, $0x3;
	v48 =	vadd.s32 $0xFFFFFE80, v13;
	v35 =	vsel vm14, v61, v14  }
0x399: {  	s5 =	sshll.u32 s5, $0x9;
	s6 =	sadd.s32 $0x180, s2;
	v58 =	vshll.u32 v21, $0x7;
	v21 =	vld [tilespmem:s16+$0x0];
	v63 =	vsel vm15, s7, v11;
	v14 =	vshrl.u32 v60, $0x3  }
0x39a: {  	s15 =	sor.u32 $0x400, s6;
	v52 =	vsel vm15, v48, v13;
	v13 =	vshrl.u32 v63, $0x3;
	v54 =	vmul.u32 $0xC00, v14;
	v14 =	vld [tilespmem:s11+$0x0];
	s11 =	sadd.s32 $0x800, s5  }
0x39b: {  	v28 =	vsel vm11, s29, v5;
	s29 =	sadd.s32 $0x80, s2;
	v22 =	vadd.s32 $0xFFFFFE80, v17;
	v56 =	vmul.u32 $0xC00, v13;
	v13 =	vld [tilespmem:s22+$0x0];
	[dreg:$0x14] =	wrdreg s15;
	s22 =	sor.u32 $0x400, s11  }
0x39c: {  	s23 =	sor.u32 $0x410, s29;
	v50 =	vsel vm13, v22, v17;
	v59 =	vld [tilespmem:s18+$0x0];
	[dreg:$0x18] =	wrdreg s22  }
0x39d: {  	s25 =	sor.u32 $0x410, s6;
	v22 =	vshll.u32 v50, $0x3;
	v17 =	vmul.u32 $0xC00, v62;
	[dreg:$0x11] =	wrdreg s23  }
0x39e: {  	v22 =	vand.u32 $0xFFFFFC00, v22;
	v57 =	vshll.u32 v52, $0x3;
	[dreg:$0x10] =	wrdreg s25  }
0x39f: {  	v17 =	vadd.s32 v22, v17;
	v22 =	vand.u32 $0xFFFFFC00, v57;
	s26 =	sor.u32 $0x410, s11;
	[tilespmem:v19+s24+$0x0] =	vst.idx.msk $0xffff, v49  }
0x3a0: {  	v33 =	vshll.u32 v60, $0x7;
	v47 =	vand.u32 $0x80, v58;
	v60 =	vadd.s32 v22, v56;
	v22 =	vld [tilespmem:s20+$0x0];
	[dreg:$0x12] =	wrdreg s26  }
0x3a1: {  	s17 =	sor.u32 $0x400, s29;
	s28 =	sor.u32 $0x430, s29;
	v61 =	vor.u32 v47, v17;
	v17 =	vld [tilespmem:s12+$0x0];
	[tilespmem:v20+s24+$0x0] =	vst.idx.msk $0xffff, v51  }
0x3a2: {  	s1 =	sor.u32 $0x420, s29;
	s29 =	sor.u32 $0x430, s11;
	v19 =	vld [tilespmem:s19+$0x70];
	[dreg:$0x8] =	wrdreg s28  }
0x3a3: {  	v55 =	vadd.s32 $0xFFFFFE80, v30;
	v32 =	vshrl.u32 v27, $0x3;
	v20 =	vld [tilespmem:s30+$0x70];
	[dreg:$0xb] =	wrdreg s29  }
0x3a4: {  	v39 =	vshrl.u32 v29, $0x3;
	v15 =	vsel vm10, v55, v30;
	v30 =	vshrl.u32 v28, $0x3;
	[tilespmem:v31+s24+$0x0] =	vst.idx.msk $0xffff, v53  }
0x3a5: {  	v55 =	vshll.u32 v35, $0x3;
	v62 =	vand.u32 $0x7F, v50;
	v35 =	vand.u32 $0x7F, v35;
	s30 =	sld [smem:$0x7F6]  }
0x3a6: {  	v44 =	vand.u32 $0xFFFFFC00, v55;
	v37 =	vshll.u32 v63, $0x7;
	v33 =	vand.u32 $0x380, v33  }
0x3a7: {  	s31 =	simm.s32 $0x11;
	p2 =	por !p2, !p2;
	v36 =	vand.u32 $0x7F, v52;
	v37 =	vand.u32 $0x380, v37;
	v38 =	vadd.s32 v44, v54  }
0x3a8: {  	s14 =	sor.u32 $0x430, s4;
	s15 =	sor.u32 $0x420, s11;
	v33 =	vor.u32 v33, v38;
	v38 =	vor.u32 v62, v61;
	v63 =	vor.u32 v37, v60;
	s2 =	sand.u32 $0x2, s30  }
0x3a9: {  	s23 =	sor.u32 $0x430, s6;
	s22 =	simm.s32 $0x8;
	v37 =	vor.u32 v35, v33;
	v33 =	vmul.u32 $0xC00, v32;
	v35 =	vshll.u32 v16, $0x3;
	[smem:$0x7F3] =	sst s2  }
0x3aa: {  	v32 =	vmul.u32 $0xC00, v39;
	s26 =	simm.s32 $0xC;
	s12 =	sor.u32 $0x420, s6;
	v36 =	vor.u32 v36, v63;
	v31 =	vld [tilespmem:s13+$0x70];
	[tilespmem:v34+s24+$0x0] =	vst.idx.msk $0xffff, v59;
	v34 =	vshll.u32 v15, $0x3;
	s13 =	simm.s32 $0x17  }
.LBB2_5:
0x3ab: {  	[smem:$0x7EE] =	sst s15  }
0x3ac: {  	[dreg:$0x1f] =	wrdreg s12  }
0x3ad: {  	v35 =	vand.u32 $0xFFFFFC00, v35;
	v30 =	vmul.u32 $0xC00, v30;
	s15 =	rddreg [dreg:$0x18]  }
0x3ae: {  	v39 =	vshll.u32 v26, $0x3;
	s12 =	sadd.s32 $0x200, s3;
	v27 =	vshll.u32 v27, $0x7;
	v34 =	vand.u32 $0xFFFFFC00, v34;
	s0 =	sadd.s32 $0x400, s0;
	s2 =	rddreg [dreg:$0x1c]  }
0x3af: {  	v29 =	vshll.u32 v29, $0x7;
	v28 =	vshll.u32 v28, $0x7;
	v16 =	vand.u32 $0x7F, v16;
	s7 =	sadd.s32 $0x8, s7;
	s11 =	sadd.s32 $0xFFFFFF80, s12;
	s16 =	sand.u32 $0x3800, s0;
	[tilespmem:v38+s24+$0x0] =	vst.idx.msk $0xffff, v19  }
0x3b0: {  	v15 =	vand.u32 $0x7F, v15;
	v50 =	vor.u32 v25, v18;
	v51 =	vor.u32 v23, v24;
	s18 =	sadd.s32 $0xFFFFFE80, s12;
	s20 =	sadd.s32 $0xFFFFFF00, s12;
	s11 =	sand.u32 $0x300, s11;
	[tilespmem:v37+s24+$0x0] =	vst.idx.msk $0xffff, v20;
	v47 =	vld [tilespmem:s15+$0x6000]  }
0x3b1: {  	v46 =	vand.u32 $0xFFFFFC00, v39;
	s2 =	sadd.s32 $0xC00, s2;
	s4 =	sand.u32 $0x280, s20;
	s19 =	sor.u32 s16, s11;
	v19 =	vadd.s32 v35, v33;
	v20 =	vand.u32 $0x80, v27;
	v48 =	vld [tilespmem:s17+$0x6000]  }
0x3b2: {  	v28 =	vand.u32 $0x380, v28;
	s5 =	sand.u32 $0x380, s12;
	s20 =	sadd.s32 $0xFFFFF700, s2;
	s25 =	sor.u32 s16, s4;
	v19 =	vor.u32 v20, v19;
	v20 =	vand.u32 $0x380, v29;
	v29 =	vld [tilespmem:s19+$0x6000]  }
0x3b3: {  	[tilespmem:v36+s24+$0x0] =	vst.idx.msk $0xffff, v31;
	v30 =	vadd.s32 v46, v30;
	s3 =	sand.u32 $0x200, s18;
	s29 =	sadd.s32 $0xFFFFFA00, s2;
	v23 =	vmov s20;
	v27 =	vadd.s32 v34, v32;
	s24 =	sor.u32 s16, s5;
	v25 =	vld [tilespmem:s25+$0x6000]  }
0x3b4: {  	s28 =	sor.u32 s3, s16;
	v18 =	vmov s29;
	s4 =	sadd.s32 $0xFFFFFFF9, s7;
	v52 =	vld [tilespmem:s24+$0x6000];
	v20 =	vor.u32 v20, v27;
	v27 =	vor.u32 v28, v30  }
0x3b5: {  	s30 =	sadd.s32 $0xFFFFFD00, s2;
	s3 =	smov.u32 s9;
	v28 =	vor.u32 v16, v19;
	v16 =	vand.u32 $0x7F, v26;
	v26 =	vld [tilespmem:s28+$0x6000];
	v19 =	vmov s4  }
0x3b6: {  	s9 =	smov.u32 s17;
	s5 =	sadd.s32 $0xFFFFFFFD, s7;
	s17 =	rddreg [dreg:$0x14];
	v49 =	vor.u32 v15, v20;
	v27 =	vor.u32 v16, v27;
	v20 =	vmov s2  }
0x3b7: {  	v31 =	vld [tilespmem:s17+$0x6000];
	v15 =	vmov s30;
	v16 =	vmov s5;
	v30 =	vsub.s32 v47, v8  }
0x3b8: {  	s11 =	sadd.s32 $0xFFFFFFFB, s7;
	v24 =	vsub.s32 v29, v15;
	v32 =	vsub.s32 v48, v9;
	v53 =	vsub.s32 v25, v18  }
0x3b9: {  	v39 =	vsub.s32 v52, v20;
	v29 =	vmov s11;
	vm0 =	vgt.s32 v30, $0x17F  }
0x3ba: {  	s6 =	simm.s32 $0xC000;
	s30 =	smov.u32 s23;
	s23 =	sadd.s32 $0xFFFFFFFF, s7;
	vm1 =	vgt.s32 v24, $0x17F;
	v40 =	vsub.s32 v26, v23;
	v26 =	vadd.s32 $0xFFFFFE80, v24  }
0x3bb: {  	v33 =	vld [tilespmem:s28+$0x0];
	[tilespmem:v28+s6+$0x0] =	vst.idx.msk $0xffff, v21;
	vm2 =	vgt.s32 v53, $0x17F;
	vm3 =	vgt.s32 v39, $0x17F;
	v28 =	vmov s23  }
0x3bc: {  	s29 =	sadd.s32 $0xFFFFFFFE, s7;
	v43 =	vadd.s32 $0xFFFFFE80, v53;
	v45 =	vadd.s32 $0xFFFFFE80, v39;
	v52 =	vsub.s32 v31, v7  }
0x3bd: {  	vm7 =	vgt.s32 v32, $0x17F;
	v31 =	vadd.s32 $0xFFFFFE80, v30;
	v21 =	vsel vm1, s29, v16  }
0x3be: {  	s18 =	sadd.s32 $0xFFFFFFFC, s7;
	v34 =	vld [tilespmem:s25+$0x0];
	[tilespmem:v49+s6+$0x0] =	vst.idx.msk $0xffff, v22;
	v22 =	vsel vm1, v26, v24;
	vm15 =	vgt.s32 v40, $0x17F;
	v25 =	vshrl.u32 v21, $0x3  }
0x3bf: {  	v35 =	vld [tilespmem:s24+$0x0];
	[tilespmem:v27+s6+$0x0] =	vst.idx.msk $0xffff, v17;
	v42 =	vsel vm2, s18, v29;
	v26 =	vshll.u32 v22, $0x3;
	v17 =	vmul.u32 $0xC00, v25  }
0x3c0: {  	s8 =	sand.u32 $0x7, s26;
	v44 =	vsel vm3, s7, v28;
	v21 =	vshll.u32 v21, $0x7;
	v25 =	vld [tilespmem:s9+$0x0];
	[tilespmem:v50+s6+$0x0] =	vst.idx.msk $0xffff, v14;
	v14 =	vand.u32 $0xFFFFFC00, v26  }
0x3c1: {  	[smem:$0x7EF] =	sst s1;
	s8 =	sshll.u32 s8, $0x7;
	v36 =	vsel vm2, v43, v53;
	v26 =	vld [tilespmem:s17+$0x0];
	[tilespmem:v51+s6+$0x0] =	vst.idx.msk $0xffff, v13;
	v13 =	vadd.s32 v14, v17;
	v14 =	vand.u32 $0x380, v21  }
0x3c2: {  	s1 =	smov.u32 s13;
	s8 =	sadd.s32 s0, s8;
	[dreg:$0x1c] =	wrdreg s2;
	v39 =	vsel vm3, v45, v39;
	v17 =	vand.u32 $0x7F, v22;
	v13 =	vor.u32 v14, v13  }
0x3c3: {  	s13 =	sadd.s32 $0x80, s8;
	v54 =	vld [tilespmem:s19+$0x0];
	s2 =	sadd.s32 $0x180, s8;
	s8 =	sadd.s32 $0xFFFFFFFA, s7;
	vm8 =	vgt.s32 v52, $0x17F;
	v31 =	vsel vm0, v31, v30;
	v55 =	vor.u32 v17, v13  }
0x3c4: {  	v41 =	vsel vm15, s8, v19;
	v47 =	vshrl.u32 v42, $0x3;
	v56 =	vshrl.u32 v44, $0x3  }
0x3c5: {  	v59 =	vshll.u32 v36, $0x3;
	v48 =	vshll.u32 v39, $0x3;
	v42 =	vshll.u32 v42, $0x7  }
0x3c6: {  	s4 =	sor.u32 $0x400, s13;
	v44 =	vshll.u32 v44, $0x7;
	v36 =	vand.u32 $0x7F, v36;
	v39 =	vand.u32 $0x7F, v39  }
0x3c7: {  	s17 =	smov.u32 s4;
	s4 =	rddreg [dreg:$0x4];
	v46 =	vshrl.u32 v41, $0x3;
	v47 =	vmul.u32 $0xC00, v47;
	v43 =	vmul.u32 $0xC00, v56  }
0x3c8: {  	v41 =	vshll.u32 v41, $0x7;
	v37 =	vand.u32 $0xFFFFFC00, v59;
	v48 =	vand.u32 $0xFFFFFC00, v48;
	v27 =	vld [tilespmem:s4+$0x6000];
	[tilespmem:v55+s6+$0x0] =	vst.idx.msk $0xffff, v54  }
0x3c9: {  	s9 =	smov.u32 s3;
	s3 =	smov.u32 s12;
	s12 =	rddreg [dreg:$0x5];
	v42 =	vand.u32 $0x380, v42;
	v44 =	vand.u32 $0x380, v44;
	v57 =	vmul.u32 $0xC00, v46;
	v38 =	vld [tilespmem:s19+$0x6010]  }
0x3ca: {  	v41 =	vand.u32 $0x80, v41;
	v22 =	vld [tilespmem:s12+$0x6000];
	v37 =	vadd.s32 v37, v47;
	v13 =	vadd.s32 $0xFFFFFE80, v40  }
0x3cb: {  	v43 =	vadd.s32 v48, v43;
	v37 =	vor.u32 v42, v37;
	v40 =	vsel vm15, v13, v40  }
0x3cc: {  	v60 =	vor.u32 v44, v43;
	v36 =	vor.u32 v36, v37;
	v58 =	vshll.u32 v40, $0x3  }
0x3cd: {  	v39 =	vor.u32 v39, v60;
	v40 =	vand.u32 $0x7F, v40;
	v46 =	vand.u32 $0xFFFFFC00, v58  }
0x3ce: {  	v27 =	vsub.s32 v27, v1;
	v45 =	vadd.s32 v46, v57;
	v38 =	vsub.s32 v38, v15  }
0x3cf: {  	v22 =	vsub.s32 v22, v4;
	v41 =	vor.u32 v41, v45;
	vm6 =	vgt.s32 v38, $0x17F  }
0x3d0: {  	v14 =	vld [tilespmem:s12+$0x0];
	v54 =	vadd.s32 $0xFFFFFE80, v32;
	v62 =	vadd.s32 $0xFFFFFE80, v38;
	v61 =	vsel vm6, s29, v16  }
0x3d1: {  	v13 =	vld [tilespmem:s4+$0x0];
	[tilespmem:v36+s6+$0x0] =	vst.idx.msk $0xffff, v34;
	v36 =	vsel vm8, s1, v11;
	v38 =	vsel vm6, v62, v38;
	v63 =	vshrl.u32 v61, $0x3  }
0x3d2: {  	[tilespmem:v39+s6+$0x0] =	vst.idx.msk $0xffff, v35;
	v40 =	vor.u32 v40, v41;
	v56 =	vld [tilespmem:s25+$0x6010];
	v49 =	vshll.u32 v38, $0x3;
	v48 =	vmul.u32 $0xC00, v63  }
0x3d3: {  	v55 =	vadd.s32 $0xFFFFFE80, v52;
	v59 =	vld [tilespmem:s24+$0x6010];
	v43 =	vshll.u32 v61, $0x7;
	v50 =	vand.u32 $0xFFFFFC00, v49  }
0x3d4: {  	v24 =	vld [tilespmem:s15+$0x0];
	v32 =	vsel vm7, v54, v32;
	v51 =	vand.u32 $0x380, v43;
	v37 =	vadd.s32 v50, v48  }
0x3d5: {  	v21 =	vld [tilespmem:s14+$0x6000];
	v30 =	vsel vm8, v55, v52;
	v38 =	vand.u32 $0x7F, v38;
	v37 =	vor.u32 v51, v37  }
0x3d6: {  	v53 =	vld [tilespmem:s19+$0x10];
	v60 =	vshrl.u32 v36, $0x3;
	v36 =	vshll.u32 v36, $0x7;
	v37 =	vor.u32 v38, v37  }
0x3d7: {  	v17 =	vld [tilespmem:s14+$0x0];
	vm8 =	vgt.s32 v27, $0x17F;
	v34 =	vmul.u32 $0xC00, v60;
	v46 =	vshll.u32 v30, $0x3;
	[tilespmem:v40+s6+$0x0] =	vst.idx.msk $0xffff, v33  }
0x3d8: {  	v33 =	vsel vm0, s31, v10;
	v44 =	vsub.s32 v56, v18;
	v45 =	vsub.s32 v59, v20;
	v40 =	vld [tilespmem:s28+$0x6010]  }
0x3d9: {  	v57 =	vshrl.u32 v33, $0x3;
	vm10 =	vgt.s32 v44, $0x17F;
	v52 =	vadd.s32 $0xFFFFFE80, v44  }
0x3da: {  	vm11 =	vgt.s32 v45, $0x17F;
	v54 =	vadd.s32 $0xFFFFFE80, v45;
	v33 =	vshll.u32 v33, $0x7  }
0x3db: {  	v35 =	vmul.u32 $0xC00, v57;
	v62 =	vshll.u32 v32, $0x3;
	v44 =	vsel vm10, v52, v44;
	[tilespmem:v37+s6+$0x0] =	vst.idx.msk $0xffff, v53  }
0x3dc: {  	v45 =	vsel vm11, v54, v45;
	v33 =	vand.u32 $0x80, v33;
	v32 =	vand.u32 $0x7F, v32;
	v42 =	vld [tilespmem:s19+$0x6020]  }
0x3dd: {  	v61 =	vshll.u32 v31, $0x3;
	v43 =	vand.u32 $0xFFFFFC00, v62;
	v40 =	vsub.s32 v40, v23  }
0x3de: {  	vm9 =	vgt.s32 v40, $0x17F;
	v63 =	vadd.s32 $0xFFFFFE80, v40;
	v51 =	vsel vm10, s18, v29  }
0x3df: {  	v38 =	vsel vm7, s21, v12;
	v50 =	vsel vm9, s8, v19;
	v56 =	vshrl.u32 v51, $0x3  }
0x3e0: {  	v40 =	vsel vm9, v63, v40;
	v63 =	vshll.u32 v44, $0x3;
	v51 =	vshll.u32 v51, $0x7  }
0x3e1: {  	v44 =	vand.u32 $0x7F, v44;
	v55 =	vshrl.u32 v50, $0x3;
	v42 =	vsub.s32 v42, v15  }
0x3e2: {  	v62 =	vshll.u32 v40, $0x3;
	v50 =	vshll.u32 v50, $0x7;
	vm12 =	vgt.s32 v42, $0x17F  }
0x3e3: {  	v40 =	vand.u32 $0x7F, v40;
	v57 =	vadd.s32 $0xFFFFFE80, v42;
	v60 =	vsel vm12, s29, v16  }
0x3e4: {  	v37 =	vand.u32 $0xFFFFFC00, v61;
	v42 =	vsel vm12, v57, v42;
	v61 =	vshrl.u32 v60, $0x3  }
0x3e5: {  	v54 =	vmul.u32 $0xC00, v55;
	v57 =	vshll.u32 v42, $0x3;
	v52 =	vmul.u32 $0xC00, v61  }
0x3e6: {  	v55 =	vmul.u32 $0xC00, v56;
	v48 =	vshll.u32 v60, $0x7;
	v57 =	vand.u32 $0xFFFFFC00, v57  }
0x3e7: {  	v56 =	vand.u32 $0xFFFFFC00, v63;
	v48 =	vand.u32 $0x380, v48;
	v52 =	vadd.s32 v57, v52  }
0x3e8: {  	v42 =	vand.u32 $0x7F, v42;
	v60 =	vand.u32 $0xFFFFFC00, v62;
	v48 =	vor.u32 v48, v52  }
0x3e9: {  	v50 =	vand.u32 $0x80, v50;
	v57 =	vld [tilespmem:s19+$0x20];
	v42 =	vor.u32 v42, v48;
	v48 =	vadd.s32 v60, v54  }
0x3ea: {  	v55 =	vadd.s32 v56, v55;
	v54 =	vand.u32 $0x380, v51;
	v48 =	vor.u32 v50, v48  }
0x3eb: {  	v41 =	vld [tilespmem:s28+$0x10];
	v58 =	vshrl.u32 v38, $0x3;
	v50 =	vor.u32 v54, v55;
	v40 =	vor.u32 v40, v48  }
0x3ec: {  	v47 =	vld [tilespmem:s25+$0x10];
	v38 =	vshll.u32 v38, $0x7;
	v39 =	vmul.u32 $0xC00, v58;
	v44 =	vor.u32 v44, v50  }
0x3ed: {  	vm7 =	vgt.s32 v22, $0x17F;
	v38 =	vand.u32 $0x380, v38;
	v53 =	vsel vm11, s7, v28  }
0x3ee: {  	v59 =	vadd.s32 v43, v39;
	v43 =	vand.u32 $0x7F, v31;
	v58 =	vshrl.u32 v53, $0x3;
	[tilespmem:v42+s6+$0x0] =	vst.idx.msk $0xffff, v57  }
0x3ef: {  	v53 =	vshll.u32 v53, $0x7;
	v35 =	vadd.s32 v37, v35;
	v37 =	vor.u32 v38, v59;
	v57 =	vld [tilespmem:s19+$0x6030]  }
0x3f0: {  	v56 =	vand.u32 $0x380, v53;
	v62 =	vshll.u32 v45, $0x3;
	v61 =	vmul.u32 $0xC00, v58;
	[tilespmem:v40+s6+$0x0] =	vst.idx.msk $0xffff, v41  }
0x3f1: {  	v33 =	vor.u32 v33, v35;
	v32 =	vor.u32 v32, v37;
	v63 =	vand.u32 $0xFFFFFC00, v62;
	[tilespmem:v44+s6+$0x0] =	vst.idx.msk $0xffff, v47;
	v62 =	vld [tilespmem:s28+$0x6020]  }
0x3f2: {  	v33 =	vor.u32 v43, v33;
	v58 =	vand.u32 $0xFFFFFC00, v46;
	v52 =	vadd.s32 v63, v61;
	v50 =	vld [tilespmem:s25+$0x6020]  }
0x3f3: {  	v45 =	vand.u32 $0x7F, v45;
	v34 =	vadd.s32 v58, v34;
	v42 =	vor.u32 v56, v52  }
0x3f4: {  	v49 =	vld [tilespmem:s24+$0x10];
	v61 =	vand.u32 $0x380, v36;
	v42 =	vor.u32 v45, v42;
	v60 =	vsub.s32 v57, v15  }
0x3f5: {  	v34 =	vor.u32 v61, v34;
	vm13 =	vgt.s32 v60, $0x17F;
	v48 =	vadd.s32 $0xFFFFFE80, v60  }
0x3f6: {  	v63 =	vsel vm13, s29, v16;
	v39 =	vsel vm13, v48, v60;
	v36 =	vsub.s32 v62, v23  }
0x3f7: {  	s10 =	simm.s32 $0x1;
	v38 =	vsub.s32 v50, v18;
	v51 =	vshrl.u32 v63, $0x3;
	v53 =	vshll.u32 v39, $0x3  }
0x3f8: {  	s10 =	simm.s32 @!p2 $0x0;
	v40 =	vshll.u32 v63, $0x7;
	v39 =	vand.u32 $0x7F, v39;
	v52 =	vmul.u32 $0xC00, v51  }
0x3f9: {  	s10 =	sshll.u32 s10, $0x9;
	[tilespmem:v42+s6+$0x0] =	vst.idx.msk $0xffff, v49;
	vm14 =	vgt.s32 v36, $0x17F;
	vm15 =	vgt.s32 v38, $0x17F;
	v41 =	vand.u32 $0xFFFFFC00, v53  }
0x3fa: {  	s10 =	sadd.s32 s10, s0;
	s16 =	sor.u32 $0x410, s2;
	v42 =	vld [tilespmem:s24+$0x6020];
	v55 =	vadd.s32 $0xFFFFFE80, v36;
	v40 =	vand.u32 $0x380, v40;
	v35 =	vadd.s32 v41, v52  }
0x3fb: {  	[smem:$0x7ED] =	sst s16;
	s16 =	sor.u32 $0x400, s10;
	v56 =	vadd.s32 $0xFFFFFE80, v38;
	v46 =	vsel vm15, s18, v29;
	v35 =	vor.u32 v40, v35  }
0x3fc: {  	[dreg:$0x18] =	wrdreg s16;
	v54 =	vld [tilespmem:s19+$0x30];
	v36 =	vsel vm14, v55, v36;
	v38 =	vsel vm15, v56, v38;
	v35 =	vor.u32 v39, v35  }
0x3fd: {  	s11 =	rddreg [dreg:$0x8];
	s15 =	sor.u32 $0x420, s13;
	v59 =	vshrl.u32 v46, $0x3;
	v62 =	vshll.u32 v36, $0x3;
	v55 =	vshll.u32 v38, $0x3  }
0x3fe: {  	s16 =	sor.u32 $0x410, s10;
	[smem:$0x7F1] =	sst s15;
	s15 =	sor.u32 $0x420, s2;
	v46 =	vshll.u32 v46, $0x7;
	v36 =	vand.u32 $0x7F, v36;
	v38 =	vand.u32 $0x7F, v38  }
0x3ff: {  	[smem:$0x7F2] =	sst s15;
	s15 =	sor.u32 $0x420, s10;
	s10 =	sor.u32 $0x430, s10;
	v41 =	vand.u32 $0x7F, v30;
	v42 =	vsub.s32 v42, v20;
	v63 =	vmul.u32 $0xC00, v59  }
0x400: {  	s23 =	smov.u32 s10;
	s10 =	rddreg [dreg:$0x19];
	v1 =	vmovc v7;
	v45 =	vand.u32 $0xFFFFFC00, v62;
	v50 =	vand.u32 $0xFFFFFC00, v55;
	v46 =	vand.u32 $0x380, v46  }
0x401: {  	s12 =	smov.u32 s11;
	s11 =	rddreg [dreg:$0x15];
	v7 =	vmovc v20;
	v55 =	vsub.s32 v21, v2;
	v20 =	vsel vm7, s10, v6;
	v6 =	vadd.s32 $0xFFFFFE80, v22;
	[tilespmem:v35+s6+$0x0] =	vst.idx.msk $0xffff, v54  }
0x402: {  	s5 =	sor.u32 $0x400, s2;
	[smem:$0x7F0] =	sst s15;
	v2 =	vmovc v8;
	v8 =	vmovc v23;
	v23 =	vsel vm8, s11, v5;
	v5 =	vadd.s32 $0xFFFFFE80, v27;
	vm4 =	vgt.s32 v42, $0x17F;
	v54 =	vld [tilespmem:s19+$0x6040]  }
0x403: {  	s15 =	smov.u32 s5;
	s5 =	rddreg [dreg:$0xd];
	v57 =	vadd.s32 $0xFFFFFE80, v42;
	vm6 =	vgt.s32 v55, $0x17F;
	v39 =	vsel vm14, s8, v19  }
0x404: {  	v48 =	vsel vm4, s7, v28;
	v21 =	vsel vm6, s5, v3;
	v58 =	vshrl.u32 v39, $0x3  }
0x405: {  	v60 =	vshrl.u32 v48, $0x3;
	v39 =	vshll.u32 v39, $0x7;
	v48 =	vshll.u32 v48, $0x7  }
0x406: {  	v61 =	vmul.u32 $0xC00, v58;
	v40 =	vmul.u32 $0xC00, v60;
	v39 =	vand.u32 $0x80, v39  }
0x407: {  	v59 =	vand.u32 $0x380, v48;
	v35 =	vsel vm4, v57, v42;
	v58 =	vsub.s32 v54, v15  }
0x408: {  	v42 =	vadd.s32 v45, v61;
	v57 =	vadd.s32 v50, v63;
	vm5 =	vgt.s32 v58, $0x17F  }
0x409: {  	v56 =	vshll.u32 v35, $0x3;
	v61 =	vadd.s32 $0xFFFFFE80, v58;
	v60 =	vsel vm5, s29, v16  }
0x40a: {  	v39 =	vor.u32 v39, v42;
	v47 =	vsel vm5, v61, v58;
	v62 =	vshrl.u32 v60, $0x3  }
0x40b: {  	v45 =	vor.u32 v46, v57;
	v52 =	vshll.u32 v47, $0x3;
	v63 =	vmul.u32 $0xC00, v62  }
0x40c: {  	v44 =	vld [tilespmem:s28+$0x20];
	v36 =	vor.u32 v36, v39;
	v46 =	vshll.u32 v60, $0x7;
	v48 =	vand.u32 $0xFFFFFC00, v52  }
0x40d: {  	v31 =	vld [tilespmem:s25+$0x20];
	v38 =	vor.u32 v38, v45;
	v46 =	vand.u32 $0x380, v46;
	v42 =	vadd.s32 v48, v63  }
0x40e: {  	v3 =	vmovc v10;
	v51 =	vand.u32 $0xFFFFFC00, v56;
	v53 =	vand.u32 $0x7F, v47;
	v42 =	vor.u32 v46, v42  }
0x40f: {  	v10 =	vmovc v19;
	v19 =	vsel vm7, v6, v22;
	v40 =	vadd.s32 v51, v40;
	v54 =	vld [tilespmem:s19+$0x40];
	v39 =	vor.u32 v53, v42  }
0x410: {  	v22 =	vsel vm8, v5, v27;
	v35 =	vand.u32 $0x7F, v35;
	v40 =	vor.u32 v59, v40  }
0x411: {  	v30 =	vld [tilespmem:s24+$0x20];
	v6 =	vmovc v12;
	v12 =	vmov v29;
	v29 =	vshll.u32 v22, $0x3;
	v35 =	vor.u32 v35, v40;
	[tilespmem:v36+s6+$0x0] =	vst.idx.msk $0xffff, v44  }
0x412: {  	v4 =	vmovc v9;
	v34 =	vor.u32 v41, v34;
	v29 =	vand.u32 $0xFFFFFC00, v29;
	v56 =	vadd.s32 $0xFFFFFE80, v55;
	[tilespmem:v38+s6+$0x0] =	vst.idx.msk $0xffff, v31  }
0x413: {  	v9 =	vmovc v18;
	v18 =	vsel vm6, v56, v55;
	v59 =	vshrl.u32 v20, $0x3;
	v20 =	vshll.u32 v20, $0x7;
	v57 =	vld [tilespmem:s28+$0x6030];
	[tilespmem:v33+s6+$0x0] =	vst.idx.msk $0xffff, v24  }
0x414: {  	[dreg:$0x5] =	wrdreg s12;
	v27 =	vmul.u32 $0xC00, v59;
	v20 =	vand.u32 $0x380, v20;
	v58 =	vshrl.u32 v21, $0x3;
	v38 =	vld [tilespmem:s25+$0x6030];
	[tilespmem:v39+s6+$0x0] =	vst.idx.msk $0xffff, v54  }
0x415: {  	s12 =	rddreg [dreg:$0x12];
	v61 =	vshll.u32 v18, $0x3;
	[tilespmem:v32+s6+$0x0] =	vst.idx.msk $0xffff, v25;
	v21 =	vshll.u32 v21, $0x7;
	v60 =	vshrl.u32 v23, $0x3;
	v31 =	vld [tilespmem:s19+$0x6050]  }
0x416: {  	v24 =	vmul.u32 $0xC00, v58;
	v40 =	vld [tilespmem:s12+$0x6000];
	v23 =	vshll.u32 v23, $0x7;
	v21 =	vand.u32 $0x80, v21;
	[tilespmem:v35+s6+$0x0] =	vst.idx.msk $0xffff, v30  }
0x417: {  	v62 =	vshll.u32 v19, $0x3;
	v25 =	vmul.u32 $0xC00, v60;
	v30 =	vld [tilespmem:s24+$0x6030];
	[tilespmem:v34+s6+$0x0] =	vst.idx.msk $0xffff, v26;
	v26 =	vand.u32 $0xFFFFFC00, v61  }
0x418: {  	v5 =	vmovc v11;
	v11 =	vmovc v28;
	v28 =	vand.u32 $0xFFFFFC00, v62;
	v24 =	vadd.s32 v26, v24;
	v63 =	vsub.s32 v57, v8  }
0x419: {  	v38 =	vsub.s32 v38, v9;
	vm9 =	vgt.s32 v63, $0x17F;
	v52 =	vadd.s32 $0xFFFFFE80, v63  }
0x41a: {  	s5 =	smov.u32 s21;
	s21 =	smov.u32 s18;
	vm11 =	vgt.s32 v38, $0x17F;
	v58 =	vadd.s32 $0xFFFFFE80, v38;
	v31 =	vsub.s32 v31, v15  }
0x41b: {  	v40 =	vsub.s32 v40, v2;
	v46 =	vsel vm11, s21, v12;
	vm10 =	vgt.s32 v31, $0x17F  }
0x41c: {  	v33 =	vsel vm9, v52, v63;
	v54 =	vadd.s32 $0xFFFFFE80, v31;
	v53 =	vsel vm10, s29, v16  }
0x41d: {  	v55 =	vsub.s32 v30, v7;
	v41 =	vsel vm10, v54, v31;
	v30 =	vshrl.u32 v53, $0x3  }
0x41e: {  	v35 =	vsel vm11, v58, v38;
	v56 =	vshll.u32 v41, $0x3;
	v30 =	vmul.u32 $0xC00, v30  }
0x41f: {  	v62 =	vshrl.u32 v46, $0x3;
	v57 =	vshll.u32 v53, $0x7;
	v45 =	vand.u32 $0xFFFFFC00, v56  }
0x420: {  	[dreg:$0x14] =	wrdreg s15;
	v46 =	vshll.u32 v46, $0x7;
	v47 =	vand.u32 $0x380, v57;
	v45 =	vadd.s32 v45, v30  }
0x421: {  	s15 =	rddreg [dreg:$0xb];
	vm12 =	vgt.s32 v55, $0x17F;
	v41 =	vand.u32 $0x7F, v41;
	v45 =	vor.u32 v47, v45  }
0x422: {  	[dreg:$0xb] =	wrdreg s23;
	s23 =	smov.u32 s30;
	s30 =	smov.u32 s8;
	v61 =	vadd.s32 $0xFFFFFE80, v55;
	v38 =	vmul.u32 $0xC00, v62;
	v60 =	vld [tilespmem:s19+$0x50];
	v41 =	vor.u32 v41, v45  }
0x423: {  	v62 =	vand.u32 $0x380, v46;
	v42 =	vsel vm12, v61, v55;
	v39 =	vsel vm9, s30, v10  }
0x424: {  	v46 =	vand.u32 $0x7F, v35;
	v58 =	vshll.u32 v42, $0x3;
	v59 =	vshrl.u32 v39, $0x3  }
0x425: {  	v39 =	vshll.u32 v39, $0x7;
	v61 =	vand.u32 $0xFFFFFC00, v58;
	v63 =	vmul.u32 $0xC00, v59  }
0x426: {  	s20 =	sor.u32 $0x410, s13;
	s13 =	sor.u32 $0x430, s13;
	s18 =	rddreg [dreg:$0x10];
	v39 =	vand.u32 $0x80, v39;
	v56 =	vshll.u32 v33, $0x3;
	v57 =	vshll.u32 v35, $0x3  }
0x427: {  	s14 =	smov.u32 s15;
	s15 =	smov.u32 s13;
	v44 =	vld [tilespmem:s18+$0x6000];
	v33 =	vand.u32 $0x7F, v33;
	v49 =	vand.u32 $0xFFFFFC00, v56;
	v47 =	vsel vm12, s7, v11;
	[tilespmem:v41+s6+$0x0] =	vst.idx.msk $0xffff, v60  }
0x428: {  	[dreg:$0x8] =	wrdreg s15;
	v51 =	vand.u32 $0xFFFFFC00, v57;
	v59 =	vadd.s32 v49, v63;
	v55 =	vshrl.u32 v47, $0x3;
	v60 =	vld [tilespmem:s19+$0x6060]  }
0x429: {  	s15 =	rddreg [dreg:$0x11];
	v36 =	vld [tilespmem:s28+$0x30];
	v38 =	vadd.s32 v51, v38;
	v39 =	vor.u32 v39, v59;
	v45 =	vmul.u32 $0xC00, v55  }
0x42a: {  	v43 =	vld [tilespmem:s15+$0x6000];
	v38 =	vor.u32 v62, v38;
	v47 =	vshll.u32 v47, $0x7;
	v39 =	vor.u32 v33, v39  }
0x42b: {  	v37 =	vld [tilespmem:s25+$0x30];
	v38 =	vor.u32 v46, v38;
	v63 =	vand.u32 $0x380, v47;
	v45 =	vadd.s32 v61, v45  }
0x42c: {  	vm14 =	vgt.s32 v40, $0x17F;
	v47 =	vand.u32 $0x7F, v42;
	v45 =	vor.u32 v63, v45  }
0x42d: {  	v34 =	vld [tilespmem:s24+$0x30];
	v35 =	vsub.s32 v44, v1;
	v41 =	vor.u32 v47, v45;
	v48 =	vsub.s32 v60, v15  }
0x42e: {  	v32 =	vld [tilespmem:s15+$0x0];
	vm8 =	vgt.s32 v35, $0x17F;
	v62 =	vadd.s32 $0xFFFFFE80, v40;
	vm13 =	vgt.s32 v48, $0x17F  }
0x42f: {  	v31 =	vld [tilespmem:s12+$0x0];
	v33 =	vsub.s32 v43, v4;
	[tilespmem:v39+s6+$0x0] =	vst.idx.msk $0xffff, v36;
	v50 =	vadd.s32 $0xFFFFFE80, v48;
	v49 =	vsel vm13, s29, v16  }
0x430: {  	vm15 =	vgt.s32 v33, $0x17F;
	[tilespmem:v38+s6+$0x0] =	vst.idx.msk $0xffff, v37;
	v54 =	vld [tilespmem:s28+$0x6040];
	v42 =	vsel vm13, v50, v48;
	v51 =	vshrl.u32 v49, $0x3  }
0x431: {  	v43 =	vadd.s32 $0xFFFFFE80, v33;
	v57 =	vld [tilespmem:s25+$0x6040];
	v53 =	vshll.u32 v42, $0x3;
	v52 =	vmul.u32 $0xC00, v51  }
0x432: {  	s4 =	smov.u32 s31;
	v30 =	vld [tilespmem:s18+$0x0];
	v43 =	vsel vm15, v43, v33;
	[tilespmem:v41+s6+$0x0] =	vst.idx.msk $0xffff, v34;
	v56 =	vshll.u32 v49, $0x7;
	v55 =	vand.u32 $0xFFFFFC00, v53  }
0x433: {  	s11 =	smov.u32 s1;
	v38 =	vsel vm14, s4, v3;
	v60 =	vld [tilespmem:s24+$0x6040];
	v58 =	vand.u32 $0x380, v56;
	v36 =	vadd.s32 v55, v52  }
0x434: {  	v47 =	vsel vm8, s11, v5;
	v59 =	vand.u32 $0x7F, v42;
	v36 =	vor.u32 v58, v36  }
0x435: {  	v61 =	vld [tilespmem:s19+$0x60];
	v46 =	vshrl.u32 v38, $0x3;
	v44 =	vsub.s32 v54, v8;
	v36 =	vor.u32 v59, v36  }
0x436: {  	v39 =	vsub.s32 v57, v9;
	vm9 =	vgt.s32 v44, $0x17F;
	v63 =	vadd.s32 $0xFFFFFE80, v44  }
0x437: {  	v34 =	vsel vm14, v62, v40;
	vm10 =	vgt.s32 v39, $0x17F;
	v44 =	vsel vm9, v63, v44  }
0x438: {  	v53 =	vsel vm10, s21, v12;
	v37 =	vsub.s32 v60, v7;
	v60 =	vadd.s32 $0xFFFFFE80, v39  }
0x439: {  	v63 =	vshrl.u32 v53, $0x3;
	v53 =	vshll.u32 v53, $0x7;
	v52 =	vsel vm9, s30, v10  }
0x43a: {  	vm4 =	vgt.s32 v37, $0x17F;
	v62 =	vadd.s32 $0xFFFFFE80, v37;
	v39 =	vsel vm10, v60, v39;
	[tilespmem:v36+s6+$0x0] =	vst.idx.msk $0xffff, v61  }
0x43b: {  	v50 =	vmul.u32 $0xC00, v63;
	v37 =	vsel vm4, v62, v37;
	v62 =	vshll.u32 v39, $0x3;
	v42 =	vld [tilespmem:s19+$0x6070]  }
0x43c: {  	v53 =	vand.u32 $0x380, v53;
	v55 =	vsel vm4, s7, v11;
	v57 =	vand.u32 $0xFFFFFC00, v62  }
0x43d: {  	v39 =	vand.u32 $0x7F, v39;
	v60 =	vshrl.u32 v55, $0x3;
	v50 =	vadd.s32 v57, v50  }
0x43e: {  	v63 =	vshll.u32 v37, $0x3;
	v55 =	vshll.u32 v55, $0x7;
	v50 =	vor.u32 v53, v50  }
0x43f: {  	v54 =	vmul.u32 $0xC00, v60;
	v58 =	vand.u32 $0xFFFFFC00, v63;
	v39 =	vor.u32 v39, v50  }
0x440: {  	v61 =	vshrl.u32 v52, $0x3;
	v52 =	vshll.u32 v52, $0x7;
	v42 =	vsub.s32 v42, v15  }
0x441: {  	v36 =	vmul.u32 $0xC00, v61;
	v61 =	vshll.u32 v44, $0x3;
	vm11 =	vgt.s32 v42, $0x17F  }
0x442: {  	v52 =	vand.u32 $0x80, v52;
	v60 =	vadd.s32 $0xFFFFFE80, v42;
	v59 =	vsel vm11, s29, v16  }
0x443: {  	v56 =	vand.u32 $0xFFFFFC00, v61;
	v42 =	vsel vm11, v60, v42;
	v60 =	vshrl.u32 v59, $0x3  }
0x444: {  	v49 =	vld [tilespmem:s25+$0x40];
	v36 =	vadd.s32 v56, v36;
	v61 =	vshll.u32 v42, $0x3;
	v56 =	vmul.u32 $0xC00, v60  }
0x445: {  	v44 =	vand.u32 $0x7F, v44;
	v59 =	vshll.u32 v59, $0x7;
	v57 =	vand.u32 $0xFFFFFC00, v61  }
0x446: {  	v36 =	vor.u32 v52, v36;
	v62 =	vand.u32 $0x380, v59;
	v56 =	vadd.s32 v57, v56  }
0x447: {  	v45 =	vld [tilespmem:s28+$0x40];
	v36 =	vor.u32 v44, v36;
	v42 =	vand.u32 $0x7F, v42;
	v56 =	vor.u32 v62, v56  }
0x448: {  	s9 =	sadd.s32 $0x2, s9;
	v55 =	vand.u32 $0x380, v55;
	v54 =	vadd.s32 v58, v54;
	v63 =	vld [tilespmem:s19+$0x70];
	v42 =	vor.u32 v42, v56  }
0x449: {  	s2 =	sor.u32 $0x430, s2;
	s18 =	sand.u32 $0x3, s9;
	v41 =	vsel vm15, s5, v6;
	v37 =	vand.u32 $0x7F, v37;
	[tilespmem:v39+s6+$0x0] =	vst.idx.msk $0xffff, v49;
	v57 =	vor.u32 v55, v54  }
0x44a: {  	[dreg:$0x4] =	wrdreg s23;
	s23 =	smov.u32 s2;
	s2 =	sshll.u32 s18, $0x8;
	v40 =	vshrl.u32 v41, $0x3;
	v48 =	vadd.s32 $0xFFFFFE80, v35;
	v37 =	vor.u32 v37, v57;
	v57 =	vld [tilespmem:s25+$0x6050]  }
0x44b: {  	s2 =	sadd.s32 s0, s2;
	v41 =	vshll.u32 v41, $0x7;
	v40 =	vmul.u32 $0xC00, v40;
	v33 =	vsel vm8, v48, v35  }
0x44c: {  	s8 =	sadd.s32 $0x100, s2;
	v51 =	vld [tilespmem:s24+$0x40];
	v58 =	vmul.u32 $0xC00, v46;
	v52 =	vshll.u32 v38, $0x7;
	v59 =	vshrl.u32 v47, $0x3;
	[tilespmem:v36+s6+$0x0] =	vst.idx.msk $0xffff, v45  }
0x44d: {  	s19 =	sor.u32 $0x400, s8;
	v60 =	vshll.u32 v34, $0x3;
	v61 =	vshll.u32 v43, $0x3;
	v36 =	vand.u32 $0x80, v52;
	v45 =	vld [tilespmem:s28+$0x6050];
	[tilespmem:v42+s6+$0x0] =	vst.idx.msk $0xffff, v63  }
0x44e: {  	v35 =	vmul.u32 $0xC00, v59;
	v53 =	vand.u32 $0xFFFFFC00, v61;
	v56 =	vshll.u32 v47, $0x7;
	v62 =	vld [tilespmem:s19+$0x6000]  }
0x44f: {  	v61 =	vand.u32 $0x380, v56;
	v46 =	vsub.s32 v57, v9;
	v42 =	vand.u32 $0xFFFFFC00, v60  }
0x450: {  	v63 =	vshll.u32 v33, $0x3;
	v60 =	vand.u32 $0x380, v41;
	vm14 =	vgt.s32 v46, $0x17F  }
0x451: {  	[tilespmem:v37+s6+$0x0] =	vst.idx.msk $0xffff, v51;
	v54 =	vadd.s32 v42, v58;
	v55 =	vand.u32 $0xFFFFFC00, v63;
	v58 =	vadd.s32 v53, v40  }
0x452: {  	v59 =	vld [tilespmem:s24+$0x6050];
	v40 =	vand.u32 $0x7F, v43;
	v63 =	vsub.s32 v45, v8;
	v35 =	vadd.s32 v55, v35  }
0x453: {  	v36 =	vor.u32 v36, v54;
	v37 =	vor.u32 v60, v58;
	v62 =	vsub.s32 v62, v15  }
0x454: {  	vm13 =	vgt.s32 v63, $0x17F;
	v58 =	vadd.s32 $0xFFFFFE80, v63;
	vm12 =	vgt.s32 v62, $0x17F  }
0x455: {  	v35 =	vor.u32 v61, v35;
	v55 =	vadd.s32 $0xFFFFFE80, v62;
	v54 =	vsel vm12, s29, v16  }
0x456: {  	v43 =	vsel vm13, v58, v63;
	v42 =	vsel vm12, v55, v62;
	v56 =	vshrl.u32 v54, $0x3  }
0x457: {  	v38 =	vsub.s32 v59, v7;
	v57 =	vshll.u32 v42, $0x3;
	v45 =	vmul.u32 $0xC00, v56  }
0x458: {  	v59 =	vadd.s32 $0xFFFFFE80, v46;
	v44 =	vshll.u32 v54, $0x7;
	v48 =	vand.u32 $0xFFFFFC00, v57  }
0x459: {  	vm15 =	vgt.s32 v38, $0x17F;
	v44 =	vand.u32 $0x380, v44;
	v45 =	vadd.s32 v48, v45  }
0x45a: {  	v51 =	vsel vm15, s7, v11;
	v42 =	vand.u32 $0x7F, v42;
	v44 =	vor.u32 v44, v45  }
0x45b: {  	v49 =	vld [tilespmem:s19+$0x0];
	v62 =	vadd.s32 $0xFFFFFE80, v38;
	v63 =	vshrl.u32 v51, $0x3;
	v42 =	vor.u32 v42, v44  }
0x45c: {  	v38 =	vsel vm15, v62, v38;
	v57 =	vshll.u32 v43, $0x3;
	v48 =	vsel vm14, s21, v12  }
0x45d: {  	v43 =	vand.u32 $0x7F, v43;
	v45 =	vsel vm13, s30, v10;
	v61 =	vshrl.u32 v48, $0x3  }
0x45e: {  	v48 =	vshll.u32 v48, $0x7;
	v60 =	vshrl.u32 v45, $0x3;
	v44 =	vsel vm14, v59, v46  }
0x45f: {  	v52 =	vmul.u32 $0xC00, v61;
	v59 =	vmul.u32 $0xC00, v63;
	v63 =	vshll.u32 v38, $0x3  }
0x460: {  	s2 =	sor.u32 $0x410, s8;
	v45 =	vshll.u32 v45, $0x7;
	v48 =	vand.u32 $0x380, v48;
	v50 =	vmul.u32 $0xC00, v60;
	[tilespmem:v42+s6+$0x0] =	vst.idx.msk $0xffff, v49  }
0x461: {  	v38 =	vand.u32 $0x7F, v38;
	v58 =	vshll.u32 v44, $0x3;
	v60 =	vand.u32 $0xFFFFFC00, v57;
	v62 =	vld [tilespmem:s2+$0x6000]  }
0x462: {  	v54 =	vand.u32 $0xFFFFFC00, v63;
	v45 =	vand.u32 $0x80, v45;
	v46 =	vadd.s32 v60, v50  }
0x463: {  	v44 =	vand.u32 $0x7F, v44;
	v61 =	vand.u32 $0xFFFFFC00, v58;
	v45 =	vor.u32 v45, v46  }
0x464: {  	v49 =	vadd.s32 v61, v52;
	v52 =	vshll.u32 v51, $0x7;
	v42 =	vadd.s32 v54, v59  }
0x465: {  	v41 =	vld [tilespmem:s28+$0x50];
	v43 =	vor.u32 v43, v45;
	v54 =	vor.u32 v48, v49;
	v55 =	vand.u32 $0x380, v52  }
0x466: {  	v39 =	vld [tilespmem:s25+$0x50];
	v42 =	vor.u32 v55, v42;
	v44 =	vor.u32 v44, v54;
	v56 =	vsub.s32 v62, v15  }
0x467: {  	v26 =	vadd.s32 v28, v27;
	v47 =	vld [tilespmem:s24+$0x50];
	v38 =	vor.u32 v38, v42;
	vm4 =	vgt.s32 v56, $0x17F  }
0x468: {  	v27 =	vadd.s32 v29, v25;
	v58 =	vadd.s32 $0xFFFFFE80, v56;
	v57 =	vsel vm4, s29, v16  }
0x469: {  	v29 =	vand.u32 $0x380, v23;
	v59 =	vsel vm4, v58, v56;
	v60 =	vshrl.u32 v57, $0x3  }
0x46a: {  	v25 =	vand.u32 $0x7F, v19;
	[tilespmem:v43+s6+$0x0] =	vst.idx.msk $0xffff, v41;
	v49 =	vshll.u32 v59, $0x3;
	v48 =	vmul.u32 $0xC00, v60  }
0x46b: {  	v23 =	vand.u32 $0x7F, v22;
	v46 =	vld [tilespmem:s28+$0x6060];
	[tilespmem:v44+s6+$0x0] =	vst.idx.msk $0xffff, v39;
	v45 =	vshll.u32 v57, $0x7;
	v61 =	vand.u32 $0xFFFFFC00, v49  }
0x46c: {  	v21 =	vor.u32 v21, v24;
	[tilespmem:v38+s6+$0x0] =	vst.idx.msk $0xffff, v47;
	v47 =	vld [tilespmem:s25+$0x6060];
	v45 =	vand.u32 $0x380, v45;
	v42 =	vadd.s32 v61, v48  }
0x46d: {  	v34 =	vand.u32 $0x7F, v34;
	v62 =	vand.u32 $0x7F, v59;
	v28 =	vld [tilespmem:s24+$0x6060];
	v63 =	vor.u32 v45, v42  }
0x46e: {  	v33 =	vand.u32 $0x7F, v33;
	v34 =	vor.u32 v34, v36;
	v45 =	vld [tilespmem:s2+$0x0];
	v36 =	vor.u32 v62, v63  }
0x46f: {  	v24 =	vor.u32 v29, v27;
	v37 =	vor.u32 v40, v37;
	v33 =	vor.u32 v33, v35  }
0x470: {  	v19 =	vsub.s32 v46, v8;
	v48 =	vand.u32 $0x7F, v18;
	v18 =	vor.u32 v20, v26  }
0x471: {  	vm5 =	vgt.s32 v19, $0x17F;
	v26 =	vor.u32 v48, v21;
	v27 =	vsub.s32 v47, v9  }
0x472: {  	s10 =	smov.u32 s16;
	v21 =	vadd.s32 $0xFFFFFE80, v19;
	v29 =	vsel vm5, s30, v10;
	vm6 =	vgt.s32 v27, $0x17F  }
0x473: {  	[dreg:$0x12] =	wrdreg s10;
	s10 =	sor.u32 $0x420, s8;
	v28 =	vsub.s32 v28, v7;
	v50 =	vadd.s32 $0xFFFFFE80, v27;
	v52 =	vshrl.u32 v29, $0x3;
	[tilespmem:v36+s6+$0x0] =	vst.idx.msk $0xffff, v45  }
0x474: {  	s12 =	smov.u32 s20;
	s20 =	sld [smem:$0x7EE];
	v19 =	vsel vm5, v21, v19;
	v29 =	vshll.u32 v29, $0x7;
	v49 =	vsel vm6, s21, v12;
	v22 =	vld [tilespmem:s10+$0x6000]  }
0x475: {  	s15 =	sld [smem:$0x7ED];
	[tilespmem:v34+s6+$0x0] =	vst.idx.msk $0xffff, v31;
	vm7 =	vgt.s32 v28, $0x17F;
	v54 =	vadd.s32 $0xFFFFFE80, v28;
	v62 =	vshll.u32 v19, $0x3  }
0x476: {  	v31 =	vld [tilespmem:s28+$0x60];
	[tilespmem:v37+s6+$0x0] =	vst.idx.msk $0xffff, v32;
	v29 =	vand.u32 $0x80, v29;
	v19 =	vand.u32 $0x7F, v19;
	v56 =	vshrl.u32 v49, $0x3  }
0x477: {  	v32 =	vld [tilespmem:s20+$0x6000];
	[tilespmem:v33+s6+$0x0] =	vst.idx.msk $0xffff, v30;
	v53 =	vsel vm7, s7, v11;
	v33 =	vshll.u32 v49, $0x7;
	v40 =	vmul.u32 $0xC00, v56  }
0x478: {  	s16 =	smov.u32 s15;
	v21 =	vld [tilespmem:s20+$0x0];
	v33 =	vand.u32 $0x380, v33;
	[tilespmem:v26+s6+$0x0] =	vst.idx.msk $0xffff, v17;
	v26 =	vsel vm6, v50, v27;
	v36 =	vmul.u32 $0xC00, v52  }
0x479: {  	[dreg:$0x10] =	wrdreg s16;
	v63 =	vshll.u32 v26, $0x3;
	v45 =	vand.u32 $0xFFFFFC00, v62;
	v57 =	vsub.s32 v22, v15  }
0x47a: {  	s16 =	rddreg [dreg:$0x1f];
	v26 =	vand.u32 $0x7F, v26;
	v48 =	vand.u32 $0xFFFFFC00, v63;
	vm8 =	vgt.s32 v57, $0x17F  }
0x47b: {  	s2 =	sld [smem:$0x7EF];
	v40 =	vadd.s32 v48, v40;
	v59 =	vadd.s32 $0xFFFFFE80, v57;
	v58 =	vsel vm8, s29, v16  }
0x47c: {  	v55 =	vld [tilespmem:s16+$0x6000];
	v33 =	vor.u32 v33, v40;
	v60 =	vsel vm8, v59, v57;
	v61 =	vshrl.u32 v58, $0x3  }
0x47d: {  	v20 =	vld [tilespmem:s25+$0x60];
	v26 =	vor.u32 v26, v33;
	v42 =	vshll.u32 v60, $0x3;
	v41 =	vmul.u32 $0xC00, v61  }
0x47e: {  	v51 =	vld [tilespmem:s2+$0x6000];
	v36 =	vadd.s32 v45, v36;
	v34 =	vshll.u32 v58, $0x7;
	v42 =	vand.u32 $0xFFFFFC00, v42  }
0x47f: {  	v29 =	vor.u32 v29, v36;
	v34 =	vand.u32 $0x380, v34;
	v41 =	vadd.s32 v42, v41  }
0x480: {  	v19 =	vor.u32 v19, v29;
	v38 =	vand.u32 $0x7F, v60;
	v34 =	vor.u32 v34, v41  }
0x481: {  	v28 =	vsel vm7, v54, v28;
	v27 =	vshrl.u32 v53, $0x3;
	v46 =	vld [tilespmem:s10+$0x0];
	v34 =	vor.u32 v38, v34  }
0x482: {  	v47 =	vshll.u32 v28, $0x3;
	v37 =	vshll.u32 v53, $0x7;
	v27 =	vmul.u32 $0xC00, v27;
	v22 =	vld [tilespmem:s2+$0x0];
	[tilespmem:v26+s6+$0x0] =	vst.idx.msk $0xffff, v20  }
0x483: {  	v35 =	vsub.s32 v51, v4;
	v51 =	vsub.s32 v55, v1;
	v55 =	vld [tilespmem:s25+$0x6070];
	v38 =	vand.u32 $0xFFFFFC00, v47  }
0x484: {  	v49 =	vand.u32 $0x380, v37;
	v27 =	vadd.s32 v38, v27  }
0x485: {  	v30 =	vld [tilespmem:s24+$0x60];
	v32 =	vsub.s32 v32, v2;
	v28 =	vand.u32 $0x7F, v28;
	[tilespmem:v19+s6+$0x0] =	vst.idx.msk $0xffff, v31;
	v27 =	vor.u32 v49, v27  }
0x486: {  	s8 =	sor.u32 $0x430, s8;
	vm9 =	vgt.s32 v32, $0x17F;
	v54 =	vld [tilespmem:s28+$0x6070];
	v50 =	vor.u32 v28, v27;
	[tilespmem:v34+s6+$0x0] =	vst.idx.msk $0xffff, v46  }
0x487: {  	v52 =	vadd.s32 $0xFFFFFE80, v32;
	vm10 =	vgt.s32 v35, $0x17F;
	vm11 =	vgt.s32 v51, $0x17F;
	v34 =	vld [tilespmem:s8+$0x6000]  }
0x488: {  	v53 =	vadd.s32 $0xFFFFFE80, v35;
	v29 =	vsel vm10, s5, v6;
	v61 =	vsub.s32 v55, v9  }
0x489: {  	v40 =	vshrl.u32 v29, $0x3;
	v31 =	vadd.s32 $0xFFFFFE80, v51;
	vm14 =	vgt.s32 v61, $0x17F  }
0x48a: {  	v27 =	vsel vm9, s4, v3;
	v28 =	vsel vm11, s11, v5;
	v49 =	vsel vm14, s21, v12  }
0x48b: {  	v17 =	vld [tilespmem:s16+$0x0];
	v39 =	vshrl.u32 v27, $0x3;
	v41 =	vshll.u32 v49, $0x7;
	[tilespmem:v50+s6+$0x0] =	vst.idx.msk $0xffff, v30;
	v30 =	vshrl.u32 v28, $0x3  }
0x48c: {  	v50 =	vadd.s32 $0xFFFFFE80, v61;
	v15 =	vsub.s32 v34, v15;
	v34 =	vsub.s32 v54, v8  }
0x48d: {  	v33 =	vld [tilespmem:s24+$0x6070];
	v54 =	vshrl.u32 v49, $0x3;
	vm12 =	vgt.s32 v15, $0x17F;
	v19 =	vadd.s32 $0xFFFFFE80, v15  }
0x48e: {  	vm13 =	vgt.s32 v34, $0x17F;
	v48 =	vadd.s32 $0xFFFFFE80, v34;
	v38 =	vmul.u32 $0xC00, v54  }
0x48f: {  	v26 =	vsel vm12, s29, v16;
	v16 =	vsel vm9, v52, v32;
	v56 =	vsel vm12, v19, v15  }
0x490: {  	v15 =	vsel vm10, v53, v35;
	v63 =	vsel vm13, s30, v10;
	v34 =	vsel vm13, v48, v34  }
0x491: {  	v20 =	vshrl.u32 v26, $0x3;
	v58 =	vshll.u32 v56, $0x3;
	v59 =	vshll.u32 v26, $0x7  }
0x492: {  	v26 =	vsel vm11, v31, v51;
	v32 =	vand.u32 $0x7F, v56;
	v33 =	vsub.s32 v33, v7  }
0x493: {  	v51 =	vshrl.u32 v63, $0x3;
	v57 =	vmul.u32 $0xC00, v20;
	v37 =	vand.u32 $0xFFFFFC00, v58  }
0x494: {  	v60 =	vand.u32 $0x380, v59;
	vm15 =	vgt.s32 v33, $0x17F;
	v53 =	vadd.s32 $0xFFFFFE80, v33  }
0x495: {  	v55 =	vmul.u32 $0xC00, v51;
	v58 =	vshll.u32 v34, $0x3;
	v34 =	vand.u32 $0x7F, v34  }
0x496: {  	v52 =	vsel vm15, s7, v11;
	v56 =	vsel vm15, v53, v33;
	v36 =	vand.u32 $0xFFFFFC00, v58  }
0x497: {  	v35 =	vadd.s32 v37, v57;
	v37 =	vsel vm14, v50, v61;
	v57 =	vshrl.u32 v52, $0x3  }
0x498: {  	v45 =	vshll.u32 v56, $0x3;
	v36 =	vadd.s32 v36, v55;
	v35 =	vor.u32 v60, v35  }
0x499: {  	[dreg:$0xd] =	wrdreg s4;
	v62 =	vld [tilespmem:s8+$0x0];
	v44 =	vshll.u32 v52, $0x7;
	v61 =	vand.u32 $0x380, v41;
	v32 =	vor.u32 v32, v35  }
0x49a: {  	s22 =	sadd.s32 $0x4, s22;
	[dreg:$0x15] =	wrdreg s11;
	v59 =	vshll.u32 v37, $0x3;
	v33 =	vmul.u32 $0xC00, v57;
	v35 =	vshll.u32 v63, $0x7  }
0x49b: {  	p3 =	slt.u32 s22, $0x2C;
	s18 =	sld [smem:$0x7F0];
	v60 =	vand.u32 $0xFFFFFC00, v45;
	v43 =	vand.u32 $0xFFFFFC00, v59;
	v35 =	vand.u32 $0x80, v35  }
.Ltmp3:
0x49c: {  	s19 =	sld [smem:$0x7F1];
	v63 =	vand.u32 $0x7F, v37;
	v38 =	vadd.s32 v43, v38;
	v35 =	vor.u32 v35, v36;
	(pc) =	sbr.rel @p3 .LBB2_5-.Ltmp3, $4  }
0x49d: {  	s20 =	sld [smem:$0x7F2];
	v31 =	vld [tilespmem:s24+$0x70];
	s24 =	simm.s32 $0xC000;
	v33 =	vadd.s32 v60, v33;
	v36 =	vor.u32 v61, v38;
	v38 =	vor.u32 v34, v35  }
0x49e: {  	s26 =	sadd.s32 $0x4, s26;
	p2 =	por !p2, !p2;
	[dreg:$0x19] =	wrdreg s5;
	v37 =	vor.u32 v63, v36;
	v35 =	vshll.u32 v16, $0x3;
	[tilespmem:v32+s24+$0x0] =	vst.idx.msk $0xffff, v62;
	v62 =	vand.u32 $0x380, v44  }
0x49f: {  	s13 =	smov.u32 s7;
	s31 =	smov.u32 s30;
	[dreg:$0x11] =	wrdreg s12;
	v19 =	vld [tilespmem:s28+$0x70];
	v34 =	vshll.u32 v15, $0x3;
	v32 =	vand.u32 $0x7F, v56;
	v33 =	vor.u32 v62, v33  }
0x4a0: {  	s15 =	smov.u32 s18;
	s1 =	smov.u32 s19;
	s12 =	smov.u32 s20;
	v20 =	vld [tilespmem:s25+$0x70];
	v36 =	vor.u32 v32, v33;
	v33 =	vmul.u32 $0xC00, v39;
	v32 =	vmul.u32 $0xC00, v40  }
0x4a1: {  	_ =	sdelay $0x3  }
0x4a2: {  	[tilespmem:v38+s24+$0x0] =	vst.idx.msk $0xffff, v19  }
0x4a3: {  	s2 =	rddreg [dreg:$0x18];
	[tilespmem:v37+s24+$0x0] =	vst.idx.msk $0xffff, v20  }
0x4a4: {  	[tilespmem:v36+s24+$0x0] =	vst.idx.msk $0xffff, v31;
	v19 =	vld [tilespmem:s2+$0x6000]  }
0x4a5: {  	v20 =	vld [tilespmem:s17+$0x6000];
	s0 =	rddreg [dreg:$0x14]  }
0x4a6: {  	v31 =	vld [tilespmem:s0+$0x6000];
	_ =	sdelay $0x3  }
0x4a7: {  	v19 =	vsub.s32 v19, v8;
	v20 =	vsub.s32 v20, v9  }
0x4a8: {  	vm0 =	vgt.s32 v19, $0x17F;
	v31 =	vsub.s32 v31, v7;
	vm1 =	vgt.s32 v20, $0x17F  }
0x4a9: {  	v53 =	vadd.s32 $0xFFFFFE80, v19;
	v39 =	vadd.s32 $0xFFFFFE80, v20;
	vm2 =	vgt.s32 v31, $0x17F  }
0x4aa: {  	v52 =	vsel vm0, s31, v10;
	v54 =	vsel vm1, s21, v12;
	v19 =	vsel vm0, v53, v19  }
0x4ab: {  	v55 =	vadd.s32 $0xFFFFFE80, v31;
	v20 =	vsel vm1, v39, v20;
	v40 =	vsel vm2, s13, v11  }
0x4ac: {  	v41 =	vshrl.u32 v52, $0x3;
	v56 =	vshrl.u32 v54, $0x3;
	v31 =	vsel vm2, v55, v31  }
0x4ad: {  	v42 =	vshll.u32 v19, $0x3;
	v43 =	vshll.u32 v20, $0x3;
	v36 =	vshll.u32 v52, $0x7  }
0x4ae: {  	v38 =	vshll.u32 v54, $0x7;
	v19 =	vand.u32 $0x7F, v19;
	v20 =	vand.u32 $0x7F, v20  }
0x4af: {  	v57 =	vshrl.u32 v40, $0x3;
	v41 =	vmul.u32 $0xC00, v41;
	v39 =	vmul.u32 $0xC00, v56  }
0x4b0: {  	v42 =	vand.u32 $0xFFFFFC00, v42;
	v58 =	vand.u32 $0xFFFFFC00, v43;
	v59 =	vshll.u32 v31, $0x3  }
0x4b1: {  	v36 =	vand.u32 $0x80, v36;
	v38 =	vand.u32 $0x380, v38;
	v40 =	vshll.u32 v40, $0x7  }
0x4b2: {  	v37 =	vmul.u32 $0xC00, v57;
	v40 =	vand.u32 $0x380, v40;
	v41 =	vadd.s32 v42, v41  }
0x4b3: {  	v39 =	vadd.s32 v58, v39;
	v42 =	vand.u32 $0xFFFFFC00, v59;
	v36 =	vor.u32 v36, v41  }
0x4b4: {  	v60 =	vld [tilespmem:s2+$0x0];
	v37 =	vadd.s32 v42, v37;
	v38 =	vor.u32 v38, v39;
	v19 =	vor.u32 v19, v36  }
0x4b5: {  	v61 =	vld [tilespmem:s17+$0x0];
	v31 =	vand.u32 $0x7F, v31;
	v37 =	vor.u32 v40, v37;
	v20 =	vor.u32 v20, v38  }
0x4b6: {  	v62 =	vld [tilespmem:s0+$0x0];
	v31 =	vor.u32 v31, v37;
	_ =	sdelay $0x2  }
0x4b7: {  	[tilespmem:v19+s24+$0x0] =	vst.idx.msk $0xffff, v60  }
0x4b8: {  	v35 =	vand.u32 $0xFFFFFC00, v35;
	[tilespmem:v20+s24+$0x0] =	vst.idx.msk $0xffff, v61  }
0x4b9: {  	v30 =	vmul.u32 $0xC00, v30;
	v63 =	vshll.u32 v26, $0x3;
	v27 =	vshll.u32 v27, $0x7;
	s3 =	rddreg [dreg:$0x12];
	[tilespmem:v31+s24+$0x0] =	vst.idx.msk $0xffff, v62  }
0x4ba: {  	v29 =	vshll.u32 v29, $0x7;
	v28 =	vshll.u32 v28, $0x7;
	v16 =	vand.u32 $0x7F, v16;
	v40 =	vld [tilespmem:s3+$0x6000];
	s22 =	rddreg [dreg:$0x11]  }
0x4bb: {  	v15 =	vand.u32 $0x7F, v15;
	v44 =	vand.u32 $0x7F, v26;
	v33 =	vadd.s32 v35, v33;
	s25 =	rddreg [dreg:$0x10];
	v42 =	vld [tilespmem:s22+$0x6000]  }
0x4bc: {  	v27 =	vand.u32 $0x80, v27;
	v29 =	vand.u32 $0x380, v29;
	v41 =	vand.u32 $0xFFFFFC00, v63;
	v43 =	vld [tilespmem:s25+$0x6000]  }
0x4bd: {  	v28 =	vand.u32 $0x380, v28;
	v39 =	vand.u32 $0xFFFFFC00, v34;
	v30 =	vadd.s32 v41, v30  }
0x4be: {  	v27 =	vor.u32 v27, v33;
	v28 =	vor.u32 v28, v30;
	v19 =	vadd.s32 v39, v32  }
0x4bf: {  	v16 =	vor.u32 v16, v27;
	v45 =	vor.u32 v44, v28;
	v19 =	vor.u32 v29, v19  }
0x4c0: {  	v15 =	vor.u32 v15, v19;
	v20 =	vsub.s32 v40, v8;
	v46 =	vsub.s32 v42, v9  }
0x4c1: {  	v47 =	vsub.s32 v43, v7;
	vm4 =	vgt.s32 v20, $0x17F;
	v50 =	vadd.s32 $0xFFFFFE80, v20  }
0x4c2: {  	vm5 =	vgt.s32 v46, $0x17F;
	vm6 =	vgt.s32 v47, $0x17F;
	v48 =	vsel vm4, s31, v10  }
0x4c3: {  	v31 =	vadd.s32 $0xFFFFFE80, v46;
	v53 =	vadd.s32 $0xFFFFFE80, v47;
	v20 =	vsel vm4, v50, v20  }
0x4c4: {  	v49 =	vsel vm5, s21, v12;
	v51 =	vshrl.u32 v48, $0x3;
	v52 =	vsel vm6, s13, v11  }
0x4c5: {  	v26 =	vsel vm5, v31, v46;
	v27 =	vsel vm6, v53, v47;
	v57 =	vshll.u32 v20, $0x3  }
0x4c6: {  	v28 =	vshll.u32 v48, $0x7;
	v20 =	vand.u32 $0x7F, v20;
	v54 =	vshrl.u32 v49, $0x3  }
0x4c7: {  	v55 =	vmul.u32 $0xC00, v51;
	v56 =	vshrl.u32 v52, $0x3;
	v58 =	vshll.u32 v26, $0x3  }
0x4c8: {  	v34 =	vand.u32 $0xFFFFFC00, v57;
	v59 =	vshll.u32 v27, $0x3;
	v29 =	vshll.u32 v49, $0x7  }
0x4c9: {  	v33 =	vshll.u32 v52, $0x7;
	v28 =	vand.u32 $0x80, v28;
	v30 =	vmul.u32 $0xC00, v54  }
0x4ca: {  	[tilespmem:v16+s24+$0x0] =	vst.idx.msk $0xffff, v21;
	v32 =	vmul.u32 $0xC00, v56;
	v35 =	vand.u32 $0xFFFFFC00, v58;
	v36 =	vand.u32 $0xFFFFFC00, v59  }
0x4cb: {  	[tilespmem:v45+s24+$0x0] =	vst.idx.msk $0xffff, v17;
	v63 =	vand.u32 $0x380, v29;
	v29 =	vand.u32 $0x380, v33;
	v31 =	vadd.s32 v34, v55  }
0x4cc: {  	v60 =	vld [tilespmem:s3+$0x0];
	v30 =	vadd.s32 v35, v30;
	v32 =	vadd.s32 v36, v32;
	v28 =	vor.u32 v28, v31  }
0x4cd: {  	v61 =	vld [tilespmem:s22+$0x0];
	[tilespmem:v15+s24+$0x0] =	vst.idx.msk $0xffff, v22;
	v35 =	vand.u32 $0x7F, v26;
	v16 =	vor.u32 v63, v30;
	v20 =	vor.u32 v20, v28  }
0x4ce: {  	v62 =	vld [tilespmem:s25+$0x0];
	s26 =	rddreg [dreg:$0x4];
	v39 =	vand.u32 $0x7F, v27;
	v38 =	vor.u32 v29, v32;
	v16 =	vor.u32 v35, v16  }
0x4cf: {  	v40 =	vld [tilespmem:s26+$0x6000];
	v19 =	vor.u32 v39, v38;
	_ =	sdelay $0x1  }
0x4d0: {  	s4 =	rddreg [dreg:$0x5];
	v33 =	vld [tilespmem:s14+$0x6000]  }
0x4d1: {  	v36 =	vld [tilespmem:s4+$0x6000];
	[tilespmem:v20+s24+$0x0] =	vst.idx.msk $0xffff, v60  }
0x4d2: {  	[tilespmem:v16+s24+$0x0] =	vst.idx.msk $0xffff, v61;
	v41 =	vld [tilespmem:s15+$0x6000]  }
0x4d3: {  	v42 =	vsub.s32 v40, v1;
	[tilespmem:v19+s24+$0x0] =	vst.idx.msk $0xffff, v62;
	v43 =	vld [tilespmem:s1+$0x6000]  }
0x4d4: {  	v1 =	vor.u32 v23, v24;
	vm9 =	vgt.s32 v42, $0x17F;
	v22 =	vadd.s32 $0xFFFFFE80, v42;
	v44 =	vld [tilespmem:s12+$0x6000]  }
0x4d5: {  	v17 =	vsel vm9, v22, v42;
	v15 =	vsub.s32 v33, v2;
	v2 =	vor.u32 v25, v18  }
0x4d6: {  	v37 =	vshll.u32 v17, $0x3;
	v17 =	vand.u32 $0x7F, v17;
	vm7 =	vgt.s32 v15, $0x17F  }
0x4d7: {  	v45 =	vadd.s32 $0xFFFFFE80, v15;
	v38 =	vand.u32 $0xFFFFFC00, v37;
	v16 =	vsub.s32 v41, v8  }
0x4d8: {  	v4 =	vsub.s32 v36, v4;
	vm10 =	vgt.s32 v16, $0x17F;
	v19 =	vsub.s32 v43, v9  }
0x4d9: {  	v20 =	vsub.s32 v44, v7;
	v49 =	vadd.s32 $0xFFFFFE80, v16;
	v48 =	vsel vm10, s31, v10  }
0x4da: {  	v16 =	vsel vm10, v49, v16;
	vm11 =	vgt.s32 v19, $0x17F;
	v50 =	vadd.s32 $0xFFFFFE80, v19  }
0x4db: {  	vm12 =	vgt.s32 v20, $0x17F;
	v54 =	vadd.s32 $0xFFFFFE80, v20;
	v51 =	vsel vm11, s21, v12  }
0x4dc: {  	v19 =	vsel vm11, v50, v19;
	v53 =	vsel vm12, s13, v11;
	v55 =	vshrl.u32 v48, $0x3  }
0x4dd: {  	v20 =	vsel vm12, v54, v20;
	v59 =	vshll.u32 v16, $0x3;
	v23 =	vshll.u32 v48, $0x7  }
0x4de: {  	v16 =	vand.u32 $0x7F, v16;
	v56 =	vshrl.u32 v51, $0x3;
	v57 =	vshrl.u32 v53, $0x3  }
0x4df: {  	v58 =	vmul.u32 $0xC00, v55;
	v60 =	vshll.u32 v19, $0x3;
	v28 =	vand.u32 $0xFFFFFC00, v59  }
0x4e0: {  	v61 =	vshll.u32 v20, $0x3;
	v25 =	vshll.u32 v51, $0x7;
	v26 =	vshll.u32 v53, $0x7  }
0x4e1: {  	v23 =	vand.u32 $0x80, v23;
	v19 =	vand.u32 $0x7F, v19;
	v29 =	vmul.u32 $0xC00, v56  }
0x4e2: {  	v30 =	vmul.u32 $0xC00, v57;
	v31 =	vand.u32 $0xFFFFFC00, v60;
	v27 =	vadd.s32 v28, v58  }
0x4e3: {  	v25 =	vand.u32 $0x380, v25;
	v29 =	vadd.s32 v31, v29;
	v23 =	vor.u32 v23, v27  }
0x4e4: {  	v63 =	vld [tilespmem:s15+$0x0];
	v62 =	vand.u32 $0xFFFFFC00, v61;
	v25 =	vor.u32 v25, v29;
	v16 =	vor.u32 v16, v23  }
0x4e5: {  	v32 =	vld [tilespmem:s1+$0x0];
	v26 =	vand.u32 $0x380, v26;
	v28 =	vadd.s32 v62, v30;
	v19 =	vor.u32 v19, v25  }
0x4e6: {  	v15 =	vsel vm7, v45, v15;
	v20 =	vand.u32 $0x7F, v20;
	v26 =	vor.u32 v26, v28  }
0x4e7: {  	vm8 =	vgt.s32 v4, $0x17F;
	v46 =	vadd.s32 $0xFFFFFE80, v4;
	s28 =	rddreg [dreg:$0xd];
	v33 =	vld [tilespmem:s12+$0x0];
	v20 =	vor.u32 v20, v26  }
0x4e8: {  	v35 =	vshll.u32 v15, $0x3;
	v15 =	vand.u32 $0x7F, v15;
	v4 =	vsel vm8, v46, v4;
	s29 =	rddreg [dreg:$0x19]  }
0x4e9: {  	v22 =	vand.u32 $0xFFFFFC00, v35;
	s30 =	rddreg [dreg:$0x15];
	v36 =	vshll.u32 v4, $0x3;
	v4 =	vand.u32 $0x7F, v4;
	[tilespmem:v16+s24+$0x0] =	vst.idx.msk $0xffff, v63  }
0x4ea: {  	v3 =	vsel vm7, s28, v3;
	v6 =	vsel vm8, s29, v6;
	v5 =	vsel vm9, s30, v5;
	[tilespmem:v19+s24+$0x0] =	vst.idx.msk $0xffff, v32  }
0x4eb: {  	v47 =	vshrl.u32 v3, $0x3;
	v52 =	vshrl.u32 v6, $0x3;
	v34 =	vshrl.u32 v5, $0x3;
	s7 =	rddreg [dreg:$0xb]  }
0x4ec: {  	v3 =	vshll.u32 v3, $0x7;
	v6 =	vshll.u32 v6, $0x7;
	v5 =	vshll.u32 v5, $0x7;
	[tilespmem:v20+s24+$0x0] =	vst.idx.msk $0xffff, v33;
	v39 =	vld [tilespmem:s7+$0x6000]  }
0x4ed: {  	v18 =	vmul.u32 $0xC00, v47;
	v24 =	vmul.u32 $0xC00, v52;
	v21 =	vmul.u32 $0xC00, v34;
	s6 =	rddreg [dreg:$0x8];
	v42 =	vld [tilespmem:s23+$0x6000]  }
0x4ee: {  	v3 =	vand.u32 $0x80, v3;
	v6 =	vand.u32 $0x380, v6;
	v26 =	vand.u32 $0xFFFFFC00, v36;
	v41 =	vld [tilespmem:s6+$0x6000]  }
0x4ef: {  	v5 =	vand.u32 $0x380, v5;
	v18 =	vadd.s32 v22, v18;
	v40 =	vadd.s32 v26, v24  }
0x4f0: {  	v3 =	vor.u32 v3, v18;
	v6 =	vor.u32 v6, v40;
	v16 =	vadd.s32 v38, v21  }
0x4f1: {  	v3 =	vor.u32 v15, v3;
	v4 =	vor.u32 v4, v6;
	v5 =	vor.u32 v5, v16  }
0x4f2: {  	v5 =	vor.u32 v17, v5;
	v43 =	vsub.s32 v39, v8;
	v45 =	vsub.s32 v42, v7  }
0x4f3: {  	v44 =	vsub.s32 v41, v9;
	vm13 =	vgt.s32 v43, $0x17F;
	vm15 =	vgt.s32 v45, $0x17F  }
0x4f4: {  	v47 =	vadd.s32 $0xFFFFFE80, v43;
	v51 =	vadd.s32 $0xFFFFFE80, v45;
	vm14 =	vgt.s32 v44, $0x17F  }
0x4f5: {  	v46 =	vsel vm13, s31, v10;
	v49 =	vadd.s32 $0xFFFFFE80, v44;
	v50 =	vsel vm15, s13, v11  }
0x4f6: {  	v6 =	vsel vm13, v47, v43;
	v7 =	vsel vm15, v51, v45;
	s31 =	sld [smem:$0x7F5];
	v48 =	vsel vm14, s21, v12  }
0x4f7: {  	s5 =	sld [smem:$0x7F8];
	v52 =	vshrl.u32 v46, $0x3;
	v8 =	vsel vm14, v49, v44;
	v54 =	vshrl.u32 v50, $0x3  }
0x4f8: {  	v58 =	vld [tilespmem:s14+$0x0];
	v55 =	vshll.u32 v6, $0x3;
	v57 =	vshll.u32 v7, $0x3;
	v9 =	vshll.u32 v46, $0x7  }
0x4f9: {  	v60 =	vld [tilespmem:s4+$0x0];
	v11 =	vshll.u32 v50, $0x7;
	v6 =	vand.u32 $0x7F, v6;
	v53 =	vshrl.u32 v48, $0x3;
	s1 =	sshrl.u32 s31, $0x1  }
0x4fa: {  	v10 =	vmul.u32 $0xC00, v52;
	v56 =	vshll.u32 v8, $0x3;
	v15 =	vmul.u32 $0xC00, v54;
	s0 =	sadd.s32 s5, s1  }
0x4fb: {  	[tilespmem:v2+s24+$0x0] =	vst.idx.msk $0xffff, v14;
	v16 =	vand.u32 $0xFFFFFC00, v55;
	v12 =	vshll.u32 v48, $0x7;
	v19 =	vand.u32 $0xFFFFFC00, v57;
	s8 =	smulhi.u32 $0x2AAAAAAB, s0  }
0x4fc: {  	[tilespmem:v1+s24+$0x0] =	vst.idx.msk $0xffff, v13;
	v9 =	vand.u32 $0x80, v9;
	v17 =	vmul.u32 $0xC00, v53;
	v10 =	vadd.s32 v16, v10  }
0x4fd: {  	v61 =	vld [tilespmem:s26+$0x0];
	s2 =	sld [smem:$0x7F6];
	[tilespmem:v3+s24+$0x0] =	vst.idx.msk $0xffff, v58;
	v11 =	vand.u32 $0x380, v11;
	v18 =	vand.u32 $0xFFFFFC00, v56;
	v9 =	vor.u32 v9, v10;
	s1 =	sshrl.u32 s8, $0x4  }
0x4fe: {  	v2 =	vld [tilespmem:s7+$0x0];
	[tilespmem:v4+s24+$0x0] =	vst.idx.msk $0xffff, v60;
	v12 =	vand.u32 $0x380, v12;
	v59 =	vadd.s32 v18, v17;
	v6 =	vor.u32 v6, v9;
	s9 =	smul.u32 $0x60, s1  }
0x4ff: {  	v8 =	vand.u32 $0x7F, v8;
	s10 =	sld [smem:$0x7F3];
	p2 =	seq.s32 s31, $0x17;
	v15 =	vadd.s32 v19, v15;
	v62 =	vor.u32 v12, v59  }
0x500: {  	v1 =	vld [tilespmem:s6+$0x0];
	v7 =	vand.u32 $0x7F, v7;
	s2 =	sadd.s32 @!p2 $0x2, s2;
	v63 =	vor.u32 v11, v15;
	v8 =	vor.u32 v8, v62;
	s1 =	smul.u32 $0xD80000, s1;
	s0 =	ssub.s32 s0, s9  }
0x501: {  	v3 =	vld [tilespmem:s23+$0x0];
	s3 =	sshrl.u32 @!p2 s2, $0x2;
	v7 =	vor.u32 v7, v63;
	s0 =	smul.u32 $0x24000, s0  }
0x502: {  	[tilespmem:v5+s24+$0x0] =	vst.idx.msk $0xffff, v61;
	s4 =	smul.u32 $0x9000, s10;
	s3 =	sadd.s32 @!p2 s5, s3  }
0x503: {  	s11 =	rddreg [dreg:$0x2];
	[tilespmem:v6+s24+$0x0] =	vst.idx.msk $0xffff, v2;
	s1 =	sadd.s32 s0, s1;
	s0 =	smulhi.u32 @!p2 $0x2AAAAAAB, s3  }
0x504: {  	[smem:$0x7EC] =	sst s1;
	s1 =	sadd.s32 s4, s1  }
0x505: {  	s12 =	simm.s32 $0x0;
	[tilespmem:v8+s24+$0x0] =	vst.idx.msk $0xffff, v1;
	s1 =	sshrl.u32 s1, $0x3;
	s0 =	sshrl.u32 @!p2 s0, $0x4  }
0x506: {  	s2 =	sand.u32 @!p2 $0x2, s2;
	[tilespmem:v7+s24+$0x0] =	vst.idx.msk $0xffff, v3;
	s1 =	sadd.s32 s11, s1;
	s4 =	smul.u32 @!p2 $0x60, s0  }
0x507: {  	[hbm4b:s1+s12] =	stream.linear.scatter [tilespmem:s24], [sflag:$0x3], $0x9000, $0x38;
	[tilespmem:$0x1E000] =	vst v63  }
0x508: {  	s2 =	smul.u32 @!p2 $0x3000, s2;
	s1 =	ssub.s32 @!p2 s3, s4  }
0x509: {  	s1 =	smul.u32 @!p2 $0xC000, s1  }
0x50a: {  	s0 =	smul.u32 @!p2 $0x480000, s0  }
0x50b: {  	s1 =	sadd.s32 @!p2 s2, s1  }
0x50c: {  	s0 =	sadd.s32 @!p2 s0, s1  }
0x50d: {  	s1 =	rddreg [dreg:$0x0];
	s0 =	sshrl.u32 @!p2 s0, $0x3  }
0x50e: {  	s2 =	simm.s32 @!p2 $0x0;
	s1 =	sadd.s32 @!p2 s1, s0  }
0x50f: {  	[tilespmem:s2], [sflag:$0x1] =	stream.linear.gather @!p2 [hbm4b:s1+s2], $0x3000, $0x38;
	[tilespmem:$0x1E000] =	vst v63  }
0x510: {  	s1 =	rddreg [dreg:$0x1]  }
0x511: {  	s13 =	simm.s32 $0x2;
	s0 =	sadd.s32 @!p2 s1, s0;
	s1 =	simm.s32 @!p2 $0x6000  }
0x512: {  	[tilespmem:s1], [sflag:$0x1] =	stream.linear.gather @!p2 [hbm4b:s0+s2], $0x3000, $0x38;
	[tilespmem:$0x1E000] =	vst v63  }
0x513: {  	_ =	swait.ge [sflag:s13], $0x3000  }
0x514: {  	[sflag:s13] =	ssyncset.done $0x0  }
0x515: {  	[sflag:s13] =	ssyncadd.s32 $0xFFFFD000  }
0x516: {  	s14 =	simm.s32 $0x0;
	_ =	swait.ge [sflag:s13], $0x3000  }
0x517: {  	s15 =	smul.u32 $0x3000, s14;
	[sflag:s13] =	ssyncset.done $0x0  }
0x518: {  	s4 =	simm.s32 @!p1 $0x4;
	s0 =	simm.s32 $0x0;
	[sflag:s13] =	ssyncadd.s32 $0xFFFFD000  }
0x519: {  	s17 =	sshra.s32 s15, $0x2;
	s16 =	sand.u32 $0x200, s0;
	_ =	swait.ge @!p1 [sflag:s4], $0x9000  }
0x51a: {  	s18 =	sadd.s32 $0x15000, s17;
	s19 =	sor.u32 $0x180, s16;
	[sflag:s4] =	ssyncset.done @!p1 $0x0  }
0x51b: {  	s20 =	sor.u32 s19, s18;
	[sflag:s4] =	ssyncadd.s32 @!p1 $0xFFFF7000  }
0x51c: {  	[tilespmem:s20+$0x0] =	vst v0  }
0x51d: {  	[tilespmem:s20+$0x10] =	vst v0  }
0x51e: {  	[tilespmem:s20+$0x20] =	vst v0  }
0x51f: {  	[tilespmem:s20+$0x30] =	vst v0  }
0x520: {  	[tilespmem:s20+$0x40] =	vst v0  }
0x521: {  	[tilespmem:s20+$0x50] =	vst v0  }
0x522: {  	[tilespmem:s20+$0x60] =	vst v0  }
0x523: {  	s23 =	sor.u32 s16, s18;
	[tilespmem:s20+$0x70] =	vst v0  }
0x524: {  	[tilespmem:s23+$0x0] =	vst v0  }
0x525: {  	[tilespmem:s23+$0x10] =	vst v0  }
0x526: {  	[tilespmem:s23+$0x20] =	vst v0  }
0x527: {  	[tilespmem:s23+$0x30] =	vst v0  }
0x528: {  	[tilespmem:s23+$0x40] =	vst v0  }
0x529: {  	[tilespmem:s23+$0x50] =	vst v0  }
0x52a: {  	s26 =	sor.u32 $0x80, s16;
	[tilespmem:s23+$0x60] =	vst v0  }
0x52b: {  	s28 =	sor.u32 s26, s18;
	[tilespmem:s23+$0x70] =	vst v0  }
0x52c: {  	[tilespmem:s28+$0x0] =	vst v0  }
0x52d: {  	[tilespmem:s28+$0x10] =	vst v0  }
0x52e: {  	[tilespmem:s28+$0x20] =	vst v0  }
0x52f: {  	[tilespmem:s28+$0x30] =	vst v0  }
0x530: {  	[tilespmem:s28+$0x40] =	vst v0  }
0x531: {  	[tilespmem:s28+$0x50] =	vst v0  }
0x532: {  	s2 =	sor.u32 $0x100, s16;
	[tilespmem:s28+$0x60] =	vst v0  }
0x533: {  	s3 =	sor.u32 s2, s18;
	[tilespmem:s28+$0x70] =	vst v0  }
0x534: {  	[tilespmem:s3+$0x0] =	vst v0  }
0x535: {  	[tilespmem:s3+$0x10] =	vst v0  }
0x536: {  	[tilespmem:s3+$0x20] =	vst v0  }
0x537: {  	[tilespmem:s3+$0x30] =	vst v0  }
0x538: {  	[tilespmem:s3+$0x40] =	vst v0  }
0x539: {  	[tilespmem:s3+$0x50] =	vst v0  }
0x53a: {  	s21 =	sadd.s32 $0x15400, s17;
	[tilespmem:s3+$0x60] =	vst v0  }
0x53b: {  	s22 =	sor.u32 s19, s21;
	[tilespmem:s3+$0x70] =	vst v0  }
0x53c: {  	[tilespmem:s22+$0x0] =	vst v0  }
0x53d: {  	[tilespmem:s22+$0x10] =	vst v0  }
0x53e: {  	[tilespmem:s22+$0x20] =	vst v0  }
0x53f: {  	[tilespmem:s22+$0x30] =	vst v0  }
0x540: {  	[tilespmem:s22+$0x40] =	vst v0  }
0x541: {  	[tilespmem:s22+$0x50] =	vst v0  }
0x542: {  	[tilespmem:s22+$0x60] =	vst v0  }
0x543: {  	s24 =	sor.u32 s16, s21;
	[tilespmem:s22+$0x70] =	vst v0  }
0x544: {  	[tilespmem:s24+$0x0] =	vst v0  }
0x545: {  	[tilespmem:s24+$0x10] =	vst v0  }
0x546: {  	[tilespmem:s24+$0x20] =	vst v0  }
0x547: {  	[tilespmem:s24+$0x30] =	vst v0  }
0x548: {  	[tilespmem:s24+$0x40] =	vst v0  }
0x549: {  	[tilespmem:s24+$0x50] =	vst v0  }
0x54a: {  	[tilespmem:s24+$0x60] =	vst v0  }
0x54b: {  	s29 =	sor.u32 s26, s21;
	[tilespmem:s24+$0x70] =	vst v0  }
0x54c: {  	[tilespmem:s29+$0x0] =	vst v0  }
0x54d: {  	[tilespmem:s29+$0x10] =	vst v0  }
0x54e: {  	[tilespmem:s29+$0x20] =	vst v0  }
0x54f: {  	[tilespmem:s29+$0x30] =	vst v0  }
0x550: {  	[tilespmem:s29+$0x40] =	vst v0  }
0x551: {  	[tilespmem:s29+$0x50] =	vst v0  }
0x552: {  	[tilespmem:s29+$0x60] =	vst v0  }
0x553: {  	s30 =	sor.u32 s2, s21;
	[tilespmem:s29+$0x70] =	vst v0  }
0x554: {  	[tilespmem:s30+$0x0] =	vst v0  }
0x555: {  	[tilespmem:s30+$0x10] =	vst v0  }
0x556: {  	[tilespmem:s30+$0x20] =	vst v0  }
0x557: {  	[tilespmem:s30+$0x30] =	vst v0  }
0x558: {  	[tilespmem:s30+$0x40] =	vst v0  }
0x559: {  	[tilespmem:s30+$0x50] =	vst v0  }
0x55a: {  	s5 =	sadd.s32 $0x15800, s17;
	[tilespmem:s30+$0x60] =	vst v0  }
0x55b: {  	s25 =	sor.u32 s16, s5;
	[tilespmem:s30+$0x70] =	vst v0  }
0x55c: {  	[tilespmem:s25+$0x0] =	vst v0  }
0x55d: {  	[tilespmem:s25+$0x10] =	vst v0  }
0x55e: {  	[tilespmem:s25+$0x20] =	vst v0  }
0x55f: {  	[tilespmem:s25+$0x30] =	vst v0  }
0x560: {  	[tilespmem:s25+$0x40] =	vst v0  }
0x561: {  	[tilespmem:s25+$0x50] =	vst v0  }
0x562: {  	[tilespmem:s25+$0x60] =	vst v0  }
0x563: {  	s6 =	sor.u32 s26, s5;
	[tilespmem:s25+$0x70] =	vst v0  }
0x564: {  	[tilespmem:s6+$0x0] =	vst v0  }
0x565: {  	[tilespmem:s6+$0x10] =	vst v0  }
0x566: {  	[tilespmem:s6+$0x20] =	vst v0  }
0x567: {  	[tilespmem:s6+$0x30] =	vst v0  }
0x568: {  	[tilespmem:s6+$0x40] =	vst v0  }
0x569: {  	[tilespmem:s6+$0x50] =	vst v0  }
0x56a: {  	[tilespmem:s6+$0x60] =	vst v0  }
0x56b: {  	s31 =	sor.u32 s2, s5;
	[tilespmem:s6+$0x70] =	vst v0  }
0x56c: {  	[tilespmem:s31+$0x0] =	vst v0  }
0x56d: {  	[tilespmem:s31+$0x10] =	vst v0  }
0x56e: {  	[tilespmem:s31+$0x20] =	vst v0  }
0x56f: {  	[tilespmem:s31+$0x30] =	vst v0  }
0x570: {  	[tilespmem:s31+$0x40] =	vst v0  }
0x571: {  	[tilespmem:s31+$0x50] =	vst v0  }
0x572: {  	[tilespmem:s31+$0x60] =	vst v0  }
0x573: {  	s2 =	sor.u32 s19, s5;
	[tilespmem:s31+$0x70] =	vst v0  }
0x574: {  	s1 =	simm.s32 $0x0;
	[tilespmem:s2+$0x70] =	vst v0  }
.LBB2_7:
0x575: {  	s1 =	sadd.s32 $0x4, s1;
	[tilespmem:s2+$0x0] =	vst v0  }
0x576: {  	s3 =	sshrl.u32 s1, $0x3;
	p1 =	slt.u32 s1, $0x5C;
	[tilespmem:s2+$0x10] =	vst v0  }
0x577: {  	s3 =	smul.u32 $0x3000, s3;
	[tilespmem:s2+$0x20] =	vst v0  }
0x578: {  	s0 =	sadd.s32 $0x200, s0;
	[tilespmem:s2+$0x30] =	vst v0  }
0x579: {  	s5 =	sand.u32 $0x200, s0;
	s8 =	sshra.s32 s3, $0x2;
	[tilespmem:s2+$0x40] =	vst v0  }
0x57a: {  	s10 =	sor.u32 $0x80, s5;
	s11 =	sor.u32 $0x180, s5;
	s3 =	sadd.s32 $0x15000, s8;
	[tilespmem:s2+$0x50] =	vst v0  }
0x57b: {  	s12 =	sor.u32 $0x100, s5;
	s9 =	sor.u32 s5, s3;
	s4 =	sor.u32 s11, s3;
	[tilespmem:s2+$0x60] =	vst v0  }
0x57c: {  	s6 =	sor.u32 s10, s3;
	s3 =	sor.u32 s12, s3;
	[tilespmem:s4+$0x0] =	vst v0  }
0x57d: {  	[tilespmem:s4+$0x10] =	vst v0  }
0x57e: {  	[tilespmem:s4+$0x20] =	vst v0  }
0x57f: {  	[tilespmem:s4+$0x30] =	vst v0  }
0x580: {  	[tilespmem:s4+$0x40] =	vst v0  }
0x581: {  	[tilespmem:s4+$0x50] =	vst v0  }
0x582: {  	s2 =	sadd.s32 $0x15400, s8;
	[tilespmem:s4+$0x60] =	vst v0  }
0x583: {  	s13 =	sor.u32 s5, s2;
	s7 =	sor.u32 s10, s2;
	s14 =	sor.u32 s11, s2;
	[tilespmem:s4+$0x70] =	vst v0  }
0x584: {  	s4 =	sor.u32 s12, s2;
	[tilespmem:s14+$0x0] =	vst v0  }
0x585: {  	[tilespmem:s14+$0x10] =	vst v0  }
0x586: {  	[tilespmem:s14+$0x20] =	vst v0  }
0x587: {  	[tilespmem:s14+$0x30] =	vst v0  }
0x588: {  	[tilespmem:s14+$0x40] =	vst v0  }
0x589: {  	[tilespmem:s14+$0x50] =	vst v0  }
0x58a: {  	s15 =	sadd.s32 $0x15800, s8;
	[tilespmem:s14+$0x60] =	vst v0  }
0x58b: {  	s16 =	sor.u32 s5, s15;
	s8 =	sor.u32 s10, s15;
	s2 =	sor.u32 s11, s15;
	[tilespmem:s14+$0x70] =	vst v0  }
0x58c: {  	s5 =	sor.u32 s12, s15;
	[tilespmem:s2+$0x70] =	vst v0  }
0x58d: {  	[tilespmem:s9+$0x0] =	vst v0  }
0x58e: {  	[tilespmem:s9+$0x10] =	vst v0  }
0x58f: {  	[tilespmem:s9+$0x20] =	vst v0  }
0x590: {  	[tilespmem:s9+$0x30] =	vst v0  }
0x591: {  	[tilespmem:s9+$0x40] =	vst v0  }
0x592: {  	[tilespmem:s9+$0x50] =	vst v0  }
0x593: {  	[tilespmem:s9+$0x60] =	vst v0  }
0x594: {  	[tilespmem:s9+$0x70] =	vst v0  }
0x595: {  	[tilespmem:s13+$0x0] =	vst v0  }
0x596: {  	[tilespmem:s13+$0x10] =	vst v0  }
0x597: {  	[tilespmem:s13+$0x20] =	vst v0  }
0x598: {  	[tilespmem:s13+$0x30] =	vst v0  }
0x599: {  	[tilespmem:s13+$0x40] =	vst v0  }
0x59a: {  	[tilespmem:s13+$0x50] =	vst v0  }
0x59b: {  	[tilespmem:s13+$0x60] =	vst v0  }
0x59c: {  	[tilespmem:s13+$0x70] =	vst v0  }
0x59d: {  	[tilespmem:s16+$0x0] =	vst v0  }
0x59e: {  	[tilespmem:s16+$0x10] =	vst v0  }
0x59f: {  	[tilespmem:s16+$0x20] =	vst v0  }
0x5a0: {  	[tilespmem:s16+$0x30] =	vst v0  }
0x5a1: {  	[tilespmem:s16+$0x40] =	vst v0  }
0x5a2: {  	[tilespmem:s16+$0x50] =	vst v0  }
0x5a3: {  	[tilespmem:s16+$0x60] =	vst v0  }
0x5a4: {  	[tilespmem:s16+$0x70] =	vst v0  }
0x5a5: {  	[tilespmem:s6+$0x0] =	vst v0  }
0x5a6: {  	[tilespmem:s6+$0x10] =	vst v0  }
0x5a7: {  	[tilespmem:s6+$0x20] =	vst v0  }
0x5a8: {  	[tilespmem:s6+$0x30] =	vst v0  }
0x5a9: {  	[tilespmem:s6+$0x40] =	vst v0  }
0x5aa: {  	[tilespmem:s6+$0x50] =	vst v0  }
0x5ab: {  	[tilespmem:s6+$0x60] =	vst v0  }
0x5ac: {  	[tilespmem:s6+$0x70] =	vst v0  }
0x5ad: {  	[tilespmem:s7+$0x0] =	vst v0  }
0x5ae: {  	[tilespmem:s7+$0x10] =	vst v0  }
0x5af: {  	[tilespmem:s7+$0x20] =	vst v0  }
0x5b0: {  	[tilespmem:s7+$0x30] =	vst v0  }
0x5b1: {  	[tilespmem:s7+$0x40] =	vst v0  }
0x5b2: {  	[tilespmem:s7+$0x50] =	vst v0  }
0x5b3: {  	[tilespmem:s7+$0x60] =	vst v0  }
0x5b4: {  	[tilespmem:s7+$0x70] =	vst v0  }
0x5b5: {  	[tilespmem:s8+$0x0] =	vst v0  }
0x5b6: {  	[tilespmem:s8+$0x10] =	vst v0  }
0x5b7: {  	[tilespmem:s8+$0x20] =	vst v0  }
0x5b8: {  	[tilespmem:s8+$0x30] =	vst v0  }
0x5b9: {  	[tilespmem:s8+$0x40] =	vst v0  }
0x5ba: {  	[tilespmem:s8+$0x50] =	vst v0  }
0x5bb: {  	[tilespmem:s8+$0x60] =	vst v0  }
0x5bc: {  	[tilespmem:s8+$0x70] =	vst v0  }
0x5bd: {  	[tilespmem:s3+$0x0] =	vst v0  }
0x5be: {  	[tilespmem:s3+$0x10] =	vst v0  }
0x5bf: {  	[tilespmem:s3+$0x20] =	vst v0  }
0x5c0: {  	[tilespmem:s3+$0x30] =	vst v0  }
0x5c1: {  	[tilespmem:s3+$0x40] =	vst v0  }
0x5c2: {  	[tilespmem:s3+$0x50] =	vst v0  }
0x5c3: {  	[tilespmem:s3+$0x60] =	vst v0  }
0x5c4: {  	[tilespmem:s3+$0x70] =	vst v0  }
0x5c5: {  	[tilespmem:s4+$0x0] =	vst v0  }
0x5c6: {  	[tilespmem:s4+$0x10] =	vst v0  }
0x5c7: {  	[tilespmem:s4+$0x20] =	vst v0  }
0x5c8: {  	[tilespmem:s4+$0x30] =	vst v0  }
0x5c9: {  	[tilespmem:s4+$0x40] =	vst v0  }
0x5ca: {  	[tilespmem:s4+$0x50] =	vst v0  }
0x5cb: {  	[tilespmem:s4+$0x60] =	vst v0  }
0x5cc: {  	[tilespmem:s4+$0x70] =	vst v0  }
0x5cd: {  	[tilespmem:s5+$0x0] =	vst v0  }
0x5ce: {  	[tilespmem:s5+$0x10] =	vst v0  }
0x5cf: {  	[tilespmem:s5+$0x20] =	vst v0  }
.Ltmp4:
0x5d0: {  	[tilespmem:s5+$0x30] =	vst v0;
	(pc) =	sbr.rel @p1 .LBB2_7-.Ltmp4, $4  }
0x5d1: {  	[tilespmem:s5+$0x40] =	vst v0  }
0x5d2: {  	[tilespmem:s5+$0x50] =	vst v0  }
0x5d3: {  	[tilespmem:s5+$0x60] =	vst v0  }
0x5d4: {  	[tilespmem:s5+$0x70] =	vst v0  }
0x5d5: {  	[tilespmem:s2+$0x0] =	vst v0  }
0x5d6: {  	[tilespmem:s2+$0x10] =	vst v0  }
0x5d7: {  	[tilespmem:s2+$0x20] =	vst v0  }
0x5d8: {  	[tilespmem:s2+$0x30] =	vst v0  }
0x5d9: {  	[tilespmem:s2+$0x40] =	vst v0;
	s3 =	simm.s32 $0x0;
	s0 =	simm.s32 $0x100  }
0x5da: {  	[tilespmem:s2+$0x50] =	vst v0;
	s4 =	sand.u32 $0x3800, s3;
	s0 =	sand.u32 $0x300, s0  }
0x5db: {  	[tilespmem:s2+$0x60] =	vst v0;
	s1 =	sor.u32 s4, s0  }
0x5dc: {  	s12 =	sld [smem:$0x7F4];
	v1 =	vld [tilespmem:s1+$0x9000];
	_ =	sdelay $0x2  }
0x5dd: {  	s17 =	sadd.s32 $0xFFFFFD00, s12  }
0x5de: {  	v2 =	vmov s17  }
0x5df: {  	s18 =	simm.s32 $0x4;
	v3 =	vsub.s32 v1, v2  }
0x5e0: {  	s19 =	simm.s32 $0x5;
	v1 =	vmov s18;
	vm0 =	vgt.s32 v3, $0x17F  }
0x5e1: {  	v5 =	vadd.s32 $0xFFFFFE80, v3;
	v4 =	vsel vm0, s19, v1  }
0x5e2: {  	v3 =	vsel vm0, v5, v3;
	v5 =	vshrl.u32 v4, $0x3  }
0x5e3: {  	s20 =	simm.s32 $0x0;
	v6 =	vshll.u32 v3, $0x3;
	v5 =	vmul.u32 $0xC00, v5  }
0x5e4: {  	s2 =	sand.u32 $0x200, s20;
	v4 =	vshll.u32 v4, $0x7;
	v6 =	vand.u32 $0xFFFFFC00, v6  }
0x5e5: {  	s5 =	simm.s32 $0x80;
	s21 =	simm.s32 $0x180;
	s7 =	sor.u32 s2, s4;
	v4 =	vand.u32 $0x380, v4;
	v5 =	vadd.s32 v6, v5  }
0x5e6: {  	s5 =	sand.u32 $0x280, s5;
	s2 =	sand.u32 $0x380, s21;
	v7 =	vld [tilespmem:s7+$0x9000];
	v3 =	vand.u32 $0x7F, v3;
	v4 =	vor.u32 v4, v5  }
0x5e7: {  	s6 =	sor.u32 s4, s5;
	s4 =	sor.u32 s4, s2;
	v5 =	vld [tilespmem:s1+$0x3000];
	v3 =	vor.u32 v3, v4  }
0x5e8: {  	v4 =	vld [tilespmem:s4+$0x9000]  }
0x5e9: {  	v6 =	vld [tilespmem:s6+$0x9000]  }
0x5ea: {  	s24 =	simm.s32 $0x0;
	s25 =	simm.s32 $0x2;
	s22 =	sadd.s32 $0xFFFFF700, s12  }
0x5eb: {  	s26 =	simm.s32 $0x15000;
	v14 =	vmov s24;
	v18 =	vmov s25;
	s23 =	sadd.s32 $0xFFFFFA00, s12;
	v17 =	vmov s22  }
0x5ec: {  	v13 =	vmov s12;
	v15 =	vmov s23;
	v7 =	vsub.s32 v7, v17;
	[tilespmem:v3+s26+$0x0] =	vst.idx.msk $0xffff, v5  }
0x5ed: {  	s28 =	simm.s32 $0x6;
	vm12 =	vgt.s32 v7, $0x17F;
	v8 =	vadd.s32 $0xFFFFFE80, v7;
	v3 =	vsub.s32 v4, v13;
	v4 =	vld [tilespmem:s1+$0x9010]  }
0x5ee: {  	s11 =	simm.s32 $0x1;
	v16 =	vmov s28;
	v7 =	vsel vm12, v8, v7;
	v6 =	vsub.s32 v6, v15  }
0x5ef: {  	s10 =	simm.s32 $0x3;
	vm1 =	vgt.s32 v6, $0x17F;
	v10 =	vadd.s32 $0xFFFFFE80, v6;
	v5 =	vsel vm12, s11, v14  }
0x5f0: {  	v9 =	vsel vm1, s10, v18;
	v6 =	vsel vm1, v10, v6;
	vm2 =	vgt.s32 v3, $0x17F  }
0x5f1: {  	v12 =	vadd.s32 $0xFFFFFE80, v3;
	v8 =	vshrl.u32 v5, $0x3;
	v19 =	vshrl.u32 v9, $0x3  }
0x5f2: {  	v22 =	vshll.u32 v6, $0x3;
	v5 =	vshll.u32 v5, $0x7;
	v4 =	vsub.s32 v4, v2  }
0x5f3: {  	s9 =	simm.s32 $0x7;
	v9 =	vshll.u32 v9, $0x7;
	v6 =	vand.u32 $0x7F, v6;
	vm13 =	vgt.s32 v4, $0x17F  }
0x5f4: {  	v11 =	vsel vm2, s9, v16;
	v21 =	vadd.s32 $0xFFFFFE80, v4;
	v20 =	vsel vm13, s19, v1  }
0x5f5: {  	v3 =	vsel vm2, v12, v3;
	v4 =	vsel vm13, v21, v4;
	v21 =	vshrl.u32 v20, $0x3  }
0x5f6: {  	v8 =	vmul.u32 $0xC00, v8;
	v23 =	vshll.u32 v4, $0x3;
	v21 =	vmul.u32 $0xC00, v21  }
0x5f7: {  	v12 =	vshll.u32 v7, $0x3;
	v20 =	vshll.u32 v20, $0x7;
	v23 =	vand.u32 $0xFFFFFC00, v23  }
0x5f8: {  	v19 =	vmul.u32 $0xC00, v19;
	v20 =	vand.u32 $0x380, v20;
	v21 =	vadd.s32 v23, v21  }
0x5f9: {  	v12 =	vand.u32 $0xFFFFFC00, v12;
	v4 =	vand.u32 $0x7F, v4;
	v20 =	vor.u32 v20, v21  }
0x5fa: {  	v5 =	vand.u32 $0x80, v5;
	v8 =	vadd.s32 v12, v8;
	v12 =	vld [tilespmem:s1+$0x3010];
	v4 =	vor.u32 v4, v20  }
0x5fb: {  	v7 =	vand.u32 $0x7F, v7;
	v9 =	vand.u32 $0x380, v9;
	v5 =	vor.u32 v5, v8  }
0x5fc: {  	v10 =	vshrl.u32 v11, $0x3;
	v8 =	vld [tilespmem:s7+$0x3000];
	v5 =	vor.u32 v7, v5;
	v21 =	vand.u32 $0xFFFFFC00, v22  }
0x5fd: {  	v10 =	vmul.u32 $0xC00, v10;
	v20 =	vshll.u32 v3, $0x3;
	v19 =	vadd.s32 v21, v19  }
0x5fe: {  	v11 =	vshll.u32 v11, $0x7;
	v7 =	vand.u32 $0xFFFFFC00, v20;
	v9 =	vor.u32 v9, v19  }
0x5ff: {  	v19 =	vld [tilespmem:s6+$0x3000];
	v7 =	vadd.s32 v7, v10;
	v10 =	vand.u32 $0x380, v11;
	v6 =	vor.u32 v6, v9;
	[tilespmem:v4+s26+$0x0] =	vst.idx.msk $0xffff, v12  }
0x600: {  	v4 =	vor.u32 v10, v7;
	v7 =	vld [tilespmem:s1+$0x9020]  }
0x601: {  	[tilespmem:v5+s26+$0x0] =	vst.idx.msk $0xffff, v8;
	v3 =	vand.u32 $0x7F, v3;
	v9 =	vld [tilespmem:s4+$0x3000]  }
0x602: {  	v3 =	vor.u32 v3, v4;
	v4 =	vld [tilespmem:s7+$0x9010];
	_ =	sdelay $0x1  }
0x603: {  	[tilespmem:v6+s26+$0x0] =	vst.idx.msk $0xffff, v19  }
0x604: {  	v5 =	vld [tilespmem:s6+$0x9010];
	v6 =	vsub.s32 v7, v2  }
0x605: {  	vm14 =	vgt.s32 v6, $0x17F  }
0x606: {  	[tilespmem:v3+s26+$0x0] =	vst.idx.msk $0xffff, v9;
	v4 =	vsub.s32 v4, v17;
	v8 =	vadd.s32 $0xFFFFFE80, v6;
	v7 =	vsel vm14, s19, v1  }
0x607: {  	v3 =	vld [tilespmem:s4+$0x9010];
	vm15 =	vgt.s32 v4, $0x17F;
	v6 =	vsel vm14, v8, v6;
	v8 =	vshrl.u32 v7, $0x3  }
0x608: {  	v9 =	vadd.s32 $0xFFFFFE80, v4;
	v10 =	vshll.u32 v6, $0x3;
	v8 =	vmul.u32 $0xC00, v8  }
0x609: {  	v5 =	vsub.s32 v5, v15;
	v7 =	vshll.u32 v7, $0x7;
	v10 =	vand.u32 $0xFFFFFC00, v10  }
0x60a: {  	v11 =	vsel vm15, s11, v14;
	v7 =	vand.u32 $0x380, v7;
	v8 =	vadd.s32 v10, v8  }
0x60b: {  	v4 =	vsel vm15, v9, v4;
	v6 =	vand.u32 $0x7F, v6;
	v7 =	vor.u32 v7, v8  }
0x60c: {  	vm4 =	vgt.s32 v5, $0x17F;
	v3 =	vsub.s32 v3, v13;
	v8 =	vld [tilespmem:s1+$0x3020];
	v6 =	vor.u32 v6, v7  }
0x60d: {  	v20 =	vshrl.u32 v11, $0x3;
	v10 =	vadd.s32 $0xFFFFFE80, v5;
	vm5 =	vgt.s32 v3, $0x17F  }
0x60e: {  	v19 =	vadd.s32 $0xFFFFFE80, v3;
	v5 =	vsel vm4, v10, v5;
	v10 =	vmul.u32 $0xC00, v20  }
0x60f: {  	v7 =	vsel vm4, s10, v18;
	v12 =	vsel vm5, s9, v16;
	v3 =	vsel vm5, v19, v3  }
0x610: {  	v19 =	vshll.u32 v4, $0x3;
	v4 =	vand.u32 $0x7F, v4;
	v21 =	vshrl.u32 v7, $0x3  }
0x611: {  	v9 =	vshrl.u32 v12, $0x3;
	v19 =	vand.u32 $0xFFFFFC00, v19;
	v7 =	vshll.u32 v7, $0x7;
	[tilespmem:v6+s26+$0x0] =	vst.idx.msk $0xffff, v8  }
0x612: {  	v12 =	vshll.u32 v12, $0x7;
	v6 =	vmul.u32 $0xC00, v9;
	v9 =	vshll.u32 v11, $0x7;
	v11 =	vld [tilespmem:s1+$0x9030]  }
0x613: {  	v20 =	vmul.u32 $0xC00, v21;
	v21 =	vshll.u32 v5, $0x3;
	v10 =	vadd.s32 v19, v10  }
0x614: {  	v7 =	vand.u32 $0x380, v7;
	v5 =	vand.u32 $0x7F, v5;
	v8 =	vshll.u32 v3, $0x3  }
0x615: {  	v21 =	vand.u32 $0xFFFFFC00, v21;
	v8 =	vand.u32 $0xFFFFFC00, v8;
	v9 =	vand.u32 $0x80, v9  }
0x616: {  	v6 =	vadd.s32 v8, v6;
	v8 =	vor.u32 v9, v10;
	v9 =	vand.u32 $0x380, v12  }
0x617: {  	v19 =	vadd.s32 v21, v20;
	v6 =	vor.u32 v9, v6;
	v9 =	vsub.s32 v11, v2  }
0x618: {  	v7 =	vor.u32 v7, v19;
	v10 =	vld [tilespmem:s7+$0x3010];
	v4 =	vor.u32 v4, v8;
	vm6 =	vgt.s32 v9, $0x17F  }
0x619: {  	v5 =	vor.u32 v5, v7;
	v12 =	vld [tilespmem:s6+$0x3010];
	v11 =	vadd.s32 $0xFFFFFE80, v9;
	v8 =	vsel vm6, s19, v1  }
0x61a: {  	v3 =	vand.u32 $0x7F, v3;
	v7 =	vsel vm6, v11, v9;
	v9 =	vshrl.u32 v8, $0x3  }
0x61b: {  	v3 =	vor.u32 v3, v6;
	v6 =	vmul.u32 $0xC00, v9;
	v9 =	vshll.u32 v7, $0x3  }
0x61c: {  	v11 =	vld [tilespmem:s4+$0x3010];
	v8 =	vshll.u32 v8, $0x7;
	v9 =	vand.u32 $0xFFFFFC00, v9  }
0x61d: {  	[tilespmem:v4+s26+$0x0] =	vst.idx.msk $0xffff, v10;
	v4 =	vadd.s32 v9, v6;
	v6 =	vand.u32 $0x380, v8  }
0x61e: {  	[tilespmem:v5+s26+$0x0] =	vst.idx.msk $0xffff, v12;
	v5 =	vld [tilespmem:s1+$0x3030];
	v7 =	vand.u32 $0x7F, v7;
	v4 =	vor.u32 v6, v4  }
0x61f: {  	v8 =	vld [tilespmem:s7+$0x9020];
	v4 =	vor.u32 v7, v4;
	_ =	sdelay $0x1  }
0x620: {  	v6 =	vld [tilespmem:s6+$0x9020];
	[tilespmem:v3+s26+$0x0] =	vst.idx.msk $0xffff, v11  }
0x621: {  	v3 =	vld [tilespmem:s4+$0x9020];
	_ =	sdelay $0x1  }
0x622: {  	v7 =	vsub.s32 v8, v17;
	[tilespmem:v4+s26+$0x0] =	vst.idx.msk $0xffff, v5  }
0x623: {  	vm7 =	vgt.s32 v7, $0x17F;
	v4 =	vld [tilespmem:s1+$0x9040]  }
0x624: {  	v8 =	vadd.s32 $0xFFFFFE80, v7;
	v5 =	vsub.s32 v6, v15;
	v6 =	vsel vm7, s11, v14  }
0x625: {  	v3 =	vsub.s32 v3, v13;
	v7 =	vsel vm7, v8, v7;
	vm8 =	vgt.s32 v5, $0x17F  }
0x626: {  	vm9 =	vgt.s32 v3, $0x17F;
	v10 =	vadd.s32 $0xFFFFFE80, v5;
	v12 =	vadd.s32 $0xFFFFFE80, v3  }
0x627: {  	v8 =	vshrl.u32 v6, $0x3;
	v21 =	vshll.u32 v7, $0x3;
	v6 =	vshll.u32 v6, $0x7  }
0x628: {  	v7 =	vand.u32 $0x7F, v7;
	v9 =	vsel vm8, s10, v18;
	v4 =	vsub.s32 v4, v2  }
0x629: {  	v11 =	vsel vm9, s9, v16;
	v5 =	vsel vm8, v10, v5;
	vm10 =	vgt.s32 v4, $0x17F  }
0x62a: {  	v3 =	vsel vm9, v12, v3;
	v20 =	vadd.s32 $0xFFFFFE80, v4;
	v12 =	vsel vm10, s19, v1  }
0x62b: {  	v8 =	vmul.u32 $0xC00, v8;
	v4 =	vsel vm10, v20, v4;
	v20 =	vshrl.u32 v12, $0x3  }
0x62c: {  	v21 =	vand.u32 $0xFFFFFC00, v21;
	v22 =	vshll.u32 v4, $0x3;
	v20 =	vmul.u32 $0xC00, v20  }
0x62d: {  	v6 =	vand.u32 $0x80, v6;
	v12 =	vshll.u32 v12, $0x7;
	v22 =	vand.u32 $0xFFFFFC00, v22  }
0x62e: {  	v19 =	vshrl.u32 v9, $0x3;
	v12 =	vand.u32 $0x380, v12;
	v20 =	vadd.s32 v22, v20  }
0x62f: {  	v8 =	vadd.s32 v21, v8;
	v4 =	vand.u32 $0x7F, v4;
	v12 =	vor.u32 v12, v20  }
0x630: {  	v10 =	vshrl.u32 v11, $0x3;
	v6 =	vor.u32 v6, v8;
	v20 =	vld [tilespmem:s1+$0x3040];
	v4 =	vor.u32 v4, v12  }
0x631: {  	v23 =	vshll.u32 v5, $0x3;
	v11 =	vshll.u32 v11, $0x7;
	v8 =	vld [tilespmem:s7+$0x3020];
	v6 =	vor.u32 v7, v6  }
0x632: {  	v5 =	vand.u32 $0x7F, v5;
	v19 =	vmul.u32 $0xC00, v19;
	v10 =	vmul.u32 $0xC00, v10  }
0x633: {  	v21 =	vand.u32 $0xFFFFFC00, v23;
	v7 =	vshll.u32 v9, $0x7;
	v12 =	vshll.u32 v3, $0x3  }
0x634: {  	v7 =	vand.u32 $0x380, v7;
	v9 =	vand.u32 $0xFFFFFC00, v12;
	v12 =	vadd.s32 v21, v19  }
0x635: {  	v11 =	vand.u32 $0x380, v11;
	v9 =	vadd.s32 v9, v10;
	v10 =	vld [tilespmem:s6+$0x3020];
	v7 =	vor.u32 v7, v12;
	[tilespmem:v4+s26+$0x0] =	vst.idx.msk $0xffff, v20  }
0x636: {  	[tilespmem:v6+s26+$0x0] =	vst.idx.msk $0xffff, v8;
	v3 =	vand.u32 $0x7F, v3;
	v5 =	vor.u32 v5, v7;
	v4 =	vor.u32 v11, v9;
	v7 =	vld [tilespmem:s1+$0x9050]  }
0x637: {  	v3 =	vor.u32 v3, v4;
	v4 =	vld [tilespmem:s7+$0x9030];
	_ =	sdelay $0x1  }
0x638: {  	v9 =	vld [tilespmem:s4+$0x3020];
	_ =	sdelay $0x1  }
0x639: {  	[tilespmem:v5+s26+$0x0] =	vst.idx.msk $0xffff, v10;
	v5 =	vsub.s32 v7, v2  }
0x63a: {  	v6 =	vld [tilespmem:s6+$0x9030];
	v4 =	vsub.s32 v4, v17;
	vm11 =	vgt.s32 v5, $0x17F  }
0x63b: {  	v8 =	vadd.s32 $0xFFFFFE80, v5;
	vm12 =	vgt.s32 v4, $0x17F;
	v7 =	vsel vm11, s19, v1  }
0x63c: {  	[tilespmem:v3+s26+$0x0] =	vst.idx.msk $0xffff, v9;
	v9 =	vadd.s32 $0xFFFFFE80, v4;
	v5 =	vsel vm11, v8, v5;
	v8 =	vshrl.u32 v7, $0x3  }
0x63d: {  	v3 =	vld [tilespmem:s4+$0x9030];
	v11 =	vsel vm12, s11, v14;
	v10 =	vshll.u32 v5, $0x3;
	v8 =	vmul.u32 $0xC00, v8  }
0x63e: {  	v4 =	vsel vm12, v9, v4;
	v7 =	vshll.u32 v7, $0x7;
	v10 =	vand.u32 $0xFFFFFC00, v10  }
0x63f: {  	v6 =	vsub.s32 v6, v15;
	v7 =	vand.u32 $0x380, v7;
	v8 =	vadd.s32 v10, v8  }
0x640: {  	v5 =	vand.u32 $0x7F, v5;
	v19 =	vshrl.u32 v11, $0x3;
	v7 =	vor.u32 v7, v8  }
0x641: {  	v11 =	vshll.u32 v11, $0x7;
	vm13 =	vgt.s32 v6, $0x17F;
	v8 =	vld [tilespmem:s1+$0x3050];
	v5 =	vor.u32 v5, v7  }
0x642: {  	v11 =	vand.u32 $0x80, v11;
	v3 =	vsub.s32 v3, v13;
	v10 =	vadd.s32 $0xFFFFFE80, v6  }
0x643: {  	vm14 =	vgt.s32 v3, $0x17F;
	v20 =	vadd.s32 $0xFFFFFE80, v3;
	v6 =	vsel vm13, v10, v6  }
0x644: {  	v10 =	vmul.u32 $0xC00, v19;
	v7 =	vsel vm13, s10, v18;
	v12 =	vsel vm14, s9, v16  }
0x645: {  	v3 =	vsel vm14, v20, v3;
	v20 =	vshll.u32 v4, $0x3;
	v21 =	vshll.u32 v6, $0x3  }
0x646: {  	v4 =	vand.u32 $0x7F, v4;
	v9 =	vshrl.u32 v7, $0x3;
	v19 =	vshrl.u32 v12, $0x3;
	[tilespmem:v5+s26+$0x0] =	vst.idx.msk $0xffff, v8  }
0x647: {  	v6 =	vand.u32 $0x7F, v6;
	v9 =	vmul.u32 $0xC00, v9;
	v5 =	vmul.u32 $0xC00, v19;
	v19 =	vld [tilespmem:s1+$0x9060]  }
0x648: {  	v20 =	vand.u32 $0xFFFFFC00, v20;
	v21 =	vand.u32 $0xFFFFFC00, v21;
	v7 =	vshll.u32 v7, $0x7  }
0x649: {  	v7 =	vand.u32 $0x380, v7;
	v9 =	vadd.s32 v21, v9;
	v8 =	vshll.u32 v3, $0x3  }
0x64a: {  	v10 =	vadd.s32 v20, v10;
	v7 =	vor.u32 v7, v9;
	v8 =	vand.u32 $0xFFFFFC00, v8  }
0x64b: {  	v6 =	vor.u32 v6, v7;
	v5 =	vadd.s32 v8, v5;
	v8 =	vor.u32 v11, v10;
	v10 =	vld [tilespmem:s6+$0x3030]  }
0x64c: {  	v12 =	vshll.u32 v12, $0x7;
	v9 =	vld [tilespmem:s7+$0x3030];
	v4 =	vor.u32 v4, v8;
	v8 =	vsub.s32 v19, v2  }
0x64d: {  	v3 =	vand.u32 $0x7F, v3;
	v11 =	vand.u32 $0x380, v12;
	vm15 =	vgt.s32 v8, $0x17F  }
0x64e: {  	v5 =	vor.u32 v11, v5;
	v11 =	vadd.s32 $0xFFFFFE80, v8;
	v7 =	vsel vm15, s19, v1  }
0x64f: {  	v12 =	vld [tilespmem:s4+$0x3030];
	v3 =	vor.u32 v3, v5;
	v8 =	vsel vm15, v11, v8;
	v11 =	vshrl.u32 v7, $0x3  }
0x650: {  	[tilespmem:v6+s26+$0x0] =	vst.idx.msk $0xffff, v10;
	v5 =	vmul.u32 $0xC00, v11;
	v11 =	vshll.u32 v8, $0x3  }
0x651: {  	[tilespmem:v4+s26+$0x0] =	vst.idx.msk $0xffff, v9;
	v7 =	vshll.u32 v7, $0x7;
	v4 =	vand.u32 $0xFFFFFC00, v11  }
0x652: {  	v6 =	vld [tilespmem:s6+$0x9040];
	v4 =	vadd.s32 v4, v5;
	v5 =	vand.u32 $0x380, v7  }
0x653: {  	v9 =	vld [tilespmem:s7+$0x9040];
	v7 =	vand.u32 $0x7F, v8;
	v4 =	vor.u32 v5, v4  }
0x654: {  	[tilespmem:v3+s26+$0x0] =	vst.idx.msk $0xffff, v12;
	v5 =	vld [tilespmem:s1+$0x3060];
	v4 =	vor.u32 v7, v4  }
0x655: {  	v3 =	vld [tilespmem:s4+$0x9040];
	_ =	sdelay $0x2  }
0x656: {  	v6 =	vsub.s32 v6, v15;
	v7 =	vsub.s32 v9, v17  }
0x657: {  	vm5 =	vgt.s32 v6, $0x17F;
	v10 =	vadd.s32 $0xFFFFFE80, v6;
	vm4 =	vgt.s32 v7, $0x17F;
	[tilespmem:v4+s26+$0x0] =	vst.idx.msk $0xffff, v5  }
0x658: {  	v3 =	vsub.s32 v3, v13;
	v9 =	vsel vm5, s10, v18;
	v6 =	vsel vm5, v10, v6;
	v5 =	vld [tilespmem:s1+$0x9070]  }
0x659: {  	v8 =	vsel vm4, s11, v14;
	vm6 =	vgt.s32 v3, $0x17F;
	v19 =	vadd.s32 $0xFFFFFE80, v3  }
0x65a: {  	v20 =	vshll.u32 v6, $0x3;
	v6 =	vand.u32 $0x7F, v6;
	v11 =	vshrl.u32 v8, $0x3  }
0x65b: {  	v12 =	vsel vm6, s9, v16;
	v3 =	vsel vm6, v19, v3;
	v8 =	vshll.u32 v8, $0x7  }
0x65c: {  	v20 =	vand.u32 $0xFFFFFC00, v20;
	v10 =	vmul.u32 $0xC00, v11;
	v11 =	vshrl.u32 v12, $0x3  }
0x65d: {  	v24 =	vshll.u32 v3, $0x3;
	v12 =	vshll.u32 v12, $0x7;
	v5 =	vsub.s32 v5, v2  }
0x65e: {  	v8 =	vand.u32 $0x80, v8;
	v4 =	vadd.s32 $0xFFFFFE80, v7;
	vm7 =	vgt.s32 v5, $0x17F  }
0x65f: {  	v4 =	vsel vm4, v4, v7;
	v22 =	vadd.s32 $0xFFFFFE80, v5;
	v21 =	vsel vm7, s19, v1  }
0x660: {  	v7 =	vshrl.u32 v9, $0x3;
	v5 =	vsel vm7, v22, v5;
	v22 =	vshrl.u32 v21, $0x3  }
0x661: {  	v9 =	vshll.u32 v9, $0x7;
	v23 =	vshll.u32 v5, $0x3;
	v22 =	vmul.u32 $0xC00, v22  }
0x662: {  	v19 =	vshll.u32 v4, $0x3;
	v21 =	vshll.u32 v21, $0x7;
	v23 =	vand.u32 $0xFFFFFC00, v23  }
0x663: {  	v7 =	vmul.u32 $0xC00, v7;
	v21 =	vand.u32 $0x380, v21;
	v22 =	vadd.s32 v23, v22  }
0x664: {  	v19 =	vand.u32 $0xFFFFFC00, v19;
	v5 =	vand.u32 $0x7F, v5;
	v21 =	vor.u32 v21, v22  }
0x665: {  	v9 =	vand.u32 $0x380, v9;
	v10 =	vadd.s32 v19, v10;
	v23 =	vld [tilespmem:s1+$0x3070];
	v5 =	vor.u32 v5, v21  }
0x666: {  	s29 =	sand.u32 $0x3, s3;
	v4 =	vand.u32 $0x7F, v4;
	v7 =	vadd.s32 v20, v7;
	v8 =	vor.u32 v8, v10  }
0x667: {  	v11 =	vmul.u32 $0xC00, v11;
	v19 =	vld [tilespmem:s7+$0x3040];
	v7 =	vor.u32 v9, v7;
	v4 =	vor.u32 v4, v8;
	s1 =	sshll.u32 s29, $0x8  }
0x668: {  	v10 =	vand.u32 $0x380, v12;
	v12 =	vld [tilespmem:s6+$0x3040];
	v6 =	vor.u32 v6, v7;
	v22 =	vand.u32 $0xFFFFFC00, v24;
	s1 =	sadd.s32 $0x0, s1  }
0x669: {  	v11 =	vadd.s32 v22, v11;
	s1 =	sadd.s32 $0x100, s1  }
0x66a: {  	v3 =	vand.u32 $0x7F, v3;
	v8 =	vld [tilespmem:s4+$0x3040];
	v9 =	vor.u32 v10, v11;
	s30 =	sor.u32 $0x400, s1;
	[tilespmem:v5+s26+$0x0] =	vst.idx.msk $0xffff, v23  }
0x66b: {  	v3 =	vor.u32 v3, v9;
	v5 =	vld [tilespmem:s30+$0x9000]  }
0x66c: {  	[tilespmem:v4+s26+$0x0] =	vst.idx.msk $0xffff, v19  }
0x66d: {  	[tilespmem:v6+s26+$0x0] =	vst.idx.msk $0xffff, v12;
	v4 =	vld [tilespmem:s7+$0x9050]  }
0x66e: {  	v6 =	vld [tilespmem:s6+$0x9050];
	_ =	sdelay $0x1  }
0x66f: {  	[tilespmem:v3+s26+$0x0] =	vst.idx.msk $0xffff, v8;
	v3 =	vsub.s32 v5, v2  }
0x670: {  	vm8 =	vgt.s32 v3, $0x17F  }
0x671: {  	v4 =	vsub.s32 v4, v17;
	v8 =	vadd.s32 $0xFFFFFE80, v3;
	v7 =	vsel vm8, s19, v1  }
0x672: {  	v6 =	vsub.s32 v6, v15;
	v5 =	vld [tilespmem:s4+$0x9050];
	v3 =	vsel vm8, v8, v3;
	v8 =	vshrl.u32 v7, $0x3  }
0x673: {  	vm9 =	vgt.s32 v4, $0x17F;
	v9 =	vshll.u32 v3, $0x3;
	v8 =	vmul.u32 $0xC00, v8  }
0x674: {  	vm10 =	vgt.s32 v6, $0x17F;
	v7 =	vshll.u32 v7, $0x7;
	v9 =	vand.u32 $0xFFFFFC00, v9  }
0x675: {  	v10 =	vadd.s32 $0xFFFFFE80, v4;
	v7 =	vand.u32 $0x380, v7;
	v8 =	vadd.s32 v9, v8  }
0x676: {  	v11 =	vadd.s32 $0xFFFFFE80, v6;
	v3 =	vand.u32 $0x7F, v3;
	v7 =	vor.u32 v7, v8  }
0x677: {  	v4 =	vsel vm9, v10, v4;
	v5 =	vsub.s32 v5, v13;
	v8 =	vld [tilespmem:s30+$0x3000];
	v3 =	vor.u32 v3, v7  }
0x678: {  	v6 =	vsel vm10, v11, v6;
	vm11 =	vgt.s32 v5, $0x17F;
	v9 =	vsel vm10, s10, v18  }
0x679: {  	v21 =	vadd.s32 $0xFFFFFE80, v5;
	v12 =	vsel vm11, s9, v16;
	v20 =	vshrl.u32 v9, $0x3  }
0x67a: {  	v5 =	vsel vm11, v21, v5;
	v9 =	vshll.u32 v9, $0x7;
	v7 =	vsel vm9, s11, v14  }
0x67b: {  	v10 =	vshrl.u32 v12, $0x3;
	v21 =	vshll.u32 v5, $0x3;
	v19 =	vshrl.u32 v7, $0x3  }
0x67c: {  	s5 =	sor.u32 $0x410, s1;
	v11 =	vmul.u32 $0xC00, v19;
	v19 =	vmul.u32 $0xC00, v20;
	v20 =	vshll.u32 v4, $0x3;
	[tilespmem:v3+s26+$0x0] =	vst.idx.msk $0xffff, v8  }
0x67d: {  	v9 =	vand.u32 $0x380, v9;
	v8 =	vmul.u32 $0xC00, v10;
	v10 =	vand.u32 $0xFFFFFC00, v20;
	v20 =	vld [tilespmem:s5+$0x9000]  }
0x67e: {  	v5 =	vand.u32 $0x7F, v5;
	v7 =	vshll.u32 v7, $0x7;
	v3 =	vshll.u32 v6, $0x3  }
0x67f: {  	v21 =	vand.u32 $0xFFFFFC00, v21;
	v7 =	vand.u32 $0x80, v7;
	v3 =	vand.u32 $0xFFFFFC00, v3  }
0x680: {  	v10 =	vadd.s32 v10, v11;
	v11 =	vshll.u32 v12, $0x7;
	v3 =	vadd.s32 v3, v19  }
0x681: {  	v8 =	vadd.s32 v21, v8;
	v3 =	vor.u32 v9, v3;
	v9 =	vand.u32 $0x380, v11  }
0x682: {  	v7 =	vor.u32 v7, v10;
	v8 =	vor.u32 v9, v8;
	v10 =	vsub.s32 v20, v2  }
0x683: {  	v4 =	vand.u32 $0x7F, v4;
	v19 =	vld [tilespmem:s4+$0x3050];
	v5 =	vor.u32 v5, v8;
	vm12 =	vgt.s32 v10, $0x17F  }
0x684: {  	v6 =	vand.u32 $0x7F, v6;
	v11 =	vadd.s32 $0xFFFFFE80, v10;
	v9 =	vsel vm12, s19, v1  }
0x685: {  	v12 =	vld [tilespmem:s7+$0x3050];
	v4 =	vor.u32 v4, v7;
	v7 =	vsel vm12, v11, v10;
	v10 =	vshrl.u32 v9, $0x3  }
0x686: {  	v3 =	vor.u32 v6, v3;
	v11 =	vld [tilespmem:s6+$0x3050];
	v6 =	vmul.u32 $0xC00, v10;
	v10 =	vshll.u32 v7, $0x3  }
0x687: {  	v9 =	vshll.u32 v9, $0x7;
	v10 =	vand.u32 $0xFFFFFC00, v10  }
0x688: {  	v8 =	vand.u32 $0x380, v9;
	[tilespmem:v5+s26+$0x0] =	vst.idx.msk $0xffff, v19;
	v6 =	vadd.s32 v10, v6  }
0x689: {  	v7 =	vand.u32 $0x7F, v7;
	v5 =	vld [tilespmem:s4+$0x9060];
	v6 =	vor.u32 v8, v6  }
0x68a: {  	[tilespmem:v4+s26+$0x0] =	vst.idx.msk $0xffff, v12;
	v4 =	vld [tilespmem:s5+$0x3000];
	v6 =	vor.u32 v7, v6  }
0x68b: {  	[tilespmem:v3+s26+$0x0] =	vst.idx.msk $0xffff, v11;
	v3 =	vld [tilespmem:s7+$0x9060]  }
0x68c: {  	v7 =	vld [tilespmem:s6+$0x9060];
	_ =	sdelay $0x1  }
0x68d: {  	v5 =	vsub.s32 v5, v13  }
0x68e: {  	s8 =	sor.u32 $0x420, s1;
	vm15 =	vgt.s32 v5, $0x17F;
	v19 =	vadd.s32 $0xFFFFFE80, v5;
	[tilespmem:v6+s26+$0x0] =	vst.idx.msk $0xffff, v4  }
0x68f: {  	v3 =	vsub.s32 v3, v17;
	v12 =	vsel vm15, s9, v16;
	v5 =	vsel vm15, v19, v5;
	v4 =	vld [tilespmem:s8+$0x9000]  }
0x690: {  	v6 =	vsub.s32 v7, v15;
	vm13 =	vgt.s32 v3, $0x17F;
	v7 =	vadd.s32 $0xFFFFFE80, v3  }
0x691: {  	vm14 =	vgt.s32 v6, $0x17F;
	v8 =	vsel vm13, s11, v14;
	v10 =	vadd.s32 $0xFFFFFE80, v6  }
0x692: {  	v3 =	vsel vm13, v7, v3;
	v9 =	vsel vm14, s10, v18;
	v11 =	vshrl.u32 v8, $0x3  }
0x693: {  	v6 =	vsel vm14, v10, v6;
	v10 =	vshrl.u32 v12, $0x3;
	v22 =	vshll.u32 v3, $0x3  }
0x694: {  	v8 =	vshll.u32 v8, $0x7;
	v12 =	vshll.u32 v12, $0x7;
	v4 =	vsub.s32 v4, v2  }
0x695: {  	v3 =	vand.u32 $0x7F, v3;
	v7 =	vshrl.u32 v9, $0x3;
	vm4 =	vgt.s32 v4, $0x17F  }
0x696: {  	v11 =	vmul.u32 $0xC00, v11;
	v21 =	vadd.s32 $0xFFFFFE80, v4;
	v20 =	vsel vm4, s19, v1  }
0x697: {  	v23 =	vshll.u32 v6, $0x3;
	v4 =	vsel vm4, v21, v4;
	v19 =	vshrl.u32 v20, $0x3  }
0x698: {  	v10 =	vmul.u32 $0xC00, v10;
	v21 =	vshll.u32 v4, $0x3;
	v19 =	vmul.u32 $0xC00, v19  }
0x699: {  	v9 =	vshll.u32 v9, $0x7;
	v20 =	vshll.u32 v20, $0x7;
	v21 =	vand.u32 $0xFFFFFC00, v21  }
0x69a: {  	v8 =	vand.u32 $0x80, v8;
	v20 =	vand.u32 $0x380, v20;
	v19 =	vadd.s32 v21, v19  }
0x69b: {  	v4 =	vand.u32 $0x7F, v4;
	v19 =	vor.u32 v20, v19;
	v20 =	vand.u32 $0xFFFFFC00, v22  }
0x69c: {  	v7 =	vmul.u32 $0xC00, v7;
	v21 =	vld [tilespmem:s8+$0x3000];
	v4 =	vor.u32 v4, v19;
	v11 =	vadd.s32 v20, v11  }
0x69d: {  	v9 =	vand.u32 $0x380, v9;
	v22 =	vand.u32 $0xFFFFFC00, v23;
	v8 =	vor.u32 v8, v11  }
0x69e: {  	v19 =	vshll.u32 v5, $0x3;
	v7 =	vadd.s32 v22, v7;
	v11 =	vld [tilespmem:s7+$0x3060];
	v3 =	vor.u32 v3, v8  }
0x69f: {  	v6 =	vand.u32 $0x7F, v6;
	v19 =	vand.u32 $0xFFFFFC00, v19;
	v7 =	vor.u32 v9, v7  }
0x6a0: {  	v12 =	vand.u32 $0x380, v12;
	v10 =	vadd.s32 v19, v10;
	v19 =	vld [tilespmem:s6+$0x3060];
	v6 =	vor.u32 v6, v7  }
0x6a1: {  	s8 =	sor.u32 $0x430, s1;
	v5 =	vand.u32 $0x7F, v5;
	v8 =	vld [tilespmem:s4+$0x3060];
	[tilespmem:v4+s26+$0x0] =	vst.idx.msk $0xffff, v21;
	v4 =	vor.u32 v12, v10  }
0x6a2: {  	v7 =	vld [tilespmem:s8+$0x9000];
	v4 =	vor.u32 v5, v4  }
0x6a3: {  	[tilespmem:v3+s26+$0x0] =	vst.idx.msk $0xffff, v11  }
0x6a4: {  	v3 =	vld [tilespmem:s7+$0x9070]  }
0x6a5: {  	s0 =	sadd.s32 $0xC00, s12;
	[tilespmem:v6+s26+$0x0] =	vst.idx.msk $0xffff, v19  }
0x6a6: {  	s17 =	sadd.s32 $0xFFFFFD00, s0;
	v5 =	vld [tilespmem:s6+$0x9070]  }
0x6a7: {  	s13 =	simm.s32 $0x300;
	s15 =	simm.s32 $0x400;
	s18 =	simm.s32 $0xC;
	v2 =	vsub.s32 v7, v2;
	[tilespmem:v4+s26+$0x0] =	vst.idx.msk $0xffff, v8;
	v8 =	vmov s17  }
0x6a8: {  	s14 =	sand.u32 $0x3800, s15;
	s16 =	sand.u32 $0x300, s13;
	v7 =	vmov s18;
	vm5 =	vgt.s32 v2, $0x17F;
	v6 =	vadd.s32 $0xFFFFFE80, v2  }
0x6a9: {  	s13 =	sor.u32 s14, s16;
	v4 =	vld [tilespmem:s4+$0x9070];
	v1 =	vsel vm5, s19, v1;
	v9 =	vsel vm5, v6, v2;
	v3 =	vsub.s32 v3, v17  }
0x6aa: {  	v6 =	vld [tilespmem:s13+$0x9000];
	v2 =	vshrl.u32 v1, $0x3;
	v11 =	vshll.u32 v1, $0x7;
	vm6 =	vgt.s32 v3, $0x17F  }
0x6ab: {  	v1 =	vsub.s32 v5, v15;
	v5 =	vadd.s32 $0xFFFFFE80, v3;
	v10 =	vmul.u32 $0xC00, v2  }
0x6ac: {  	s20 =	simm.s32 $0x280;
	v2 =	vshll.u32 v9, $0x3;
	vm7 =	vgt.s32 v1, $0x17F;
	v19 =	vadd.s32 $0xFFFFFE80, v1  }
0x6ad: {  	s2 =	sand.u32 $0x280, s20;
	v20 =	vsel vm6, v5, v3;
	v11 =	vand.u32 $0x380, v11;
	v12 =	vand.u32 $0xFFFFFC00, v2  }
0x6ae: {  	s2 =	sor.u32 s14, s2;
	v21 =	vsel vm7, s10, v18;
	v19 =	vsel vm7, v19, v1;
	v2 =	vsub.s32 v4, v13  }
0x6af: {  	v27 =	vld [tilespmem:s2+$0x9000];
	v4 =	vsel vm6, s11, v14;
	vm8 =	vgt.s32 v2, $0x17F;
	v6 =	vsub.s32 v6, v8  }
0x6b0: {  	s12 =	simm.s32 $0xD;
	v22 =	vshrl.u32 v4, $0x3;
	v24 =	vadd.s32 $0xFFFFFE80, v2;
	vm3 =	vgt.s32 v6, $0x17F  }
0x6b1: {  	s23 =	sadd.s32 $0xFFFFFA00, s0;
	v32 =	vshll.u32 v4, $0x7;
	v5 =	vadd.s32 $0xFFFFFE80, v6;
	v3 =	vsel vm3, s12, v7  }
0x6b2: {  	v4 =	vmov s23;
	v1 =	vsel vm3, v5, v6;
	v5 =	vshrl.u32 v3, $0x3  }
0x6b3: {  	s19 =	simm.s32 $0x200;
	v24 =	vsel vm8, v24, v2;
	v25 =	vshll.u32 v1, $0x3;
	v5 =	vmul.u32 $0xC00, v5  }
0x6b4: {  	s1 =	sand.u32 $0x200, s19;
	v27 =	vsub.s32 v27, v4;
	v3 =	vshll.u32 v3, $0x7;
	v25 =	vand.u32 $0xFFFFFC00, v25  }
0x6b5: {  	s15 =	simm.s32 $0x380;
	s5 =	sor.u32 s1, s14;
	v6 =	vshrl.u32 v21, $0x3;
	v3 =	vand.u32 $0x380, v3;
	v2 =	vadd.s32 v25, v5  }
0x6b6: {  	s21 =	sand.u32 $0x380, s15;
	v26 =	vld [tilespmem:s5+$0x9000];
	vm10 =	vgt.s32 v27, $0x17F;
	v1 =	vand.u32 $0x7F, v1;
	v2 =	vor.u32 v3, v2  }
0x6b7: {  	s1 =	sor.u32 s14, s21;
	v37 =	vadd.s32 $0xFFFFFE80, v27;
	v28 =	vmul.u32 $0xC00, v6;
	v6 =	vld [tilespmem:s13+$0x3000];
	v29 =	vor.u32 v1, v2  }
0x6b8: {  	v23 =	vsel vm8, s9, v16;
	v22 =	vmul.u32 $0xC00, v22;
	v27 =	vsel vm10, v37, v27;
	v25 =	vld [tilespmem:s1+$0x9000]  }
0x6b9: {  	v43 =	vshll.u32 v27, $0x3;
	v27 =	vand.u32 $0x7F, v27;
	v3 =	vshll.u32 v20, $0x3  }
0x6ba: {  	s24 =	simm.s32 $0x8;
	s22 =	sadd.s32 $0xFFFFF700, s0;
	v46 =	vand.u32 $0xFFFFFC00, v43;
	v1 =	vshll.u32 v19, $0x3;
	v2 =	vand.u32 $0xFFFFFC00, v3  }
0x6bb: {  	v3 =	vmov s24;
	v22 =	vadd.s32 v2, v22;
	v2 =	vmov s22  }
0x6bc: {  	v33 =	vand.u32 $0xFFFFFC00, v1;
	v1 =	vmov s0;
	v26 =	vsub.s32 v26, v2;
	[tilespmem:v29+s26+$0x0] =	vst.idx.msk $0xffff, v6  }
0x6bd: {  	s24 =	simm.s32 $0x9;
	v25 =	vsub.s32 v25, v1;
	vm9 =	vgt.s32 v26, $0x17F;
	v35 =	vadd.s32 $0xFFFFFE80, v26;
	v29 =	vld [tilespmem:s13+$0x9010]  }
0x6be: {  	s25 =	simm.s32 $0xA;
	vm11 =	vgt.s32 v25, $0x17F;
	v34 =	vsel vm9, s24, v3;
	v39 =	vadd.s32 $0xFFFFFE80, v25  }
0x6bf: {  	v26 =	vsel vm9, v35, v26;
	v6 =	vmov s25;
	v59 =	vshrl.u32 v34, $0x3  }
0x6c0: {  	s28 =	simm.s32 $0xB;
	v25 =	vsel vm11, v39, v25;
	v61 =	vshll.u32 v26, $0x3;
	v34 =	vshll.u32 v34, $0x7  }
0x6c1: {  	v26 =	vand.u32 $0x7F, v26;
	v36 =	vsel vm10, s28, v6;
	v35 =	vmul.u32 $0xC00, v59  }
0x6c2: {  	v39 =	vand.u32 $0xFFFFFC00, v61;
	v34 =	vand.u32 $0x80, v34;
	v29 =	vsub.s32 v29, v8  }
0x6c3: {  	v40 =	vshrl.u32 v36, $0x3;
	v36 =	vshll.u32 v36, $0x7;
	vm12 =	vgt.s32 v29, $0x17F  }
0x6c4: {  	v40 =	vmul.u32 $0xC00, v40;
	v42 =	vadd.s32 $0xFFFFFE80, v29;
	v41 =	vsel vm12, s12, v7  }
0x6c5: {  	v35 =	vadd.s32 v39, v35;
	v29 =	vsel vm12, v42, v29;
	v62 =	vshrl.u32 v41, $0x3  }
0x6c6: {  	v36 =	vand.u32 $0x380, v36;
	v44 =	vshll.u32 v29, $0x3;
	v42 =	vmul.u32 $0xC00, v62  }
0x6c7: {  	v34 =	vor.u32 v34, v35;
	v41 =	vshll.u32 v41, $0x7;
	v44 =	vand.u32 $0xFFFFFC00, v44  }
0x6c8: {  	v26 =	vor.u32 v26, v34;
	v41 =	vand.u32 $0x380, v41;
	v63 =	vadd.s32 v44, v42  }
0x6c9: {  	v45 =	vld [tilespmem:s5+$0x3000];
	v48 =	vadd.s32 v46, v40;
	v29 =	vand.u32 $0x7F, v29;
	v39 =	vor.u32 v41, v63  }
0x6ca: {  	s29 =	simm.s32 $0xE;
	v5 =	vshrl.u32 v23, $0x3;
	v36 =	vor.u32 v36, v48;
	v44 =	vld [tilespmem:s13+$0x3010];
	v29 =	vor.u32 v29, v39  }
0x6cb: {  	v50 =	vld [tilespmem:s2+$0x3000];
	v30 =	vmul.u32 $0xC00, v5;
	v5 =	vmov s29;
	s25 =	simm.s32 $0xF;
	v27 =	vor.u32 v27, v36  }
0x6cc: {  	v9 =	vand.u32 $0x7F, v9;
	v32 =	vand.u32 $0x80, v32;
	v38 =	vsel vm11, s25, v5  }
0x6cd: {  	v31 =	vshll.u32 v24, $0x3;
	v21 =	vshll.u32 v21, $0x7;
	v60 =	vshrl.u32 v38, $0x3  }
0x6ce: {  	v24 =	vand.u32 $0x7F, v24;
	v49 =	vshll.u32 v25, $0x3;
	v47 =	vmul.u32 $0xC00, v60;
	[tilespmem:v26+s26+$0x0] =	vst.idx.msk $0xffff, v45  }
0x6cf: {  	v20 =	vand.u32 $0x7F, v20;
	v38 =	vshll.u32 v38, $0x7;
	v40 =	vand.u32 $0xFFFFFC00, v49;
	[tilespmem:v29+s26+$0x0] =	vst.idx.msk $0xffff, v44  }
0x6d0: {  	v22 =	vor.u32 v32, v22;
	v38 =	vand.u32 $0x380, v38;
	v34 =	vadd.s32 v40, v47;
	[tilespmem:v27+s26+$0x0] =	vst.idx.msk $0xffff, v50;
	v26 =	vld [tilespmem:s13+$0x9020]  }
0x6d1: {  	v20 =	vor.u32 v20, v22;
	v25 =	vand.u32 $0x7F, v25;
	v22 =	vld [tilespmem:s2+$0x9010];
	v29 =	vor.u32 v38, v34  }
0x6d2: {  	v31 =	vand.u32 $0xFFFFFC00, v31;
	v23 =	vshll.u32 v23, $0x7;
	v25 =	vor.u32 v25, v29;
	v29 =	vld [tilespmem:s5+$0x9010]  }
0x6d3: {  	v21 =	vand.u32 $0x380, v21;
	v23 =	vand.u32 $0x380, v23;
	v28 =	vadd.s32 v33, v28  }
0x6d4: {  	v51 =	vld [tilespmem:s1+$0x3000];
	v19 =	vand.u32 $0x7F, v19;
	v30 =	vadd.s32 v31, v30;
	v21 =	vor.u32 v21, v28  }
0x6d5: {  	v23 =	vor.u32 v23, v30;
	v19 =	vor.u32 v19, v21;
	v21 =	vsub.s32 v26, v8  }
0x6d6: {  	v23 =	vor.u32 v24, v23;
	v22 =	vsub.s32 v22, v4;
	vm13 =	vgt.s32 v21, $0x17F  }
0x6d7: {  	v24 =	vsub.s32 v29, v2;
	v27 =	vadd.s32 $0xFFFFFE80, v21;
	v26 =	vsel vm13, s12, v7  }
0x6d8: {  	vm14 =	vgt.s32 v24, $0x17F;
	v21 =	vsel vm13, v27, v21;
	v27 =	vshrl.u32 v26, $0x3  }
0x6d9: {  	[tilespmem:v25+s26+$0x0] =	vst.idx.msk $0xffff, v51;
	v28 =	vadd.s32 $0xFFFFFE80, v24;
	v29 =	vshll.u32 v21, $0x3;
	v27 =	vmul.u32 $0xC00, v27  }
0x6da: {  	v25 =	vld [tilespmem:s1+$0x9010];
	v30 =	vsel vm14, s24, v3;
	v26 =	vshll.u32 v26, $0x7;
	v29 =	vand.u32 $0xFFFFFC00, v29  }
0x6db: {  	v24 =	vsel vm14, v28, v24;
	v26 =	vand.u32 $0x380, v26;
	v27 =	vadd.s32 v29, v27  }
0x6dc: {  	v21 =	vand.u32 $0x7F, v21;
	v53 =	vshrl.u32 v30, $0x3;
	v26 =	vor.u32 v26, v27  }
0x6dd: {  	v56 =	vshll.u32 v24, $0x3;
	v33 =	vmul.u32 $0xC00, v53;
	v29 =	vld [tilespmem:s13+$0x3020];
	v21 =	vor.u32 v21, v26  }
0x6de: {  	vm15 =	vgt.s32 v22, $0x17F;
	v28 =	vld [tilespmem:s7+$0x3070];
	v24 =	vand.u32 $0x7F, v24;
	v35 =	vand.u32 $0xFFFFFC00, v56  }
0x6df: {  	v25 =	vsub.s32 v25, v1;
	v33 =	vadd.s32 v35, v33;
	v27 =	vsel vm15, s28, v6  }
0x6e0: {  	vm4 =	vgt.s32 v25, $0x17F;
	v52 =	vadd.s32 $0xFFFFFE80, v25;
	v26 =	vadd.s32 $0xFFFFFE80, v22  }
0x6e1: {  	v59 =	vld [tilespmem:s4+$0x3070];
	v31 =	vsel vm4, s25, v5;
	v54 =	vshrl.u32 v27, $0x3;
	v25 =	vsel vm4, v52, v25  }
0x6e2: {  	p1 =	por $0x0, $0x0;
	v55 =	vld [tilespmem:s6+$0x3070];
	s7 =	simm.s32 $0x1;
	v27 =	vshll.u32 v27, $0x7;
	v22 =	vsel vm15, v26, v22;
	v26 =	vshrl.u32 v31, $0x3;
	[tilespmem:v21+s26+$0x0] =	vst.idx.msk $0xffff, v29  }
0x6e3: {  	s7 =	simm.s32 @!p1 $0x0;
	[tilespmem:v20+s26+$0x0] =	vst.idx.msk $0xffff, v28;
	v34 =	vmul.u32 $0xC00, v54;
	v20 =	vshll.u32 v31, $0x7;
	v57 =	vshll.u32 v22, $0x3;
	v58 =	vld [tilespmem:s13+$0x9030]  }
0x6e4: {  	s3 =	sand.u32 $0x7, s3;
	s30 =	sshll.u32 s7, $0x9;
	v26 =	vmul.u32 $0xC00, v26;
	v20 =	vand.u32 $0x380, v20;
	v22 =	vand.u32 $0x7F, v22  }
0x6e5: {  	s3 =	sshll.u32 s3, $0x7;
	s14 =	sadd.s32 $0x0, s30;
	v21 =	vshll.u32 v25, $0x3;
	v29 =	vshll.u32 v30, $0x7;
	v30 =	vand.u32 $0xFFFFFC00, v57  }
0x6e6: {  	s3 =	sadd.s32 $0x0, s3;
	[tilespmem:v23+s26+$0x0] =	vst.idx.msk $0xffff, v59;
	v23 =	vld [tilespmem:s2+$0x3010];
	s6 =	sor.u32 $0x400, s14;
	v21 =	vand.u32 $0xFFFFFC00, v21;
	v28 =	vand.u32 $0x80, v29;
	v29 =	vadd.s32 v30, v34  }
0x6e7: {  	s15 =	sadd.s32 $0x80, s3;
	[tilespmem:v19+s26+$0x0] =	vst.idx.msk $0xffff, v55;
	v30 =	vld [tilespmem:s6+$0x9000];
	v19 =	vadd.s32 v21, v26;
	v21 =	vor.u32 v28, v33;
	v26 =	vand.u32 $0x380, v27  }
0x6e8: {  	s16 =	sor.u32 $0x400, s15;
	v28 =	vld [tilespmem:s5+$0x3010];
	v26 =	vor.u32 v26, v29;
	v21 =	vor.u32 v24, v21;
	v24 =	vsub.s32 v58, v8  }
0x6e9: {  	s17 =	sadd.s32 $0x180, s3;
	v27 =	vld [tilespmem:s16+$0x9000];
	v19 =	vor.u32 v20, v19;
	v20 =	vor.u32 v22, v26;
	vm5 =	vgt.s32 v24, $0x17F  }
0x6ea: {  	s18 =	sor.u32 $0x400, s17;
	v31 =	vld [tilespmem:s1+$0x3010];
	v25 =	vand.u32 $0x7F, v25;
	v29 =	vadd.s32 $0xFFFFFE80, v24;
	v26 =	vsel vm5, s12, v7  }
0x6eb: {  	v22 =	vld [tilespmem:s18+$0x9000];
	v25 =	vor.u32 v25, v19;
	v19 =	vsel vm5, v29, v24;
	v24 =	vshrl.u32 v26, $0x3  }
0x6ec: {  	v10 =	vadd.s32 v12, v10;
	v12 =	vmul.u32 $0xC00, v24;
	v24 =	vshll.u32 v19, $0x3  }
0x6ed: {  	[tilespmem:v21+s26+$0x0] =	vst.idx.msk $0xffff, v28;
	v21 =	vand.u32 $0xFFFFFC00, v24;
	v24 =	vshll.u32 v26, $0x7;
	v26 =	vsub.s32 v30, v17  }
0x6ee: {  	v28 =	vld [tilespmem:s5+$0x9020];
	[tilespmem:v20+s26+$0x0] =	vst.idx.msk $0xffff, v23;
	v12 =	vadd.s32 v21, v12;
	v20 =	vand.u32 $0x380, v24;
	v21 =	vsub.s32 v27, v15  }
0x6ef: {  	v24 =	vand.u32 $0x7F, v19;
	vm6 =	vgt.s32 v26, $0x17F;
	v12 =	vor.u32 v20, v12  }
0x6f0: {  	[tilespmem:v25+s26+$0x0] =	vst.idx.msk $0xffff, v31;
	v19 =	vsub.s32 v22, v13;
	v22 =	vld [tilespmem:s13+$0x3030];
	v29 =	vadd.s32 $0xFFFFFE80, v26;
	v24 =	vor.u32 v24, v12  }
0x6f1: {  	v27 =	vld [tilespmem:s1+$0x9020];
	vm7 =	vgt.s32 v21, $0x17F;
	vm8 =	vgt.s32 v19, $0x17F;
	v25 =	vsel vm6, s11, v14  }
0x6f2: {  	v23 =	vld [tilespmem:s2+$0x9020];
	v31 =	vadd.s32 $0xFFFFFE80, v21;
	v20 =	vadd.s32 $0xFFFFFE80, v19;
	v26 =	vsel vm6, v29, v26  }
0x6f3: {  	v30 =	vsel vm7, s10, v18;
	v12 =	vsel vm8, s9, v16;
	v28 =	vsub.s32 v28, v2  }
0x6f4: {  	v21 =	vsel vm7, v31, v21;
	vm9 =	vgt.s32 v28, $0x17F;
	v31 =	vadd.s32 $0xFFFFFE80, v28  }
0x6f5: {  	v29 =	vshrl.u32 v25, $0x3;
	v25 =	vshll.u32 v25, $0x7;
	v28 =	vsel vm9, v31, v28;
	[tilespmem:v24+s26+$0x0] =	vst.idx.msk $0xffff, v22  }
0x6f6: {  	v47 =	vshll.u32 v28, $0x3;
	v28 =	vand.u32 $0x7F, v28;
	v24 =	vsub.s32 v27, v1;
	v27 =	vld [tilespmem:s13+$0x9040]  }
0x6f7: {  	v36 =	vand.u32 $0xFFFFFC00, v47;
	v22 =	vsub.s32 v23, v4;
	v23 =	vsel vm9, s24, v3  }
0x6f8: {  	vm11 =	vgt.s32 v24, $0x17F;
	v44 =	vadd.s32 $0xFFFFFE80, v24;
	v31 =	vshrl.u32 v23, $0x3  }
0x6f9: {  	v23 =	vshll.u32 v23, $0x7;
	v63 =	vsel vm11, s25, v5;
	v24 =	vsel vm11, v44, v24  }
0x6fa: {  	v31 =	vmul.u32 $0xC00, v31;
	v23 =	vand.u32 $0x80, v23;
	v46 =	vshrl.u32 v63, $0x3  }
0x6fb: {  	v55 =	vshll.u32 v24, $0x3;
	v35 =	vshll.u32 v63, $0x7;
	v27 =	vsub.s32 v27, v8  }
0x6fc: {  	v24 =	vand.u32 $0x7F, v24;
	v34 =	vmul.u32 $0xC00, v46;
	vm12 =	vgt.s32 v27, $0x17F  }
0x6fd: {  	v56 =	vand.u32 $0xFFFFFC00, v55;
	v50 =	vadd.s32 $0xFFFFFE80, v27;
	v49 =	vsel vm12, s12, v7  }
0x6fe: {  	v35 =	vand.u32 $0x380, v35;
	v27 =	vsel vm12, v50, v27;
	v51 =	vshrl.u32 v49, $0x3  }
0x6ff: {  	v33 =	vadd.s32 v56, v34;
	v52 =	vshll.u32 v27, $0x3;
	v40 =	vmul.u32 $0xC00, v51  }
0x700: {  	v33 =	vor.u32 v35, v33;
	v39 =	vshll.u32 v49, $0x7;
	v41 =	vand.u32 $0xFFFFFC00, v52  }
0x701: {  	v58 =	vld [tilespmem:s1+$0x3020];
	v24 =	vor.u32 v24, v33;
	v39 =	vand.u32 $0x380, v39;
	v53 =	vadd.s32 v41, v40  }
0x702: {  	v31 =	vadd.s32 v36, v31;
	v27 =	vand.u32 $0x7F, v27;
	v36 =	vor.u32 v39, v53  }
0x703: {  	vm10 =	vgt.s32 v22, $0x17F;
	v23 =	vor.u32 v23, v31;
	v31 =	vld [tilespmem:s13+$0x3040];
	v27 =	vor.u32 v27, v36  }
0x704: {  	v54 =	vld [tilespmem:s5+$0x3020];
	v62 =	vadd.s32 $0xFFFFFE80, v22;
	v61 =	vsel vm10, s28, v6;
	v23 =	vor.u32 v28, v23  }
0x705: {  	v19 =	vsel vm8, v20, v19;
	v22 =	vsel vm10, v62, v22;
	v45 =	vshrl.u32 v61, $0x3  }
0x706: {  	v60 =	vshrl.u32 v30, $0x3;
	v48 =	vshll.u32 v22, $0x3;
	v37 =	vmul.u32 $0xC00, v45;
	[tilespmem:v24+s26+$0x0] =	vst.idx.msk $0xffff, v58  }
0x707: {  	v29 =	vmul.u32 $0xC00, v29;
	v38 =	vand.u32 $0xFFFFFC00, v48;
	v28 =	vshll.u32 v61, $0x7;
	v24 =	vld [tilespmem:s1+$0x9030]  }
0x708: {  	v30 =	vshll.u32 v30, $0x7;
	v37 =	vadd.s32 v38, v37;
	v28 =	vand.u32 $0x380, v28;
	[tilespmem:v27+s26+$0x0] =	vst.idx.msk $0xffff, v31  }
0x709: {  	v25 =	vand.u32 $0x80, v25;
	v22 =	vand.u32 $0x7F, v22;
	v28 =	vor.u32 v28, v37;
	[tilespmem:v23+s26+$0x0] =	vst.idx.msk $0xffff, v54;
	v23 =	vld [tilespmem:s13+$0x9050]  }
0x70a: {  	v22 =	vor.u32 v22, v28;
	v28 =	vshll.u32 v21, $0x3;
	v21 =	vand.u32 $0x7F, v21  }
0x70b: {  	v28 =	vand.u32 $0xFFFFFC00, v28;
	v27 =	vshll.u32 v26, $0x3;
	v31 =	vmul.u32 $0xC00, v60  }
0x70c: {  	v26 =	vand.u32 $0x7F, v26;
	v24 =	vsub.s32 v24, v1;
	v27 =	vand.u32 $0xFFFFFC00, v27  }
0x70d: {  	vm6 =	vgt.s32 v24, $0x17F;
	v62 =	vadd.s32 $0xFFFFFE80, v24;
	v27 =	vadd.s32 v27, v29  }
0x70e: {  	v57 =	vld [tilespmem:s2+$0x3020];
	v28 =	vadd.s32 v28, v31;
	v29 =	vand.u32 $0x380, v30;
	v23 =	vsub.s32 v23, v8  }
0x70f: {  	v25 =	vor.u32 v25, v27;
	v27 =	vor.u32 v29, v28;
	vm13 =	vgt.s32 v23, $0x17F  }
0x710: {  	v59 =	vld [tilespmem:s5+$0x9030];
	v21 =	vor.u32 v21, v27;
	v28 =	vadd.s32 $0xFFFFFE80, v23;
	v27 =	vsel vm13, s12, v7  }
0x711: {  	v60 =	vsel vm6, s25, v5;
	v23 =	vsel vm13, v28, v23;
	v28 =	vshrl.u32 v27, $0x3  }
0x712: {  	v24 =	vsel vm6, v62, v24;
	v31 =	vshll.u32 v23, $0x3;
	v28 =	vmul.u32 $0xC00, v28  }
0x713: {  	[tilespmem:v22+s26+$0x0] =	vst.idx.msk $0xffff, v57;
	v63 =	vshrl.u32 v60, $0x3;
	v27 =	vshll.u32 v27, $0x7;
	v31 =	vand.u32 $0xFFFFFC00, v31  }
0x714: {  	v22 =	vor.u32 v26, v25;
	v25 =	vld [tilespmem:s2+$0x9030];
	v27 =	vand.u32 $0x380, v27;
	v28 =	vadd.s32 v31, v28  }
0x715: {  	v26 =	vsub.s32 v59, v2;
	v23 =	vand.u32 $0x7F, v23;
	v27 =	vor.u32 v27, v28  }
0x716: {  	v32 =	vshll.u32 v60, $0x7;
	vm14 =	vgt.s32 v26, $0x17F;
	v31 =	vld [tilespmem:s13+$0x3050];
	v23 =	vor.u32 v23, v27  }
0x717: {  	v33 =	vmul.u32 $0xC00, v63;
	v29 =	vadd.s32 $0xFFFFFE80, v26;
	v30 =	vsel vm14, s24, v3  }
0x718: {  	v32 =	vand.u32 $0x380, v32;
	v26 =	vsel vm14, v29, v26;
	v61 =	vshrl.u32 v30, $0x3  }
0x719: {  	v36 =	vshll.u32 v26, $0x3;
	v30 =	vshll.u32 v30, $0x7;
	v25 =	vsub.s32 v25, v4  }
0x71a: {  	v26 =	vand.u32 $0x7F, v26;
	v29 =	vmul.u32 $0xC00, v61;
	vm15 =	vgt.s32 v25, $0x17F  }
0x71b: {  	v34 =	vand.u32 $0xFFFFFC00, v36;
	v28 =	vsel vm15, s28, v6;
	v27 =	vadd.s32 $0xFFFFFE80, v25;
	[tilespmem:v23+s26+$0x0] =	vst.idx.msk $0xffff, v31  }
0x71c: {  	v30 =	vand.u32 $0x80, v30;
	v25 =	vsel vm15, v27, v25;
	v27 =	vshrl.u32 v28, $0x3;
	v38 =	vld [tilespmem:s13+$0x9060]  }
0x71d: {  	v29 =	vadd.s32 v34, v29;
	v27 =	vmul.u32 $0xC00, v27;
	v37 =	vshll.u32 v25, $0x3  }
0x71e: {  	v29 =	vor.u32 v30, v29;
	v30 =	vld [tilespmem:s16+$0x3000];
	v28 =	vshll.u32 v28, $0x7;
	v31 =	vand.u32 $0xFFFFFC00, v37  }
0x71f: {  	v26 =	vor.u32 v26, v29;
	v28 =	vand.u32 $0x380, v28;
	v27 =	vadd.s32 v31, v27;
	v31 =	vld [tilespmem:s6+$0x3000]  }
0x720: {  	v25 =	vand.u32 $0x7F, v25;
	v23 =	vshll.u32 v24, $0x3;
	v27 =	vor.u32 v28, v27;
	v28 =	vld [tilespmem:s5+$0x3030]  }
0x721: {  	v39 =	vld [tilespmem:s2+$0x3030];
	v23 =	vand.u32 $0xFFFFFC00, v23;
	v25 =	vor.u32 v25, v27;
	v29 =	vsub.s32 v38, v8  }
0x722: {  	v24 =	vand.u32 $0x7F, v24;
	v23 =	vadd.s32 v23, v33;
	vm7 =	vgt.s32 v29, $0x17F  }
0x723: {  	[tilespmem:v21+s26+$0x0] =	vst.idx.msk $0xffff, v30;
	v23 =	vor.u32 v32, v23;
	v40 =	vadd.s32 $0xFFFFFE80, v29;
	v27 =	vsel vm7, s12, v7  }
0x724: {  	s20 =	sor.u32 $0x410, s15;
	v23 =	vor.u32 v24, v23;
	[tilespmem:v22+s26+$0x0] =	vst.idx.msk $0xffff, v31;
	v22 =	vld [tilespmem:s1+$0x3030];
	v24 =	vsel vm7, v40, v29;
	v29 =	vshrl.u32 v27, $0x3  }
0x725: {  	s19 =	sor.u32 $0x410, s14;
	v30 =	vshrl.u32 v12, $0x3;
	v31 =	vld [tilespmem:s20+$0x9000];
	[tilespmem:v26+s26+$0x0] =	vst.idx.msk $0xffff, v28;
	v21 =	vmul.u32 $0xC00, v29;
	v29 =	vshll.u32 v24, $0x3  }
0x726: {  	v20 =	vld [tilespmem:s19+$0x9000];
	v28 =	vmul.u32 $0xC00, v30;
	[tilespmem:v25+s26+$0x0] =	vst.idx.msk $0xffff, v39;
	v27 =	vshll.u32 v27, $0x7;
	v26 =	vand.u32 $0xFFFFFC00, v29  }
0x727: {  	v25 =	vand.u32 $0x380, v27;
	v27 =	vld [tilespmem:s2+$0x9040];
	v21 =	vadd.s32 v26, v21;
	v26 =	vshll.u32 v19, $0x3  }
0x728: {  	v12 =	vshll.u32 v12, $0x7;
	v29 =	vld [tilespmem:s5+$0x9040];
	v21 =	vor.u32 v25, v21;
	v25 =	vand.u32 $0xFFFFFC00, v26  }
0x729: {  	v12 =	vand.u32 $0x380, v12;
	v24 =	vand.u32 $0x7F, v24;
	[tilespmem:v23+s26+$0x0] =	vst.idx.msk $0xffff, v22;
	v23 =	vadd.s32 v25, v28  }
0x72a: {  	v10 =	vor.u32 v11, v10;
	v22 =	vld [tilespmem:s13+$0x3060];
	v21 =	vor.u32 v24, v21;
	v11 =	vor.u32 v12, v23  }
0x72b: {  	v24 =	vld [tilespmem:s1+$0x9040];
	v12 =	vand.u32 $0x7F, v19;
	v19 =	vor.u32 v9, v10;
	v10 =	vsub.s32 v20, v17  }
0x72c: {  	v20 =	vsub.s32 v27, v4;
	v9 =	vor.u32 v12, v11;
	v11 =	vsub.s32 v31, v15  }
0x72d: {  	v12 =	vsub.s32 v29, v2;
	vm9 =	vgt.s32 v20, $0x17F;
	v26 =	vadd.s32 $0xFFFFFE80, v20  }
0x72e: {  	vm8 =	vgt.s32 v12, $0x17F;
	v23 =	vadd.s32 $0xFFFFFE80, v12;
	v20 =	vsel vm9, v26, v20  }
0x72f: {  	v12 =	vsel vm8, v23, v12;
	v30 =	vshll.u32 v20, $0x3;
	v20 =	vand.u32 $0x7F, v20  }
0x730: {  	[tilespmem:v21+s26+$0x0] =	vst.idx.msk $0xffff, v22;
	v21 =	vsel vm8, s24, v3;
	v22 =	vsub.s32 v24, v1;
	v24 =	vsel vm9, s28, v6  }
0x731: {  	v30 =	vand.u32 $0xFFFFFC00, v30;
	vm10 =	vgt.s32 v22, $0x17F;
	v27 =	vshrl.u32 v21, $0x3  }
0x732: {  	v25 =	vld [tilespmem:s13+$0x9070];
	v29 =	vadd.s32 $0xFFFFFE80, v22;
	v23 =	vshrl.u32 v24, $0x3;
	v21 =	vshll.u32 v21, $0x7  }
0x733: {  	v31 =	vld [tilespmem:s18+$0x3000];
	v24 =	vshll.u32 v24, $0x7;
	v28 =	vsel vm10, s25, v5;
	v26 =	vmul.u32 $0xC00, v27  }
0x734: {  	v22 =	vsel vm10, v29, v22;
	v29 =	vshll.u32 v12, $0x3;
	v23 =	vmul.u32 $0xC00, v23  }
0x735: {  	v21 =	vand.u32 $0x80, v21;
	v24 =	vand.u32 $0x380, v24;
	v12 =	vand.u32 $0x7F, v12  }
0x736: {  	v27 =	vshrl.u32 v28, $0x3;
	v29 =	vand.u32 $0xFFFFFC00, v29;
	v41 =	vshll.u32 v22, $0x3  }
0x737: {  	v28 =	vshll.u32 v28, $0x7;
	v27 =	vmul.u32 $0xC00, v27;
	v25 =	vsub.s32 v25, v8  }
0x738: {  	[tilespmem:v9+s26+$0x0] =	vst.idx.msk $0xffff, v31;
	v9 =	vand.u32 $0xFFFFFC00, v41;
	v26 =	vadd.s32 v29, v26;
	vm11 =	vgt.s32 v25, $0x17F  }
0x739: {  	v23 =	vadd.s32 v30, v23;
	v43 =	vadd.s32 $0xFFFFFE80, v25;
	v42 =	vsel vm11, s12, v7  }
0x73a: {  	v21 =	vor.u32 v21, v26;
	v25 =	vsel vm11, v43, v25;
	v44 =	vshrl.u32 v42, $0x3  }
0x73b: {  	s7 =	sor.u32 $0x410, s17;
	v23 =	vor.u32 v24, v23;
	v45 =	vshll.u32 v25, $0x3;
	v34 =	vmul.u32 $0xC00, v44  }
0x73c: {  	v47 =	vld [tilespmem:s7+$0x9000];
	v9 =	vadd.s32 v9, v27;
	v33 =	vshll.u32 v42, $0x7;
	v35 =	vand.u32 $0xFFFFFC00, v45  }
0x73d: {  	v27 =	vld [tilespmem:s5+$0x3040];
	v12 =	vor.u32 v12, v21;
	v46 =	vand.u32 $0x380, v33;
	v31 =	vadd.s32 v35, v34  }
0x73e: {  	v21 =	vld [tilespmem:s2+$0x3040];
	v20 =	vor.u32 v20, v23;
	v25 =	vand.u32 $0x7F, v25;
	v31 =	vor.u32 v46, v31  }
0x73f: {  	s21 =	simm.s32 $0x2;
	v29 =	vld [tilespmem:s13+$0x3070];
	v26 =	vand.u32 $0x380, v28;
	v25 =	vor.u32 v25, v31  }
0x740: {  	s6 =	sand.u32 $0x3, s21;
	v22 =	vand.u32 $0x7F, v22;
	v9 =	vor.u32 v26, v9  }
0x741: {  	s6 =	sshll.u32 s6, $0x8;
	v24 =	vld [tilespmem:s1+$0x3040];
	v9 =	vor.u32 v22, v9  }
0x742: {  	s6 =	sadd.s32 $0x400, s6;
	vm12 =	vgt.s32 v10, $0x17F;
	vm13 =	vgt.s32 v11, $0x17F;
	v28 =	vadd.s32 $0xFFFFFE80, v10;
	[tilespmem:v12+s26+$0x0] =	vst.idx.msk $0xffff, v27  }
0x743: {  	s6 =	sadd.s32 $0x100, s6;
	v10 =	vsel vm12, v28, v10;
	v26 =	vsel vm13, s10, v18;
	v22 =	vsel vm12, s11, v14;
	[tilespmem:v20+s26+$0x0] =	vst.idx.msk $0xffff, v21;
	v27 =	vld [tilespmem:s5+$0x9050]  }
0x744: {  	s22 =	sor.u32 $0x400, s6;
	v23 =	vsub.s32 v47, v13;
	v30 =	vshrl.u32 v22, $0x3;
	v22 =	vshll.u32 v22, $0x7;
	v28 =	vld [tilespmem:s2+$0x9050];
	[tilespmem:v25+s26+$0x0] =	vst.idx.msk $0xffff, v29  }
0x745: {  	vm14 =	vgt.s32 v23, $0x17F;
	v48 =	vadd.s32 $0xFFFFFE80, v23;
	v22 =	vand.u32 $0x80, v22;
	v25 =	vld [tilespmem:s22+$0x9000]  }
0x746: {  	v12 =	vshrl.u32 v26, $0x3;
	v20 =	vmul.u32 $0xC00, v30;
	[tilespmem:v9+s26+$0x0] =	vst.idx.msk $0xffff, v24;
	v9 =	vshll.u32 v10, $0x3  }
0x747: {  	v21 =	vsel vm14, v48, v23;
	v31 =	vsel vm14, s9, v16;
	v9 =	vand.u32 $0xFFFFFC00, v9  }
0x748: {  	v26 =	vshll.u32 v26, $0x7;
	v23 =	vshrl.u32 v31, $0x3;
	v9 =	vadd.s32 v9, v20  }
0x749: {  	v12 =	vmul.u32 $0xC00, v12;
	v23 =	vmul.u32 $0xC00, v23;
	v9 =	vor.u32 v22, v9  }
0x74a: {  	v24 =	vld [tilespmem:s1+$0x9050];
	v27 =	vsub.s32 v27, v2;
	v28 =	vsub.s32 v28, v4;
	v25 =	vsub.s32 v25, v8  }
0x74b: {  	vm4 =	vgt.s32 v27, $0x17F;
	vm5 =	vgt.s32 v28, $0x17F;
	vm15 =	vgt.s32 v25, $0x17F  }
0x74c: {  	v54 =	vadd.s32 $0xFFFFFE80, v27;
	v49 =	vadd.s32 $0xFFFFFE80, v25;
	v30 =	vsel vm15, s12, v7  }
0x74d: {  	v55 =	vadd.s32 $0xFFFFFE80, v28;
	v25 =	vsel vm15, v49, v25;
	v50 =	vshrl.u32 v30, $0x3  }
0x74e: {  	v29 =	vadd.s32 $0xFFFFFE80, v11;
	v51 =	vshll.u32 v25, $0x3;
	v32 =	vmul.u32 $0xC00, v50  }
0x74f: {  	v24 =	vsub.s32 v24, v1;
	v30 =	vshll.u32 v30, $0x7;
	v33 =	vand.u32 $0xFFFFFC00, v51  }
0x750: {  	v52 =	vsel vm4, s24, v3;
	v30 =	vand.u32 $0x380, v30;
	v32 =	vadd.s32 v33, v32  }
0x751: {  	v27 =	vsel vm4, v54, v27;
	v25 =	vand.u32 $0x7F, v25;
	v30 =	vor.u32 v30, v32  }
0x752: {  	v28 =	vsel vm5, v55, v28;
	v11 =	vsel vm13, v29, v11;
	v53 =	vld [tilespmem:s22+$0x3000];
	v25 =	vor.u32 v25, v30  }
0x753: {  	vm6 =	vgt.s32 v24, $0x17F;
	v57 =	vshrl.u32 v52, $0x3;
	v59 =	vadd.s32 $0xFFFFFE80, v24  }
0x754: {  	v63 =	vshll.u32 v27, $0x3;
	v42 =	vshll.u32 v28, $0x3;
	v27 =	vand.u32 $0x7F, v27  }
0x755: {  	v28 =	vand.u32 $0x7F, v28;
	v56 =	vsel vm6, s25, v5;
	v61 =	vmul.u32 $0xC00, v57  }
0x756: {  	v24 =	vsel vm6, v59, v24;
	v43 =	vand.u32 $0xFFFFFC00, v63;
	v44 =	vand.u32 $0xFFFFFC00, v42  }
0x757: {  	s23 =	sor.u32 $0x410, s6;
	v60 =	vshrl.u32 v56, $0x3;
	v46 =	vshll.u32 v24, $0x3;
	v30 =	vsel vm5, s28, v6;
	[tilespmem:v25+s26+$0x0] =	vst.idx.msk $0xffff, v53  }
0x758: {  	v47 =	vshll.u32 v56, $0x7;
	v32 =	vshll.u32 v52, $0x7;
	v58 =	vshrl.u32 v30, $0x3;
	v45 =	vld [tilespmem:s23+$0x9000]  }
0x759: {  	v33 =	vadd.s32 v43, v61;
	v32 =	vand.u32 $0x80, v32;
	v62 =	vmul.u32 $0xC00, v58  }
0x75a: {  	v39 =	vand.u32 $0xFFFFFC00, v46;
	v30 =	vshll.u32 v30, $0x7;
	v32 =	vor.u32 v32, v33  }
0x75b: {  	v30 =	vand.u32 $0x380, v30;
	v34 =	vadd.s32 v44, v62;
	v25 =	vmul.u32 $0xC00, v60  }
0x75c: {  	v48 =	vand.u32 $0x380, v47;
	v52 =	vld [tilespmem:s5+$0x3050];
	v27 =	vor.u32 v27, v32;
	v30 =	vor.u32 v30, v34  }
0x75d: {  	v55 =	vld [tilespmem:s2+$0x3050];
	v28 =	vor.u32 v28, v30;
	v25 =	vadd.s32 v39, v25;
	v49 =	vsub.s32 v45, v8  }
0x75e: {  	v24 =	vand.u32 $0x7F, v24;
	v25 =	vor.u32 v48, v25;
	vm7 =	vgt.s32 v49, $0x17F  }
0x75f: {  	v57 =	vld [tilespmem:s1+$0x3050];
	v24 =	vor.u32 v24, v25;
	v51 =	vadd.s32 $0xFFFFFE80, v49;
	v50 =	vsel vm7, s12, v7  }
0x760: {  	v29 =	vshll.u32 v11, $0x3;
	v53 =	vsel vm7, v51, v49;
	v54 =	vshrl.u32 v50, $0x3  }
0x761: {  	v29 =	vand.u32 $0xFFFFFC00, v29;
	[tilespmem:v27+s26+$0x0] =	vst.idx.msk $0xffff, v52;
	v56 =	vshll.u32 v53, $0x3;
	v30 =	vmul.u32 $0xC00, v54  }
0x762: {  	v58 =	vshll.u32 v21, $0x3;
	[tilespmem:v28+s26+$0x0] =	vst.idx.msk $0xffff, v55;
	v28 =	vld [tilespmem:s5+$0x9060];
	v33 =	vshll.u32 v50, $0x7;
	v25 =	vand.u32 $0xFFFFFC00, v56  }
0x763: {  	v20 =	vand.u32 $0xFFFFFC00, v58;
	v27 =	vld [tilespmem:s23+$0x3000];
	v25 =	vadd.s32 v25, v30;
	v30 =	vand.u32 $0x380, v33  }
0x764: {  	v20 =	vadd.s32 v20, v23;
	v23 =	vld [tilespmem:s2+$0x9060];
	v32 =	vand.u32 $0x7F, v53;
	[tilespmem:v24+s26+$0x0] =	vst.idx.msk $0xffff, v57;
	v25 =	vor.u32 v30, v25  }
0x765: {  	v22 =	vand.u32 $0x380, v26;
	v12 =	vadd.s32 v29, v12;
	v26 =	vld [tilespmem:s1+$0x9060];
	v25 =	vor.u32 v32, v25  }
0x766: {  	v10 =	vand.u32 $0x7F, v10;
	v11 =	vand.u32 $0x7F, v11;
	v12 =	vor.u32 v22, v12  }
0x767: {  	v9 =	vor.u32 v10, v9;
	v10 =	vor.u32 v11, v12;
	v12 =	vsub.s32 v28, v2  }
0x768: {  	v21 =	vand.u32 $0x7F, v21;
	vm8 =	vgt.s32 v12, $0x17F;
	v30 =	vshll.u32 v31, $0x7  }
0x769: {  	v22 =	vsub.s32 v23, v4;
	v23 =	vsel vm8, s24, v3;
	v24 =	vand.u32 $0x380, v30  }
0x76a: {  	s29 =	sor.u32 $0x420, s6;
	vm9 =	vgt.s32 v22, $0x17F;
	v20 =	vor.u32 v24, v20;
	v24 =	vsub.s32 v26, v1;
	[tilespmem:v25+s26+$0x0] =	vst.idx.msk $0xffff, v27  }
0x76b: {  	v26 =	vadd.s32 $0xFFFFFE80, v22;
	v11 =	vor.u32 v21, v20;
	v21 =	vadd.s32 $0xFFFFFE80, v12;
	v20 =	vld [tilespmem:s29+$0x9000]  }
0x76c: {  	vm10 =	vgt.s32 v24, $0x17F;
	v29 =	vadd.s32 $0xFFFFFE80, v24;
	v22 =	vsel vm9, v26, v22  }
0x76d: {  	v28 =	vsel vm10, s25, v5;
	v12 =	vsel vm8, v21, v12;
	v24 =	vsel vm10, v29, v24  }
0x76e: {  	v63 =	vshll.u32 v22, $0x3;
	v26 =	vshrl.u32 v28, $0x3;
	v62 =	vshll.u32 v12, $0x3  }
0x76f: {  	v29 =	vld [tilespmem:s19+$0x3000];
	v28 =	vshll.u32 v28, $0x7;
	v12 =	vand.u32 $0x7F, v12;
	v25 =	vsel vm9, s28, v6  }
0x770: {  	v59 =	vld [tilespmem:s20+$0x3000];
	v27 =	vshrl.u32 v23, $0x3;
	v26 =	vmul.u32 $0xC00, v26;
	v20 =	vsub.s32 v20, v8  }
0x771: {  	v61 =	vld [tilespmem:s7+$0x3000];
	v23 =	vshll.u32 v23, $0x7;
	v21 =	vshrl.u32 v25, $0x3;
	vm11 =	vgt.s32 v20, $0x17F  }
0x772: {  	v27 =	vmul.u32 $0xC00, v27;
	v31 =	vadd.s32 $0xFFFFFE80, v20;
	v30 =	vsel vm11, s12, v7  }
0x773: {  	v25 =	vshll.u32 v25, $0x7;
	v20 =	vsel vm11, v31, v20;
	v31 =	vshrl.u32 v30, $0x3  }
0x774: {  	s18 =	sor.u32 $0x420, s14;
	v23 =	vand.u32 $0x80, v23;
	[tilespmem:v9+s26+$0x0] =	vst.idx.msk $0xffff, v29;
	v60 =	vshll.u32 v20, $0x3;
	v31 =	vmul.u32 $0xC00, v31  }
0x775: {  	[tilespmem:v10+s26+$0x0] =	vst.idx.msk $0xffff, v59;
	s19 =	sor.u32 $0x420, s15;
	v21 =	vmul.u32 $0xC00, v21;
	v10 =	vld [tilespmem:s18+$0x9000];
	v30 =	vshll.u32 v30, $0x7;
	v33 =	vand.u32 $0xFFFFFC00, v60  }
0x776: {  	[tilespmem:v11+s26+$0x0] =	vst.idx.msk $0xffff, v61;
	v11 =	vld [tilespmem:s19+$0x9000];
	v9 =	vand.u32 $0xFFFFFC00, v62;
	v30 =	vand.u32 $0x380, v30;
	v31 =	vadd.s32 v33, v31  }
0x777: {  	v9 =	vadd.s32 v9, v27;
	v20 =	vand.u32 $0x7F, v20;
	v30 =	vor.u32 v30, v31  }
0x778: {  	v29 =	vld [tilespmem:s29+$0x3000];
	v9 =	vor.u32 v23, v9;
	v23 =	vand.u32 $0x380, v25;
	v20 =	vor.u32 v20, v30  }
0x779: {  	v25 =	vand.u32 $0x380, v28;
	v9 =	vor.u32 v12, v9;
	v31 =	vand.u32 $0xFFFFFC00, v63  }
0x77a: {  	s23 =	sor.u32 $0x420, s17;
	v10 =	vsub.s32 v10, v17;
	v30 =	vshll.u32 v24, $0x3;
	v21 =	vadd.s32 v31, v21;
	v31 =	vld [tilespmem:s5+$0x3060]  }
0x77b: {  	v11 =	vsub.s32 v11, v15;
	vm12 =	vgt.s32 v10, $0x17F;
	v27 =	vand.u32 $0xFFFFFC00, v30;
	v30 =	vld [tilespmem:s23+$0x9000]  }
0x77c: {  	v12 =	vand.u32 $0x7F, v22;
	vm13 =	vgt.s32 v11, $0x17F;
	v28 =	vsel vm12, s11, v14  }
0x77d: {  	s4 =	sor.u32 $0x430, s6;
	v21 =	vor.u32 v23, v21;
	v23 =	vand.u32 $0x7F, v24;
	v24 =	vld [tilespmem:s2+$0x3060];
	v26 =	vadd.s32 v27, v26;
	[tilespmem:v20+s26+$0x0] =	vst.idx.msk $0xffff, v29  }
0x77e: {  	v21 =	vor.u32 v12, v21;
	v27 =	vsel vm13, s10, v18;
	v20 =	vor.u32 v25, v26;
	v22 =	vld [tilespmem:s4+$0x9000]  }
0x77f: {  	v26 =	vadd.s32 $0xFFFFFE80, v10;
	v29 =	vadd.s32 $0xFFFFFE80, v11;
	v20 =	vor.u32 v23, v20;
	v23 =	vld [tilespmem:s1+$0x3060]  }
0x780: {  	[tilespmem:v9+s26+$0x0] =	vst.idx.msk $0xffff, v31;
	v31 =	vshrl.u32 v27, $0x3;
	v27 =	vshll.u32 v27, $0x7;
	v25 =	vsub.s32 v30, v13  }
0x781: {  	v30 =	vshrl.u32 v28, $0x3;
	v31 =	vmul.u32 $0xC00, v31;
	v28 =	vshll.u32 v28, $0x7  }
0x782: {  	v27 =	vand.u32 $0x380, v27;
	vm14 =	vgt.s32 v25, $0x17F;
	v9 =	vadd.s32 $0xFFFFFE80, v25  }
0x783: {  	[tilespmem:v21+s26+$0x0] =	vst.idx.msk $0xffff, v24;
	v30 =	vmul.u32 $0xC00, v30;
	v28 =	vand.u32 $0x80, v28;
	v8 =	vsub.s32 v22, v8;
	v22 =	vld [tilespmem:s5+$0x9070]  }
0x784: {  	v21 =	vld [tilespmem:s2+$0x9070];
	[tilespmem:v20+s26+$0x0] =	vst.idx.msk $0xffff, v23;
	v23 =	vsel vm12, v26, v10;
	vm15 =	vgt.s32 v8, $0x17F;
	v24 =	vadd.s32 $0xFFFFFE80, v8  }
0x785: {  	v7 =	vsel vm15, s12, v7;
	v8 =	vsel vm15, v24, v8;
	v24 =	vsel vm13, v29, v11  }
0x786: {  	v26 =	vld [tilespmem:s1+$0x9070];
	v29 =	vsel vm14, v9, v25;
	v10 =	vshrl.u32 v7, $0x3;
	v11 =	vshll.u32 v8, $0x3  }
0x787: {  	v7 =	vshll.u32 v7, $0x7;
	v8 =	vand.u32 $0x7F, v8;
	v10 =	vmul.u32 $0xC00, v10  }
0x788: {  	v11 =	vand.u32 $0xFFFFFC00, v11;
	v7 =	vand.u32 $0x380, v7;
	v9 =	vsub.s32 v22, v2  }
0x789: {  	v10 =	vadd.s32 v11, v10;
	v11 =	vsub.s32 v21, v4;
	vm6 =	vgt.s32 v9, $0x17F  }
0x78a: {  	v7 =	vor.u32 v7, v10;
	vm7 =	vgt.s32 v11, $0x17F;
	v10 =	vadd.s32 $0xFFFFFE80, v9  }
0x78b: {  	v22 =	vadd.s32 $0xFFFFFE80, v11;
	v20 =	vor.u32 v8, v7;
	v7 =	vsub.s32 v26, v1  }
0x78c: {  	v8 =	vsel vm6, s24, v3;
	v21 =	vsel vm7, s28, v6;
	v9 =	vsel vm6, v10, v9  }
0x78d: {  	v10 =	vsel vm7, v22, v11;
	vm8 =	vgt.s32 v7, $0x17F;
	v25 =	vshrl.u32 v8, $0x3  }
0x78e: {  	v41 =	vadd.s32 $0xFFFFFE80, v7;
	v11 =	vshrl.u32 v21, $0x3;
	v42 =	vshll.u32 v9, $0x3  }
0x78f: {  	v43 =	vshll.u32 v10, $0x3;
	v8 =	vshll.u32 v8, $0x7;
	v21 =	vshll.u32 v21, $0x7  }
0x790: {  	s3 =	simm.s32 $0x800;
	s30 =	simm.s32 $0x500;
	v9 =	vand.u32 $0x7F, v9;
	v26 =	vsel vm8, s25, v5;
	v22 =	vmul.u32 $0xC00, v25  }
0x791: {  	s6 =	sand.u32 $0x300, s30;
	s7 =	sand.u32 $0x3800, s3;
	v7 =	vsel vm8, v41, v7;
	v11 =	vmul.u32 $0xC00, v11;
	v33 =	vand.u32 $0xFFFFFC00, v42  }
0x792: {  	s22 =	sor.u32 s7, s6;
	v34 =	vand.u32 $0xFFFFFC00, v43;
	v8 =	vand.u32 $0x80, v8;
	v21 =	vand.u32 $0x380, v21  }
0x793: {  	v46 =	vld [tilespmem:s22+$0x9000];
	v25 =	vshrl.u32 v26, $0x3;
	v44 =	vshll.u32 v7, $0x3;
	v26 =	vshll.u32 v26, $0x7  }
0x794: {  	v25 =	vmul.u32 $0xC00, v25;
	v22 =	vadd.s32 v33, v22;
	v45 =	vand.u32 $0xFFFFFC00, v44  }
0x795: {  	s0 =	sadd.s32 $0xC00, s0;
	v11 =	vadd.s32 v34, v11;
	v8 =	vor.u32 v8, v22;
	v22 =	vand.u32 $0x380, v26  }
0x796: {  	s12 =	sadd.s32 $0xFFFFFD00, s0;
	v11 =	vor.u32 v21, v11;
	v25 =	vadd.s32 v45, v25;
	v9 =	vor.u32 v9, v8  }
0x797: {  	v8 =	vand.u32 $0x7F, v10;
	v21 =	vor.u32 v22, v25;
	v22 =	vmov s12  }
0x798: {  	s13 =	simm.s32 $0x14;
	v7 =	vand.u32 $0x7F, v7;
	v26 =	vor.u32 v8, v11;
	v8 =	vsub.s32 v46, v22  }
0x799: {  	s6 =	simm.s32 $0x15;
	v25 =	vor.u32 v7, v21;
	v21 =	vmov s13;
	vm9 =	vgt.s32 v8, $0x17F  }
0x79a: {  	v12 =	vsel vm14, s9, v16;
	v10 =	vadd.s32 $0xFFFFFE80, v8;
	v7 =	vsel vm9, s6, v21  }
0x79b: {  	v48 =	vld [tilespmem:s5+$0x3070];
	v40 =	vshrl.u32 v12, $0x3;
	v8 =	vsel vm9, v10, v8;
	v10 =	vshrl.u32 v7, $0x3  }
0x79c: {  	p1 =	por !p1, !p1;
	v12 =	vshll.u32 v12, $0x7;
	s5 =	simm.s32 $0x1;
	v11 =	vshll.u32 v8, $0x3;
	v10 =	vmul.u32 $0xC00, v10  }
0x79d: {  	s16 =	sadd.s32 $0xFFFFF700, s0;
	s21 =	simm.s32 $0x10;
	v47 =	vshll.u32 v23, $0x3;
	s5 =	simm.s32 @!p1 $0x0;
	v50 =	vshll.u32 v7, $0x7;
	v11 =	vand.u32 $0xFFFFFC00, v11  }
0x79e: {  	s20 =	sadd.s32 $0xFFFFFA00, s0;
	s29 =	simm.s32 $0x12;
	s5 =	sshll.u32 s5, $0x9;
	v33 =	vand.u32 $0xFFFFFC00, v47;
	v36 =	vand.u32 $0x380, v50;
	v11 =	vadd.s32 v11, v10  }
0x79f: {  	s5 =	sadd.s32 $0x400, s5;
	s12 =	simm.s32 $0x580;
	s13 =	simm.s32 $0x480;
	v7 =	vmov s16;
	v51 =	vand.u32 $0x7F, v8;
	v36 =	vor.u32 v36, v11  }
0x7a0: {  	v52 =	vld [tilespmem:s22+$0x3000];
	v8 =	vmov s29;
	s16 =	sor.u32 $0x400, s5;
	[tilespmem:v9+s26+$0x0] =	vst.idx.msk $0xffff, v48;
	s29 =	sand.u32 $0x380, s12;
	v10 =	vmov s20;
	s20 =	simm.s32 $0x400;
	v36 =	vor.u32 v51, v36  }
0x7a1: {  	v32 =	vmul.u32 $0xC00, v40;
	v30 =	vadd.s32 v33, v30;
	v54 =	vld [tilespmem:s16+$0x9000];
	v11 =	vmov s21;
	s20 =	sand.u32 $0x200, s20;
	s21 =	sand.u32 $0x280, s13;
	s13 =	sor.u32 s7, s29  }
0x7a2: {  	s30 =	simm.s32 $0x16;
	v12 =	vand.u32 $0x380, v12;
	v49 =	vshll.u32 v24, $0x3;
	v28 =	vor.u32 v28, v30;
	s20 =	sor.u32 s20, s7;
	v30 =	vld [tilespmem:s13+$0x9000]  }
0x7a3: {  	v53 =	vshll.u32 v29, $0x3;
	v35 =	vand.u32 $0xFFFFFC00, v49;
	v9 =	vmov s30;
	s30 =	sor.u32 s7, s21;
	v56 =	vld [tilespmem:s20+$0x9000]  }
0x7a4: {  	v23 =	vand.u32 $0x7F, v23;
	v55 =	vand.u32 $0xFFFFFC00, v53;
	v31 =	vadd.s32 v35, v31;
	v57 =	vld [tilespmem:s30+$0x9000]  }
0x7a5: {  	v24 =	vand.u32 $0x7F, v24;
	v32 =	vadd.s32 v55, v32;
	v27 =	vor.u32 v27, v31;
	[tilespmem:v36+s26+$0x0] =	vst.idx.msk $0xffff, v52  }
0x7a6: {  	v29 =	vand.u32 $0x7F, v29;
	v12 =	vor.u32 v12, v32;
	v24 =	vor.u32 v24, v27;
	v31 =	vld [tilespmem:s22+$0x9010]  }
0x7a7: {  	v23 =	vor.u32 v23, v28;
	v28 =	vor.u32 v29, v12;
	v12 =	vmov s0  }
0x7a8: {  	v27 =	vsub.s32 v54, v2;
	v30 =	vsub.s32 v30, v12;
	v29 =	vsub.s32 v56, v7  }
0x7a9: {  	v58 =	vsub.s32 v57, v10;
	vm12 =	vgt.s32 v30, $0x17F;
	v51 =	vadd.s32 $0xFFFFFE80, v30  }
0x7aa: {  	s7 =	simm.s32 $0x17;
	[dreg:$0x13] =	wrdreg s0;
	vm10 =	vgt.s32 v29, $0x17F;
	vm11 =	vgt.s32 v58, $0x17F;
	v34 =	vadd.s32 $0xFFFFFE80, v29  }
0x7ab: {  	s21 =	simm.s32 $0x11;
	v61 =	vadd.s32 $0xFFFFFE80, v58;
	v63 =	vld [tilespmem:s18+$0x3000];
	v48 =	vsel vm12, s7, v9;
	v31 =	vsub.s32 v31, v22  }
0x7ac: {  	s31 =	simm.s32 $0x13;
	v50 =	vld [tilespmem:s19+$0x3000];
	v30 =	vsel vm12, v51, v30;
	v33 =	vsel vm10, s21, v11;
	vm13 =	vgt.s32 v31, $0x17F  }
0x7ad: {  	v52 =	vld [tilespmem:s23+$0x3000];
	v35 =	vsel vm11, s31, v8;
	v60 =	vadd.s32 $0xFFFFFE80, v31;
	v59 =	vsel vm13, s6, v21  }
0x7ae: {  	v29 =	vsel vm10, v34, v29;
	v31 =	vsel vm13, v60, v31;
	v62 =	vshrl.u32 v59, $0x3  }
0x7af: {  	v32 =	vsel vm11, v61, v58;
	v49 =	vshll.u32 v31, $0x3;
	v37 =	vmul.u32 $0xC00, v62  }
0x7b0: {  	s19 =	sor.u32 $0x430, s14;
	v45 =	vld [tilespmem:s1+$0x3070];
	v40 =	vshll.u32 v48, $0x7;
	[tilespmem:v23+s26+$0x0] =	vst.idx.msk $0xffff, v63;
	v36 =	vshll.u32 v59, $0x7;
	v41 =	vand.u32 $0xFFFFFC00, v49  }
0x7b1: {  	s29 =	sor.u32 $0x430, s15;
	v54 =	vshrl.u32 v33, $0x3;
	[tilespmem:v24+s26+$0x0] =	vst.idx.msk $0xffff, v50;
	v24 =	vld [tilespmem:s19+$0x9000];
	v36 =	vand.u32 $0x380, v36;
	v53 =	vadd.s32 v41, v37  }
0x7b2: {  	v58 =	vshll.u32 v29, $0x3;
	[tilespmem:v28+s26+$0x0] =	vst.idx.msk $0xffff, v52;
	v28 =	vld [tilespmem:s29+$0x9000];
	v31 =	vand.u32 $0x7F, v31;
	v34 =	vor.u32 v36, v53  }
0x7b3: {  	v56 =	vld [tilespmem:s22+$0x3010];
	v33 =	vshll.u32 v33, $0x7;
	v23 =	vshrl.u32 v48, $0x3;
	v31 =	vor.u32 v31, v34  }
0x7b4: {  	s14 =	sor.u32 $0x430, s17;
	v46 =	vand.u32 $0x380, v40;
	v23 =	vmul.u32 $0xC00, v23;
	v60 =	vshll.u32 v30, $0x3  }
0x7b5: {  	v57 =	vmul.u32 $0xC00, v54;
	v33 =	vand.u32 $0x80, v33;
	v61 =	vld [tilespmem:s14+$0x9000];
	v41 =	vand.u32 $0xFFFFFC00, v60  }
0x7b6: {  	s18 =	simm.s32 $0x4;
	[tilespmem:v25+s26+$0x0] =	vst.idx.msk $0xffff, v45;
	v30 =	vand.u32 $0x7F, v30;
	v62 =	vld [tilespmem:s2+$0x3070];
	v37 =	vand.u32 $0xFFFFFC00, v58;
	v63 =	vadd.s32 v41, v23  }
0x7b7: {  	s23 =	sand.u32 $0x7, s18;
	v23 =	vsub.s32 v24, v17;
	v17 =	vsub.s32 v28, v15;
	v34 =	vadd.s32 v37, v57  }
0x7b8: {  	s1 =	sshll.u32 s23, $0x7;
	v53 =	vld [tilespmem:s13+$0x3000];
	vm0 =	vgt.s32 v17, $0x17F;
	v25 =	vor.u32 v46, v63;
	v33 =	vor.u32 v33, v34;
	[tilespmem:v31+s26+$0x0] =	vst.idx.msk $0xffff, v56  }
0x7b9: {  	s1 =	sadd.s32 $0x400, s1;
	v15 =	vsel vm0, s10, v18;
	v18 =	vand.u32 $0x7F, v29;
	v25 =	vor.u32 v30, v25;
	v44 =	vld [tilespmem:s22+$0x9020]  }
0x7ba: {  	v55 =	vshrl.u32 v35, $0x3;
	s2 =	sadd.s32 $0x80, s1;
	v49 =	vld [tilespmem:s20+$0x3000];
	v24 =	vsub.s32 v61, v13;
	v18 =	vor.u32 v18, v33  }
0x7bb: {  	v59 =	vshll.u32 v32, $0x3;
	s0 =	sor.u32 $0x400, s2;
	vm1 =	vgt.s32 v23, $0x17F;
	vm2 =	vgt.s32 v24, $0x17F;
	[tilespmem:v26+s26+$0x0] =	vst.idx.msk $0xffff, v62  }
0x7bc: {  	v36 =	vmul.u32 $0xC00, v55;
	v13 =	vsel vm1, s11, v14;
	v14 =	vsel vm2, s9, v16;
	v16 =	vld [tilespmem:s0+$0x9000]  }
0x7bd: {  	vm15 =	vgt.s32 v27, $0x17F;
	v35 =	vshll.u32 v35, $0x7;
	v39 =	vand.u32 $0xFFFFFC00, v59  }
0x7be: {  	v35 =	vand.u32 $0x380, v35;
	v31 =	vadd.s32 v39, v36;
	[tilespmem:v25+s26+$0x0] =	vst.idx.msk $0xffff, v53;
	v26 =	vsub.s32 v44, v22  }
0x7bf: {  	v29 =	vand.u32 $0x7F, v32;
	v28 =	vor.u32 v35, v31;
	[tilespmem:v18+s26+$0x0] =	vst.idx.msk $0xffff, v49;
	v58 =	vld [tilespmem:s13+$0x9010];
	vm14 =	vgt.s32 v26, $0x17F  }
0x7c0: {  	v28 =	vor.u32 v29, v28;
	v55 =	vld [tilespmem:s20+$0x9010];
	v48 =	vadd.s32 $0xFFFFFE80, v26;
	v47 =	vsel vm14, s6, v21  }
0x7c1: {  	v54 =	vsub.s32 v16, v4;
	v26 =	vsel vm14, v48, v26;
	v50 =	vshrl.u32 v47, $0x3  }
0x7c2: {  	v18 =	vadd.s32 $0xFFFFFE80, v27;
	v52 =	vshll.u32 v26, $0x3;
	v29 =	vmul.u32 $0xC00, v50  }
0x7c3: {  	v51 =	vld [tilespmem:s30+$0x3000];
	vm4 =	vgt.s32 v54, $0x17F;
	v32 =	vshll.u32 v47, $0x7;
	v30 =	vand.u32 $0xFFFFFC00, v52  }
0x7c4: {  	v37 =	vsub.s32 v58, v12;
	v29 =	vadd.s32 v30, v29;
	v30 =	vand.u32 $0x380, v32  }
0x7c5: {  	v33 =	vsub.s32 v55, v7;
	v16 =	vand.u32 $0x7F, v26;
	v26 =	vor.u32 v30, v29  }
0x7c6: {  	s23 =	sadd.s32 $0x180, s1;
	vm11 =	vgt.s32 v37, $0x17F;
	vm9 =	vgt.s32 v33, $0x17F;
	v30 =	vld [tilespmem:s22+$0x3020];
	v26 =	vor.u32 v16, v26  }
0x7c7: {  	s1 =	sor.u32 $0x400, s23;
	v61 =	vadd.s32 $0xFFFFFE80, v33;
	v41 =	vsel vm11, s7, v9;
	v62 =	vsel vm9, s21, v11  }
0x7c8: {  	v31 =	vld [tilespmem:s1+$0x9000];
	[tilespmem:v28+s26+$0x0] =	vst.idx.msk $0xffff, v51;
	v33 =	vsel vm9, v61, v33;
	v52 =	vadd.s32 $0xFFFFFE80, v37;
	v55 =	vshrl.u32 v41, $0x3  }
0x7c9: {  	v28 =	vld [tilespmem:s30+$0x9010];
	v41 =	vshll.u32 v41, $0x7;
	v53 =	vshrl.u32 v62, $0x3;
	v37 =	vsel vm11, v52, v37  }
0x7ca: {  	v47 =	vshll.u32 v33, $0x3;
	v38 =	vmul.u32 $0xC00, v55;
	v39 =	vshll.u32 v62, $0x7  }
0x7cb: {  	v33 =	vand.u32 $0x7F, v33;
	v43 =	vmul.u32 $0xC00, v53;
	v58 =	vand.u32 $0xFFFFFC00, v47;
	[tilespmem:v26+s26+$0x0] =	vst.idx.msk $0xffff, v30  }
0x7cc: {  	v39 =	vand.u32 $0x80, v39;
	v62 =	vshll.u32 v37, $0x3;
	v47 =	vand.u32 $0x380, v41;
	v60 =	vld [tilespmem:s22+$0x9030]  }
0x7cd: {  	v37 =	vand.u32 $0x7F, v37;
	v29 =	vsub.s32 v31, v1;
	v31 =	vsel vm15, s24, v3  }
0x7ce: {  	v28 =	vsub.s32 v28, v10;
	v16 =	vsel vm15, v18, v27;
	vm8 =	vgt.s32 v29, $0x17F  }
0x7cf: {  	v27 =	vsel vm4, s28, v6;
	v18 =	vadd.s32 $0xFFFFFE80, v54;
	v56 =	vadd.s32 $0xFFFFFE80, v29  }
0x7d0: {  	v57 =	vshrl.u32 v31, $0x3;
	vm10 =	vgt.s32 v28, $0x17F;
	v51 =	vadd.s32 $0xFFFFFE80, v28  }
0x7d1: {  	v43 =	vadd.s32 v58, v43;
	v31 =	vshll.u32 v31, $0x7;
	v36 =	vsub.s32 v60, v22  }
0x7d2: {  	v34 =	vsel vm8, s25, v5;
	v25 =	vsel vm4, v18, v54;
	vm12 =	vgt.s32 v36, $0x17F  }
0x7d3: {  	v18 =	vsel vm8, v56, v29;
	v45 =	vadd.s32 $0xFFFFFE80, v36;
	v56 =	vsel vm12, s6, v21  }
0x7d4: {  	v32 =	vmul.u32 $0xC00, v57;
	v36 =	vsel vm12, v45, v36;
	v57 =	vshrl.u32 v56, $0x3  }
0x7d5: {  	v59 =	vshrl.u32 v27, $0x3;
	v46 =	vshll.u32 v36, $0x3;
	v45 =	vmul.u32 $0xC00, v57  }
0x7d6: {  	v35 =	vshll.u32 v16, $0x3;
	v42 =	vshll.u32 v56, $0x7;
	v46 =	vand.u32 $0xFFFFFC00, v46  }
0x7d7: {  	v39 =	vor.u32 v39, v43;
	v42 =	vand.u32 $0x380, v42;
	v45 =	vadd.s32 v46, v45  }
0x7d8: {  	v61 =	vld [tilespmem:s20+$0x3010];
	v33 =	vor.u32 v33, v39;
	v36 =	vand.u32 $0x7F, v36;
	v42 =	vor.u32 v42, v45  }
0x7d9: {  	v63 =	vsel vm10, s31, v8;
	v26 =	vmul.u32 $0xC00, v59;
	v59 =	vld [tilespmem:s22+$0x3030];
	v36 =	vor.u32 v36, v42  }
0x7da: {  	v28 =	vsel vm10, v51, v28;
	v27 =	vshll.u32 v27, $0x7;
	v54 =	vshrl.u32 v63, $0x3  }
0x7db: {  	v16 =	vand.u32 $0x7F, v16;
	v48 =	vshll.u32 v28, $0x3;
	v44 =	vmul.u32 $0xC00, v54  }
0x7dc: {  	v29 =	vshrl.u32 v34, $0x3;
	v40 =	vshll.u32 v63, $0x7;
	v60 =	vand.u32 $0xFFFFFC00, v48  }
0x7dd: {  	v28 =	vand.u32 $0x7F, v28;
	v63 =	vld [tilespmem:s30+$0x3010];
	v40 =	vand.u32 $0x380, v40;
	[tilespmem:v33+s26+$0x0] =	vst.idx.msk $0xffff, v61;
	v42 =	vadd.s32 v60, v44  }
0x7de: {  	v39 =	vand.u32 $0xFFFFFC00, v62;
	v49 =	vshll.u32 v18, $0x3;
	v52 =	vld [tilespmem:s20+$0x9020];
	v40 =	vor.u32 v40, v42;
	[tilespmem:v36+s26+$0x0] =	vst.idx.msk $0xffff, v59  }
0x7df: {  	v35 =	vand.u32 $0xFFFFFC00, v35;
	v34 =	vshll.u32 v34, $0x7;
	v28 =	vor.u32 v28, v40;
	v48 =	vld [tilespmem:s22+$0x9040]  }
0x7e0: {  	v27 =	vand.u32 $0x380, v27;
	v18 =	vand.u32 $0x7F, v18;
	v30 =	vshll.u32 v25, $0x3  }
0x7e1: {  	v29 =	vmul.u32 $0xC00, v29;
	v51 =	vand.u32 $0xFFFFFC00, v49;
	v30 =	vand.u32 $0xFFFFFC00, v30  }
0x7e2: {  	v32 =	vadd.s32 v35, v32;
	v25 =	vand.u32 $0x7F, v25;
	v26 =	vadd.s32 v30, v26  }
0x7e3: {  	v26 =	vor.u32 v27, v26;
	v56 =	vsub.s32 v52, v7;
	v46 =	vadd.s32 v39, v38  }
0x7e4: {  	[tilespmem:v28+s26+$0x0] =	vst.idx.msk $0xffff, v63;
	v28 =	vadd.s32 v51, v29;
	v29 =	vand.u32 $0x80, v31;
	v31 =	vsub.s32 v48, v22  }
0x7e5: {  	vm14 =	vgt.s32 v56, $0x17F;
	v36 =	vor.u32 v47, v46;
	vm13 =	vgt.s32 v31, $0x17F  }
0x7e6: {  	v36 =	vor.u32 v37, v36;
	v54 =	vadd.s32 $0xFFFFFE80, v31;
	v53 =	vsel vm13, s6, v21  }
0x7e7: {  	v50 =	vld [tilespmem:s13+$0x3010];
	v29 =	vor.u32 v29, v32;
	v31 =	vsel vm13, v54, v31;
	v57 =	vshrl.u32 v53, $0x3  }
0x7e8: {  	v32 =	vand.u32 $0x380, v34;
	v58 =	vshll.u32 v31, $0x3;
	v34 =	vmul.u32 $0xC00, v57  }
0x7e9: {  	v61 =	vadd.s32 $0xFFFFFE80, v56;
	v30 =	vld [tilespmem:s30+$0x9020];
	v33 =	vshll.u32 v53, $0x7;
	v37 =	vand.u32 $0xFFFFFC00, v58  }
0x7ea: {  	v35 =	vsel vm14, v61, v56;
	v33 =	vand.u32 $0x380, v33;
	v34 =	vadd.s32 v37, v34  }
0x7eb: {  	v52 =	vshll.u32 v35, $0x3;
	v31 =	vand.u32 $0x7F, v31;
	v33 =	vor.u32 v33, v34  }
0x7ec: {  	v35 =	vand.u32 $0x7F, v35;
	v59 =	vsel vm14, s21, v11;
	v62 =	vld [tilespmem:s22+$0x3040];
	[tilespmem:v36+s26+$0x0] =	vst.idx.msk $0xffff, v50;
	v31 =	vor.u32 v31, v33  }
0x7ed: {  	v38 =	vshll.u32 v59, $0x7;
	v28 =	vor.u32 v32, v28;
	v29 =	vor.u32 v16, v29;
	v55 =	vld [tilespmem:s13+$0x9020]  }
0x7ee: {  	v32 =	vor.u32 v25, v26;
	v16 =	vadd.s32 $0xFFFFFE80, v23;
	v30 =	vsub.s32 v30, v10  }
0x7ef: {  	v25 =	vadd.s32 $0xFFFFFE80, v24;
	v48 =	vshrl.u32 v59, $0x3;
	vm15 =	vgt.s32 v30, $0x17F  }
0x7f0: {  	v51 =	vmul.u32 $0xC00, v48;
	v45 =	vadd.s32 $0xFFFFFE80, v30;
	v63 =	vsel vm15, s31, v8  }
0x7f1: {  	v30 =	vsel vm15, v45, v30;
	v58 =	vand.u32 $0x80, v38;
	v49 =	vshrl.u32 v63, $0x3;
	[tilespmem:v31+s26+$0x0] =	vst.idx.msk $0xffff, v62  }
0x7f2: {  	v53 =	vshll.u32 v30, $0x3;
	v30 =	vand.u32 $0x7F, v30;
	v60 =	vsub.s32 v55, v12;
	v56 =	vld [tilespmem:s22+$0x9050]  }
0x7f3: {  	v42 =	vmul.u32 $0xC00, v49;
	v55 =	vand.u32 $0xFFFFFC00, v52;
	v43 =	vand.u32 $0xFFFFFC00, v53  }
0x7f4: {  	vm7 =	vgt.s32 v60, $0x17F;
	v47 =	vadd.s32 $0xFFFFFE80, v60;
	v37 =	vadd.s32 v55, v51  }
0x7f5: {  	v46 =	vsel vm7, s7, v9;
	v34 =	vsel vm7, v47, v60;
	v33 =	vshll.u32 v63, $0x7  }
0x7f6: {  	v57 =	vadd.s32 v43, v42;
	v50 =	vshrl.u32 v46, $0x3;
	v54 =	vshll.u32 v34, $0x3  }
0x7f7: {  	v39 =	vshll.u32 v46, $0x7;
	v33 =	vand.u32 $0x380, v33;
	v60 =	vsub.s32 v56, v22  }
0x7f8: {  	v36 =	vand.u32 $0xFFFFFC00, v54;
	v33 =	vor.u32 v33, v57;
	vm8 =	vgt.s32 v60, $0x17F  }
0x7f9: {  	v30 =	vor.u32 v30, v33;
	v62 =	vadd.s32 $0xFFFFFE80, v60;
	v61 =	vsel vm8, s6, v21  }
0x7fa: {  	v46 =	vld [tilespmem:s30+$0x3020];
	v31 =	vmul.u32 $0xC00, v50;
	v44 =	vsel vm8, v62, v60;
	v45 =	vshrl.u32 v61, $0x3  }
0x7fb: {  	v59 =	vand.u32 $0x380, v39;
	v48 =	vshll.u32 v44, $0x3;
	v47 =	vmul.u32 $0xC00, v45  }
0x7fc: {  	v31 =	vadd.s32 v36, v31;
	v51 =	vshll.u32 v61, $0x7;
	v50 =	vand.u32 $0xFFFFFC00, v48  }
0x7fd: {  	v49 =	vld [tilespmem:s13+$0x3020];
	v36 =	vor.u32 v58, v37;
	v52 =	vand.u32 $0x380, v51;
	v27 =	vadd.s32 v50, v47  }
0x7fe: {  	v63 =	vld [tilespmem:s20+$0x3020];
	v35 =	vor.u32 v35, v36;
	v53 =	vand.u32 $0x7F, v44;
	v27 =	vor.u32 v52, v27  }
0x7ff: {  	v34 =	vand.u32 $0x7F, v34;
	v54 =	vld [tilespmem:s22+$0x3050];
	v31 =	vor.u32 v59, v31;
	[tilespmem:v30+s26+$0x0] =	vst.idx.msk $0xffff, v46;
	v27 =	vor.u32 v53, v27  }
0x800: {  	v28 =	vor.u32 v18, v28;
	v18 =	vadd.s32 $0xFFFFFE80, v17;
	v31 =	vor.u32 v34, v31;
	v30 =	vld [tilespmem:s30+$0x9030]  }
0x801: {  	v16 =	vsel vm1, v16, v23;
	v23 =	vshrl.u32 v13, $0x3;
	v13 =	vshll.u32 v13, $0x7  }
0x802: {  	v17 =	vsel vm0, v18, v17;
	v18 =	vsel vm2, v25, v24;
	v25 =	vmul.u32 $0xC00, v23  }
0x803: {  	v13 =	vand.u32 $0x80, v13;
	v55 =	vshrl.u32 v15, $0x3;
	v15 =	vshll.u32 v15, $0x7;
	[tilespmem:v35+s26+$0x0] =	vst.idx.msk $0xffff, v63  }
0x804: {  	v24 =	vmul.u32 $0xC00, v55;
	v15 =	vand.u32 $0x380, v15;
	v36 =	vshll.u32 v16, $0x3;
	v26 =	vld [tilespmem:s20+$0x9030];
	[tilespmem:v27+s26+$0x0] =	vst.idx.msk $0xffff, v54  }
0x805: {  	v16 =	vand.u32 $0x7F, v16;
	v56 =	vshrl.u32 v14, $0x3;
	[tilespmem:v31+s26+$0x0] =	vst.idx.msk $0xffff, v49;
	v30 =	vsub.s32 v30, v10;
	v58 =	vld [tilespmem:s22+$0x9060]  }
0x806: {  	v14 =	vshll.u32 v14, $0x7;
	v23 =	vmul.u32 $0xC00, v56;
	v31 =	vld [tilespmem:s13+$0x9030];
	vm10 =	vgt.s32 v30, $0x17F  }
0x807: {  	v14 =	vand.u32 $0x380, v14;
	v60 =	vadd.s32 $0xFFFFFE80, v30;
	v38 =	vsel vm10, s31, v8  }
0x808: {  	v30 =	vsel vm10, v60, v30;
	v63 =	vshrl.u32 v38, $0x3;
	v38 =	vshll.u32 v38, $0x7  }
0x809: {  	v35 =	vmul.u32 $0xC00, v63;
	v57 =	vsub.s32 v26, v7;
	v26 =	vshll.u32 v18, $0x3  }
0x80a: {  	vm9 =	vgt.s32 v57, $0x17F;
	v59 =	vadd.s32 $0xFFFFFE80, v57;
	v34 =	vsub.s32 v58, v22  }
0x80b: {  	v31 =	vsub.s32 v31, v12;
	v26 =	vand.u32 $0xFFFFFC00, v26;
	vm12 =	vgt.s32 v34, $0x17F  }
0x80c: {  	v37 =	vsel vm9, s21, v11;
	v53 =	vadd.s32 $0xFFFFFE80, v34;
	v52 =	vsel vm12, s6, v21  }
0x80d: {  	vm11 =	vgt.s32 v31, $0x17F;
	v34 =	vsel vm12, v53, v34;
	v54 =	vshrl.u32 v52, $0x3  }
0x80e: {  	v33 =	vsel vm9, v59, v57;
	v57 =	vshll.u32 v34, $0x3;
	v56 =	vmul.u32 $0xC00, v54  }
0x80f: {  	v55 =	vld [tilespmem:s16+$0x3000];
	v62 =	vadd.s32 $0xFFFFFE80, v31;
	v39 =	vshll.u32 v52, $0x7;
	v43 =	vand.u32 $0xFFFFFC00, v57  }
0x810: {  	v60 =	vld [tilespmem:s1+$0x3000];
	v40 =	vsel vm11, s7, v9;
	v39 =	vand.u32 $0x380, v39;
	v42 =	vadd.s32 v43, v56  }
0x811: {  	v61 =	vshrl.u32 v37, $0x3;
	v58 =	vld [tilespmem:s0+$0x3000];
	v34 =	vand.u32 $0x7F, v34;
	v39 =	vor.u32 v39, v42  }
0x812: {  	v31 =	vsel vm11, v62, v31;
	v62 =	vshll.u32 v30, $0x3;
	v52 =	vld [tilespmem:s22+$0x3060];
	v34 =	vor.u32 v34, v39  }
0x813: {  	v37 =	vshll.u32 v37, $0x7;
	v41 =	vmul.u32 $0xC00, v61;
	v61 =	vshll.u32 v33, $0x3  }
0x814: {  	[tilespmem:v29+s26+$0x0] =	vst.idx.msk $0xffff, v55;
	v59 =	vshrl.u32 v40, $0x3;
	v37 =	vand.u32 $0x80, v37;
	v63 =	vand.u32 $0xFFFFFC00, v61  }
0x815: {  	s11 =	sor.u32 $0x410, s5;
	[tilespmem:v28+s26+$0x0] =	vst.idx.msk $0xffff, v60;
	v29 =	vmul.u32 $0xC00, v59;
	v41 =	vadd.s32 v63, v41;
	v53 =	vshll.u32 v31, $0x3  }
0x816: {  	v33 =	vand.u32 $0x7F, v33;
	v37 =	vor.u32 v37, v41;
	v28 =	vand.u32 $0xFFFFFC00, v53;
	v54 =	vld [tilespmem:s11+$0x9000];
	[tilespmem:v32+s26+$0x0] =	vst.idx.msk $0xffff, v58  }
0x817: {  	v33 =	vor.u32 v33, v37;
	v28 =	vadd.s32 v28, v29;
	v58 =	vld [tilespmem:s20+$0x3030];
	v42 =	vand.u32 $0xFFFFFC00, v62;
	[tilespmem:v34+s26+$0x0] =	vst.idx.msk $0xffff, v52  }
0x818: {  	v29 =	vand.u32 $0x380, v38;
	v56 =	vshll.u32 v40, $0x7;
	v35 =	vadd.s32 v42, v35;
	v60 =	vld [tilespmem:s22+$0x9070]  }
0x819: {  	s15 =	sor.u32 $0x410, s23;
	v30 =	vand.u32 $0x7F, v30;
	v61 =	vld [tilespmem:s30+$0x3030];
	v59 =	vand.u32 $0x380, v56;
	v29 =	vor.u32 v29, v35  }
0x81a: {  	v31 =	vand.u32 $0x7F, v31;
	v57 =	vld [tilespmem:s15+$0x9000];
	v29 =	vor.u32 v30, v29;
	v34 =	vor.u32 v59, v28  }
0x81b: {  	s16 =	sor.u32 $0x410, s2;
	v27 =	vshll.u32 v17, $0x3;
	v32 =	vsub.s32 v54, v2;
	v30 =	vor.u32 v31, v34;
	v31 =	vld [tilespmem:s13+$0x3030]  }
0x81c: {  	v26 =	vadd.s32 v26, v23;
	v27 =	vand.u32 $0xFFFFFC00, v27;
	v55 =	vld [tilespmem:s16+$0x9000];
	vm13 =	vgt.s32 v32, $0x17F;
	[tilespmem:v33+s26+$0x0] =	vst.idx.msk $0xffff, v58  }
0x81d: {  	v24 =	vadd.s32 v27, v24;
	v33 =	vld [tilespmem:s20+$0x9040];
	v38 =	vsel vm13, s24, v3;
	v35 =	vsub.s32 v60, v22  }
0x81e: {  	v41 =	vshrl.u32 v38, $0x3;
	v38 =	vshll.u32 v38, $0x7;
	vm7 =	vgt.s32 v35, $0x17F  }
0x81f: {  	v28 =	vand.u32 $0xFFFFFC00, v36;
	[tilespmem:v29+s26+$0x0] =	vst.idx.msk $0xffff, v61;
	v48 =	vadd.s32 $0xFFFFFE80, v35;
	v63 =	vsel vm7, s6, v21  }
0x820: {  	v36 =	vsub.s32 v57, v1;
	v62 =	vld [tilespmem:s30+$0x9040];
	[tilespmem:v30+s26+$0x0] =	vst.idx.msk $0xffff, v31;
	v31 =	vsel vm7, v48, v35;
	v49 =	vshrl.u32 v63, $0x3  }
0x821: {  	v34 =	vsub.s32 v55, v4;
	v51 =	vshll.u32 v31, $0x3;
	v35 =	vmul.u32 $0xC00, v49  }
0x822: {  	v33 =	vsub.s32 v33, v7;
	v42 =	vshll.u32 v63, $0x7;
	v45 =	vand.u32 $0xFFFFFC00, v51  }
0x823: {  	vm8 =	vgt.s32 v33, $0x17F;
	v42 =	vand.u32 $0x380, v42;
	v35 =	vadd.s32 v45, v35  }
0x824: {  	v52 =	vadd.s32 $0xFFFFFE80, v33;
	v50 =	vld [tilespmem:s13+$0x9040];
	v31 =	vand.u32 $0x7F, v31;
	v35 =	vor.u32 v42, v35  }
0x825: {  	s9 =	simm.s32 $0x4;
	v53 =	vld [tilespmem:s22+$0x3070];
	v54 =	vsel vm8, s21, v11;
	v40 =	vsub.s32 v62, v10;
	v31 =	vor.u32 v31, v35  }
0x826: {  	s18 =	sand.u32 $0x3, s9;
	v33 =	vsel vm8, v52, v33;
	vm9 =	vgt.s32 v40, $0x17F;
	v56 =	vadd.s32 $0xFFFFFE80, v40  }
0x827: {  	s17 =	sshll.u32 s18, $0x8;
	v57 =	vshrl.u32 v54, $0x3;
	v55 =	vsel vm9, s31, v8;
	v40 =	vsel vm9, v56, v40  }
0x828: {  	s17 =	sadd.s32 $0x800, s17;
	v59 =	vshrl.u32 v55, $0x3;
	v61 =	vshll.u32 v40, $0x3;
	v46 =	vshll.u32 v55, $0x7  }
0x829: {  	s17 =	sadd.s32 $0x100, s17;
	v40 =	vand.u32 $0x7F, v40;
	v43 =	vsub.s32 v50, v12;
	v50 =	vshll.u32 v33, $0x3  }
0x82a: {  	s22 =	sor.u32 $0x400, s17;
	v45 =	vand.u32 $0xFFFFFC00, v61;
	v46 =	vand.u32 $0x380, v46;
	v33 =	vand.u32 $0x7F, v33;
	[tilespmem:v31+s26+$0x0] =	vst.idx.msk $0xffff, v53  }
0x82b: {  	vm10 =	vgt.s32 v43, $0x17F;
	v49 =	vadd.s32 $0xFFFFFE80, v43;
	v42 =	vmul.u32 $0xC00, v57;
	v63 =	vld [tilespmem:s22+$0x9000]  }
0x82c: {  	v62 =	vand.u32 $0xFFFFFC00, v50;
	v58 =	vsel vm10, s7, v9;
	v43 =	vsel vm10, v49, v43  }
0x82d: {  	v35 =	vshll.u32 v54, $0x7;
	v60 =	vshrl.u32 v58, $0x3;
	v51 =	vshll.u32 v43, $0x3  }
0x82e: {  	v48 =	vshll.u32 v58, $0x7;
	v42 =	vadd.s32 v62, v42;
	v35 =	vand.u32 $0x80, v35  }
0x82f: {  	v43 =	vand.u32 $0x7F, v43;
	v49 =	vmul.u32 $0xC00, v60;
	v35 =	vor.u32 v35, v42  }
0x830: {  	v51 =	vand.u32 $0xFFFFFC00, v51;
	v33 =	vor.u32 v33, v35;
	v52 =	vsub.s32 v63, v22  }
0x831: {  	v49 =	vadd.s32 v51, v49;
	v31 =	vmul.u32 $0xC00, v59;
	vm11 =	vgt.s32 v52, $0x17F  }
0x832: {  	v51 =	vand.u32 $0x380, v48;
	v54 =	vadd.s32 $0xFFFFFE80, v52;
	v53 =	vsel vm11, s6, v21  }
0x833: {  	v31 =	vadd.s32 v45, v31;
	v55 =	vsel vm11, v54, v52;
	v56 =	vshrl.u32 v53, $0x3  }
0x834: {  	v57 =	vld [tilespmem:s20+$0x3040];
	v31 =	vor.u32 v46, v31;
	v47 =	vshll.u32 v55, $0x3;
	v46 =	vmul.u32 $0xC00, v56  }
0x835: {  	v42 =	vor.u32 v51, v49;
	v45 =	vshll.u32 v53, $0x7;
	v47 =	vand.u32 $0xFFFFFC00, v47  }
0x836: {  	v42 =	vor.u32 v43, v42;
	v45 =	vand.u32 $0x380, v45;
	v59 =	vadd.s32 v47, v46  }
0x837: {  	v60 =	vld [tilespmem:s13+$0x3040];
	v31 =	vor.u32 v40, v31;
	v35 =	vand.u32 $0x7F, v55;
	v40 =	vor.u32 v45, v59  }
0x838: {  	vm15 =	vgt.s32 v36, $0x17F;
	vm14 =	vgt.s32 v34, $0x17F;
	v61 =	vld [tilespmem:s22+$0x3000];
	v35 =	vor.u32 v35, v40  }
0x839: {  	v44 =	vadd.s32 $0xFFFFFE80, v36;
	v37 =	vadd.s32 $0xFFFFFE80, v34;
	v39 =	vsel vm14, s28, v6;
	v58 =	vld [tilespmem:s30+$0x3040];
	[tilespmem:v33+s26+$0x0] =	vst.idx.msk $0xffff, v57  }
0x83a: {  	v29 =	vadd.s32 $0xFFFFFE80, v32;
	v34 =	vsel vm14, v37, v34;
	v62 =	vshrl.u32 v39, $0x3;
	v50 =	vld [tilespmem:s20+$0x9050]  }
0x83b: {  	v29 =	vsel vm13, v29, v32;
	v32 =	vmul.u32 $0xC00, v62;
	v48 =	vshll.u32 v34, $0x3  }
0x83c: {  	v25 =	vadd.s32 v28, v25;
	v36 =	vsel vm15, v44, v36;
	v33 =	vand.u32 $0xFFFFFC00, v48;
	[tilespmem:v42+s26+$0x0] =	vst.idx.msk $0xffff, v60  }
0x83d: {  	s0 =	sor.u32 $0x410, s17;
	v30 =	vsel vm15, s25, v5;
	v39 =	vshll.u32 v39, $0x7;
	v32 =	vadd.s32 v33, v32;
	v52 =	vld [tilespmem:s13+$0x9050];
	[tilespmem:v35+s26+$0x0] =	vst.idx.msk $0xffff, v61  }
0x83e: {  	v63 =	vmul.u32 $0xC00, v41;
	[tilespmem:v31+s26+$0x0] =	vst.idx.msk $0xffff, v58;
	v31 =	vshll.u32 v36, $0x3;
	v53 =	vand.u32 $0x80, v38;
	v54 =	vld [tilespmem:s0+$0x9000]  }
0x83f: {  	v55 =	vand.u32 $0x380, v39;
	v31 =	vand.u32 $0xFFFFFC00, v31;
	v56 =	vsub.s32 v50, v7  }
0x840: {  	v32 =	vor.u32 v55, v32;
	vm12 =	vgt.s32 v56, $0x17F;
	v58 =	vadd.s32 $0xFFFFFE80, v56  }
0x841: {  	v47 =	vshll.u32 v29, $0x3;
	v39 =	vsel vm12, s21, v11;
	v45 =	vshrl.u32 v30, $0x3  }
0x842: {  	v51 =	vld [tilespmem:s30+$0x9050];
	v41 =	vand.u32 $0xFFFFFC00, v47;
	v30 =	vshll.u32 v30, $0x7;
	v38 =	vsub.s32 v52, v12  }
0x843: {  	v52 =	vshrl.u32 v39, $0x3;
	v39 =	vshll.u32 v39, $0x7;
	v33 =	vsub.s32 v54, v22  }
0x844: {  	v40 =	vmul.u32 $0xC00, v45;
	v37 =	vadd.s32 v41, v63;
	vm15 =	vgt.s32 v33, $0x17F  }
0x845: {  	v30 =	vand.u32 $0x380, v30;
	v60 =	vadd.s32 $0xFFFFFE80, v33;
	v59 =	vsel vm15, s6, v21  }
0x846: {  	vm14 =	vgt.s32 v38, $0x17F;
	v33 =	vsel vm15, v60, v33;
	v62 =	vshrl.u32 v59, $0x3  }
0x847: {  	v57 =	vsub.s32 v51, v10;
	v51 =	vshll.u32 v33, $0x3;
	v43 =	vmul.u32 $0xC00, v62  }
0x848: {  	v39 =	vand.u32 $0x80, v39;
	v42 =	vshll.u32 v59, $0x7;
	v46 =	vand.u32 $0xFFFFFC00, v51  }
0x849: {  	v63 =	vsel vm14, s7, v9;
	v42 =	vand.u32 $0x380, v42;
	v43 =	vadd.s32 v46, v43  }
0x84a: {  	v31 =	vadd.s32 v31, v40;
	v33 =	vand.u32 $0x7F, v33;
	v42 =	vor.u32 v42, v43  }
0x84b: {  	vm13 =	vgt.s32 v57, $0x17F;
	v30 =	vor.u32 v30, v31;
	v55 =	vld [tilespmem:s0+$0x3000];
	v33 =	vor.u32 v33, v42  }
0x84c: {  	v31 =	vand.u32 $0x7F, v34;
	v40 =	vsel vm13, s31, v8;
	v34 =	vsel vm12, v58, v56  }
0x84d: {  	v56 =	vshrl.u32 v63, $0x3;
	v35 =	vor.u32 v53, v37;
	v61 =	vadd.s32 $0xFFFFFE80, v57  }
0x84e: {  	v53 =	vshrl.u32 v40, $0x3;
	v40 =	vshll.u32 v40, $0x7;
	v37 =	vsel vm13, v61, v57  }
0x84f: {  	v57 =	vmul.u32 $0xC00, v52;
	v58 =	vmul.u32 $0xC00, v53;
	v60 =	vshll.u32 v37, $0x3  }
0x850: {  	s1 =	sor.u32 $0x420, s17;
	v40 =	vand.u32 $0x380, v40;
	v59 =	vshll.u32 v34, $0x3;
	v47 =	vand.u32 $0xFFFFFC00, v60;
	[tilespmem:v33+s26+$0x0] =	vst.idx.msk $0xffff, v55  }
0x851: {  	v54 =	vadd.s32 $0xFFFFFE80, v38;
	v44 =	vadd.s32 v47, v58;
	v46 =	vand.u32 $0xFFFFFC00, v59;
	v43 =	vld [tilespmem:s1+$0x9000]  }
0x852: {  	v37 =	vand.u32 $0x7F, v37;
	v40 =	vor.u32 v40, v44;
	v42 =	vadd.s32 v46, v57  }
0x853: {  	v34 =	vand.u32 $0x7F, v34;
	v44 =	vld [tilespmem:s30+$0x3050];
	v37 =	vor.u32 v37, v40;
	v39 =	vor.u32 v39, v42  }
0x854: {  	v38 =	vsel vm14, v54, v38;
	v62 =	vshll.u32 v63, $0x7;
	v63 =	vld [tilespmem:s20+$0x3050];
	v34 =	vor.u32 v34, v39  }
0x855: {  	v41 =	vmul.u32 $0xC00, v56;
	v31 =	vor.u32 v31, v32;
	v61 =	vshll.u32 v38, $0x3  }
0x856: {  	v38 =	vand.u32 $0x7F, v38;
	v48 =	vand.u32 $0xFFFFFC00, v61;
	v45 =	vsub.s32 v43, v22  }
0x857: {  	v41 =	vadd.s32 v48, v41;
	v33 =	vand.u32 $0x380, v62;
	vm5 =	vgt.s32 v45, $0x17F  }
0x858: {  	v46 =	vld [tilespmem:s13+$0x3050];
	[tilespmem:v37+s26+$0x0] =	vst.idx.msk $0xffff, v44;
	v33 =	vor.u32 v33, v41;
	v48 =	vadd.s32 $0xFFFFFE80, v45;
	v47 =	vsel vm5, s6, v21  }
0x859: {  	v33 =	vor.u32 v38, v33;
	[tilespmem:v34+s26+$0x0] =	vst.idx.msk $0xffff, v63;
	v38 =	vld [tilespmem:s30+$0x9060];
	v32 =	vsel vm5, v48, v45;
	v49 =	vshrl.u32 v47, $0x3  }
0x85a: {  	v36 =	vand.u32 $0x7F, v36;
	v52 =	vld [tilespmem:s20+$0x9060];
	v51 =	vshll.u32 v32, $0x3;
	v50 =	vmul.u32 $0xC00, v49  }
0x85b: {  	v30 =	vor.u32 v36, v30;
	v36 =	vshll.u32 v47, $0x7;
	v28 =	vand.u32 $0xFFFFFC00, v51  }
0x85c: {  	v13 =	vor.u32 v13, v25;
	v27 =	vadd.s32 v28, v50;
	v28 =	vand.u32 $0x380, v36  }
0x85d: {  	v25 =	vand.u32 $0x7F, v17;
	v23 =	vand.u32 $0x7F, v32;
	v27 =	vor.u32 v28, v27  }
0x85e: {  	v29 =	vand.u32 $0x7F, v29;
	[tilespmem:v33+s26+$0x0] =	vst.idx.msk $0xffff, v46;
	v27 =	vor.u32 v23, v27;
	v23 =	vor.u32 v15, v24  }
0x85f: {  	v28 =	vld [tilespmem:s13+$0x9060];
	v24 =	vor.u32 v14, v26;
	v14 =	vsub.s32 v52, v7;
	v15 =	vsub.s32 v38, v10  }
0x860: {  	v56 =	vld [tilespmem:s11+$0x3000];
	v29 =	vor.u32 v29, v35;
	vm6 =	vgt.s32 v14, $0x17F;
	vm7 =	vgt.s32 v15, $0x17F  }
0x861: {  	v53 =	vld [tilespmem:s1+$0x3000];
	v17 =	vadd.s32 $0xFFFFFE80, v14;
	v26 =	vsel vm6, s21, v11;
	v54 =	vsel vm7, s31, v8  }
0x862: {  	v14 =	vsel vm6, v17, v14;
	v55 =	vshrl.u32 v26, $0x3;
	v59 =	vshrl.u32 v54, $0x3  }
0x863: {  	v60 =	vld [tilespmem:s15+$0x3000];
	v62 =	vshll.u32 v14, $0x3;
	v26 =	vshll.u32 v26, $0x7;
	v14 =	vand.u32 $0x7F, v14  }
0x864: {  	v17 =	vld [tilespmem:s16+$0x3000];
	v28 =	vsub.s32 v28, v12;
	v33 =	vmul.u32 $0xC00, v55;
	v61 =	vmul.u32 $0xC00, v59  }
0x865: {  	[tilespmem:v29+s26+$0x0] =	vst.idx.msk $0xffff, v56;
	v38 =	vand.u32 $0xFFFFFC00, v62;
	v26 =	vand.u32 $0x80, v26;
	vm8 =	vgt.s32 v28, $0x17F  }
0x866: {  	[tilespmem:v27+s26+$0x0] =	vst.idx.msk $0xffff, v53;
	v27 =	vadd.s32 $0xFFFFFE80, v15;
	v58 =	vadd.s32 $0xFFFFFE80, v28;
	v57 =	vsel vm8, s7, v9  }
0x867: {  	v15 =	vsel vm7, v27, v15;
	v28 =	vsel vm8, v58, v28;
	v45 =	vadd.s32 v38, v33  }
0x868: {  	s18 =	sor.u32 $0x420, s5;
	[tilespmem:v30+s26+$0x0] =	vst.idx.msk $0xffff, v60;
	v50 =	vld [tilespmem:s20+$0x3060];
	v27 =	vshrl.u32 v57, $0x3;
	v63 =	vshll.u32 v15, $0x3;
	v44 =	vshll.u32 v28, $0x3  }
0x869: {  	s16 =	sor.u32 $0x420, s23;
	[tilespmem:v31+s26+$0x0] =	vst.idx.msk $0xffff, v17;
	v17 =	vld [tilespmem:s18+$0x9000];
	v31 =	vshll.u32 v54, $0x7;
	v47 =	vshll.u32 v57, $0x7;
	v26 =	vor.u32 v26, v45  }
0x86a: {  	s22 =	sor.u32 $0x430, s17;
	v48 =	vld [tilespmem:s16+$0x9000];
	v15 =	vand.u32 $0x7F, v15;
	v27 =	vmul.u32 $0xC00, v27;
	v29 =	vand.u32 $0xFFFFFC00, v63  }
0x86b: {  	s10 =	sor.u32 $0x420, s2;
	v34 =	vld [tilespmem:s22+$0x9000];
	v31 =	vand.u32 $0x380, v31;
	v14 =	vor.u32 v14, v26;
	v29 =	vadd.s32 v29, v61  }
0x86c: {  	v28 =	vand.u32 $0x7F, v28;
	v30 =	vld [tilespmem:s10+$0x9000];
	v46 =	vand.u32 $0xFFFFFC00, v44;
	v29 =	vor.u32 v31, v29  }
0x86d: {  	s15 =	simm.s32 $0x9;
	v49 =	vand.u32 $0x380, v47;
	v26 =	vld [tilespmem:s30+$0x3060];
	v27 =	vadd.s32 v46, v27;
	v15 =	vor.u32 v15, v29  }
0x86e: {  	s17 =	simm.s32 $0xB;
	v31 =	vor.u32 v16, v13;
	v13 =	vld [tilespmem:s13+$0x3060];
	[dreg:$0xc] =	wrdreg s15;
	v27 =	vor.u32 v49, v27;
	v17 =	vsub.s32 v17, v2  }
0x86f: {  	v51 =	vsub.s32 v48, v1;
	[dreg:$0xf] =	wrdreg s17;
	v16 =	vor.u32 v28, v27;
	vm10 =	vgt.s32 v17, $0x17F  }
0x870: {  	vm12 =	vgt.s32 v51, $0x17F;
	v22 =	vsub.s32 v34, v22;
	[tilespmem:v14+s26+$0x0] =	vst.idx.msk $0xffff, v50;
	v28 =	vsel vm10, s24, v3;
	s24 =	simm.s32 $0xF  }
0x871: {  	vm9 =	vgt.s32 v22, $0x17F;
	v27 =	vsel vm12, s25, v5;
	[dreg:$0xe] =	wrdreg s24  }
0x872: {  	v21 =	vsel vm9, s6, v21;
	v30 =	vsub.s32 v30, v4;
	v52 =	vadd.s32 $0xFFFFFE80, v17;
	v33 =	vld [tilespmem:s20+$0x9070];
	[tilespmem:v15+s26+$0x0] =	vst.idx.msk $0xffff, v26  }
0x873: {  	v14 =	vadd.s32 $0xFFFFFE80, v51;
	vm11 =	vgt.s32 v30, $0x17F;
	v15 =	vadd.s32 $0xFFFFFE80, v22;
	v54 =	vld [tilespmem:s30+$0x9070]  }
0x874: {  	[tilespmem:v16+s26+$0x0] =	vst.idx.msk $0xffff, v13;
	v16 =	vsel vm10, v52, v17;
	v13 =	vsel vm9, v15, v22;
	v17 =	vshrl.u32 v21, $0x3  }
0x875: {  	v21 =	vshll.u32 v21, $0x7;
	v22 =	vld [tilespmem:s13+$0x9070];
	v17 =	vmul.u32 $0xC00, v17;
	v26 =	vshll.u32 v13, $0x3  }
0x876: {  	v29 =	vsel vm11, s28, v6;
	v21 =	vand.u32 $0x380, v21;
	s28 =	sld [smem:$0x7F3];
	v55 =	vand.u32 $0xFFFFFC00, v26  }
0x877: {  	v13 =	vand.u32 $0x7F, v13;
	v26 =	vsel vm12, v14, v51;
	v17 =	vadd.s32 v55, v17  }
0x878: {  	s2 =	sor.u32 $0x430, s2;
	v61 =	vld [tilespmem:s8+$0x3000];
	v14 =	vsub.s32 v33, v7;
	v17 =	vor.u32 v21, v17;
	v56 =	vsub.s32 v54, v10  }
0x879: {  	s25 =	simm.s32 $0x8;
	v33 =	vld [tilespmem:s4+$0x3000];
	s6 =	sor.u32 $0x1, s28;
	[dreg:$0x6] =	wrdreg s2;
	vm13 =	vgt.s32 v14, $0x17F;
	v34 =	vor.u32 v13, v17;
	v21 =	vadd.s32 $0xFFFFFE80, v14  }
0x87a: {  	s0 =	sand.u32 $0x7, s25;
	[smem:$0x7EB] =	sst s6;
	v13 =	vsub.s32 v22, v12;
	vm14 =	vgt.s32 v56, $0x17F;
	v62 =	vsel vm13, v21, v14  }
0x87b: {  	p1 =	por !p1, !p1;
	s4 =	simm.s32 $0x1;
	s2 =	sshll.u32 s0, $0x7;
	v43 =	vld [tilespmem:s19+$0x3000];
	vm15 =	vgt.s32 v13, $0x17F;
	v22 =	vsel vm14, s31, v8;
	v60 =	vadd.s32 $0xFFFFFE80, v13  }
0x87c: {  	s8 =	sor.u32 $0x430, s5;
	s4 =	simm.s32 @!p1 $0x0;
	s1 =	sadd.s32 $0x800, s2;
	v59 =	vsel vm15, s7, v9;
	v14 =	vshrl.u32 v22, $0x3;
	v63 =	vsel vm15, v60, v13;
	v13 =	vld [tilespmem:s29+$0x3000]  }
0x87d: {  	v18 =	vand.u32 $0x7F, v18;
	s19 =	sor.u32 $0x430, s23;
	v21 =	vshrl.u32 v59, $0x3;
	v52 =	vmul.u32 $0xC00, v14;
	v14 =	vld [tilespmem:s14+$0x3000];
	[dreg:$0x7] =	wrdreg s8;
	s14 =	sadd.s32 $0x80, s1  }
0x87e: {  	v53 =	vadd.s32 $0xFFFFFE80, v30;
	v39 =	vshrl.u32 v28, $0x3;
	s11 =	sshll.u32 s4, $0x9;
	v54 =	vmul.u32 $0xC00, v21;
	v21 =	vld [tilespmem:s18+$0x3000];
	s18 =	sadd.s32 $0x180, s1;
	s23 =	sor.u32 $0x400, s14  }
0x87f: {  	v40 =	vshrl.u32 v29, $0x3;
	v15 =	vsel vm11, v53, v30;
	v57 =	vadd.s32 $0xFFFFFE80, v56;
	s15 =	sadd.s32 $0x800, s11;
	[dreg:$0x1d] =	wrdreg s23;
	s24 =	sor.u32 $0x400, s18  }
0x880: {  	v30 =	vshrl.u32 v27, $0x3;
	v17 =	vsel vm13, s21, v11;
	v32 =	vsel vm14, v57, v56;
	s25 =	sor.u32 $0x400, s15;
	v57 =	vld [tilespmem:s22+$0x3000];
	[dreg:$0x16] =	wrdreg s24  }
0x881: {  	v58 =	vshrl.u32 v17, $0x3;
	v51 =	vshll.u32 v62, $0x3;
	v17 =	vshll.u32 v17, $0x7;
	s28 =	sor.u32 $0x410, s14;
	[dreg:$0x1a] =	wrdreg s25  }
0x882: {  	v35 =	vmul.u32 $0xC00, v58;
	v37 =	vand.u32 $0xFFFFFC00, v51;
	v55 =	vshll.u32 v63, $0x3;
	[dreg:$0x1b] =	wrdreg s28  }
0x883: {  	v56 =	vshll.u32 v22, $0x7;
	v17 =	vand.u32 $0x80, v17;
	v22 =	vand.u32 $0xFFFFFC00, v55;
	s29 =	sor.u32 $0x410, s18;
	[tilespmem:v19+s26+$0x0] =	vst.idx.msk $0xffff, v61  }
0x884: {  	v36 =	vshll.u32 v59, $0x7;
	v35 =	vadd.s32 v37, v35;
	v59 =	vadd.s32 v22, v54;
	v22 =	vld [tilespmem:s10+$0x3000];
	[dreg:$0x1e] =	wrdreg s29  }
0x885: {  	v53 =	vshll.u32 v32, $0x3;
	v32 =	vand.u32 $0x7F, v32;
	s4 =	sor.u32 $0x430, s14;
	v35 =	vor.u32 v17, v35;
	v17 =	vld [tilespmem:s16+$0x3000];
	[tilespmem:v20+s26+$0x0] =	vst.idx.msk $0xffff, v33  }
0x886: {  	v45 =	vand.u32 $0xFFFFFC00, v53;
	v60 =	vand.u32 $0x380, v56;
	v63 =	vand.u32 $0x7F, v63;
	v19 =	vld [tilespmem:s20+$0x3070];
	[dreg:$0xa] =	wrdreg s4  }
0x887: {  	p1 =	por !p1, !p1;
	v36 =	vand.u32 $0x380, v36;
	v58 =	vadd.s32 v45, v52;
	v61 =	vand.u32 $0x7F, v62;
	v20 =	vld [tilespmem:s30+$0x3070];
	s30 =	sor.u32 $0x430, s15  }
0x888: {  	s17 =	sor.u32 $0x420, s15;
	s6 =	sor.u32 $0x420, s18;
	v62 =	vor.u32 v60, v58;
	v36 =	vor.u32 v36, v59;
	v37 =	vor.u32 v61, v35;
	[dreg:$0x17] =	wrdreg s30  }
0x889: {  	s23 =	sor.u32 $0x430, s18;
	s18 =	sor.u32 $0x410, s15;
	s22 =	simm.s32 $0x8;
	v38 =	vor.u32 v32, v62;
	v36 =	vor.u32 v63, v36;
	v35 =	vshll.u32 v16, $0x3;
	[tilespmem:v31+s26+$0x0] =	vst.idx.msk $0xffff, v43  }
0x88a: {  	s25 =	simm.s32 $0xC;
	v32 =	vmul.u32 $0xC00, v40;
	s16 =	sor.u32 $0x420, s14;
	v33 =	vmul.u32 $0xC00, v39;
	s14 =	simm.s32 $0x17;
	v31 =	vld [tilespmem:s13+$0x3070];
	[tilespmem:v34+s26+$0x0] =	vst.idx.msk $0xffff, v57;
	v34 =	vshll.u32 v15, $0x3  }
.LBB2_9:
0x88b: {  	[smem:$0x7E7] =	sst s6  }
0x88c: {  	[smem:$0x7E5] =	sst s17  }
0x88d: {  	[smem:$0x7E6] =	sst s16  }
0x88e: {  	[dreg:$0x9] =	wrdreg s9;
	s8 =	sand.u32 $0x7, s25  }
0x88f: {  	s12 =	sadd.s32 $0x200, s12;
	s3 =	sadd.s32 $0x400, s3;
	s1 =	rddreg [dreg:$0x1a]  }
0x890: {  	v35 =	vand.u32 $0xFFFFFC00, v35;
	v30 =	vmul.u32 $0xC00, v30;
	v39 =	vshll.u32 v26, $0x3;
	s9 =	smov.u32 s21;
	s15 =	rddreg [dreg:$0x1d];
	s11 =	sshll.u32 s8, $0x7  }
0x891: {  	v28 =	vshll.u32 v28, $0x7;
	v34 =	vand.u32 $0xFFFFFC00, v34;
	v29 =	vshll.u32 v29, $0x7;
	s16 =	sadd.s32 $0xFFFFFF80, s12;
	s17 =	sand.u32 $0x3800, s3;
	s29 =	sadd.s32 $0xFFFFFE80, s12;
	[tilespmem:v37+s26+$0x0] =	vst.idx.msk $0xffff, v19  }
0x892: {  	v27 =	vshll.u32 v27, $0x7;
	v16 =	vand.u32 $0x7F, v16;
	v15 =	vand.u32 $0x7F, v15;
	s30 =	sadd.s32 $0xFFFFFF00, s12;
	s5 =	sand.u32 $0x380, s12;
	s8 =	sand.u32 $0x300, s16;
	[tilespmem:v38+s26+$0x0] =	vst.idx.msk $0xffff, v20;
	v48 =	vld [tilespmem:s1+$0x9000]  }
0x893: {  	v51 =	vor.u32 v25, v23;
	s2 =	sand.u32 $0x200, s29;
	s4 =	sand.u32 $0x280, s30;
	s20 =	sor.u32 s17, s8;
	v19 =	vadd.s32 v35, v33;
	v20 =	vand.u32 $0x80, v28;
	v49 =	vld [tilespmem:s15+$0x9000]  }
0x894: {  	v47 =	vand.u32 $0xFFFFFC00, v39;
	s28 =	sor.u32 s2, s17;
	s24 =	sor.u32 s17, s4;
	s2 =	rddreg [dreg:$0x13];
	v19 =	vor.u32 v20, v19;
	v20 =	vand.u32 $0x380, v29;
	v29 =	vld [tilespmem:s20+$0x9000]  }
0x895: {  	s21 =	smov.u32 s23;
	v27 =	vand.u32 $0x380, v27;
	v30 =	vadd.s32 v47, v30;
	s8 =	sor.u32 s17, s5;
	v28 =	vadd.s32 v34, v32;
	[tilespmem:v36+s26+$0x0] =	vst.idx.msk $0xffff, v31;
	s2 =	sadd.s32 $0xC00, s2;
	v25 =	vld [tilespmem:s24+$0x9000]  }
0x896: {  	s23 =	smov.u32 s19;
	v52 =	vor.u32 v18, v24;
	s7 =	sadd.s32 $0x8, s7;
	v27 =	vor.u32 v27, v30;
	s19 =	sadd.s32 $0xFFFFF700, s2;
	v53 =	vld [tilespmem:s8+$0x9000];
	v20 =	vor.u32 v20, v28  }
0x897: {  	s6 =	sadd.s32 s3, s11;
	s5 =	sadd.s32 $0xFFFFFFF9, s7;
	s29 =	sadd.s32 $0xFFFFFA00, s2;
	v28 =	vor.u32 v16, v19;
	v16 =	vand.u32 $0x7F, v26;
	v23 =	vmov s19  }
0x898: {  	s13 =	sadd.s32 $0x80, s6;
	s4 =	sadd.s32 $0xFFFFFD00, s2;
	v26 =	vld [tilespmem:s28+$0x9000];
	v18 =	vmov s29;
	v19 =	vmov s5;
	v50 =	vor.u32 v15, v20  }
0x899: {  	s17 =	smov.u32 s14;
	s14 =	sadd.s32 $0x180, s6;
	s6 =	sadd.s32 $0xFFFFFFFD, s7;
	v27 =	vor.u32 v16, v27;
	v20 =	vmov s2;
	v15 =	vmov s4  }
0x89a: {  	v16 =	vmov s6;
	v30 =	vsub.s32 v48, v7;
	v24 =	vsub.s32 v29, v15  }
0x89b: {  	s19 =	sadd.s32 $0xFFFFFFFB, s7;
	v32 =	vsub.s32 v49, v10;
	v55 =	vsub.s32 v25, v18;
	v39 =	vsub.s32 v53, v20  }
0x89c: {  	v29 =	vmov s19;
	vm0 =	vgt.s32 v30, $0x17F;
	vm1 =	vgt.s32 v24, $0x17F  }
0x89d: {  	[dreg:$0x13] =	wrdreg s2;
	s2 =	sadd.s32 $0xFFFFFFFF, s7;
	v40 =	vsub.s32 v26, v23;
	v26 =	vadd.s32 $0xFFFFFE80, v24;
	vm2 =	vgt.s32 v55, $0x17F  }
0x89e: {  	s10 =	simm.s32 $0x1;
	v33 =	vld [tilespmem:s28+$0x3000];
	s29 =	sadd.s32 $0xFFFFFFFE, s7;
	[tilespmem:v28+s26+$0x0] =	vst.idx.msk $0xffff, v21;
	vm3 =	vgt.s32 v39, $0x17F;
	v28 =	vmov s2;
	v44 =	vadd.s32 $0xFFFFFE80, v39  }
0x89f: {  	s0 =	smov.u32 s18;
	s18 =	sadd.s32 $0xFFFFFFFC, s7;
	s30 =	rddreg [dreg:$0x16];
	v54 =	vld [tilespmem:s24+$0x3000];
	vm7 =	vgt.s32 v32, $0x17F;
	v21 =	vsel vm1, s29, v16;
	[tilespmem:v50+s26+$0x0] =	vst.idx.msk $0xffff, v22;
	v22 =	vsel vm1, v26, v24  }
0x8a0: {  	s10 =	simm.s32 @!p1 $0x0;
	v31 =	vld [tilespmem:s30+$0x9000];
	s6 =	simm.s32 $0x15000;
	vm15 =	vgt.s32 v40, $0x17F;
	v42 =	vsel vm2, s18, v29;
	v25 =	vshrl.u32 v21, $0x3  }
0x8a1: {  	s10 =	sshll.u32 s10, $0x9;
	v35 =	vld [tilespmem:s8+$0x3000];
	[tilespmem:v27+s6+$0x0] =	vst.idx.msk $0xffff, v17;
	v43 =	vsel vm3, s7, v28;
	v26 =	vshll.u32 v22, $0x3;
	v17 =	vmul.u32 $0xC00, v25  }
0x8a2: {  	s11 =	sadd.s32 s10, s3;
	s10 =	sadd.s32 $0xFFFFFFFA, s7;
	v39 =	vsel vm3, v44, v39;
	v21 =	vshll.u32 v21, $0x7;
	v25 =	vld [tilespmem:s15+$0x3000];
	[tilespmem:v51+s6+$0x0] =	vst.idx.msk $0xffff, v13;
	v13 =	vand.u32 $0xFFFFFC00, v26  }
0x8a3: {  	v41 =	vsel vm15, s10, v19;
	v26 =	vld [tilespmem:s30+$0x3000];
	[tilespmem:v52+s6+$0x0] =	vst.idx.msk $0xffff, v14;
	v14 =	vand.u32 $0x380, v21;
	v13 =	vadd.s32 v13, v17  }
0x8a4: {  	v46 =	vshrl.u32 v42, $0x3;
	v17 =	vand.u32 $0x7F, v22;
	v13 =	vor.u32 v14, v13  }
0x8a5: {  	v56 =	vld [tilespmem:s20+$0x3000];
	v58 =	vshrl.u32 v43, $0x3;
	v48 =	vshll.u32 v39, $0x3;
	v57 =	vor.u32 v17, v13  }
0x8a6: {  	v42 =	vshll.u32 v42, $0x7;
	v43 =	vshll.u32 v43, $0x7;
	v39 =	vand.u32 $0x7F, v39  }
0x8a7: {  	v45 =	vshrl.u32 v41, $0x3;
	v46 =	vmul.u32 $0xC00, v46;
	v44 =	vmul.u32 $0xC00, v58  }
0x8a8: {  	v41 =	vshll.u32 v41, $0x7;
	v48 =	vand.u32 $0xFFFFFC00, v48;
	v42 =	vand.u32 $0x380, v42  }
0x8a9: {  	v43 =	vand.u32 $0x380, v43;
	v52 =	vsub.s32 v31, v12;
	v31 =	vadd.s32 $0xFFFFFE80, v30  }
0x8aa: {  	v45 =	vmul.u32 $0xC00, v45;
	v41 =	vand.u32 $0x80, v41;
	vm8 =	vgt.s32 v52, $0x17F;
	[tilespmem:v57+s6+$0x0] =	vst.idx.msk $0xffff, v56  }
0x8ab: {  	v31 =	vsel vm0, v31, v30;
	v44 =	vadd.s32 v48, v44;
	v14 =	vadd.s32 $0xFFFFFE80, v55;
	v38 =	vld [tilespmem:s20+$0x9010]  }
0x8ac: {  	v60 =	vor.u32 v43, v44;
	v13 =	vadd.s32 $0xFFFFFE80, v40;
	v36 =	vsel vm2, v14, v55  }
0x8ad: {  	v39 =	vor.u32 v39, v60;
	v55 =	vadd.s32 $0xFFFFFE80, v52;
	v40 =	vsel vm15, v13, v40  }
0x8ae: {  	s5 =	sor.u32 $0x400, s14;
	s4 =	sor.u32 $0x400, s13;
	v59 =	vshll.u32 v36, $0x3;
	v36 =	vand.u32 $0x7F, v36;
	v30 =	vsel vm8, v55, v52  }
0x8af: {  	v24 =	vld [tilespmem:s1+$0x3000];
	s1 =	smov.u32 s31;
	s31 =	smov.u32 s4;
	s4 =	smov.u32 s5;
	v47 =	vshll.u32 v40, $0x3;
	v37 =	vand.u32 $0xFFFFFC00, v59;
	v40 =	vand.u32 $0x7F, v40  }
0x8b0: {  	[dreg:$0x16] =	wrdreg s4;
	v27 =	vld [tilespmem:s23+$0x9000];
	v47 =	vand.u32 $0xFFFFFC00, v47;
	v37 =	vadd.s32 v37, v46;
	v38 =	vsub.s32 v38, v15  }
0x8b1: {  	s4 =	rddreg [dreg:$0x6];
	v45 =	vadd.s32 v47, v45;
	v37 =	vor.u32 v42, v37;
	vm6 =	vgt.s32 v38, $0x17F  }
0x8b2: {  	s30 =	rddreg [dreg:$0x7];
	v22 =	vld [tilespmem:s4+$0x9000];
	v41 =	vor.u32 v41, v45;
	v62 =	vadd.s32 $0xFFFFFE80, v38;
	v61 =	vsel vm6, s29, v16  }
0x8b3: {  	v21 =	vld [tilespmem:s30+$0x9000];
	v36 =	vor.u32 v36, v37;
	v38 =	vsel vm6, v62, v38;
	v63 =	vshrl.u32 v61, $0x3  }
0x8b4: {  	v14 =	vld [tilespmem:s23+$0x3000];
	[tilespmem:v39+s6+$0x0] =	vst.idx.msk $0xffff, v35;
	v40 =	vor.u32 v40, v41;
	v49 =	vshll.u32 v38, $0x3;
	v48 =	vmul.u32 $0xC00, v63  }
0x8b5: {  	v27 =	vsub.s32 v27, v1;
	v59 =	vld [tilespmem:s8+$0x9010];
	v43 =	vshll.u32 v61, $0x7;
	v50 =	vand.u32 $0xFFFFFC00, v49  }
0x8b6: {  	v17 =	vld [tilespmem:s30+$0x3000];
	v46 =	vshll.u32 v30, $0x3;
	v51 =	vand.u32 $0x380, v43;
	v37 =	vadd.s32 v50, v48  }
0x8b7: {  	v13 =	vld [tilespmem:s4+$0x3000];
	v22 =	vsub.s32 v22, v4;
	v38 =	vand.u32 $0x7F, v38;
	v37 =	vor.u32 v51, v37  }
0x8b8: {  	v53 =	vld [tilespmem:s20+$0x3010];
	[tilespmem:v36+s6+$0x0] =	vst.idx.msk $0xffff, v54;
	v54 =	vadd.s32 $0xFFFFFE80, v32;
	v36 =	vsel vm8, s17, v9;
	v37 =	vor.u32 v38, v37  }
0x8b9: {  	vm8 =	vgt.s32 v27, $0x17F;
	[tilespmem:v40+s6+$0x0] =	vst.idx.msk $0xffff, v33;
	v33 =	vsel vm0, s9, v11;
	v56 =	vld [tilespmem:s24+$0x9010];
	v32 =	vsel vm7, v54, v32  }
0x8ba: {  	v60 =	vshrl.u32 v36, $0x3;
	v45 =	vsub.s32 v59, v20;
	v36 =	vshll.u32 v36, $0x7;
	v40 =	vld [tilespmem:s28+$0x9010]  }
0x8bb: {  	v57 =	vshrl.u32 v33, $0x3;
	v34 =	vmul.u32 $0xC00, v60;
	vm11 =	vgt.s32 v45, $0x17F  }
0x8bc: {  	v54 =	vadd.s32 $0xFFFFFE80, v45;
	v33 =	vshll.u32 v33, $0x7;
	v35 =	vmul.u32 $0xC00, v57  }
0x8bd: {  	v62 =	vshll.u32 v32, $0x3;
	v45 =	vsel vm11, v54, v45;
	v33 =	vand.u32 $0x80, v33;
	[tilespmem:v37+s6+$0x0] =	vst.idx.msk $0xffff, v53  }
0x8be: {  	v32 =	vand.u32 $0x7F, v32;
	v61 =	vshll.u32 v31, $0x3;
	v44 =	vsub.s32 v56, v18;
	v42 =	vld [tilespmem:s20+$0x9020]  }
0x8bf: {  	v43 =	vand.u32 $0xFFFFFC00, v62;
	v40 =	vsub.s32 v40, v23;
	vm10 =	vgt.s32 v44, $0x17F  }
0x8c0: {  	v52 =	vadd.s32 $0xFFFFFE80, v44;
	vm9 =	vgt.s32 v40, $0x17F;
	v63 =	vadd.s32 $0xFFFFFE80, v40  }
0x8c1: {  	v51 =	vsel vm10, s18, v29;
	v44 =	vsel vm10, v52, v44;
	v38 =	vsel vm7, s1, v8  }
0x8c2: {  	v50 =	vsel vm9, s10, v19;
	v56 =	vshrl.u32 v51, $0x3;
	v40 =	vsel vm9, v63, v40  }
0x8c3: {  	v63 =	vshll.u32 v44, $0x3;
	v51 =	vshll.u32 v51, $0x7;
	v42 =	vsub.s32 v42, v15  }
0x8c4: {  	v44 =	vand.u32 $0x7F, v44;
	v58 =	vshrl.u32 v38, $0x3;
	vm12 =	vgt.s32 v42, $0x17F  }
0x8c5: {  	v55 =	vshrl.u32 v50, $0x3;
	v57 =	vadd.s32 $0xFFFFFE80, v42;
	v60 =	vsel vm12, s29, v16  }
0x8c6: {  	v37 =	vand.u32 $0xFFFFFC00, v61;
	v42 =	vsel vm12, v57, v42;
	v61 =	vshrl.u32 v60, $0x3  }
0x8c7: {  	v62 =	vshll.u32 v40, $0x3;
	v57 =	vshll.u32 v42, $0x3;
	v52 =	vmul.u32 $0xC00, v61  }
0x8c8: {  	v50 =	vshll.u32 v50, $0x7;
	v48 =	vshll.u32 v60, $0x7;
	v57 =	vand.u32 $0xFFFFFC00, v57  }
0x8c9: {  	v40 =	vand.u32 $0x7F, v40;
	v48 =	vand.u32 $0x380, v48;
	v52 =	vadd.s32 v57, v52  }
0x8ca: {  	v54 =	vmul.u32 $0xC00, v55;
	v42 =	vand.u32 $0x7F, v42;
	v48 =	vor.u32 v48, v52  }
0x8cb: {  	v55 =	vmul.u32 $0xC00, v56;
	v60 =	vand.u32 $0xFFFFFC00, v62;
	v57 =	vld [tilespmem:s20+$0x3020];
	v42 =	vor.u32 v42, v48  }
0x8cc: {  	v56 =	vand.u32 $0xFFFFFC00, v63;
	v50 =	vand.u32 $0x80, v50;
	v48 =	vadd.s32 v60, v54  }
0x8cd: {  	v55 =	vadd.s32 v56, v55;
	v54 =	vand.u32 $0x380, v51;
	v48 =	vor.u32 v50, v48  }
0x8ce: {  	v41 =	vld [tilespmem:s28+$0x3010];
	v39 =	vmul.u32 $0xC00, v58;
	v50 =	vor.u32 v54, v55;
	v40 =	vor.u32 v40, v48  }
0x8cf: {  	v47 =	vld [tilespmem:s24+$0x3010];
	vm7 =	vgt.s32 v22, $0x17F;
	v38 =	vshll.u32 v38, $0x7;
	v44 =	vor.u32 v44, v50  }
0x8d0: {  	v38 =	vand.u32 $0x380, v38;
	v59 =	vadd.s32 v43, v39;
	v53 =	vsel vm11, s7, v28;
	[tilespmem:v42+s6+$0x0] =	vst.idx.msk $0xffff, v57  }
0x8d1: {  	v43 =	vand.u32 $0x7F, v31;
	v58 =	vshrl.u32 v53, $0x3;
	v53 =	vshll.u32 v53, $0x7;
	v57 =	vld [tilespmem:s20+$0x9030]  }
0x8d2: {  	v35 =	vadd.s32 v37, v35;
	v37 =	vor.u32 v38, v59;
	v56 =	vand.u32 $0x380, v53  }
0x8d3: {  	v33 =	vor.u32 v33, v35;
	v62 =	vshll.u32 v45, $0x3;
	v61 =	vmul.u32 $0xC00, v58;
	[tilespmem:v40+s6+$0x0] =	vst.idx.msk $0xffff, v41  }
0x8d4: {  	v32 =	vor.u32 v32, v37;
	v33 =	vor.u32 v43, v33;
	v63 =	vand.u32 $0xFFFFFC00, v62;
	[tilespmem:v44+s6+$0x0] =	vst.idx.msk $0xffff, v47;
	v62 =	vld [tilespmem:s28+$0x9020]  }
0x8d5: {  	v45 =	vand.u32 $0x7F, v45;
	v58 =	vand.u32 $0xFFFFFC00, v46;
	v52 =	vadd.s32 v63, v61;
	v50 =	vld [tilespmem:s24+$0x9020]  }
0x8d6: {  	v34 =	vadd.s32 v58, v34;
	v42 =	vor.u32 v56, v52;
	v60 =	vsub.s32 v57, v15  }
0x8d7: {  	v49 =	vld [tilespmem:s8+$0x3010];
	v61 =	vand.u32 $0x380, v36;
	v42 =	vor.u32 v45, v42;
	vm13 =	vgt.s32 v60, $0x17F  }
0x8d8: {  	v34 =	vor.u32 v61, v34;
	v48 =	vadd.s32 $0xFFFFFE80, v60;
	v63 =	vsel vm13, s29, v16  }
0x8d9: {  	v39 =	vsel vm13, v48, v60;
	v36 =	vsub.s32 v62, v23;
	v51 =	vshrl.u32 v63, $0x3  }
0x8da: {  	s16 =	sor.u32 $0x410, s13;
	v38 =	vsub.s32 v50, v18;
	v53 =	vshll.u32 v39, $0x3;
	v52 =	vmul.u32 $0xC00, v51  }
0x8db: {  	[smem:$0x7E3] =	sst s16;
	s16 =	sor.u32 $0x420, s13;
	v40 =	vshll.u32 v63, $0x7;
	v39 =	vand.u32 $0x7F, v39;
	v41 =	vand.u32 $0xFFFFFC00, v53  }
0x8dc: {  	[smem:$0x7E9] =	sst s16;
	s16 =	sor.u32 $0x420, s14;
	[tilespmem:v42+s6+$0x0] =	vst.idx.msk $0xffff, v49;
	vm14 =	vgt.s32 v36, $0x17F;
	v40 =	vand.u32 $0x380, v40;
	v35 =	vadd.s32 v41, v52  }
0x8dd: {  	[smem:$0x7EA] =	sst s16;
	s26 =	sor.u32 $0x410, s14;
	v42 =	vld [tilespmem:s8+$0x9020];
	vm15 =	vgt.s32 v38, $0x17F;
	v55 =	vadd.s32 $0xFFFFFE80, v36;
	v35 =	vor.u32 v40, v35  }
0x8de: {  	s16 =	sor.u32 $0x420, s11;
	[smem:$0x7E4] =	sst s26;
	s26 =	sor.u32 $0x400, s11;
	v54 =	vld [tilespmem:s20+$0x3030];
	v56 =	vadd.s32 $0xFFFFFE80, v38;
	v46 =	vsel vm15, s18, v29;
	v35 =	vor.u32 v39, v35  }
0x8df: {  	[dreg:$0x1a] =	wrdreg s26;
	s26 =	sor.u32 $0x410, s11;
	s11 =	sor.u32 $0x430, s11;
	v36 =	vsel vm14, v55, v36;
	v38 =	vsel vm15, v56, v38;
	v59 =	vshrl.u32 v46, $0x3  }
0x8e0: {  	s19 =	rddreg [dreg:$0x17];
	s5 =	smov.u32 s11;
	v62 =	vshll.u32 v36, $0x3;
	v55 =	vshll.u32 v38, $0x3;
	v46 =	vshll.u32 v46, $0x7  }
0x8e1: {  	[dreg:$0x17] =	wrdreg s5;
	v36 =	vand.u32 $0x7F, v36;
	v38 =	vand.u32 $0x7F, v38;
	v41 =	vand.u32 $0x7F, v30  }
0x8e2: {  	s14 =	sor.u32 $0x430, s14;
	s5 =	rddreg [dreg:$0xf];
	v1 =	vmovc v12;
	v42 =	vsub.s32 v42, v20;
	v63 =	vmul.u32 $0xC00, v59;
	v45 =	vand.u32 $0xFFFFFC00, v62  }
0x8e3: {  	s23 =	smov.u32 s14;
	s14 =	rddreg [dreg:$0xe];
	v12 =	vmovc v20;
	v50 =	vand.u32 $0xFFFFFC00, v55;
	v46 =	vand.u32 $0x380, v46;
	v55 =	vsub.s32 v21, v2;
	[tilespmem:v35+s6+$0x0] =	vst.idx.msk $0xffff, v54  }
0x8e4: {  	v2 =	vmovc v7;
	v20 =	vsel vm7, s5, v6;
	v7 =	vmovc v23;
	v6 =	vadd.s32 $0xFFFFFE80, v22;
	v23 =	vsel vm8, s14, v5;
	v54 =	vld [tilespmem:s20+$0x9040]  }
0x8e5: {  	v5 =	vadd.s32 $0xFFFFFE80, v27;
	vm4 =	vgt.s32 v42, $0x17F;
	v57 =	vadd.s32 $0xFFFFFE80, v42  }
0x8e6: {  	v34 =	vor.u32 v41, v34;
	v39 =	vsel vm14, s10, v19;
	v48 =	vsel vm4, s7, v28  }
0x8e7: {  	v58 =	vshrl.u32 v39, $0x3;
	v60 =	vshrl.u32 v48, $0x3;
	v39 =	vshll.u32 v39, $0x7  }
0x8e8: {  	v48 =	vshll.u32 v48, $0x7;
	v61 =	vmul.u32 $0xC00, v58;
	v40 =	vmul.u32 $0xC00, v60  }
0x8e9: {  	v39 =	vand.u32 $0x80, v39;
	v59 =	vand.u32 $0x380, v48;
	v58 =	vsub.s32 v54, v15  }
0x8ea: {  	v35 =	vsel vm4, v57, v42;
	v42 =	vadd.s32 v45, v61;
	vm5 =	vgt.s32 v58, $0x17F  }
0x8eb: {  	v57 =	vadd.s32 v50, v63;
	v61 =	vadd.s32 $0xFFFFFE80, v58;
	v60 =	vsel vm5, s29, v16  }
0x8ec: {  	v56 =	vshll.u32 v35, $0x3;
	v47 =	vsel vm5, v61, v58;
	v62 =	vshrl.u32 v60, $0x3  }
0x8ed: {  	v39 =	vor.u32 v39, v42;
	v52 =	vshll.u32 v47, $0x3;
	v63 =	vmul.u32 $0xC00, v62  }
0x8ee: {  	v45 =	vor.u32 v46, v57;
	v46 =	vshll.u32 v60, $0x7;
	v48 =	vand.u32 $0xFFFFFC00, v52  }
0x8ef: {  	v44 =	vld [tilespmem:s28+$0x3020];
	v36 =	vor.u32 v36, v39;
	v46 =	vand.u32 $0x380, v46;
	v42 =	vadd.s32 v48, v63  }
0x8f0: {  	v31 =	vld [tilespmem:s24+$0x3020];
	v38 =	vor.u32 v38, v45;
	v53 =	vand.u32 $0x7F, v47;
	v42 =	vor.u32 v46, v42  }
0x8f1: {  	s4 =	rddreg [dreg:$0xc];
	vm6 =	vgt.s32 v55, $0x17F;
	v51 =	vand.u32 $0xFFFFFC00, v56;
	v54 =	vld [tilespmem:s20+$0x3040];
	v39 =	vor.u32 v53, v42  }
0x8f2: {  	v21 =	vsel vm6, s4, v3;
	v3 =	vmovc v11;
	v11 =	vmovc v19;
	v19 =	vsel vm7, v6, v22;
	v40 =	vadd.s32 v51, v40  }
0x8f3: {  	v22 =	vsel vm8, v5, v27;
	v35 =	vand.u32 $0x7F, v35;
	v40 =	vor.u32 v59, v40  }
0x8f4: {  	v30 =	vld [tilespmem:s8+$0x3020];
	v6 =	vmovc v8;
	v8 =	vmov v29;
	v29 =	vshll.u32 v22, $0x3;
	v35 =	vor.u32 v35, v40;
	[tilespmem:v36+s6+$0x0] =	vst.idx.msk $0xffff, v44  }
0x8f5: {  	v4 =	vmovc v10;
	v29 =	vand.u32 $0xFFFFFC00, v29;
	v56 =	vadd.s32 $0xFFFFFE80, v55;
	v59 =	vshrl.u32 v20, $0x3;
	[tilespmem:v38+s6+$0x0] =	vst.idx.msk $0xffff, v31;
	v57 =	vld [tilespmem:s28+$0x9030]  }
0x8f6: {  	v10 =	vmovc v18;
	v18 =	vsel vm6, v56, v55;
	v20 =	vshll.u32 v20, $0x7;
	v27 =	vmul.u32 $0xC00, v59;
	v38 =	vld [tilespmem:s24+$0x9030];
	[tilespmem:v39+s6+$0x0] =	vst.idx.msk $0xffff, v54  }
0x8f7: {  	v20 =	vand.u32 $0x380, v20;
	v58 =	vshrl.u32 v21, $0x3;
	[tilespmem:v33+s6+$0x0] =	vst.idx.msk $0xffff, v24;
	v61 =	vshll.u32 v18, $0x3;
	v31 =	vld [tilespmem:s20+$0x9050]  }
0x8f8: {  	[tilespmem:v32+s6+$0x0] =	vst.idx.msk $0xffff, v25;
	v21 =	vshll.u32 v21, $0x7;
	v60 =	vshrl.u32 v23, $0x3;
	v24 =	vmul.u32 $0xC00, v58  }
0x8f9: {  	v23 =	vshll.u32 v23, $0x7;
	v21 =	vand.u32 $0x80, v21;
	[tilespmem:v35+s6+$0x0] =	vst.idx.msk $0xffff, v30;
	v62 =	vshll.u32 v19, $0x3  }
0x8fa: {  	v5 =	vmovc v9;
	v9 =	vmovc v28;
	v25 =	vmul.u32 $0xC00, v60;
	v30 =	vld [tilespmem:s8+$0x9030];
	[tilespmem:v34+s6+$0x0] =	vst.idx.msk $0xffff, v26;
	v26 =	vand.u32 $0xFFFFFC00, v61;
	v28 =	vand.u32 $0xFFFFFC00, v62  }
0x8fb: {  	v24 =	vadd.s32 v26, v24;
	v26 =	vadd.s32 v28, v27;
	v63 =	vsub.s32 v57, v7  }
0x8fc: {  	v38 =	vsub.s32 v38, v10;
	vm9 =	vgt.s32 v63, $0x17F;
	v31 =	vsub.s32 v31, v15  }
0x8fd: {  	v52 =	vadd.s32 $0xFFFFFE80, v63;
	vm11 =	vgt.s32 v38, $0x17F;
	vm10 =	vgt.s32 v31, $0x17F  }
0x8fe: {  	v58 =	vadd.s32 $0xFFFFFE80, v38;
	v54 =	vadd.s32 $0xFFFFFE80, v31;
	v53 =	vsel vm10, s29, v16  }
0x8ff: {  	[dreg:$0x1d] =	wrdreg s31;
	s31 =	smov.u32 s18;
	v55 =	vsub.s32 v30, v12;
	v41 =	vsel vm10, v54, v31;
	v30 =	vshrl.u32 v53, $0x3  }
0x900: {  	v46 =	vsel vm11, s31, v8;
	v56 =	vshll.u32 v41, $0x3;
	v30 =	vmul.u32 $0xC00, v30  }
0x901: {  	v33 =	vsel vm9, v52, v63;
	v57 =	vshll.u32 v53, $0x7;
	v45 =	vand.u32 $0xFFFFFC00, v56  }
0x902: {  	s11 =	rddreg [dreg:$0xa];
	v35 =	vsel vm11, v58, v38;
	v47 =	vand.u32 $0x380, v57;
	v45 =	vadd.s32 v45, v30  }
0x903: {  	s30 =	smov.u32 s19;
	s19 =	smov.u32 s11;
	v62 =	vshrl.u32 v46, $0x3;
	v41 =	vand.u32 $0x7F, v41;
	v45 =	vor.u32 v47, v45  }
0x904: {  	[dreg:$0x6] =	wrdreg s19;
	s19 =	smov.u32 s21;
	v46 =	vshll.u32 v46, $0x7;
	vm12 =	vgt.s32 v55, $0x17F;
	v60 =	vld [tilespmem:s20+$0x3050];
	v41 =	vor.u32 v41, v45  }
0x905: {  	s21 =	smov.u32 s10;
	s18 =	smov.u32 s26;
	s26 =	sld [smem:$0x7E4];
	v61 =	vadd.s32 $0xFFFFFE80, v55;
	v38 =	vmul.u32 $0xC00, v62;
	v62 =	vand.u32 $0x380, v46  }
0x906: {  	s13 =	sor.u32 $0x430, s13;
	v46 =	vand.u32 $0x7F, v35;
	v42 =	vsel vm12, v61, v55;
	v39 =	vsel vm9, s21, v11  }
0x907: {  	[dreg:$0x7] =	wrdreg s30;
	s30 =	smov.u32 s13;
	v58 =	vshll.u32 v42, $0x3;
	v59 =	vshrl.u32 v39, $0x3;
	v39 =	vshll.u32 v39, $0x7  }
0x908: {  	[dreg:$0xa] =	wrdreg s30;
	s30 =	smov.u32 s26;
	s26 =	simm.s32 $0x15000;
	v63 =	vmul.u32 $0xC00, v59;
	v39 =	vand.u32 $0x80, v39;
	v56 =	vshll.u32 v33, $0x3  }
0x909: {  	v40 =	vld [tilespmem:s0+$0x9000];
	v57 =	vshll.u32 v35, $0x3;
	v33 =	vand.u32 $0x7F, v33;
	v49 =	vand.u32 $0xFFFFFC00, v56;
	[tilespmem:v41+s26+$0x0] =	vst.idx.msk $0xffff, v60  }
0x90a: {  	[smem:$0x7E8] =	sst s16;
	v51 =	vand.u32 $0xFFFFFC00, v57;
	v59 =	vadd.s32 v49, v63;
	v47 =	vsel vm12, s7, v9;
	v60 =	vld [tilespmem:s20+$0x9060]  }
0x90b: {  	s16 =	smov.u32 s3;
	s3 =	rddreg [dreg:$0x1e];
	v36 =	vld [tilespmem:s28+$0x3030];
	v38 =	vadd.s32 v51, v38;
	v39 =	vor.u32 v39, v59;
	v55 =	vshrl.u32 v47, $0x3  }
0x90c: {  	v44 =	vld [tilespmem:s3+$0x9000];
	v38 =	vor.u32 v62, v38;
	v39 =	vor.u32 v33, v39;
	v45 =	vmul.u32 $0xC00, v55  }
0x90d: {  	s15 =	rddreg [dreg:$0x1b];
	v37 =	vld [tilespmem:s24+$0x3030];
	v61 =	vand.u32 $0xFFFFFC00, v58;
	v47 =	vshll.u32 v47, $0x7;
	v38 =	vor.u32 v46, v38  }
0x90e: {  	v43 =	vld [tilespmem:s15+$0x9000];
	v40 =	vsub.s32 v40, v2;
	v63 =	vand.u32 $0x380, v47;
	v45 =	vadd.s32 v61, v45  }
0x90f: {  	v32 =	vld [tilespmem:s15+$0x3000];
	v47 =	vand.u32 $0x7F, v42;
	v45 =	vor.u32 v63, v45;
	v48 =	vsub.s32 v60, v15  }
0x910: {  	v34 =	vld [tilespmem:s8+$0x3030];
	vm14 =	vgt.s32 v40, $0x17F;
	v41 =	vor.u32 v47, v45;
	vm13 =	vgt.s32 v48, $0x17F  }
0x911: {  	v31 =	vld [tilespmem:s0+$0x3000];
	v35 =	vsub.s32 v44, v1;
	[tilespmem:v39+s26+$0x0] =	vst.idx.msk $0xffff, v36;
	v50 =	vadd.s32 $0xFFFFFE80, v48;
	v49 =	vsel vm13, s29, v16  }
0x912: {  	vm8 =	vgt.s32 v35, $0x17F;
	[tilespmem:v38+s26+$0x0] =	vst.idx.msk $0xffff, v37;
	v54 =	vld [tilespmem:s28+$0x9040];
	v42 =	vsel vm13, v50, v48;
	v51 =	vshrl.u32 v49, $0x3  }
0x913: {  	v62 =	vadd.s32 $0xFFFFFE80, v40;
	v57 =	vld [tilespmem:s24+$0x9040];
	v53 =	vshll.u32 v42, $0x3;
	v52 =	vmul.u32 $0xC00, v51  }
0x914: {  	v33 =	vsub.s32 v43, v4;
	v56 =	vshll.u32 v49, $0x7;
	v55 =	vand.u32 $0xFFFFFC00, v53  }
0x915: {  	v30 =	vld [tilespmem:s3+$0x3000];
	vm15 =	vgt.s32 v33, $0x17F;
	[tilespmem:v41+s26+$0x0] =	vst.idx.msk $0xffff, v34;
	v58 =	vand.u32 $0x380, v56;
	v36 =	vadd.s32 v55, v52  }
0x916: {  	s4 =	smov.u32 s9;
	v43 =	vadd.s32 $0xFFFFFE80, v33;
	v60 =	vld [tilespmem:s8+$0x9040];
	v59 =	vand.u32 $0x7F, v42;
	v36 =	vor.u32 v58, v36  }
0x917: {  	s13 =	smov.u32 s17;
	v43 =	vsel vm15, v43, v33;
	v38 =	vsel vm14, s4, v3;
	v61 =	vld [tilespmem:s20+$0x3060];
	v36 =	vor.u32 v59, v36  }
0x918: {  	v47 =	vsel vm8, s13, v5;
	v44 =	vsub.s32 v54, v7;
	v39 =	vsub.s32 v57, v10  }
0x919: {  	vm9 =	vgt.s32 v44, $0x17F;
	v63 =	vadd.s32 $0xFFFFFE80, v44;
	vm10 =	vgt.s32 v39, $0x17F  }
0x91a: {  	v34 =	vsel vm14, v62, v40;
	v44 =	vsel vm9, v63, v44;
	v53 =	vsel vm10, s31, v8  }
0x91b: {  	v37 =	vsub.s32 v60, v12;
	v60 =	vadd.s32 $0xFFFFFE80, v39;
	v63 =	vshrl.u32 v53, $0x3  }
0x91c: {  	vm4 =	vgt.s32 v37, $0x17F;
	v62 =	vadd.s32 $0xFFFFFE80, v37;
	v39 =	vsel vm10, v60, v39;
	[tilespmem:v36+s26+$0x0] =	vst.idx.msk $0xffff, v61  }
0x91d: {  	v50 =	vmul.u32 $0xC00, v63;
	v37 =	vsel vm4, v62, v37;
	v62 =	vshll.u32 v39, $0x3;
	v42 =	vld [tilespmem:s20+$0x9070]  }
0x91e: {  	v53 =	vshll.u32 v53, $0x7;
	v52 =	vsel vm9, s21, v11;
	v57 =	vand.u32 $0xFFFFFC00, v62  }
0x91f: {  	v53 =	vand.u32 $0x380, v53;
	v55 =	vsel vm4, s7, v9;
	v50 =	vadd.s32 v57, v50  }
0x920: {  	v39 =	vand.u32 $0x7F, v39;
	v60 =	vshrl.u32 v55, $0x3;
	v50 =	vor.u32 v53, v50  }
0x921: {  	v63 =	vshll.u32 v37, $0x3;
	v54 =	vmul.u32 $0xC00, v60;
	v39 =	vor.u32 v39, v50  }
0x922: {  	v61 =	vshrl.u32 v52, $0x3;
	v52 =	vshll.u32 v52, $0x7;
	v42 =	vsub.s32 v42, v15  }
0x923: {  	v36 =	vmul.u32 $0xC00, v61;
	v61 =	vshll.u32 v44, $0x3;
	vm11 =	vgt.s32 v42, $0x17F  }
0x924: {  	v52 =	vand.u32 $0x80, v52;
	v60 =	vadd.s32 $0xFFFFFE80, v42;
	v59 =	vsel vm11, s29, v16  }
0x925: {  	v56 =	vand.u32 $0xFFFFFC00, v61;
	v42 =	vsel vm11, v60, v42;
	v60 =	vshrl.u32 v59, $0x3  }
0x926: {  	v36 =	vadd.s32 v56, v36;
	v61 =	vshll.u32 v42, $0x3;
	v56 =	vmul.u32 $0xC00, v60  }
0x927: {  	v49 =	vld [tilespmem:s24+$0x3040];
	v44 =	vand.u32 $0x7F, v44;
	v59 =	vshll.u32 v59, $0x7;
	v57 =	vand.u32 $0xFFFFFC00, v61  }
0x928: {  	v36 =	vor.u32 v52, v36;
	v62 =	vand.u32 $0x380, v59;
	v56 =	vadd.s32 v57, v56  }
0x929: {  	s11 =	rddreg [dreg:$0x9];
	v45 =	vld [tilespmem:s28+$0x3040];
	v36 =	vor.u32 v44, v36;
	v42 =	vand.u32 $0x7F, v42;
	v56 =	vor.u32 v62, v56  }
0x92a: {  	s9 =	sadd.s32 $0x2, s11;
	v55 =	vshll.u32 v55, $0x7;
	v58 =	vand.u32 $0xFFFFFC00, v63;
	v63 =	vld [tilespmem:s20+$0x3070];
	v42 =	vor.u32 v42, v56  }
0x92b: {  	s5 =	smov.u32 s1;
	s0 =	sand.u32 $0x3, s9;
	v46 =	vshrl.u32 v38, $0x3;
	v55 =	vand.u32 $0x380, v55;
	v54 =	vadd.s32 v58, v54  }
0x92c: {  	s2 =	sshll.u32 s0, $0x8;
	v41 =	vsel vm15, s5, v6;
	v37 =	vand.u32 $0x7F, v37;
	[tilespmem:v39+s26+$0x0] =	vst.idx.msk $0xffff, v49;
	v57 =	vor.u32 v55, v54  }
0x92d: {  	s2 =	sadd.s32 s16, s2;
	v40 =	vshrl.u32 v41, $0x3;
	v48 =	vadd.s32 $0xFFFFFE80, v35;
	v37 =	vor.u32 v37, v57;
	v57 =	vld [tilespmem:s24+$0x9050]  }
0x92e: {  	s10 =	sadd.s32 $0x100, s2;
	v41 =	vshll.u32 v41, $0x7;
	v40 =	vmul.u32 $0xC00, v40;
	v33 =	vsel vm8, v48, v35;
	[tilespmem:v36+s26+$0x0] =	vst.idx.msk $0xffff, v45  }
0x92f: {  	s1 =	sor.u32 $0x400, s10;
	v58 =	vmul.u32 $0xC00, v46;
	v52 =	vshll.u32 v38, $0x7;
	v59 =	vshrl.u32 v47, $0x3;
	v45 =	vld [tilespmem:s28+$0x9050];
	[tilespmem:v42+s26+$0x0] =	vst.idx.msk $0xffff, v63  }
0x930: {  	v60 =	vshll.u32 v34, $0x3;
	v61 =	vshll.u32 v43, $0x3;
	v36 =	vand.u32 $0x80, v52;
	v62 =	vld [tilespmem:s1+$0x9000]  }
0x931: {  	v51 =	vld [tilespmem:s8+$0x3040];
	v35 =	vmul.u32 $0xC00, v59;
	v53 =	vand.u32 $0xFFFFFC00, v61;
	v56 =	vshll.u32 v47, $0x7  }
0x932: {  	v61 =	vand.u32 $0x380, v56;
	v46 =	vsub.s32 v57, v10;
	v42 =	vand.u32 $0xFFFFFC00, v60  }
0x933: {  	v63 =	vshll.u32 v33, $0x3;
	v60 =	vand.u32 $0x380, v41;
	vm14 =	vgt.s32 v46, $0x17F  }
0x934: {  	v54 =	vadd.s32 v42, v58;
	v55 =	vand.u32 $0xFFFFFC00, v63;
	v58 =	vadd.s32 v53, v40  }
0x935: {  	v40 =	vand.u32 $0x7F, v43;
	v63 =	vsub.s32 v45, v7;
	v62 =	vsub.s32 v62, v15  }
0x936: {  	[tilespmem:v37+s26+$0x0] =	vst.idx.msk $0xffff, v51;
	v35 =	vadd.s32 v55, v35;
	v36 =	vor.u32 v36, v54;
	vm12 =	vgt.s32 v62, $0x17F  }
0x937: {  	v59 =	vld [tilespmem:s8+$0x9050];
	v37 =	vor.u32 v60, v58;
	v55 =	vadd.s32 $0xFFFFFE80, v62;
	v54 =	vsel vm12, s29, v16  }
0x938: {  	vm13 =	vgt.s32 v63, $0x17F;
	v42 =	vsel vm12, v55, v62;
	v56 =	vshrl.u32 v54, $0x3  }
0x939: {  	v58 =	vadd.s32 $0xFFFFFE80, v63;
	v57 =	vshll.u32 v42, $0x3;
	v45 =	vmul.u32 $0xC00, v56  }
0x93a: {  	v35 =	vor.u32 v61, v35;
	v44 =	vshll.u32 v54, $0x7;
	v48 =	vand.u32 $0xFFFFFC00, v57  }
0x93b: {  	v43 =	vsel vm13, v58, v63;
	v44 =	vand.u32 $0x380, v44;
	v45 =	vadd.s32 v48, v45  }
0x93c: {  	v38 =	vsub.s32 v59, v12;
	v42 =	vand.u32 $0x7F, v42;
	v44 =	vor.u32 v44, v45  }
0x93d: {  	v49 =	vld [tilespmem:s1+$0x3000];
	v37 =	vor.u32 v40, v37;
	vm15 =	vgt.s32 v38, $0x17F;
	v42 =	vor.u32 v42, v44  }
0x93e: {  	v59 =	vadd.s32 $0xFFFFFE80, v46;
	v51 =	vsel vm15, s7, v9;
	v62 =	vadd.s32 $0xFFFFFE80, v38  }
0x93f: {  	v63 =	vshrl.u32 v51, $0x3;
	v38 =	vsel vm15, v62, v38;
	v57 =	vshll.u32 v43, $0x3  }
0x940: {  	v43 =	vand.u32 $0x7F, v43;
	v48 =	vsel vm14, s31, v8;
	v45 =	vsel vm13, s21, v11  }
0x941: {  	v61 =	vshrl.u32 v48, $0x3;
	v48 =	vshll.u32 v48, $0x7;
	v60 =	vshrl.u32 v45, $0x3  }
0x942: {  	s2 =	sor.u32 $0x410, s10;
	v44 =	vsel vm14, v59, v46;
	v52 =	vmul.u32 $0xC00, v61;
	v59 =	vmul.u32 $0xC00, v63;
	[tilespmem:v42+s26+$0x0] =	vst.idx.msk $0xffff, v49  }
0x943: {  	v63 =	vshll.u32 v38, $0x3;
	v45 =	vshll.u32 v45, $0x7;
	v48 =	vand.u32 $0x380, v48;
	v62 =	vld [tilespmem:s2+$0x9000]  }
0x944: {  	v38 =	vand.u32 $0x7F, v38;
	v50 =	vmul.u32 $0xC00, v60;
	v58 =	vshll.u32 v44, $0x3  }
0x945: {  	v60 =	vand.u32 $0xFFFFFC00, v57;
	v54 =	vand.u32 $0xFFFFFC00, v63;
	v61 =	vand.u32 $0xFFFFFC00, v58  }
0x946: {  	v44 =	vand.u32 $0x7F, v44;
	v49 =	vadd.s32 v61, v52;
	v52 =	vshll.u32 v51, $0x7  }
0x947: {  	v42 =	vadd.s32 v54, v59;
	v54 =	vor.u32 v48, v49;
	v55 =	vand.u32 $0x380, v52  }
0x948: {  	v39 =	vld [tilespmem:s24+$0x3050];
	v42 =	vor.u32 v55, v42;
	v44 =	vor.u32 v44, v54;
	v56 =	vsub.s32 v62, v15  }
0x949: {  	v47 =	vld [tilespmem:s8+$0x3050];
	v45 =	vand.u32 $0x80, v45;
	v38 =	vor.u32 v38, v42;
	vm4 =	vgt.s32 v56, $0x17F  }
0x94a: {  	v46 =	vadd.s32 v60, v50;
	v58 =	vadd.s32 $0xFFFFFE80, v56;
	v57 =	vsel vm4, s29, v16  }
0x94b: {  	v45 =	vor.u32 v45, v46;
	v59 =	vsel vm4, v58, v56;
	v60 =	vshrl.u32 v57, $0x3  }
0x94c: {  	v41 =	vld [tilespmem:s28+$0x3050];
	v43 =	vor.u32 v43, v45;
	v49 =	vshll.u32 v59, $0x3;
	v48 =	vmul.u32 $0xC00, v60  }
0x94d: {  	v27 =	vadd.s32 v29, v25;
	s6 =	sld [smem:$0x7E6];
	[tilespmem:v44+s26+$0x0] =	vst.idx.msk $0xffff, v39;
	v44 =	vld [tilespmem:s2+$0x3000];
	v45 =	vshll.u32 v57, $0x7;
	v61 =	vand.u32 $0xFFFFFC00, v49  }
0x94e: {  	v29 =	vand.u32 $0x380, v23;
	[tilespmem:v38+s26+$0x0] =	vst.idx.msk $0xffff, v47;
	v46 =	vld [tilespmem:s24+$0x9060];
	v45 =	vand.u32 $0x380, v45;
	v42 =	vadd.s32 v61, v48  }
0x94f: {  	v34 =	vand.u32 $0x7F, v34;
	[tilespmem:v37+s26+$0x0] =	vst.idx.msk $0xffff, v32;
	v62 =	vand.u32 $0x7F, v59;
	v28 =	vld [tilespmem:s8+$0x9060];
	v63 =	vor.u32 v45, v42  }
0x950: {  	v25 =	vand.u32 $0x7F, v19;
	v34 =	vor.u32 v34, v36;
	v50 =	vld [tilespmem:s6+$0x9000];
	v36 =	vor.u32 v62, v63  }
0x951: {  	v21 =	vor.u32 v21, v24;
	v23 =	vor.u32 v20, v26;
	v33 =	vand.u32 $0x7F, v33;
	[tilespmem:v43+s26+$0x0] =	vst.idx.msk $0xffff, v41  }
0x952: {  	v24 =	vor.u32 v29, v27;
	v33 =	vor.u32 v33, v35;
	v47 =	vand.u32 $0x7F, v18;
	v45 =	vld [tilespmem:s28+$0x9060]  }
0x953: {  	v18 =	vand.u32 $0x7F, v22;
	v26 =	vor.u32 v47, v21;
	v27 =	vsub.s32 v46, v10  }
0x954: {  	vm6 =	vgt.s32 v27, $0x17F;
	v28 =	vsub.s32 v28, v12;
	v49 =	vadd.s32 $0xFFFFFE80, v27  }
0x955: {  	s11 =	sor.u32 $0x420, s10;
	s2 =	sld [smem:$0x7E5];
	v35 =	vsub.s32 v50, v4;
	v48 =	vsel vm6, s31, v8;
	vm7 =	vgt.s32 v28, $0x17F;
	[tilespmem:v36+s26+$0x0] =	vst.idx.msk $0xffff, v44  }
0x956: {  	[tilespmem:v34+s26+$0x0] =	vst.idx.msk $0xffff, v31;
	v53 =	vadd.s32 $0xFFFFFE80, v28;
	v52 =	vsel vm7, s7, v9;
	v55 =	vshrl.u32 v48, $0x3;
	v22 =	vld [tilespmem:s11+$0x9000]  }
0x957: {  	[tilespmem:v33+s26+$0x0] =	vst.idx.msk $0xffff, v30;
	v31 =	vld [tilespmem:s28+$0x3060];
	v33 =	vshll.u32 v48, $0x7;
	v40 =	vmul.u32 $0xC00, v55;
	v19 =	vsub.s32 v45, v7  }
0x958: {  	v32 =	vld [tilespmem:s2+$0x9000];
	v33 =	vand.u32 $0x380, v33;
	vm5 =	vgt.s32 v19, $0x17F;
	v21 =	vadd.s32 $0xFFFFFE80, v19  }
0x959: {  	v29 =	vsel vm5, s21, v11;
	v19 =	vsel vm5, v21, v19;
	v21 =	vld [tilespmem:s2+$0x3000];
	[tilespmem:v26+s26+$0x0] =	vst.idx.msk $0xffff, v17;
	v26 =	vsel vm6, v49, v27  }
0x95a: {  	s15 =	sld [smem:$0x7E3];
	v51 =	vshrl.u32 v29, $0x3;
	v61 =	vshll.u32 v19, $0x3;
	v62 =	vshll.u32 v26, $0x3  }
0x95b: {  	v29 =	vshll.u32 v29, $0x7;
	v26 =	vand.u32 $0x7F, v26;
	v56 =	vsub.s32 v22, v15  }
0x95c: {  	v36 =	vmul.u32 $0xC00, v51;
	v47 =	vand.u32 $0xFFFFFC00, v62;
	vm8 =	vgt.s32 v56, $0x17F  }
0x95d: {  	s17 =	smov.u32 s15;
	s15 =	sld [smem:$0x7E7];
	v40 =	vadd.s32 v47, v40;
	v58 =	vadd.s32 $0xFFFFFE80, v56;
	v57 =	vsel vm8, s29, v16  }
0x95e: {  	v33 =	vor.u32 v33, v40;
	v59 =	vsel vm8, v58, v56;
	v60 =	vshrl.u32 v57, $0x3  }
0x95f: {  	v20 =	vld [tilespmem:s24+$0x3060];
	v26 =	vor.u32 v26, v33;
	v42 =	vshll.u32 v59, $0x3;
	v41 =	vmul.u32 $0xC00, v60  }
0x960: {  	v54 =	vld [tilespmem:s15+$0x9000];
	v63 =	vand.u32 $0xFFFFFC00, v61;
	v34 =	vshll.u32 v57, $0x7;
	v42 =	vand.u32 $0xFFFFFC00, v42  }
0x961: {  	v29 =	vand.u32 $0x80, v29;
	v34 =	vand.u32 $0x380, v34;
	v41 =	vadd.s32 v42, v41  }
0x962: {  	v36 =	vadd.s32 v63, v36;
	v38 =	vand.u32 $0x7F, v59;
	v34 =	vor.u32 v34, v41  }
0x963: {  	v45 =	vld [tilespmem:s11+$0x3000];
	v19 =	vand.u32 $0x7F, v19;
	v29 =	vor.u32 v29, v36;
	v34 =	vor.u32 v38, v34  }
0x964: {  	v28 =	vsel vm7, v53, v28;
	v27 =	vshrl.u32 v52, $0x3;
	v22 =	vld [tilespmem:s6+$0x3000];
	v19 =	vor.u32 v19, v29;
	[tilespmem:v26+s26+$0x0] =	vst.idx.msk $0xffff, v20  }
0x965: {  	v50 =	vsub.s32 v54, v1;
	v46 =	vshll.u32 v28, $0x3;
	v27 =	vmul.u32 $0xC00, v27;
	v54 =	vld [tilespmem:s24+$0x9070]  }
0x966: {  	vm10 =	vgt.s32 v35, $0x17F;
	v37 =	vshll.u32 v52, $0x7;
	v38 =	vand.u32 $0xFFFFFC00, v46  }
0x967: {  	vm11 =	vgt.s32 v50, $0x17F;
	v48 =	vand.u32 $0x380, v37;
	v27 =	vadd.s32 v38, v27  }
0x968: {  	s10 =	sor.u32 $0x430, s10;
	v30 =	vld [tilespmem:s8+$0x3060];
	v28 =	vand.u32 $0x7F, v28;
	v32 =	vsub.s32 v32, v2;
	v27 =	vor.u32 v48, v27;
	[tilespmem:v34+s26+$0x0] =	vst.idx.msk $0xffff, v45  }
0x969: {  	vm9 =	vgt.s32 v32, $0x17F;
	v52 =	vadd.s32 $0xFFFFFE80, v35;
	[tilespmem:v19+s26+$0x0] =	vst.idx.msk $0xffff, v31;
	v49 =	vor.u32 v28, v27;
	v34 =	vld [tilespmem:s10+$0x9000]  }
0x96a: {  	v51 =	vadd.s32 $0xFFFFFE80, v32;
	v29 =	vsel vm10, s5, v6;
	v53 =	vld [tilespmem:s28+$0x9070];
	v60 =	vsub.s32 v54, v10  }
0x96b: {  	v40 =	vshrl.u32 v29, $0x3;
	v31 =	vadd.s32 $0xFFFFFE80, v50;
	vm14 =	vgt.s32 v60, $0x17F  }
0x96c: {  	v28 =	vsel vm9, s4, v3;
	v27 =	vsel vm11, s13, v5;
	v48 =	vsel vm14, s31, v8  }
0x96d: {  	v39 =	vshrl.u32 v28, $0x3;
	v54 =	vshrl.u32 v48, $0x3;
	v41 =	vshll.u32 v48, $0x7  }
0x96e: {  	v17 =	vld [tilespmem:s15+$0x3000];
	[tilespmem:v49+s26+$0x0] =	vst.idx.msk $0xffff, v30;
	v30 =	vshrl.u32 v27, $0x3;
	v49 =	vadd.s32 $0xFFFFFE80, v60;
	v15 =	vsub.s32 v34, v15  }
0x96f: {  	v34 =	vsub.s32 v53, v7;
	v53 =	vsel vm14, v49, v60;
	vm12 =	vgt.s32 v15, $0x17F  }
0x970: {  	v33 =	vld [tilespmem:s8+$0x9070];
	v19 =	vadd.s32 $0xFFFFFE80, v15;
	vm13 =	vgt.s32 v34, $0x17F;
	v63 =	vadd.s32 $0xFFFFFE80, v34  }
0x971: {  	v26 =	vsel vm12, s29, v16;
	v16 =	vsel vm9, v51, v32;
	v55 =	vsel vm12, v19, v15  }
0x972: {  	v15 =	vsel vm10, v52, v35;
	v62 =	vsel vm13, s21, v11;
	v34 =	vsel vm13, v63, v34  }
0x973: {  	v63 =	vand.u32 $0x7F, v53;
	v20 =	vshrl.u32 v26, $0x3;
	v57 =	vshll.u32 v55, $0x3  }
0x974: {  	v58 =	vshll.u32 v26, $0x7;
	v26 =	vsel vm11, v31, v50;
	v32 =	vand.u32 $0x7F, v55  }
0x975: {  	v33 =	vsub.s32 v33, v12;
	v50 =	vshrl.u32 v62, $0x3;
	v56 =	vmul.u32 $0xC00, v20  }
0x976: {  	v37 =	vand.u32 $0xFFFFFC00, v57;
	v59 =	vand.u32 $0x380, v58;
	vm15 =	vgt.s32 v33, $0x17F  }
0x977: {  	v52 =	vadd.s32 $0xFFFFFE80, v33;
	v55 =	vmul.u32 $0xC00, v50;
	v58 =	vshll.u32 v34, $0x3  }
0x978: {  	v34 =	vand.u32 $0x7F, v34;
	v51 =	vsel vm15, s7, v9;
	v35 =	vadd.s32 v37, v56  }
0x979: {  	v36 =	vand.u32 $0xFFFFFC00, v58;
	v56 =	vsel vm15, v52, v33;
	v35 =	vor.u32 v59, v35  }
0x97a: {  	[dreg:$0xe] =	wrdreg s13;
	v61 =	vld [tilespmem:s10+$0x3000];
	v57 =	vshrl.u32 v51, $0x3;
	v37 =	vmul.u32 $0xC00, v54;
	v32 =	vor.u32 v32, v35  }
0x97b: {  	[dreg:$0xf] =	wrdreg s5;
	v36 =	vadd.s32 v36, v55;
	v44 =	vshll.u32 v51, $0x7;
	v59 =	vshll.u32 v53, $0x3  }
0x97c: {  	s22 =	sadd.s32 $0x4, s22;
	[dreg:$0x1e] =	wrdreg s30;
	v33 =	vmul.u32 $0xC00, v57;
	v45 =	vshll.u32 v56, $0x3;
	v35 =	vshll.u32 v62, $0x7  }
0x97d: {  	p3 =	slt.u32 s22, $0x2C;
	s30 =	sld [smem:$0x7EA];
	v43 =	vand.u32 $0xFFFFFC00, v59;
	v60 =	vand.u32 $0xFFFFFC00, v45;
	v62 =	vand.u32 $0x380, v44  }
.Ltmp5:
0x97e: {  	s3 =	smov.u32 s16;
	s16 =	sld [smem:$0x7E8];
	v35 =	vand.u32 $0x80, v35;
	v37 =	vadd.s32 v43, v37;
	v33 =	vadd.s32 v60, v33;
	(pc) =	sbr.rel @p3 .LBB2_9-.Ltmp5, $4  }
0x97f: {  	s20 =	sld [smem:$0x7E9];
	v35 =	vor.u32 v35, v36;
	v33 =	vor.u32 v62, v33;
	[tilespmem:v32+s26+$0x0] =	vst.idx.msk $0xffff, v61;
	v61 =	vand.u32 $0x380, v41  }
0x980: {  	s25 =	sadd.s32 $0x4, s25;
	[dreg:$0xc] =	wrdreg s4;
	v19 =	vld [tilespmem:s28+$0x3070];
	v32 =	vand.u32 $0x7F, v56;
	v36 =	vor.u32 v61, v37;
	v37 =	vor.u32 v34, v35  }
0x981: {  	p1 =	por !p1, !p1;
	s14 =	smov.u32 s7;
	[dreg:$0x1b] =	wrdreg s17;
	v31 =	vld [tilespmem:s8+$0x3070];
	v35 =	vshll.u32 v16, $0x3;
	v34 =	vshll.u32 v15, $0x3;
	v38 =	vor.u32 v63, v36  }
0x982: {  	s17 =	smov.u32 s16;
	s16 =	smov.u32 s20;
	s6 =	smov.u32 s30;
	v20 =	vld [tilespmem:s24+$0x3070];
	v36 =	vor.u32 v32, v33;
	v33 =	vmul.u32 $0xC00, v39;
	v32 =	vmul.u32 $0xC00, v40  }
0x983: {  	_ =	sdelay $0x3  }
0x984: {  	[tilespmem:v37+s26+$0x0] =	vst.idx.msk $0xffff, v19  }
0x985: {  	s1 =	rddreg [dreg:$0x1a]  }
0x986: {  	v19 =	vld [tilespmem:s1+$0x9000];
	[tilespmem:v38+s26+$0x0] =	vst.idx.msk $0xffff, v20  }
0x987: {  	s2 =	rddreg [dreg:$0x1d];
	[tilespmem:v36+s26+$0x0] =	vst.idx.msk $0xffff, v31  }
0x988: {  	v20 =	vld [tilespmem:s2+$0x9000];
	s0 =	rddreg [dreg:$0x16]  }
0x989: {  	v31 =	vld [tilespmem:s0+$0x9000];
	_ =	sdelay $0x1  }
0x98a: {  	v19 =	vsub.s32 v19, v7  }
0x98b: {  	vm0 =	vgt.s32 v19, $0x17F  }
0x98c: {  	v52 =	vadd.s32 $0xFFFFFE80, v19;
	v20 =	vsub.s32 v20, v10;
	v51 =	vsel vm0, s21, v11  }
0x98d: {  	v19 =	vsel vm0, v52, v19;
	v31 =	vsub.s32 v31, v12;
	vm1 =	vgt.s32 v20, $0x17F  }
0x98e: {  	v39 =	vadd.s32 $0xFFFFFE80, v20;
	v41 =	vshrl.u32 v51, $0x3;
	v42 =	vshll.u32 v19, $0x3  }
0x98f: {  	v36 =	vshll.u32 v51, $0x7;
	v19 =	vand.u32 $0x7F, v19;
	vm2 =	vgt.s32 v31, $0x17F  }
0x990: {  	v53 =	vsel vm1, s31, v8;
	v54 =	vadd.s32 $0xFFFFFE80, v31;
	v20 =	vsel vm1, v39, v20  }
0x991: {  	v41 =	vmul.u32 $0xC00, v41;
	v42 =	vand.u32 $0xFFFFFC00, v42;
	v36 =	vand.u32 $0x80, v36  }
0x992: {  	v40 =	vsel vm2, s14, v9;
	v55 =	vshrl.u32 v53, $0x3;
	v31 =	vsel vm2, v54, v31  }
0x993: {  	v43 =	vshll.u32 v20, $0x3;
	v38 =	vshll.u32 v53, $0x7;
	v20 =	vand.u32 $0x7F, v20  }
0x994: {  	v56 =	vshrl.u32 v40, $0x3;
	v39 =	vmul.u32 $0xC00, v55;
	v41 =	vadd.s32 v42, v41  }
0x995: {  	v57 =	vand.u32 $0xFFFFFC00, v43;
	v58 =	vshll.u32 v31, $0x3;
	v38 =	vand.u32 $0x380, v38  }
0x996: {  	v59 =	vshll.u32 v40, $0x7;
	v37 =	vmul.u32 $0xC00, v56;
	v36 =	vor.u32 v36, v41  }
0x997: {  	v42 =	vand.u32 $0xFFFFFC00, v58;
	v39 =	vadd.s32 v57, v39;
	v19 =	vor.u32 v19, v36  }
0x998: {  	v60 =	vld [tilespmem:s1+$0x3000];
	v37 =	vadd.s32 v42, v37;
	v38 =	vor.u32 v38, v39;
	v39 =	vand.u32 $0x380, v59  }
0x999: {  	v61 =	vld [tilespmem:s2+$0x3000];
	v31 =	vand.u32 $0x7F, v31;
	v37 =	vor.u32 v39, v37;
	v20 =	vor.u32 v20, v38  }
0x99a: {  	v62 =	vld [tilespmem:s0+$0x3000];
	v31 =	vor.u32 v31, v37;
	_ =	sdelay $0x1  }
0x99b: {  	v35 =	vand.u32 $0xFFFFFC00, v35  }
0x99c: {  	v30 =	vmul.u32 $0xC00, v30;
	v63 =	vshll.u32 v26, $0x3;
	v28 =	vshll.u32 v28, $0x7;
	[tilespmem:v19+s26+$0x0] =	vst.idx.msk $0xffff, v60  }
0x99d: {  	v29 =	vshll.u32 v29, $0x7;
	v27 =	vshll.u32 v27, $0x7;
	v16 =	vand.u32 $0x7F, v16;
	v41 =	vld [tilespmem:s18+$0x9000];
	[tilespmem:v20+s26+$0x0] =	vst.idx.msk $0xffff, v61  }
0x99e: {  	v15 =	vand.u32 $0x7F, v15;
	v45 =	vand.u32 $0x7F, v26;
	v33 =	vadd.s32 v35, v33;
	[tilespmem:v31+s26+$0x0] =	vst.idx.msk $0xffff, v62  }
0x99f: {  	v28 =	vand.u32 $0x80, v28;
	v29 =	vand.u32 $0x380, v29;
	v42 =	vand.u32 $0xFFFFFC00, v63;
	s12 =	rddreg [dreg:$0x1b]  }
0x9a0: {  	v27 =	vand.u32 $0x380, v27;
	v28 =	vor.u32 v28, v33;
	v30 =	vadd.s32 v42, v30;
	s15 =	rddreg [dreg:$0x1e];
	v43 =	vld [tilespmem:s12+$0x9000]  }
0x9a1: {  	v16 =	vor.u32 v16, v28;
	v40 =	vand.u32 $0xFFFFFC00, v34;
	v27 =	vor.u32 v27, v30;
	v44 =	vld [tilespmem:s15+$0x9000]  }
0x9a2: {  	v46 =	vor.u32 v45, v27;
	v19 =	vadd.s32 v40, v32;
	v20 =	vsub.s32 v41, v7  }
0x9a3: {  	v19 =	vor.u32 v29, v19;
	vm4 =	vgt.s32 v20, $0x17F;
	v51 =	vadd.s32 $0xFFFFFE80, v20  }
0x9a4: {  	v15 =	vor.u32 v15, v19;
	v49 =	vsel vm4, s21, v11;
	v20 =	vsel vm4, v51, v20  }
0x9a5: {  	v52 =	vshrl.u32 v49, $0x3;
	v58 =	vshll.u32 v20, $0x3;
	v28 =	vshll.u32 v49, $0x7  }
0x9a6: {  	v20 =	vand.u32 $0x7F, v20;
	v47 =	vsub.s32 v43, v10;
	v48 =	vsub.s32 v44, v12  }
0x9a7: {  	v56 =	vmul.u32 $0xC00, v52;
	v34 =	vand.u32 $0xFFFFFC00, v58;
	v28 =	vand.u32 $0x80, v28  }
0x9a8: {  	vm5 =	vgt.s32 v47, $0x17F;
	vm6 =	vgt.s32 v48, $0x17F;
	v31 =	vadd.s32 $0xFFFFFE80, v47  }
0x9a9: {  	v54 =	vadd.s32 $0xFFFFFE80, v48;
	v50 =	vsel vm5, s31, v8;
	v53 =	vsel vm6, s14, v9  }
0x9aa: {  	v26 =	vsel vm5, v31, v47;
	v27 =	vsel vm6, v54, v48;
	v63 =	vadd.s32 v34, v56  }
0x9ab: {  	v55 =	vshrl.u32 v50, $0x3;
	v57 =	vshrl.u32 v53, $0x3;
	v59 =	vshll.u32 v26, $0x3  }
0x9ac: {  	[tilespmem:v16+s26+$0x0] =	vst.idx.msk $0xffff, v21;
	v60 =	vshll.u32 v27, $0x3;
	v62 =	vshll.u32 v50, $0x7;
	v28 =	vor.u32 v28, v63  }
0x9ad: {  	v38 =	vld [tilespmem:s18+$0x3000];
	[tilespmem:v15+s26+$0x0] =	vst.idx.msk $0xffff, v22;
	v35 =	vshll.u32 v53, $0x7;
	v30 =	vmul.u32 $0xC00, v55;
	v20 =	vor.u32 v20, v28  }
0x9ae: {  	v40 =	vld [tilespmem:s12+$0x3000];
	s13 =	rddreg [dreg:$0x7];
	v39 =	vand.u32 $0x7F, v26;
	v32 =	vmul.u32 $0xC00, v57;
	v61 =	vand.u32 $0xFFFFFC00, v59  }
0x9af: {  	s20 =	rddreg [dreg:$0x6];
	v36 =	vld [tilespmem:s13+$0x9000];
	v34 =	vand.u32 $0xFFFFFC00, v60;
	v21 =	vand.u32 $0x380, v62;
	v16 =	vadd.s32 v61, v30  }
0x9b0: {  	[tilespmem:v46+s26+$0x0] =	vst.idx.msk $0xffff, v17;
	v37 =	vld [tilespmem:s20+$0x9000];
	v22 =	vand.u32 $0x380, v35;
	v15 =	vadd.s32 v34, v32;
	v16 =	vor.u32 v21, v16  }
0x9b1: {  	v44 =	vld [tilespmem:s19+$0x9000];
	v41 =	vand.u32 $0x7F, v27;
	v15 =	vor.u32 v22, v15;
	v21 =	vor.u32 v39, v16  }
0x9b2: {  	v42 =	vld [tilespmem:s15+$0x3000];
	v43 =	vor.u32 v41, v15;
	[tilespmem:v20+s26+$0x0] =	vst.idx.msk $0xffff, v38  }
0x9b3: {  	v45 =	vld [tilespmem:s17+$0x9000];
	_ =	sdelay $0x1  }
0x9b4: {  	v2 =	vsub.s32 v36, v2  }
0x9b5: {  	v4 =	vsub.s32 v37, v4;
	v1 =	vsub.s32 v44, v1;
	vm7 =	vgt.s32 v2, $0x17F;
	[tilespmem:v21+s26+$0x0] =	vst.idx.msk $0xffff, v40  }
0x9b6: {  	vm8 =	vgt.s32 v4, $0x17F;
	v47 =	vadd.s32 $0xFFFFFE80, v2;
	v48 =	vadd.s32 $0xFFFFFE80, v4;
	[tilespmem:v43+s26+$0x0] =	vst.idx.msk $0xffff, v42;
	v46 =	vld [tilespmem:s16+$0x9000]  }
0x9b7: {  	vm9 =	vgt.s32 v1, $0x17F;
	v15 =	vor.u32 v18, v24;
	v19 =	vld [tilespmem:s6+$0x9000];
	v18 =	vsub.s32 v45, v7  }
0x9b8: {  	v2 =	vsel vm7, v47, v2;
	v4 =	vsel vm8, v48, v4;
	vm10 =	vgt.s32 v18, $0x17F  }
0x9b9: {  	v22 =	vadd.s32 $0xFFFFFE80, v1;
	v51 =	vadd.s32 $0xFFFFFE80, v18;
	v50 =	vsel vm10, s21, v11  }
0x9ba: {  	v16 =	vor.u32 v25, v23;
	v18 =	vsel vm10, v51, v18;
	v57 =	vshrl.u32 v50, $0x3  }
0x9bb: {  	v61 =	vshll.u32 v18, $0x3;
	v23 =	vshll.u32 v50, $0x7;
	v18 =	vand.u32 $0x7F, v18  }
0x9bc: {  	v17 =	vsub.s32 v46, v10;
	v19 =	vsub.s32 v19, v12;
	v60 =	vmul.u32 $0xC00, v57  }
0x9bd: {  	v28 =	vand.u32 $0xFFFFFC00, v61;
	v23 =	vand.u32 $0x80, v23;
	vm11 =	vgt.s32 v17, $0x17F  }
0x9be: {  	v52 =	vadd.s32 $0xFFFFFE80, v17;
	vm12 =	vgt.s32 v19, $0x17F;
	v56 =	vadd.s32 $0xFFFFFE80, v19  }
0x9bf: {  	v53 =	vsel vm11, s31, v8;
	v17 =	vsel vm11, v52, v17;
	v55 =	vsel vm12, s14, v9  }
0x9c0: {  	v19 =	vsel vm12, v56, v19;
	v27 =	vadd.s32 v28, v60;
	v58 =	vshrl.u32 v53, $0x3  }
0x9c1: {  	v59 =	vshrl.u32 v55, $0x3;
	v62 =	vshll.u32 v17, $0x3;
	v63 =	vshll.u32 v19, $0x3  }
0x9c2: {  	v25 =	vshll.u32 v53, $0x7;
	v26 =	vshll.u32 v55, $0x7;
	v29 =	vmul.u32 $0xC00, v58  }
0x9c3: {  	v23 =	vor.u32 v23, v27;
	v17 =	vand.u32 $0x7F, v17;
	v31 =	vand.u32 $0xFFFFFC00, v62  }
0x9c4: {  	v30 =	vmul.u32 $0xC00, v59;
	v25 =	vand.u32 $0x380, v25;
	v29 =	vadd.s32 v31, v29  }
0x9c5: {  	v33 =	vld [tilespmem:s17+$0x3000];
	v32 =	vand.u32 $0xFFFFFC00, v63;
	v18 =	vor.u32 v18, v23;
	v25 =	vor.u32 v25, v29  }
0x9c6: {  	v34 =	vld [tilespmem:s16+$0x3000];
	v26 =	vand.u32 $0x380, v26;
	v28 =	vadd.s32 v32, v30;
	v17 =	vor.u32 v17, v25  }
0x9c7: {  	v37 =	vshll.u32 v2, $0x3;
	v19 =	vand.u32 $0x7F, v19;
	v26 =	vor.u32 v26, v28  }
0x9c8: {  	v2 =	vand.u32 $0x7F, v2;
	v1 =	vsel vm9, v22, v1;
	s22 =	rddreg [dreg:$0xc];
	v35 =	vld [tilespmem:s6+$0x3000];
	v19 =	vor.u32 v19, v26  }
0x9c9: {  	v38 =	vshll.u32 v4, $0x3;
	v39 =	vshll.u32 v1, $0x3;
	v4 =	vand.u32 $0x7F, v4;
	s24 =	rddreg [dreg:$0xf]  }
0x9ca: {  	v1 =	vand.u32 $0x7F, v1;
	v40 =	vand.u32 $0xFFFFFC00, v39;
	s25 =	rddreg [dreg:$0xe];
	v3 =	vsel vm7, s22, v3;
	[tilespmem:v18+s26+$0x0] =	vst.idx.msk $0xffff, v33  }
0x9cb: {  	v6 =	vsel vm8, s24, v6;
	v5 =	vsel vm9, s25, v5;
	v49 =	vshrl.u32 v3, $0x3;
	[tilespmem:v17+s26+$0x0] =	vst.idx.msk $0xffff, v34  }
0x9cc: {  	v54 =	vshrl.u32 v6, $0x3;
	v36 =	vshrl.u32 v5, $0x3;
	v3 =	vshll.u32 v3, $0x7;
	s3 =	rddreg [dreg:$0x17]  }
0x9cd: {  	v6 =	vshll.u32 v6, $0x7;
	v5 =	vshll.u32 v5, $0x7;
	v20 =	vmul.u32 $0xC00, v49;
	[tilespmem:v19+s26+$0x0] =	vst.idx.msk $0xffff, v35;
	v41 =	vld [tilespmem:s3+$0x9000]  }
0x9ce: {  	v24 =	vmul.u32 $0xC00, v54;
	v22 =	vmul.u32 $0xC00, v36;
	v3 =	vand.u32 $0x80, v3;
	s28 =	rddreg [dreg:$0xa];
	v21 =	vld [tilespmem:s23+$0x9000]  }
0x9cf: {  	v6 =	vand.u32 $0x380, v6;
	v25 =	vand.u32 $0xFFFFFC00, v37;
	v26 =	vand.u32 $0xFFFFFC00, v38;
	v43 =	vld [tilespmem:s28+$0x9000]  }
0x9d0: {  	v5 =	vand.u32 $0x380, v5;
	v20 =	vadd.s32 v25, v20;
	v42 =	vadd.s32 v26, v24  }
0x9d1: {  	v18 =	vadd.s32 v40, v22;
	v3 =	vor.u32 v3, v20;
	v6 =	vor.u32 v6, v42  }
0x9d2: {  	v5 =	vor.u32 v5, v18;
	v2 =	vor.u32 v2, v3;
	v3 =	vor.u32 v4, v6  }
0x9d3: {  	v1 =	vor.u32 v1, v5;
	v44 =	vsub.s32 v41, v7;
	v46 =	vsub.s32 v21, v12  }
0x9d4: {  	v45 =	vsub.s32 v43, v10;
	vm13 =	vgt.s32 v44, $0x17F;
	vm15 =	vgt.s32 v46, $0x17F  }
0x9d5: {  	v48 =	vadd.s32 $0xFFFFFE80, v44;
	v12 =	vadd.s32 $0xFFFFFE80, v46;
	vm14 =	vgt.s32 v45, $0x17F  }
0x9d6: {  	v47 =	vsel vm13, s21, v11;
	v50 =	vadd.s32 $0xFFFFFE80, v45;
	v51 =	vsel vm15, s14, v9  }
0x9d7: {  	v4 =	vsel vm13, v48, v44;
	v6 =	vsel vm15, v12, v46;
	v52 =	vshrl.u32 v47, $0x3  }
0x9d8: {  	v49 =	vsel vm14, s31, v8;
	v55 =	vshll.u32 v4, $0x3;
	v10 =	vmul.u32 $0xC00, v52  }
0x9d9: {  	v58 =	vld [tilespmem:s13+$0x3000];
	v5 =	vsel vm14, v50, v45;
	v7 =	vshll.u32 v47, $0x7;
	v12 =	vand.u32 $0xFFFFFC00, v55  }
0x9da: {  	v60 =	vld [tilespmem:s20+$0x3000];
	v54 =	vshrl.u32 v51, $0x3;
	v7 =	vand.u32 $0x80, v7;
	v10 =	vadd.s32 v12, v10  }
0x9db: {  	v61 =	vld [tilespmem:s19+$0x3000];
	v57 =	vshll.u32 v6, $0x3;
	v4 =	vand.u32 $0x7F, v4;
	v7 =	vor.u32 v7, v10  }
0x9dc: {  	[tilespmem:v16+s26+$0x0] =	vst.idx.msk $0xffff, v13;
	v62 =	vld [tilespmem:s3+$0x3000];
	v9 =	vshll.u32 v51, $0x7;
	v53 =	vshrl.u32 v49, $0x3;
	v4 =	vor.u32 v4, v7  }
0x9dd: {  	[tilespmem:v15+s26+$0x0] =	vst.idx.msk $0xffff, v14;
	v56 =	vshll.u32 v5, $0x3;
	v11 =	vmul.u32 $0xC00, v54;
	v17 =	vmul.u32 $0xC00, v53  }
0x9de: {  	[tilespmem:v2+s26+$0x0] =	vst.idx.msk $0xffff, v58;
	v8 =	vshll.u32 v49, $0x7;
	v19 =	vand.u32 $0xFFFFFC00, v57;
	v18 =	vand.u32 $0xFFFFFC00, v56  }
0x9df: {  	[tilespmem:v3+s26+$0x0] =	vst.idx.msk $0xffff, v60;
	v9 =	vand.u32 $0x380, v9;
	v8 =	vand.u32 $0x380, v8;
	v59 =	vadd.s32 v18, v17  }
0x9e0: {  	s29 =	sld [smem:$0x7EB];
	[tilespmem:v1+s26+$0x0] =	vst.idx.msk $0xffff, v61;
	v5 =	vand.u32 $0x7F, v5;
	v11 =	vadd.s32 v19, v11;
	v8 =	vor.u32 v8, v59  }
0x9e1: {  	v63 =	vld [tilespmem:s28+$0x3000];
	v6 =	vand.u32 $0x7F, v6;
	v9 =	vor.u32 v9, v11;
	v5 =	vor.u32 v5, v8;
	[tilespmem:v4+s26+$0x0] =	vst.idx.msk $0xffff, v62  }
0x9e2: {  	v2 =	vld [tilespmem:s23+$0x3000];
	v6 =	vor.u32 v6, v9;
	s30 =	sld [smem:$0x7EC]  }
0x9e3: {  	s0 =	smul.u32 $0x9000, s29  }
.Ltmp6:
0x9e4: {  	_ = 	snop;
	(pc) =	sbr.rel @p2 .LBB2_12-.Ltmp6, $4  }
0x9e5: {  	s0 =	sadd.s32 s0, s30  }
0x9e6: {  	s31 =	rddreg [dreg:$0x2];
	[tilespmem:v5+s26+$0x0] =	vst.idx.msk $0xffff, v63;
	s0 =	sshrl.u32 s0, $0x3  }
0x9e7: {  	s4 =	simm.s32 $0x0;
	[tilespmem:v6+s26+$0x0] =	vst.idx.msk $0xffff, v2;
	s0 =	sadd.s32 s31, s0  }
0x9e8: {  	[hbm4b:s0+s4] =	stream.linear.scatter [tilespmem:s26], [sflag:$0x4], $0x9000, $0x38;
	[tilespmem:$0x1E000] =	vst v63  }
0x9e9: {  	s0 =	sld [smem:$0x7F6];
	_ =	sdelay $0x1  }
0x9ea: {  	s2 =	sld [smem:$0x7F8]  }
0x9eb: {  	s0 =	sadd.s32 $0x3, s0  }
0x9ec: {  	s1 =	sshrl.u32 s0, $0x2  }
0x9ed: {  	s1 =	sadd.s32 s2, s1  }
0x9ee: {  	s2 =	smulhi.u32 $0x2AAAAAAB, s1;
	_ =	sdelay $0x1  }
0x9ef: {  	s2 =	sshrl.u32 s2, $0x4  }
0x9f0: {  	s3 =	smul.u32 $0x60, s2  }
0x9f1: {  	s0 =	sand.u32 $0x3, s0  }
0x9f2: {  	s0 =	smul.u32 $0x3000, s0;
	s1 =	ssub.s32 s1, s3  }
0x9f3: {  	s1 =	smul.u32 $0xC000, s1  }
0x9f4: {  	s2 =	smul.u32 $0x480000, s2  }
0x9f5: {  	s28 =	rddreg [dreg:$0x0];
	s0 =	sadd.s32 s0, s1  }
0x9f6: {  	s29 =	simm.s32 $0x3000;
	s30 =	rddreg [dreg:$0x1];
	s0 =	sadd.s32 s2, s0  }
.Ltmp7:
0x9f7: {  	s9 =	sld [smem:$0x7F5];
	s0 =	sshrl.u32 s0, $0x3;
	(pc) =	sbr.rel .LBB2_2-.Ltmp7, $4  }
0x9f8: {  	s31 =	simm.s32 $0x9000;
	p0 =	por !p0, !p0;
	s1 =	sadd.s32 s28, s0  }
0x9f9: {  	[tilespmem:s29], [sflag:$0x2] =	stream.linear.gather [hbm4b:s1+s4], $0x3000, $0x38;
	[tilespmem:$0x1E000] =	vst v63  }
0x9fa: {  	s24 =	simm.s32 $0xC000;
	s9 =	sadd.s32 $0x1, s9;
	s0 =	sadd.s32 s30, s0  }
0x9fb: {  	[tilespmem:s31], [sflag:$0x2] =	stream.linear.gather [hbm4b:s0+s4], $0x3000, $0x38;
	[tilespmem:$0x1E000] =	vst v63  }
.LBB2_13:
0x9fc: {  	_ =	sfence.sel $0x180000  }
0x9fd: {  	[bflag:$0x0] =	sbarrier.arrive $0xFFFF  }
0x9fe: {  	_ =	strace $0x90000047  }
0x9ff: {  	s0 =	stileid.u32;
	[bflag:$0x2] =	sbarrier.arrive $0xFFFF  }
0xa00: {  	p0 =	sne.s32 s0, $0x0;
	s0 =	rddreg [dreg:$0x3]  }
0xa01: {  	s0 =	sadd.s32 @!p0 $0x100000, s0  }
0xa02: {  	[sflag:s0] =	ssyncadd.tile.s32 @!p0 $0x1;
	_ =	shalt  }
.Lfunc_end2:
_tile_overlayer_lowered:
.L_overlay_start_2:
0xa03: {  	(tag) =	ssettag $0x2  }
0xa04: {  	s0 =	rddreg [dreg:$0x0];
	s2 =	stileid.u32  }
0xa05: {  	s1 =	rddreg [dreg:$0x1];
	p0 =	sne.s32 s2, $0x0  }
0xa06: {  	s3 =	rddreg [dreg:$0x2];
	[bflag:$0x3] =	sbarrier.arrive $0xFFFF;
	s2 =	simm.s32 @!p0 $0x1C05  }
0xa07: {  	[timem:s3], [sflag:s2] =	dma.local @!p0 [hbm:s0], s1  }
0xa08: {  	s0 =	simm.s32 @!p0 $0x5  }
0xa09: {  	_ =	swait.ge @!p0 [sflag:s0], s1  }
0xa0a: {  	s1 =	ssub.s32 @!p0 $0x0, s1;
	[sflag:s0] =	ssyncset.done @!p0 $0x0  }
0xa0b: {  	[sflag:s0] =	ssyncadd.s32 @!p0 s1  }
0xa0c: {  	[bflag:$0x3] =	sbarrier.arrive $0xFFFF  }
0xa0d: {  	_ =	shalt  }

</sc_bundles>
